<compile_context>
chip_gen: v7x
topology: tpu7x:2x2x1
jax: 0.10.2.dev20260603
libtpu: 0.0.44.dev20260713+nightly
codegen_flags: <defaults>
</compile_context>

<pallas_src>
import functools

import jax
import jax.numpy as jnp
from jax import lax
from jax.experimental import pallas as pl
from jax.experimental.pallas import tpu as pltpu
from jax.experimental.pallas import tpu_sc as plsc

_PLACEHOLDER_TOKEN = 42
_B, _N, _D = 1024, 77, 768
_NC, _NS, _L = 2, 16, 16
_NW = _NC * _NS
_ROWS_W = _B // _NW
_TOK_W = _ROWS_W * _N
_WIN = (0, 16, 32, 48, 61)


def _sc_body(tok_hbm, emb_hbm, ph_hbm, out_hbm, tok_v, ph_v,
             buf0, buf1, isems, osems):
    wid = lax.axis_index("s") * _NC + lax.axis_index("c")
    base_b = wid * _ROWS_W
    base_t = wid * _TOK_W

    pltpu.sync_copy(tok_hbm.at[pl.ds(base_t, _TOK_W)], tok_v)
    pltpu.sync_copy(ph_hbm, ph_v)

    lanes = lax.iota(jnp.int32, _L)
    zeros = lanes * 0
    bufs = (buf0, buf1)

    def in_copy(r, s):
        return pltpu.make_async_copy(emb_hbm.at[pl.ds(base_b + r, 1)],
                                bufs[s], isems.at[s])

    def out_copy(r, s):
        return pltpu.make_async_copy(bufs[s], out_hbm.at[pl.ds(base_b + r, 1)],
                                osems.at[s])

    def fix_row(g, s):
        for start in _WIN:
            idx = lanes + (g * _N + start)
            v = plsc.load_gather(tok_v, [idx])
            mask = (v == _PLACEHOLDER_TOKEN).astype(jnp.int32)
            n16 = lanes + start

            def fix_cond(rem):
                return jnp.sum(rem) > 0

            def fix_body(rem):
                f = plsc.all_reduce_ffs(rem > 0)
                hit = lanes == f
                nsel = jnp.sum(jnp.where(hit, n16, 0))
                i1 = zeros + nsel
                for c in range(_D // _L):
                    chunk = ph_v[pl.ds(c * _L, _L)]
                    plsc.store_scatter(bufs[s], [zeros, i1, lanes + c * _L],
                                       chunk)
                return jnp.where(hit, 0, rem)

            lax.while_loop(fix_cond, fix_body, mask)

    in_copy(0, 0).start()

    def pair_body(g2, _):
        for s in (0, 1):
            r = g2 * 2 + s
            in_copy(r, s).wait()

            @pl.when(r >= 1)
            def _():
                out_copy(r - 1, 1 - s).wait()

            @pl.when(r + 1 < _ROWS_W)
            def _():
                in_copy(r + 1, 1 - s).start()

            fix_row(r, s)
            out_copy(r, s).start()
        return 0

    lax.fori_loop(0, _ROWS_W // 2, pair_body, jnp.int32(0))
    out_copy(_ROWS_W - 1, 1).wait()


def kernel(tokenized_text, embedded_text, placeholder_embedding):
    tok_flat = tokenized_text.reshape(_B * _N)
    ph1 = placeholder_embedding.reshape(_D)
    mesh = plsc.VectorSubcoreMesh(
        core_axis_name="c", subcore_axis_name="s",
        num_cores=_NC, num_subcores=_NS,
    )
    run = functools.partial(
        pl.kernel,
        out_type=jax.ShapeDtypeStruct((_B, _N, _D), embedded_text.dtype),
        mesh=mesh,
        compiler_params=pltpu.CompilerParams(needs_layout_passes=False),
        scratch_types=[
            pltpu.VMEM((_TOK_W,), jnp.int32),
            pltpu.VMEM((_D,), jnp.float32),
            pltpu.VMEM((1, _N, _D), jnp.float32),
            pltpu.VMEM((1, _N, _D), jnp.float32),
            pltpu.SemaphoreType.DMA((2,)),
            pltpu.SemaphoreType.DMA((2,)),
        ],
    )(_sc_body)
    return run(tok_flat, embedded_text, ph1)

# --- scband reference (transcript-rebuilt; emitter-appended) ---
"""Pipeline reference for scband-embedding-manager-6390911336899 (READ-ONLY COPY).

The authoritative reference and input builder live on the scoring server;
editing this copy changes nothing except your own understanding.
"""

import jax, jax.numpy as jnp
import numpy as np

B, N, D = 1024, 77, 768
PLACEHOLDER_TOKEN = 42  # token id for the placeholder string '*'


def setup_inputs(seed: int = 0) -> dict:
    key = jax.random.key(seed)
    k1, k2, k3 = jax.random.split(key, 3)
    # token ids; fill_max=100 so the placeholder token (42) occurs with realistic sparsity
    tokenized_text = jax.random.randint(k1, (B, N), 0, 100, dtype=jnp.int32)
    embedded_text = jax.random.normal(k2, (B, N, D), dtype=jnp.float32)
    # learned parameter: string_to_param_dict['*'] with num_vectors_per_token=1
    placeholder_embedding = jax.random.uniform(k3, (1, D), dtype=jnp.float32)
    return {
        "tokenized_text": tokenized_text,
        "embedded_text": embedded_text,
        "placeholder_embedding": placeholder_embedding,
    }


def reference(tokenized_text, embedded_text, placeholder_embedding):
    # EmbeddingManager.forward with max_vectors_per_token == 1, oc=False,
    # single placeholder string '*':
    #   placeholder_idx = torch.where(tokenized_text == placeholder_token)
    #   embedded_text[placeholder_idx] = placeholder_embedding
    # i.e. a masked scatter-overwrite of rows in the token-embedding sequence.
    mask = (tokenized_text == PLACEHOLDER_TOKEN)  # [B, N] bool
    out = jnp.where(mask[:, :, None], placeholder_embedding[0][None, None, :], embedded_text)
    return out

if __name__ == "__main__":
    import jax
    _d = setup_inputs()
    print(jax.jit(kernel)(*tuple(_d.values())))

</pallas_src>

<mosaic_0001>
#map = affine_map<(d0, d1) -> (0)>
#map1 = affine_map<(d0, d1) -> (0, 0, 0)>
module attributes {stable_mosaic.version = 14 : i64} {
  func.func @_sc_body(%arg0: i32, %arg1: i32, %arg2: memref<78848xi32, #tpu.memory_space<hbm>>, %arg3: memref<1024x77x768xf32, #tpu.memory_space<hbm>>, %arg4: memref<768xf32, #tpu.memory_space<hbm>>, %arg5: memref<1024x77x768xf32, #tpu.memory_space<hbm>>, %arg6: memref<2464xi32, #tpu.memory_space<vmem>>, %arg7: memref<768xf32, #tpu.memory_space<vmem>>, %arg8: memref<1x77x768xf32, #tpu.memory_space<vmem>>, %arg9: memref<1x77x768xf32, #tpu.memory_space<vmem>>, %arg10: memref<2x!tpu.dma_semaphore, #tpu.memory_space<semaphore_mem>>, %arg11: memref<2x!tpu.dma_semaphore, #tpu.memory_space<semaphore_mem>>) attributes {dimension_semantics = [#tpu.dimension_semantics<core_parallel>, #tpu.dimension_semantics<subcore_parallel>], iteration_bounds = array<i64: 2, 16>, scalar_prefetch = 0 : i64, scratch_operands = 6 : i64, tpu.core_type = #tpu.core_type<sc_vector_subcore>, window_params = [{transform_indices = #map}, {transform_indices = #map1}, {transform_indices = #map}, {transform_indices = #map1}]} {
    %mul3A = arith.constant 2 : i32
    %mul3A_0 = arith.muli %arg1, %mul3A : i32
    %add3A = arith.addi %mul3A_0, %arg0 : i32
    %mul3A_1 = arith.constant 32 : i32
    %mul3A_2 = arith.muli %add3A, %mul3A_1 : i32
    %mul3A_3 = arith.constant 2464 : i32
    %mul3A_4 = arith.muli %add3A, %mul3A_3 : i32
    "tpu.region"() ({
      %run_scoped3A = tpu.sem_alloc : memref<!tpu.dma_semaphore, #tpu.memory_space<semaphore_mem>>
      %dma_start3A_34 = tpu.memref_slice %arg2[%mul3A_4] : memref<78848xi32, #tpu.memory_space<hbm>> -> memref<2464xi32, #tpu.memory_space<hbm>>
      %dma_start3A_35 = tpu.memref_slice %arg2[%mul3A_4] : memref<78848xi32, #tpu.memory_space<hbm>> -> memref<2464xi32, #tpu.memory_space<hbm>>
      tpu.enqueue_dma source(%dma_start3A_35 : memref<2464xi32, #tpu.memory_space<hbm>>) target(%arg6 : memref<2464xi32, #tpu.memory_space<vmem>>) target_semaphore(%run_scoped3A : memref<!tpu.dma_semaphore, #tpu.memory_space<semaphore_mem>>)
      %dma_wait3A_36 = tpu.memref_slice %arg2[%mul3A_4] : memref<78848xi32, #tpu.memory_space<hbm>> -> memref<2464xi32, #tpu.memory_space<hbm>>
      %dma_wait3A_37 = tpu.memref_slice %arg2[%mul3A_4] : memref<78848xi32, #tpu.memory_space<hbm>> -> memref<2464xi32, #tpu.memory_space<hbm>>
      tpu.wait_dma2 semaphore(%run_scoped3A : memref<!tpu.dma_semaphore, #tpu.memory_space<semaphore_mem>>) src(%dma_wait3A_37 : memref<2464xi32, #tpu.memory_space<hbm>>) dst(%arg6 : memref<2464xi32, #tpu.memory_space<vmem>>)
      tpu.yield
    }) : () -> ()
    "tpu.region"() ({
      %run_scoped3A = tpu.sem_alloc : memref<!tpu.dma_semaphore, #tpu.memory_space<semaphore_mem>>
      tpu.enqueue_dma source(%arg4 : memref<768xf32, #tpu.memory_space<hbm>>) target(%arg7 : memref<768xf32, #tpu.memory_space<vmem>>) target_semaphore(%run_scoped3A : memref<!tpu.dma_semaphore, #tpu.memory_space<semaphore_mem>>)
      tpu.wait_dma2 semaphore(%run_scoped3A : memref<!tpu.dma_semaphore, #tpu.memory_space<semaphore_mem>>) src(%arg4 : memref<768xf32, #tpu.memory_space<hbm>>) dst(%arg7 : memref<768xf32, #tpu.memory_space<vmem>>)
      tpu.yield
    }) : () -> ()
    %iota3A = tpu.iota {dimensions = array<i32: 0>} : vector<16xi32>
    %mul3A_5 = arith.constant 0 : i32
    %mul3A_6 = vector.broadcast %mul3A_5 : i32 to vector<16xi32>
    %mul3A_7 = arith.muli %iota3A, %mul3A_6 : vector<16xi32>
    %add3A_8 = arith.constant 0 : i32
    %add3A_9 = arith.addi %mul3A_2, %add3A_8 : i32
    %dma_start3A = arith.constant 0 : i32
    %dma_start3A_10 = arith.constant 0 : i32
    %dma_start3A_11 = arith.constant 0 : i32
    %dma_start3A_12 = tpu.memref_slice %arg3[%add3A_9, %dma_start3A_10, %dma_start3A_11] : memref<1024x77x768xf32, #tpu.memory_space<hbm>> -> memref<1x77x768xf32, #tpu.memory_space<hbm>>
    %dma_start3A_13 = tpu.memref_slice %arg10[%dma_start3A] : memref<2x!tpu.dma_semaphore, #tpu.memory_space<semaphore_mem>> -> memref<1x!tpu.dma_semaphore, #tpu.memory_space<semaphore_mem>>
    %dma_start3A_14 = tpu.memref_squeeze %dma_start3A_13 : memref<1x!tpu.dma_semaphore, #tpu.memory_space<semaphore_mem>> -> memref<!tpu.dma_semaphore, #tpu.memory_space<semaphore_mem>>
    %dma_start3A_15 = arith.constant 0 : i32
    %dma_start3A_16 = arith.constant 0 : i32
    %dma_start3A_17 = tpu.memref_slice %arg3[%add3A_9, %dma_start3A_15, %dma_start3A_16] : memref<1024x77x768xf32, #tpu.memory_space<hbm>> -> memref<1x77x768xf32, #tpu.memory_space<hbm>>
    tpu.enqueue_dma source(%dma_start3A_17 : memref<1x77x768xf32, #tpu.memory_space<hbm>>) target(%arg8 : memref<1x77x768xf32, #tpu.memory_space<vmem>>) target_semaphore(%dma_start3A_14 : memref<!tpu.dma_semaphore, #tpu.memory_space<semaphore_mem>>)
    %scan3A = arith.constant 0 : i32
    %scan3A_18 = arith.constant 0 : i32
    %scan3A_19 = arith.constant 16 : i32
    %scan3A_20 = arith.addi %scan3A_18, %scan3A_19 : i32
    %scan3A_21 = arith.constant 1 : i32
    %scan3A_22 = scf.for %scan3A_34 = %scan3A_18 to %scan3A_20 step %scan3A_21 iter_args(%scan3A_35 = %scan3A) -> (i32)  : i32 {
      %mul3A_36 = arith.constant 2 : i32
      %mul3A_37 = arith.muli %scan3A_34, %mul3A_36 : i32
      %add3A_38 = arith.constant 0 : i32
      %add3A_39 = arith.addi %mul3A_37, %add3A_38 : i32
      %add3A_40 = arith.addi %mul3A_2, %add3A_39 : i32
      %dma_wait3A_41 = arith.constant 0 : i32
      %dma_wait3A_42 = arith.constant 0 : i32
      %dma_wait3A_43 = arith.constant 0 : i32
      %dma_wait3A_44 = tpu.memref_slice %arg3[%add3A_40, %dma_wait3A_42, %dma_wait3A_43] : memref<1024x77x768xf32, #tpu.memory_space<hbm>> -> memref<1x77x768xf32, #tpu.memory_space<hbm>>
      %dma_wait3A_45 = tpu.memref_slice %arg10[%dma_wait3A_41] : memref<2x!tpu.dma_semaphore, #tpu.memory_space<semaphore_mem>> -> memref<1x!tpu.dma_semaphore, #tpu.memory_space<semaphore_mem>>
      %dma_wait3A_46 = tpu.memref_squeeze %dma_wait3A_45 : memref<1x!tpu.dma_semaphore, #tpu.memory_space<semaphore_mem>> -> memref<!tpu.dma_semaphore, #tpu.memory_space<semaphore_mem>>
      %dma_wait3A_47 = arith.constant 0 : i32
      %dma_wait3A_48 = arith.constant 0 : i32
      %dma_wait3A_49 = tpu.memref_slice %arg3[%add3A_40, %dma_wait3A_47, %dma_wait3A_48] : memref<1024x77x768xf32, #tpu.memory_space<hbm>> -> memref<1x77x768xf32, #tpu.memory_space<hbm>>
      tpu.wait_dma2 semaphore(%dma_wait3A_46 : memref<!tpu.dma_semaphore, #tpu.memory_space<semaphore_mem>>) src(%dma_wait3A_49 : memref<1x77x768xf32, #tpu.memory_space<hbm>>) dst(%arg8 : memref<1x77x768xf32, #tpu.memory_space<vmem>>)
      %ge3A = arith.constant 1 : i32
      %ge3A_50 = arith.cmpi sge, %add3A_39, %ge3A : i32
      %convert_element_type3A = arith.extui %ge3A_50 : i1 to i32
      %cond3A = arith.constant 0 : i32
      %cond3A_51 = arith.cmpi ne, %convert_element_type3A, %cond3A : i32
      scf.if %cond3A_51 {
        %sub3A = arith.constant 1 : i32
        %sub3A_252 = arith.subi %add3A_39, %sub3A : i32
        %add3A_253 = arith.addi %mul3A_2, %sub3A_252 : i32
        %dma_wait3A_254 = arith.constant 1 : i32
        %dma_wait3A_255 = arith.constant 0 : i32
        %dma_wait3A_256 = arith.constant 0 : i32
        %dma_wait3A_257 = tpu.memref_slice %arg5[%add3A_253, %dma_wait3A_255, %dma_wait3A_256] : memref<1024x77x768xf32, #tpu.memory_space<hbm>> -> memref<1x77x768xf32, #tpu.memory_space<hbm>>
        %dma_wait3A_258 = tpu.memref_slice %arg11[%dma_wait3A_254] : memref<2x!tpu.dma_semaphore, #tpu.memory_space<semaphore_mem>> -> memref<1x!tpu.dma_semaphore, #tpu.memory_space<semaphore_mem>>
        %dma_wait3A_259 = tpu.memref_squeeze %dma_wait3A_258 : memref<1x!tpu.dma_semaphore, #tpu.memory_space<semaphore_mem>> -> memref<!tpu.dma_semaphore, #tpu.memory_space<semaphore_mem>>
        %dma_wait3A_260 = arith.constant 0 : i32
        %dma_wait3A_261 = arith.constant 0 : i32
        %dma_wait3A_262 = tpu.memref_slice %arg5[%add3A_253, %dma_wait3A_260, %dma_wait3A_261] : memref<1024x77x768xf32, #tpu.memory_space<hbm>> -> memref<1x77x768xf32, #tpu.memory_space<hbm>>
        tpu.wait_dma2 semaphore(%dma_wait3A_259 : memref<!tpu.dma_semaphore, #tpu.memory_space<semaphore_mem>>) src(%arg9 : memref<1x77x768xf32, #tpu.memory_space<vmem>>) dst(%dma_wait3A_262 : memref<1x77x768xf32, #tpu.memory_space<hbm>>)
      } else {
      }
      %add3A_52 = arith.constant 1 : i32
      %add3A_53 = arith.addi %add3A_39, %add3A_52 : i32
      %lt3A = arith.constant 32 : i32
      %lt3A_54 = arith.cmpi slt, %add3A_53, %lt3A : i32
      %convert_element_type3A_55 = arith.extui %lt3A_54 : i1 to i32
      %cond3A_56 = arith.constant 0 : i32
      %cond3A_57 = arith.cmpi ne, %convert_element_type3A_55, %cond3A_56 : i32
      scf.if %cond3A_57 {
        %add3A_252 = arith.constant 1 : i32
        %add3A_253 = arith.addi %add3A_39, %add3A_252 : i32
        %add3A_254 = arith.addi %mul3A_2, %add3A_253 : i32
        %dma_start3A_255 = arith.constant 1 : i32
        %dma_start3A_256 = arith.constant 0 : i32
        %dma_start3A_257 = arith.constant 0 : i32
        %dma_start3A_258 = tpu.memref_slice %arg3[%add3A_254, %dma_start3A_256, %dma_start3A_257] : memref<1024x77x768xf32, #tpu.memory_space<hbm>> -> memref<1x77x768xf32, #tpu.memory_space<hbm>>
        %dma_start3A_259 = tpu.memref_slice %arg10[%dma_start3A_255] : memref<2x!tpu.dma_semaphore, #tpu.memory_space<semaphore_mem>> -> memref<1x!tpu.dma_semaphore, #tpu.memory_space<semaphore_mem>>
        %dma_start3A_260 = tpu.memref_squeeze %dma_start3A_259 : memref<1x!tpu.dma_semaphore, #tpu.memory_space<semaphore_mem>> -> memref<!tpu.dma_semaphore, #tpu.memory_space<semaphore_mem>>
        %dma_start3A_261 = arith.constant 0 : i32
        %dma_start3A_262 = arith.constant 0 : i32
        %dma_start3A_263 = tpu.memref_slice %arg3[%add3A_254, %dma_start3A_261, %dma_start3A_262] : memref<1024x77x768xf32, #tpu.memory_space<hbm>> -> memref<1x77x768xf32, #tpu.memory_space<hbm>>
        tpu.enqueue_dma source(%dma_start3A_263 : memref<1x77x768xf32, #tpu.memory_space<hbm>>) target(%arg9 : memref<1x77x768xf32, #tpu.memory_space<vmem>>) target_semaphore(%dma_start3A_260 : memref<!tpu.dma_semaphore, #tpu.memory_space<semaphore_mem>>)
      } else {
      }
      %mul3A_58 = arith.constant 77 : i32
      %mul3A_59 = arith.muli %add3A_39, %mul3A_58 : i32
      %add3A_60 = arith.constant 0 : i32
      %add3A_61 = arith.addi %mul3A_59, %add3A_60 : i32
      %add3A_62 = vector.broadcast %add3A_61 : i32 to vector<16xi32>
      %add3A_63 = arith.addi %iota3A, %add3A_62 : vector<16xi32>
      %gather3A = tpu.vector_load_idx %arg6[%add3A_63] : memref<2464xi32, #tpu.memory_space<vmem>>[vector<16xi32>], vector<16xi32>,
      %eq3A = arith.constant 42 : i32
      %eq3A_64 = vector.broadcast %eq3A : i32 to vector<16xi32>
      %eq3A_65 = arith.cmpi eq, %gather3A, %eq3A_64 : vector<16xi32>
      %convert_element_type3A_66 = arith.extui %eq3A_65 : vector<16xi1> to vector<16xi32>
      %add3A_67 = arith.constant 0 : i32
      %add3A_68 = vector.broadcast %add3A_67 : i32 to vector<16xi32>
      %add3A_69 = arith.addi %iota3A, %add3A_68 : vector<16xi32>
      %while3A = scf.while (%while3A_252 = %convert_element_type3A_66) : (vector<16xi32>) -> vector<16xi32> {
        %reduce_sum3A = arith.constant true
        %reduce_sum3A_253 = vector.broadcast %reduce_sum3A : i1 to vector<16xi1>
        %reduce_sum3A_254 = tpu.scan <sum>, %while3A_252 masked %reduce_sum3A_253 : vector<16xi32>, vector<16xi1> -> vector<16xi32>
        %reduce_sum3A_255 = vector.extract %reduce_sum3A_254[15] : i32 from vector<16xi32>
        %gt3A = arith.constant 0 : i32
        %gt3A_256 = arith.cmpi sgt, %reduce_sum3A_255, %gt3A : i32
        scf.condition(%gt3A_256) %while3A_252 : vector<16xi32>
      } do {
      ^bb0(%while3A_252: vector<16xi32>):
        %gt3A = arith.constant 0 : i32
        %gt3A_253 = vector.broadcast %gt3A : i32 to vector<16xi32>
        %gt3A_254 = arith.cmpi sgt, %while3A_252, %gt3A_253 : vector<16xi32>
        %all_reduce_ffs3A = tpu.all_reduce %gt3A_254 {dim = 0 : i64, kind = #tpu.reduction_kind<find_first_set>} : vector<16xi1> -> vector<16xi32>
        %eq3A_255 = arith.cmpi eq, %iota3A, %all_reduce_ffs3A : vector<16xi32>
        %jit3A = arith.constant 0 : i32
        %broadcast_in_dim3A = vector.broadcast %jit3A : i32 to vector<16xi32>
        %select_n3A = arith.select %eq3A_255, %add3A_69, %broadcast_in_dim3A : vector<16xi1>, vector<16xi32>
        %reduce_sum3A = arith.constant true
        %reduce_sum3A_256 = vector.broadcast %reduce_sum3A : i1 to vector<16xi1>
        %reduce_sum3A_257 = tpu.scan <sum>, %select_n3A masked %reduce_sum3A_256 : vector<16xi32>, vector<16xi1> -> vector<16xi32>
        %reduce_sum3A_258 = vector.extract %reduce_sum3A_257[15] : i32 from vector<16xi32>
        %add3A_259 = vector.broadcast %reduce_sum3A_258 : i32 to vector<16xi32>
        %add3A_260 = arith.addi %mul3A_7, %add3A_259 : vector<16xi32>
        %get3A = arith.constant 0 : index
        %get3A_261 = tpu.vector_load %arg7[%get3A] {strides = array<i32>} : memref<768xf32, #tpu.memory_space<vmem>>, vector<16xf32>,
        %add3A_262 = arith.constant 0 : i32
        %add3A_263 = vector.broadcast %add3A_262 : i32 to vector<16xi32>
        %add3A_264 = arith.addi %iota3A, %add3A_263 : vector<16xi32>
        tpu.vector_store_idx %arg8[%mul3A_7, %add3A_260, %add3A_264], %get3A_261 : memref<1x77x768xf32, #tpu.memory_space<vmem>>[vector<16xi32>, vector<16xi32>, vector<16xi32>], vector<16xf32>,
        %get3A_265 = arith.constant 16 : index
        %get3A_266 = tpu.vector_load %arg7[%get3A_265] {strides = array<i32>} : memref<768xf32, #tpu.memory_space<vmem>>, vector<16xf32>,
        %add3A_267 = arith.constant 16 : i32
        %add3A_268 = vector.broadcast %add3A_267 : i32 to vector<16xi32>
        %add3A_269 = arith.addi %iota3A, %add3A_268 : vector<16xi32>
        tpu.vector_store_idx %arg8[%mul3A_7, %add3A_260, %add3A_269], %get3A_266 : memref<1x77x768xf32, #tpu.memory_space<vmem>>[vector<16xi32>, vector<16xi32>, vector<16xi32>], vector<16xf32>,
        %get3A_270 = arith.constant 32 : index
        %get3A_271 = tpu.vector_load %arg7[%get3A_270] {strides = array<i32>} : memref<768xf32, #tpu.memory_space<vmem>>, vector<16xf32>,
        %add3A_272 = arith.constant 32 : i32
        %add3A_273 = vector.broadcast %add3A_272 : i32 to vector<16xi32>
        %add3A_274 = arith.addi %iota3A, %add3A_273 : vector<16xi32>
        tpu.vector_store_idx %arg8[%mul3A_7, %add3A_260, %add3A_274], %get3A_271 : memref<1x77x768xf32, #tpu.memory_space<vmem>>[vector<16xi32>, vector<16xi32>, vector<16xi32>], vector<16xf32>,
        %get3A_275 = arith.constant 48 : index
        %get3A_276 = tpu.vector_load %arg7[%get3A_275] {strides = array<i32>} : memref<768xf32, #tpu.memory_space<vmem>>, vector<16xf32>,
        %add3A_277 = arith.constant 48 : i32
        %add3A_278 = vector.broadcast %add3A_277 : i32 to vector<16xi32>
        %add3A_279 = arith.addi %iota3A, %add3A_278 : vector<16xi32>
        tpu.vector_store_idx %arg8[%mul3A_7, %add3A_260, %add3A_279], %get3A_276 : memref<1x77x768xf32, #tpu.memory_space<vmem>>[vector<16xi32>, vector<16xi32>, vector<16xi32>], vector<16xf32>,
        %get3A_280 = arith.constant 64 : index
        %get3A_281 = tpu.vector_load %arg7[%get3A_280] {strides = array<i32>} : memref<768xf32, #tpu.memory_space<vmem>>, vector<16xf32>,
        %add3A_282 = arith.constant 64 : i32
        %add3A_283 = vector.broadcast %add3A_282 : i32 to vector<16xi32>
        %add3A_284 = arith.addi %iota3A, %add3A_283 : vector<16xi32>
        tpu.vector_store_idx %arg8[%mul3A_7, %add3A_260, %add3A_284], %get3A_281 : memref<1x77x768xf32, #tpu.memory_space<vmem>>[vector<16xi32>, vector<16xi32>, vector<16xi32>], vector<16xf32>,
        %get3A_285 = arith.constant 80 : index
        %get3A_286 = tpu.vector_load %arg7[%get3A_285] {strides = array<i32>} : memref<768xf32, #tpu.memory_space<vmem>>, vector<16xf32>,
        %add3A_287 = arith.constant 80 : i32
        %add3A_288 = vector.broadcast %add3A_287 : i32 to vector<16xi32>
        %add3A_289 = arith.addi %iota3A, %add3A_288 : vector<16xi32>
        tpu.vector_store_idx %arg8[%mul3A_7, %add3A_260, %add3A_289], %get3A_286 : memref<1x77x768xf32, #tpu.memory_space<vmem>>[vector<16xi32>, vector<16xi32>, vector<16xi32>], vector<16xf32>,
        %get3A_290 = arith.constant 96 : index
        %get3A_291 = tpu.vector_load %arg7[%get3A_290] {strides = array<i32>} : memref<768xf32, #tpu.memory_space<vmem>>, vector<16xf32>,
        %add3A_292 = arith.constant 96 : i32
        %add3A_293 = vector.broadcast %add3A_292 : i32 to vector<16xi32>
        %add3A_294 = arith.addi %iota3A, %add3A_293 : vector<16xi32>
        tpu.vector_store_idx %arg8[%mul3A_7, %add3A_260, %add3A_294], %get3A_291 : memref<1x77x768xf32, #tpu.memory_space<vmem>>[vector<16xi32>, vector<16xi32>, vector<16xi32>], vector<16xf32>,
        %get3A_295 = arith.constant 112 : index
        %get3A_296 = tpu.vector_load %arg7[%get3A_295] {strides = array<i32>} : memref<768xf32, #tpu.memory_space<vmem>>, vector<16xf32>,
        %add3A_297 = arith.constant 112 : i32
        %add3A_298 = vector.broadcast %add3A_297 : i32 to vector<16xi32>
        %add3A_299 = arith.addi %iota3A, %add3A_298 : vector<16xi32>
        tpu.vector_store_idx %arg8[%mul3A_7, %add3A_260, %add3A_299], %get3A_296 : memref<1x77x768xf32, #tpu.memory_space<vmem>>[vector<16xi32>, vector<16xi32>, vector<16xi32>], vector<16xf32>,
        %get3A_300 = arith.constant 128 : index
        %get3A_301 = tpu.vector_load %arg7[%get3A_300] {strides = array<i32>} : memref<768xf32, #tpu.memory_space<vmem>>, vector<16xf32>,
        %add3A_302 = arith.constant 128 : i32
        %add3A_303 = vector.broadcast %add3A_302 : i32 to vector<16xi32>
        %add3A_304 = arith.addi %iota3A, %add3A_303 : vector<16xi32>
        tpu.vector_store_idx %arg8[%mul3A_7, %add3A_260, %add3A_304], %get3A_301 : memref<1x77x768xf32, #tpu.memory_space<vmem>>[vector<16xi32>, vector<16xi32>, vector<16xi32>], vector<16xf32>,
        %get3A_305 = arith.constant 144 : index
        %get3A_306 = tpu.vector_load %arg7[%get3A_305] {strides = array<i32>} : memref<768xf32, #tpu.memory_space<vmem>>, vector<16xf32>,
        %add3A_307 = arith.constant 144 : i32
        %add3A_308 = vector.broadcast %add3A_307 : i32 to vector<16xi32>
        %add3A_309 = arith.addi %iota3A, %add3A_308 : vector<16xi32>
        tpu.vector_store_idx %arg8[%mul3A_7, %add3A_260, %add3A_309], %get3A_306 : memref<1x77x768xf32, #tpu.memory_space<vmem>>[vector<16xi32>, vector<16xi32>, vector<16xi32>], vector<16xf32>,
        %get3A_310 = arith.constant 160 : index
        %get3A_311 = tpu.vector_load %arg7[%get3A_310] {strides = array<i32>} : memref<768xf32, #tpu.memory_space<vmem>>, vector<16xf32>,
        %add3A_312 = arith.constant 160 : i32
        %add3A_313 = vector.broadcast %add3A_312 : i32 to vector<16xi32>
        %add3A_314 = arith.addi %iota3A, %add3A_313 : vector<16xi32>
        tpu.vector_store_idx %arg8[%mul3A_7, %add3A_260, %add3A_314], %get3A_311 : memref<1x77x768xf32, #tpu.memory_space<vmem>>[vector<16xi32>, vector<16xi32>, vector<16xi32>], vector<16xf32>,
        %get3A_315 = arith.constant 176 : index
        %get3A_316 = tpu.vector_load %arg7[%get3A_315] {strides = array<i32>} : memref<768xf32, #tpu.memory_space<vmem>>, vector<16xf32>,
        %add3A_317 = arith.constant 176 : i32
        %add3A_318 = vector.broadcast %add3A_317 : i32 to vector<16xi32>
        %add3A_319 = arith.addi %iota3A, %add3A_318 : vector<16xi32>
        tpu.vector_store_idx %arg8[%mul3A_7, %add3A_260, %add3A_319], %get3A_316 : memref<1x77x768xf32, #tpu.memory_space<vmem>>[vector<16xi32>, vector<16xi32>, vector<16xi32>], vector<16xf32>,
        %get3A_320 = arith.constant 192 : index
        %get3A_321 = tpu.vector_load %arg7[%get3A_320] {strides = array<i32>} : memref<768xf32, #tpu.memory_space<vmem>>, vector<16xf32>,
        %add3A_322 = arith.constant 192 : i32
        %add3A_323 = vector.broadcast %add3A_322 : i32 to vector<16xi32>
        %add3A_324 = arith.addi %iota3A, %add3A_323 : vector<16xi32>
        tpu.vector_store_idx %arg8[%mul3A_7, %add3A_260, %add3A_324], %get3A_321 : memref<1x77x768xf32, #tpu.memory_space<vmem>>[vector<16xi32>, vector<16xi32>, vector<16xi32>], vector<16xf32>,
        %get3A_325 = arith.constant 208 : index
        %get3A_326 = tpu.vector_load %arg7[%get3A_325] {strides = array<i32>} : memref<768xf32, #tpu.memory_space<vmem>>, vector<16xf32>,
        %add3A_327 = arith.constant 208 : i32
        %add3A_328 = vector.broadcast %add3A_327 : i32 to vector<16xi32>
        %add3A_329 = arith.addi %iota3A, %add3A_328 : vector<16xi32>
        tpu.vector_store_idx %arg8[%mul3A_7, %add3A_260, %add3A_329], %get3A_326 : memref<1x77x768xf32, #tpu.memory_space<vmem>>[vector<16xi32>, vector<16xi32>, vector<16xi32>], vector<16xf32>,
        %get3A_330 = arith.constant 224 : index
        %get3A_331 = tpu.vector_load %arg7[%get3A_330] {strides = array<i32>} : memref<768xf32, #tpu.memory_space<vmem>>, vector<16xf32>,
        %add3A_332 = arith.constant 224 : i32
        %add3A_333 = vector.broadcast %add3A_332 : i32 to vector<16xi32>
        %add3A_334 = arith.addi %iota3A, %add3A_333 : vector<16xi32>
        tpu.vector_store_idx %arg8[%mul3A_7, %add3A_260, %add3A_334], %get3A_331 : memref<1x77x768xf32, #tpu.memory_space<vmem>>[vector<16xi32>, vector<16xi32>, vector<16xi32>], vector<16xf32>,
        %get3A_335 = arith.constant 240 : index
        %get3A_336 = tpu.vector_load %arg7[%get3A_335] {strides = array<i32>} : memref<768xf32, #tpu.memory_space<vmem>>, vector<16xf32>,
        %add3A_337 = arith.constant 240 : i32
        %add3A_338 = vector.broadcast %add3A_337 : i32 to vector<16xi32>
        %add3A_339 = arith.addi %iota3A, %add3A_338 : vector<16xi32>
        tpu.vector_store_idx %arg8[%mul3A_7, %add3A_260, %add3A_339], %get3A_336 : memref<1x77x768xf32, #tpu.memory_space<vmem>>[vector<16xi32>, vector<16xi32>, vector<16xi32>], vector<16xf32>,
        %get3A_340 = arith.constant 256 : index
        %get3A_341 = tpu.vector_load %arg7[%get3A_340] {strides = array<i32>} : memref<768xf32, #tpu.memory_space<vmem>>, vector<16xf32>,
        %add3A_342 = arith.constant 256 : i32
        %add3A_343 = vector.broadcast %add3A_342 : i32 to vector<16xi32>
        %add3A_344 = arith.addi %iota3A, %add3A_343 : vector<16xi32>
        tpu.vector_store_idx %arg8[%mul3A_7, %add3A_260, %add3A_344], %get3A_341 : memref<1x77x768xf32, #tpu.memory_space<vmem>>[vector<16xi32>, vector<16xi32>, vector<16xi32>], vector<16xf32>,
        %get3A_345 = arith.constant 272 : index
        %get3A_346 = tpu.vector_load %arg7[%get3A_345] {strides = array<i32>} : memref<768xf32, #tpu.memory_space<vmem>>, vector<16xf32>,
        %add3A_347 = arith.constant 272 : i32
        %add3A_348 = vector.broadcast %add3A_347 : i32 to vector<16xi32>
        %add3A_349 = arith.addi %iota3A, %add3A_348 : vector<16xi32>
        tpu.vector_store_idx %arg8[%mul3A_7, %add3A_260, %add3A_349], %get3A_346 : memref<1x77x768xf32, #tpu.memory_space<vmem>>[vector<16xi32>, vector<16xi32>, vector<16xi32>], vector<16xf32>,
        %get3A_350 = arith.constant 288 : index
        %get3A_351 = tpu.vector_load %arg7[%get3A_350] {strides = array<i32>} : memref<768xf32, #tpu.memory_space<vmem>>, vector<16xf32>,
        %add3A_352 = arith.constant 288 : i32
        %add3A_353 = vector.broadcast %add3A_352 : i32 to vector<16xi32>
        %add3A_354 = arith.addi %iota3A, %add3A_353 : vector<16xi32>
        tpu.vector_store_idx %arg8[%mul3A_7, %add3A_260, %add3A_354], %get3A_351 : memref<1x77x768xf32, #tpu.memory_space<vmem>>[vector<16xi32>, vector<16xi32>, vector<16xi32>], vector<16xf32>,
        %get3A_355 = arith.constant 304 : index
        %get3A_356 = tpu.vector_load %arg7[%get3A_355] {strides = array<i32>} : memref<768xf32, #tpu.memory_space<vmem>>, vector<16xf32>,
        %add3A_357 = arith.constant 304 : i32
        %add3A_358 = vector.broadcast %add3A_357 : i32 to vector<16xi32>
        %add3A_359 = arith.addi %iota3A, %add3A_358 : vector<16xi32>
        tpu.vector_store_idx %arg8[%mul3A_7, %add3A_260, %add3A_359], %get3A_356 : memref<1x77x768xf32, #tpu.memory_space<vmem>>[vector<16xi32>, vector<16xi32>, vector<16xi32>], vector<16xf32>,
        %get3A_360 = arith.constant 320 : index
        %get3A_361 = tpu.vector_load %arg7[%get3A_360] {strides = array<i32>} : memref<768xf32, #tpu.memory_space<vmem>>, vector<16xf32>,
        %add3A_362 = arith.constant 320 : i32
        %add3A_363 = vector.broadcast %add3A_362 : i32 to vector<16xi32>
        %add3A_364 = arith.addi %iota3A, %add3A_363 : vector<16xi32>
        tpu.vector_store_idx %arg8[%mul3A_7, %add3A_260, %add3A_364], %get3A_361 : memref<1x77x768xf32, #tpu.memory_space<vmem>>[vector<16xi32>, vector<16xi32>, vector<16xi32>], vector<16xf32>,
        %get3A_365 = arith.constant 336 : index
        %get3A_366 = tpu.vector_load %arg7[%get3A_365] {strides = array<i32>} : memref<768xf32, #tpu.memory_space<vmem>>, vector<16xf32>,
        %add3A_367 = arith.constant 336 : i32
        %add3A_368 = vector.broadcast %add3A_367 : i32 to vector<16xi32>
        %add3A_369 = arith.addi %iota3A, %add3A_368 : vector<16xi32>
        tpu.vector_store_idx %arg8[%mul3A_7, %add3A_260, %add3A_369], %get3A_366 : memref<1x77x768xf32, #tpu.memory_space<vmem>>[vector<16xi32>, vector<16xi32>, vector<16xi32>], vector<16xf32>,
        %get3A_370 = arith.constant 352 : index
        %get3A_371 = tpu.vector_load %arg7[%get3A_370] {strides = array<i32>} : memref<768xf32, #tpu.memory_space<vmem>>, vector<16xf32>,
        %add3A_372 = arith.constant 352 : i32
        %add3A_373 = vector.broadcast %add3A_372 : i32 to vector<16xi32>
        %add3A_374 = arith.addi %iota3A, %add3A_373 : vector<16xi32>
        tpu.vector_store_idx %arg8[%mul3A_7, %add3A_260, %add3A_374], %get3A_371 : memref<1x77x768xf32, #tpu.memory_space<vmem>>[vector<16xi32>, vector<16xi32>, vector<16xi32>], vector<16xf32>,
        %get3A_375 = arith.constant 368 : index
        %get3A_376 = tpu.vector_load %arg7[%get3A_375] {strides = array<i32>} : memref<768xf32, #tpu.memory_space<vmem>>, vector<16xf32>,
        %add3A_377 = arith.constant 368 : i32
        %add3A_378 = vector.broadcast %add3A_377 : i32 to vector<16xi32>
        %add3A_379 = arith.addi %iota3A, %add3A_378 : vector<16xi32>
        tpu.vector_store_idx %arg8[%mul3A_7, %add3A_260, %add3A_379], %get3A_376 : memref<1x77x768xf32, #tpu.memory_space<vmem>>[vector<16xi32>, vector<16xi32>, vector<16xi32>], vector<16xf32>,
        %get3A_380 = arith.constant 384 : index
        %get3A_381 = tpu.vector_load %arg7[%get3A_380] {strides = array<i32>} : memref<768xf32, #tpu.memory_space<vmem>>, vector<16xf32>,
        %add3A_382 = arith.constant 384 : i32
        %add3A_383 = vector.broadcast %add3A_382 : i32 to vector<16xi32>
        %add3A_384 = arith.addi %iota3A, %add3A_383 : vector<16xi32>
        tpu.vector_store_idx %arg8[%mul3A_7, %add3A_260, %add3A_384], %get3A_381 : memref<1x77x768xf32, #tpu.memory_space<vmem>>[vector<16xi32>, vector<16xi32>, vector<16xi32>], vector<16xf32>,
        %get3A_385 = arith.constant 400 : index
        %get3A_386 = tpu.vector_load %arg7[%get3A_385] {strides = array<i32>} : memref<768xf32, #tpu.memory_space<vmem>>, vector<16xf32>,
        %add3A_387 = arith.constant 400 : i32
        %add3A_388 = vector.broadcast %add3A_387 : i32 to vector<16xi32>
        %add3A_389 = arith.addi %iota3A, %add3A_388 : vector<16xi32>
        tpu.vector_store_idx %arg8[%mul3A_7, %add3A_260, %add3A_389], %get3A_386 : memref<1x77x768xf32, #tpu.memory_space<vmem>>[vector<16xi32>, vector<16xi32>, vector<16xi32>], vector<16xf32>,
        %get3A_390 = arith.constant 416 : index
        %get3A_391 = tpu.vector_load %arg7[%get3A_390] {strides = array<i32>} : memref<768xf32, #tpu.memory_space<vmem>>, vector<16xf32>,
        %add3A_392 = arith.constant 416 : i32
        %add3A_393 = vector.broadcast %add3A_392 : i32 to vector<16xi32>
        %add3A_394 = arith.addi %iota3A, %add3A_393 : vector<16xi32>
        tpu.vector_store_idx %arg8[%mul3A_7, %add3A_260, %add3A_394], %get3A_391 : memref<1x77x768xf32, #tpu.memory_space<vmem>>[vector<16xi32>, vector<16xi32>, vector<16xi32>], vector<16xf32>,
        %get3A_395 = arith.constant 432 : index
        %get3A_396 = tpu.vector_load %arg7[%get3A_395] {strides = array<i32>} : memref<768xf32, #tpu.memory_space<vmem>>, vector<16xf32>,
        %add3A_397 = arith.constant 432 : i32
        %add3A_398 = vector.broadcast %add3A_397 : i32 to vector<16xi32>
        %add3A_399 = arith.addi %iota3A, %add3A_398 : vector<16xi32>
        tpu.vector_store_idx %arg8[%mul3A_7, %add3A_260, %add3A_399], %get3A_396 : memref<1x77x768xf32, #tpu.memory_space<vmem>>[vector<16xi32>, vector<16xi32>, vector<16xi32>], vector<16xf32>,
        %get3A_400 = arith.constant 448 : index
        %get3A_401 = tpu.vector_load %arg7[%get3A_400] {strides = array<i32>} : memref<768xf32, #tpu.memory_space<vmem>>, vector<16xf32>,
        %add3A_402 = arith.constant 448 : i32
        %add3A_403 = vector.broadcast %add3A_402 : i32 to vector<16xi32>
        %add3A_404 = arith.addi %iota3A, %add3A_403 : vector<16xi32>
        tpu.vector_store_idx %arg8[%mul3A_7, %add3A_260, %add3A_404], %get3A_401 : memref<1x77x768xf32, #tpu.memory_space<vmem>>[vector<16xi32>, vector<16xi32>, vector<16xi32>], vector<16xf32>,
        %get3A_405 = arith.constant 464 : index
        %get3A_406 = tpu.vector_load %arg7[%get3A_405] {strides = array<i32>} : memref<768xf32, #tpu.memory_space<vmem>>, vector<16xf32>,
        %add3A_407 = arith.constant 464 : i32
        %add3A_408 = vector.broadcast %add3A_407 : i32 to vector<16xi32>
        %add3A_409 = arith.addi %iota3A, %add3A_408 : vector<16xi32>
        tpu.vector_store_idx %arg8[%mul3A_7, %add3A_260, %add3A_409], %get3A_406 : memref<1x77x768xf32, #tpu.memory_space<vmem>>[vector<16xi32>, vector<16xi32>, vector<16xi32>], vector<16xf32>,
        %get3A_410 = arith.constant 480 : index
        %get3A_411 = tpu.vector_load %arg7[%get3A_410] {strides = array<i32>} : memref<768xf32, #tpu.memory_space<vmem>>, vector<16xf32>,
        %add3A_412 = arith.constant 480 : i32
        %add3A_413 = vector.broadcast %add3A_412 : i32 to vector<16xi32>
        %add3A_414 = arith.addi %iota3A, %add3A_413 : vector<16xi32>
        tpu.vector_store_idx %arg8[%mul3A_7, %add3A_260, %add3A_414], %get3A_411 : memref<1x77x768xf32, #tpu.memory_space<vmem>>[vector<16xi32>, vector<16xi32>, vector<16xi32>], vector<16xf32>,
        %get3A_415 = arith.constant 496 : index
        %get3A_416 = tpu.vector_load %arg7[%get3A_415] {strides = array<i32>} : memref<768xf32, #tpu.memory_space<vmem>>, vector<16xf32>,
        %add3A_417 = arith.constant 496 : i32
        %add3A_418 = vector.broadcast %add3A_417 : i32 to vector<16xi32>
        %add3A_419 = arith.addi %iota3A, %add3A_418 : vector<16xi32>
        tpu.vector_store_idx %arg8[%mul3A_7, %add3A_260, %add3A_419], %get3A_416 : memref<1x77x768xf32, #tpu.memory_space<vmem>>[vector<16xi32>, vector<16xi32>, vector<16xi32>], vector<16xf32>,
        %get3A_420 = arith.constant 512 : index
        %get3A_421 = tpu.vector_load %arg7[%get3A_420] {strides = array<i32>} : memref<768xf32, #tpu.memory_space<vmem>>, vector<16xf32>,
        %add3A_422 = arith.constant 512 : i32
        %add3A_423 = vector.broadcast %add3A_422 : i32 to vector<16xi32>
        %add3A_424 = arith.addi %iota3A, %add3A_423 : vector<16xi32>
        tpu.vector_store_idx %arg8[%mul3A_7, %add3A_260, %add3A_424], %get3A_421 : memref<1x77x768xf32, #tpu.memory_space<vmem>>[vector<16xi32>, vector<16xi32>, vector<16xi32>], vector<16xf32>,
        %get3A_425 = arith.constant 528 : index
        %get3A_426 = tpu.vector_load %arg7[%get3A_425] {strides = array<i32>} : memref<768xf32, #tpu.memory_space<vmem>>, vector<16xf32>,
        %add3A_427 = arith.constant 528 : i32
        %add3A_428 = vector.broadcast %add3A_427 : i32 to vector<16xi32>
        %add3A_429 = arith.addi %iota3A, %add3A_428 : vector<16xi32>
        tpu.vector_store_idx %arg8[%mul3A_7, %add3A_260, %add3A_429], %get3A_426 : memref<1x77x768xf32, #tpu.memory_space<vmem>>[vector<16xi32>, vector<16xi32>, vector<16xi32>], vector<16xf32>,
        %get3A_430 = arith.constant 544 : index
        %get3A_431 = tpu.vector_load %arg7[%get3A_430] {strides = array<i32>} : memref<768xf32, #tpu.memory_space<vmem>>, vector<16xf32>,
        %add3A_432 = arith.constant 544 : i32
        %add3A_433 = vector.broadcast %add3A_432 : i32 to vector<16xi32>
        %add3A_434 = arith.addi %iota3A, %add3A_433 : vector<16xi32>
        tpu.vector_store_idx %arg8[%mul3A_7, %add3A_260, %add3A_434], %get3A_431 : memref<1x77x768xf32, #tpu.memory_space<vmem>>[vector<16xi32>, vector<16xi32>, vector<16xi32>], vector<16xf32>,
        %get3A_435 = arith.constant 560 : index
        %get3A_436 = tpu.vector_load %arg7[%get3A_435] {strides = array<i32>} : memref<768xf32, #tpu.memory_space<vmem>>, vector<16xf32>,
        %add3A_437 = arith.constant 560 : i32
        %add3A_438 = vector.broadcast %add3A_437 : i32 to vector<16xi32>
        %add3A_439 = arith.addi %iota3A, %add3A_438 : vector<16xi32>
        tpu.vector_store_idx %arg8[%mul3A_7, %add3A_260, %add3A_439], %get3A_436 : memref<1x77x768xf32, #tpu.memory_space<vmem>>[vector<16xi32>, vector<16xi32>, vector<16xi32>], vector<16xf32>,
        %get3A_440 = arith.constant 576 : index
        %get3A_441 = tpu.vector_load %arg7[%get3A_440] {strides = array<i32>} : memref<768xf32, #tpu.memory_space<vmem>>, vector<16xf32>,
        %add3A_442 = arith.constant 576 : i32
        %add3A_443 = vector.broadcast %add3A_442 : i32 to vector<16xi32>
        %add3A_444 = arith.addi %iota3A, %add3A_443 : vector<16xi32>
        tpu.vector_store_idx %arg8[%mul3A_7, %add3A_260, %add3A_444], %get3A_441 : memref<1x77x768xf32, #tpu.memory_space<vmem>>[vector<16xi32>, vector<16xi32>, vector<16xi32>], vector<16xf32>,
        %get3A_445 = arith.constant 592 : index
        %get3A_446 = tpu.vector_load %arg7[%get3A_445] {strides = array<i32>} : memref<768xf32, #tpu.memory_space<vmem>>, vector<16xf32>,
        %add3A_447 = arith.constant 592 : i32
        %add3A_448 = vector.broadcast %add3A_447 : i32 to vector<16xi32>
        %add3A_449 = arith.addi %iota3A, %add3A_448 : vector<16xi32>
        tpu.vector_store_idx %arg8[%mul3A_7, %add3A_260, %add3A_449], %get3A_446 : memref<1x77x768xf32, #tpu.memory_space<vmem>>[vector<16xi32>, vector<16xi32>, vector<16xi32>], vector<16xf32>,
        %get3A_450 = arith.constant 608 : index
        %get3A_451 = tpu.vector_load %arg7[%get3A_450] {strides = array<i32>} : memref<768xf32, #tpu.memory_space<vmem>>, vector<16xf32>,
        %add3A_452 = arith.constant 608 : i32
        %add3A_453 = vector.broadcast %add3A_452 : i32 to vector<16xi32>
        %add3A_454 = arith.addi %iota3A, %add3A_453 : vector<16xi32>
        tpu.vector_store_idx %arg8[%mul3A_7, %add3A_260, %add3A_454], %get3A_451 : memref<1x77x768xf32, #tpu.memory_space<vmem>>[vector<16xi32>, vector<16xi32>, vector<16xi32>], vector<16xf32>,
        %get3A_455 = arith.constant 624 : index
        %get3A_456 = tpu.vector_load %arg7[%get3A_455] {strides = array<i32>} : memref<768xf32, #tpu.memory_space<vmem>>, vector<16xf32>,
        %add3A_457 = arith.constant 624 : i32
        %add3A_458 = vector.broadcast %add3A_457 : i32 to vector<16xi32>
        %add3A_459 = arith.addi %iota3A, %add3A_458 : vector<16xi32>
        tpu.vector_store_idx %arg8[%mul3A_7, %add3A_260, %add3A_459], %get3A_456 : memref<1x77x768xf32, #tpu.memory_space<vmem>>[vector<16xi32>, vector<16xi32>, vector<16xi32>], vector<16xf32>,
        %get3A_460 = arith.constant 640 : index
        %get3A_461 = tpu.vector_load %arg7[%get3A_460] {strides = array<i32>} : memref<768xf32, #tpu.memory_space<vmem>>, vector<16xf32>,
        %add3A_462 = arith.constant 640 : i32
        %add3A_463 = vector.broadcast %add3A_462 : i32 to vector<16xi32>
        %add3A_464 = arith.addi %iota3A, %add3A_463 : vector<16xi32>
        tpu.vector_store_idx %arg8[%mul3A_7, %add3A_260, %add3A_464], %get3A_461 : memref<1x77x768xf32, #tpu.memory_space<vmem>>[vector<16xi32>, vector<16xi32>, vector<16xi32>], vector<16xf32>,
        %get3A_465 = arith.constant 656 : index
        %get3A_466 = tpu.vector_load %arg7[%get3A_465] {strides = array<i32>} : memref<768xf32, #tpu.memory_space<vmem>>, vector<16xf32>,
        %add3A_467 = arith.constant 656 : i32
        %add3A_468 = vector.broadcast %add3A_467 : i32 to vector<16xi32>
        %add3A_469 = arith.addi %iota3A, %add3A_468 : vector<16xi32>
        tpu.vector_store_idx %arg8[%mul3A_7, %add3A_260, %add3A_469], %get3A_466 : memref<1x77x768xf32, #tpu.memory_space<vmem>>[vector<16xi32>, vector<16xi32>, vector<16xi32>], vector<16xf32>,
        %get3A_470 = arith.constant 672 : index
        %get3A_471 = tpu.vector_load %arg7[%get3A_470] {strides = array<i32>} : memref<768xf32, #tpu.memory_space<vmem>>, vector<16xf32>,
        %add3A_472 = arith.constant 672 : i32
        %add3A_473 = vector.broadcast %add3A_472 : i32 to vector<16xi32>
        %add3A_474 = arith.addi %iota3A, %add3A_473 : vector<16xi32>
        tpu.vector_store_idx %arg8[%mul3A_7, %add3A_260, %add3A_474], %get3A_471 : memref<1x77x768xf32, #tpu.memory_space<vmem>>[vector<16xi32>, vector<16xi32>, vector<16xi32>], vector<16xf32>,
        %get3A_475 = arith.constant 688 : index
        %get3A_476 = tpu.vector_load %arg7[%get3A_475] {strides = array<i32>} : memref<768xf32, #tpu.memory_space<vmem>>, vector<16xf32>,
        %add3A_477 = arith.constant 688 : i32
        %add3A_478 = vector.broadcast %add3A_477 : i32 to vector<16xi32>
        %add3A_479 = arith.addi %iota3A, %add3A_478 : vector<16xi32>
        tpu.vector_store_idx %arg8[%mul3A_7, %add3A_260, %add3A_479], %get3A_476 : memref<1x77x768xf32, #tpu.memory_space<vmem>>[vector<16xi32>, vector<16xi32>, vector<16xi32>], vector<16xf32>,
        %get3A_480 = arith.constant 704 : index
        %get3A_481 = tpu.vector_load %arg7[%get3A_480] {strides = array<i32>} : memref<768xf32, #tpu.memory_space<vmem>>, vector<16xf32>,
        %add3A_482 = arith.constant 704 : i32
        %add3A_483 = vector.broadcast %add3A_482 : i32 to vector<16xi32>
        %add3A_484 = arith.addi %iota3A, %add3A_483 : vector<16xi32>
        tpu.vector_store_idx %arg8[%mul3A_7, %add3A_260, %add3A_484], %get3A_481 : memref<1x77x768xf32, #tpu.memory_space<vmem>>[vector<16xi32>, vector<16xi32>, vector<16xi32>], vector<16xf32>,
        %get3A_485 = arith.constant 720 : index
        %get3A_486 = tpu.vector_load %arg7[%get3A_485] {strides = array<i32>} : memref<768xf32, #tpu.memory_space<vmem>>, vector<16xf32>,
        %add3A_487 = arith.constant 720 : i32
        %add3A_488 = vector.broadcast %add3A_487 : i32 to vector<16xi32>
        %add3A_489 = arith.addi %iota3A, %add3A_488 : vector<16xi32>
        tpu.vector_store_idx %arg8[%mul3A_7, %add3A_260, %add3A_489], %get3A_486 : memref<1x77x768xf32, #tpu.memory_space<vmem>>[vector<16xi32>, vector<16xi32>, vector<16xi32>], vector<16xf32>,
        %get3A_490 = arith.constant 736 : index
        %get3A_491 = tpu.vector_load %arg7[%get3A_490] {strides = array<i32>} : memref<768xf32, #tpu.memory_space<vmem>>, vector<16xf32>,
        %add3A_492 = arith.constant 736 : i32
        %add3A_493 = vector.broadcast %add3A_492 : i32 to vector<16xi32>
        %add3A_494 = arith.addi %iota3A, %add3A_493 : vector<16xi32>
        tpu.vector_store_idx %arg8[%mul3A_7, %add3A_260, %add3A_494], %get3A_491 : memref<1x77x768xf32, #tpu.memory_space<vmem>>[vector<16xi32>, vector<16xi32>, vector<16xi32>], vector<16xf32>,
        %get3A_495 = arith.constant 752 : index
        %get3A_496 = tpu.vector_load %arg7[%get3A_495] {strides = array<i32>} : memref<768xf32, #tpu.memory_space<vmem>>, vector<16xf32>,
        %add3A_497 = arith.constant 752 : i32
        %add3A_498 = vector.broadcast %add3A_497 : i32 to vector<16xi32>
        %add3A_499 = arith.addi %iota3A, %add3A_498 : vector<16xi32>
        tpu.vector_store_idx %arg8[%mul3A_7, %add3A_260, %add3A_499], %get3A_496 : memref<1x77x768xf32, #tpu.memory_space<vmem>>[vector<16xi32>, vector<16xi32>, vector<16xi32>], vector<16xf32>,
        %jit3A_500 = arith.constant 0 : i32
        %broadcast_in_dim3A_501 = vector.broadcast %jit3A_500 : i32 to vector<16xi32>
        %select_n3A_502 = arith.select %eq3A_255, %broadcast_in_dim3A_501, %while3A_252 : vector<16xi1>, vector<16xi32>
        scf.yield %select_n3A_502 : vector<16xi32>
      }
      %mul3A_70 = arith.constant 77 : i32
      %mul3A_71 = arith.muli %add3A_39, %mul3A_70 : i32
      %add3A_72 = arith.constant 16 : i32
      %add3A_73 = arith.addi %mul3A_71, %add3A_72 : i32
      %add3A_74 = vector.broadcast %add3A_73 : i32 to vector<16xi32>
      %add3A_75 = arith.addi %iota3A, %add3A_74 : vector<16xi32>
      %gather3A_76 = tpu.vector_load_idx %arg6[%add3A_75] : memref<2464xi32, #tpu.memory_space<vmem>>[vector<16xi32>], vector<16xi32>,
      %eq3A_77 = arith.constant 42 : i32
      %eq3A_78 = vector.broadcast %eq3A_77 : i32 to vector<16xi32>
      %eq3A_79 = arith.cmpi eq, %gather3A_76, %eq3A_78 : vector<16xi32>
      %convert_element_type3A_80 = arith.extui %eq3A_79 : vector<16xi1> to vector<16xi32>
      %add3A_81 = arith.constant 16 : i32
      %add3A_82 = vector.broadcast %add3A_81 : i32 to vector<16xi32>
      %add3A_83 = arith.addi %iota3A, %add3A_82 : vector<16xi32>
      %while3A_84 = scf.while (%while3A_252 = %convert_element_type3A_80) : (vector<16xi32>) -> vector<16xi32> {
        %reduce_sum3A = arith.constant true
        %reduce_sum3A_253 = vector.broadcast %reduce_sum3A : i1 to vector<16xi1>
        %reduce_sum3A_254 = tpu.scan <sum>, %while3A_252 masked %reduce_sum3A_253 : vector<16xi32>, vector<16xi1> -> vector<16xi32>
        %reduce_sum3A_255 = vector.extract %reduce_sum3A_254[15] : i32 from vector<16xi32>
        %gt3A = arith.constant 0 : i32
        %gt3A_256 = arith.cmpi sgt, %reduce_sum3A_255, %gt3A : i32
        scf.condition(%gt3A_256) %while3A_252 : vector<16xi32>
      } do {
      ^bb0(%while3A_252: vector<16xi32>):
        %gt3A = arith.constant 0 : i32
        %gt3A_253 = vector.broadcast %gt3A : i32 to vector<16xi32>
        %gt3A_254 = arith.cmpi sgt, %while3A_252, %gt3A_253 : vector<16xi32>
        %all_reduce_ffs3A = tpu.all_reduce %gt3A_254 {dim = 0 : i64, kind = #tpu.reduction_kind<find_first_set>} : vector<16xi1> -> vector<16xi32>
        %eq3A_255 = arith.cmpi eq, %iota3A, %all_reduce_ffs3A : vector<16xi32>
        %jit3A = arith.constant 0 : i32
        %broadcast_in_dim3A = vector.broadcast %jit3A : i32 to vector<16xi32>
        %select_n3A = arith.select %eq3A_255, %add3A_83, %broadcast_in_dim3A : vector<16xi1>, vector<16xi32>
        %reduce_sum3A = arith.constant true
        %reduce_sum3A_256 = vector.broadcast %reduce_sum3A : i1 to vector<16xi1>
        %reduce_sum3A_257 = tpu.scan <sum>, %select_n3A masked %reduce_sum3A_256 : vector<16xi32>, vector<16xi1> -> vector<16xi32>
        %reduce_sum3A_258 = vector.extract %reduce_sum3A_257[15] : i32 from vector<16xi32>
        %add3A_259 = vector.broadcast %reduce_sum3A_258 : i32 to vector<16xi32>
        %add3A_260 = arith.addi %mul3A_7, %add3A_259 : vector<16xi32>
        %get3A = arith.constant 0 : index
        %get3A_261 = tpu.vector_load %arg7[%get3A] {strides = array<i32>} : memref<768xf32, #tpu.memory_space<vmem>>, vector<16xf32>,
        %add3A_262 = arith.constant 0 : i32
        %add3A_263 = vector.broadcast %add3A_262 : i32 to vector<16xi32>
        %add3A_264 = arith.addi %iota3A, %add3A_263 : vector<16xi32>
        tpu.vector_store_idx %arg8[%mul3A_7, %add3A_260, %add3A_264], %get3A_261 : memref<1x77x768xf32, #tpu.memory_space<vmem>>[vector<16xi32>, vector<16xi32>, vector<16xi32>], vector<16xf32>,
        %get3A_265 = arith.constant 16 : index
        %get3A_266 = tpu.vector_load %arg7[%get3A_265] {strides = array<i32>} : memref<768xf32, #tpu.memory_space<vmem>>, vector<16xf32>,
        %add3A_267 = arith.constant 16 : i32
        %add3A_268 = vector.broadcast %add3A_267 : i32 to vector<16xi32>
        %add3A_269 = arith.addi %iota3A, %add3A_268 : vector<16xi32>
        tpu.vector_store_idx %arg8[%mul3A_7, %add3A_260, %add3A_269], %get3A_266 : memref<1x77x768xf32, #tpu.memory_space<vmem>>[vector<16xi32>, vector<16xi32>, vector<16xi32>], vector<16xf32>,
        %get3A_270 = arith.constant 32 : index
        %get3A_271 = tpu.vector_load %arg7[%get3A_270] {strides = array<i32>} : memref<768xf32, #tpu.memory_space<vmem>>, vector<16xf32>,
        %add3A_272 = arith.constant 32 : i32
        %add3A_273 = vector.broadcast %add3A_272 : i32 to vector<16xi32>
        %add3A_274 = arith.addi %iota3A, %add3A_273 : vector<16xi32>
        tpu.vector_store_idx %arg8[%mul3A_7, %add3A_260, %add3A_274], %get3A_271 : memref<1x77x768xf32, #tpu.memory_space<vmem>>[vector<16xi32>, vector<16xi32>, vector<16xi32>], vector<16xf32>,
        %get3A_275 = arith.constant 48 : index
        %get3A_276 = tpu.vector_load %arg7[%get3A_275] {strides = array<i32>} : memref<768xf32, #tpu.memory_space<vmem>>, vector<16xf32>,
        %add3A_277 = arith.constant 48 : i32
        %add3A_278 = vector.broadcast %add3A_277 : i32 to vector<16xi32>
        %add3A_279 = arith.addi %iota3A, %add3A_278 : vector<16xi32>
        tpu.vector_store_idx %arg8[%mul3A_7, %add3A_260, %add3A_279], %get3A_276 : memref<1x77x768xf32, #tpu.memory_space<vmem>>[vector<16xi32>, vector<16xi32>, vector<16xi32>], vector<16xf32>,
        %get3A_280 = arith.constant 64 : index
        %get3A_281 = tpu.vector_load %arg7[%get3A_280] {strides = array<i32>} : memref<768xf32, #tpu.memory_space<vmem>>, vector<16xf32>,
        %add3A_282 = arith.constant 64 : i32
        %add3A_283 = vector.broadcast %add3A_282 : i32 to vector<16xi32>
        %add3A_284 = arith.addi %iota3A, %add3A_283 : vector<16xi32>
        tpu.vector_store_idx %arg8[%mul3A_7, %add3A_260, %add3A_284], %get3A_281 : memref<1x77x768xf32, #tpu.memory_space<vmem>>[vector<16xi32>, vector<16xi32>, vector<16xi32>], vector<16xf32>,
        %get3A_285 = arith.constant 80 : index
        %get3A_286 = tpu.vector_load %arg7[%get3A_285] {strides = array<i32>} : memref<768xf32, #tpu.memory_space<vmem>>, vector<16xf32>,
        %add3A_287 = arith.constant 80 : i32
        %add3A_288 = vector.broadcast %add3A_287 : i32 to vector<16xi32>
        %add3A_289 = arith.addi %iota3A, %add3A_288 : vector<16xi32>
        tpu.vector_store_idx %arg8[%mul3A_7, %add3A_260, %add3A_289], %get3A_286 : memref<1x77x768xf32, #tpu.memory_space<vmem>>[vector<16xi32>, vector<16xi32>, vector<16xi32>], vector<16xf32>,
        %get3A_290 = arith.constant 96 : index
        %get3A_291 = tpu.vector_load %arg7[%get3A_290] {strides = array<i32>} : memref<768xf32, #tpu.memory_space<vmem>>, vector<16xf32>,
        %add3A_292 = arith.constant 96 : i32
        %add3A_293 = vector.broadcast %add3A_292 : i32 to vector<16xi32>
        %add3A_294 = arith.addi %iota3A, %add3A_293 : vector<16xi32>
        tpu.vector_store_idx %arg8[%mul3A_7, %add3A_260, %add3A_294], %get3A_291 : memref<1x77x768xf32, #tpu.memory_space<vmem>>[vector<16xi32>, vector<16xi32>, vector<16xi32>], vector<16xf32>,
        %get3A_295 = arith.constant 112 : index
        %get3A_296 = tpu.vector_load %arg7[%get3A_295] {strides = array<i32>} : memref<768xf32, #tpu.memory_space<vmem>>, vector<16xf32>,
        %add3A_297 = arith.constant 112 : i32
        %add3A_298 = vector.broadcast %add3A_297 : i32 to vector<16xi32>
        %add3A_299 = arith.addi %iota3A, %add3A_298 : vector<16xi32>
        tpu.vector_store_idx %arg8[%mul3A_7, %add3A_260, %add3A_299], %get3A_296 : memref<1x77x768xf32, #tpu.memory_space<vmem>>[vector<16xi32>, vector<16xi32>, vector<16xi32>], vector<16xf32>,
        %get3A_300 = arith.constant 128 : index
        %get3A_301 = tpu.vector_load %arg7[%get3A_300] {strides = array<i32>} : memref<768xf32, #tpu.memory_space<vmem>>, vector<16xf32>,
        %add3A_302 = arith.constant 128 : i32
        %add3A_303 = vector.broadcast %add3A_302 : i32 to vector<16xi32>
        %add3A_304 = arith.addi %iota3A, %add3A_303 : vector<16xi32>
        tpu.vector_store_idx %arg8[%mul3A_7, %add3A_260, %add3A_304], %get3A_301 : memref<1x77x768xf32, #tpu.memory_space<vmem>>[vector<16xi32>, vector<16xi32>, vector<16xi32>], vector<16xf32>,
        %get3A_305 = arith.constant 144 : index
        %get3A_306 = tpu.vector_load %arg7[%get3A_305] {strides = array<i32>} : memref<768xf32, #tpu.memory_space<vmem>>, vector<16xf32>,
        %add3A_307 = arith.constant 144 : i32
        %add3A_308 = vector.broadcast %add3A_307 : i32 to vector<16xi32>
        %add3A_309 = arith.addi %iota3A, %add3A_308 : vector<16xi32>
        tpu.vector_store_idx %arg8[%mul3A_7, %add3A_260, %add3A_309], %get3A_306 : memref<1x77x768xf32, #tpu.memory_space<vmem>>[vector<16xi32>, vector<16xi32>, vector<16xi32>], vector<16xf32>,
        %get3A_310 = arith.constant 160 : index
        %get3A_311 = tpu.vector_load %arg7[%get3A_310] {strides = array<i32>} : memref<768xf32, #tpu.memory_space<vmem>>, vector<16xf32>,
        %add3A_312 = arith.constant 160 : i32
        %add3A_313 = vector.broadcast %add3A_312 : i32 to vector<16xi32>
        %add3A_314 = arith.addi %iota3A, %add3A_313 : vector<16xi32>
        tpu.vector_store_idx %arg8[%mul3A_7, %add3A_260, %add3A_314], %get3A_311 : memref<1x77x768xf32, #tpu.memory_space<vmem>>[vector<16xi32>, vector<16xi32>, vector<16xi32>], vector<16xf32>,
        %get3A_315 = arith.constant 176 : index
        %get3A_316 = tpu.vector_load %arg7[%get3A_315] {strides = array<i32>} : memref<768xf32, #tpu.memory_space<vmem>>, vector<16xf32>,
        %add3A_317 = arith.constant 176 : i32
        %add3A_318 = vector.broadcast %add3A_317 : i32 to vector<16xi32>
        %add3A_319 = arith.addi %iota3A, %add3A_318 : vector<16xi32>
        tpu.vector_store_idx %arg8[%mul3A_7, %add3A_260, %add3A_319], %get3A_316 : memref<1x77x768xf32, #tpu.memory_space<vmem>>[vector<16xi32>, vector<16xi32>, vector<16xi32>], vector<16xf32>,
        %get3A_320 = arith.constant 192 : index
        %get3A_321 = tpu.vector_load %arg7[%get3A_320] {strides = array<i32>} : memref<768xf32, #tpu.memory_space<vmem>>, vector<16xf32>,
        %add3A_322 = arith.constant 192 : i32
        %add3A_323 = vector.broadcast %add3A_322 : i32 to vector<16xi32>
        %add3A_324 = arith.addi %iota3A, %add3A_323 : vector<16xi32>
        tpu.vector_store_idx %arg8[%mul3A_7, %add3A_260, %add3A_324], %get3A_321 : memref<1x77x768xf32, #tpu.memory_space<vmem>>[vector<16xi32>, vector<16xi32>, vector<16xi32>], vector<16xf32>,
        %get3A_325 = arith.constant 208 : index
        %get3A_326 = tpu.vector_load %arg7[%get3A_325] {strides = array<i32>} : memref<768xf32, #tpu.memory_space<vmem>>, vector<16xf32>,
        %add3A_327 = arith.constant 208 : i32
        %add3A_328 = vector.broadcast %add3A_327 : i32 to vector<16xi32>
        %add3A_329 = arith.addi %iota3A, %add3A_328 : vector<16xi32>
        tpu.vector_store_idx %arg8[%mul3A_7, %add3A_260, %add3A_329], %get3A_326 : memref<1x77x768xf32, #tpu.memory_space<vmem>>[vector<16xi32>, vector<16xi32>, vector<16xi32>], vector<16xf32>,
        %get3A_330 = arith.constant 224 : index
        %get3A_331 = tpu.vector_load %arg7[%get3A_330] {strides = array<i32>} : memref<768xf32, #tpu.memory_space<vmem>>, vector<16xf32>,
        %add3A_332 = arith.constant 224 : i32
        %add3A_333 = vector.broadcast %add3A_332 : i32 to vector<16xi32>
        %add3A_334 = arith.addi %iota3A, %add3A_333 : vector<16xi32>
        tpu.vector_store_idx %arg8[%mul3A_7, %add3A_260, %add3A_334], %get3A_331 : memref<1x77x768xf32, #tpu.memory_space<vmem>>[vector<16xi32>, vector<16xi32>, vector<16xi32>], vector<16xf32>,
        %get3A_335 = arith.constant 240 : index
        %get3A_336 = tpu.vector_load %arg7[%get3A_335] {strides = array<i32>} : memref<768xf32, #tpu.memory_space<vmem>>, vector<16xf32>,
        %add3A_337 = arith.constant 240 : i32
        %add3A_338 = vector.broadcast %add3A_337 : i32 to vector<16xi32>
        %add3A_339 = arith.addi %iota3A, %add3A_338 : vector<16xi32>
        tpu.vector_store_idx %arg8[%mul3A_7, %add3A_260, %add3A_339], %get3A_336 : memref<1x77x768xf32, #tpu.memory_space<vmem>>[vector<16xi32>, vector<16xi32>, vector<16xi32>], vector<16xf32>,
        %get3A_340 = arith.constant 256 : index
        %get3A_341 = tpu.vector_load %arg7[%get3A_340] {strides = array<i32>} : memref<768xf32, #tpu.memory_space<vmem>>, vector<16xf32>,
        %add3A_342 = arith.constant 256 : i32
        %add3A_343 = vector.broadcast %add3A_342 : i32 to vector<16xi32>
        %add3A_344 = arith.addi %iota3A, %add3A_343 : vector<16xi32>
        tpu.vector_store_idx %arg8[%mul3A_7, %add3A_260, %add3A_344], %get3A_341 : memref<1x77x768xf32, #tpu.memory_space<vmem>>[vector<16xi32>, vector<16xi32>, vector<16xi32>], vector<16xf32>,
        %get3A_345 = arith.constant 272 : index
        %get3A_346 = tpu.vector_load %arg7[%get3A_345] {strides = array<i32>} : memref<768xf32, #tpu.memory_space<vmem>>, vector<16xf32>,
        %add3A_347 = arith.constant 272 : i32
        %add3A_348 = vector.broadcast %add3A_347 : i32 to vector<16xi32>
        %add3A_349 = arith.addi %iota3A, %add3A_348 : vector<16xi32>
        tpu.vector_store_idx %arg8[%mul3A_7, %add3A_260, %add3A_349], %get3A_346 : memref<1x77x768xf32, #tpu.memory_space<vmem>>[vector<16xi32>, vector<16xi32>, vector<16xi32>], vector<16xf32>,
        %get3A_350 = arith.constant 288 : index
        %get3A_351 = tpu.vector_load %arg7[%get3A_350] {strides = array<i32>} : memref<768xf32, #tpu.memory_space<vmem>>, vector<16xf32>,
        %add3A_352 = arith.constant 288 : i32
        %add3A_353 = vector.broadcast %add3A_352 : i32 to vector<16xi32>
        %add3A_354 = arith.addi %iota3A, %add3A_353 : vector<16xi32>
        tpu.vector_store_idx %arg8[%mul3A_7, %add3A_260, %add3A_354], %get3A_351 : memref<1x77x768xf32, #tpu.memory_space<vmem>>[vector<16xi32>, vector<16xi32>, vector<16xi32>], vector<16xf32>,
        %get3A_355 = arith.constant 304 : index
        %get3A_356 = tpu.vector_load %arg7[%get3A_355] {strides = array<i32>} : memref<768xf32, #tpu.memory_space<vmem>>, vector<16xf32>,
        %add3A_357 = arith.constant 304 : i32
        %add3A_358 = vector.broadcast %add3A_357 : i32 to vector<16xi32>
        %add3A_359 = arith.addi %iota3A, %add3A_358 : vector<16xi32>
        tpu.vector_store_idx %arg8[%mul3A_7, %add3A_260, %add3A_359], %get3A_356 : memref<1x77x768xf32, #tpu.memory_space<vmem>>[vector<16xi32>, vector<16xi32>, vector<16xi32>], vector<16xf32>,
        %get3A_360 = arith.constant 320 : index
        %get3A_361 = tpu.vector_load %arg7[%get3A_360] {strides = array<i32>} : memref<768xf32, #tpu.memory_space<vmem>>, vector<16xf32>,
        %add3A_362 = arith.constant 320 : i32
        %add3A_363 = vector.broadcast %add3A_362 : i32 to vector<16xi32>
        %add3A_364 = arith.addi %iota3A, %add3A_363 : vector<16xi32>
        tpu.vector_store_idx %arg8[%mul3A_7, %add3A_260, %add3A_364], %get3A_361 : memref<1x77x768xf32, #tpu.memory_space<vmem>>[vector<16xi32>, vector<16xi32>, vector<16xi32>], vector<16xf32>,
        %get3A_365 = arith.constant 336 : index
        %get3A_366 = tpu.vector_load %arg7[%get3A_365] {strides = array<i32>} : memref<768xf32, #tpu.memory_space<vmem>>, vector<16xf32>,
        %add3A_367 = arith.constant 336 : i32
        %add3A_368 = vector.broadcast %add3A_367 : i32 to vector<16xi32>
        %add3A_369 = arith.addi %iota3A, %add3A_368 : vector<16xi32>
        tpu.vector_store_idx %arg8[%mul3A_7, %add3A_260, %add3A_369], %get3A_366 : memref<1x77x768xf32, #tpu.memory_space<vmem>>[vector<16xi32>, vector<16xi32>, vector<16xi32>], vector<16xf32>,
        %get3A_370 = arith.constant 352 : index
        %get3A_371 = tpu.vector_load %arg7[%get3A_370] {strides = array<i32>} : memref<768xf32, #tpu.memory_space<vmem>>, vector<16xf32>,
        %add3A_372 = arith.constant 352 : i32
        %add3A_373 = vector.broadcast %add3A_372 : i32 to vector<16xi32>
        %add3A_374 = arith.addi %iota3A, %add3A_373 : vector<16xi32>
        tpu.vector_store_idx %arg8[%mul3A_7, %add3A_260, %add3A_374], %get3A_371 : memref<1x77x768xf32, #tpu.memory_space<vmem>>[vector<16xi32>, vector<16xi32>, vector<16xi32>], vector<16xf32>,
        %get3A_375 = arith.constant 368 : index
        %get3A_376 = tpu.vector_load %arg7[%get3A_375] {strides = array<i32>} : memref<768xf32, #tpu.memory_space<vmem>>, vector<16xf32>,
        %add3A_377 = arith.constant 368 : i32
        %add3A_378 = vector.broadcast %add3A_377 : i32 to vector<16xi32>
        %add3A_379 = arith.addi %iota3A, %add3A_378 : vector<16xi32>
        tpu.vector_store_idx %arg8[%mul3A_7, %add3A_260, %add3A_379], %get3A_376 : memref<1x77x768xf32, #tpu.memory_space<vmem>>[vector<16xi32>, vector<16xi32>, vector<16xi32>], vector<16xf32>,
        %get3A_380 = arith.constant 384 : index
        %get3A_381 = tpu.vector_load %arg7[%get3A_380] {strides = array<i32>} : memref<768xf32, #tpu.memory_space<vmem>>, vector<16xf32>,
        %add3A_382 = arith.constant 384 : i32
        %add3A_383 = vector.broadcast %add3A_382 : i32 to vector<16xi32>
        %add3A_384 = arith.addi %iota3A, %add3A_383 : vector<16xi32>
        tpu.vector_store_idx %arg8[%mul3A_7, %add3A_260, %add3A_384], %get3A_381 : memref<1x77x768xf32, #tpu.memory_space<vmem>>[vector<16xi32>, vector<16xi32>, vector<16xi32>], vector<16xf32>,
        %get3A_385 = arith.constant 400 : index
        %get3A_386 = tpu.vector_load %arg7[%get3A_385] {strides = array<i32>} : memref<768xf32, #tpu.memory_space<vmem>>, vector<16xf32>,
        %add3A_387 = arith.constant 400 : i32
        %add3A_388 = vector.broadcast %add3A_387 : i32 to vector<16xi32>
        %add3A_389 = arith.addi %iota3A, %add3A_388 : vector<16xi32>
        tpu.vector_store_idx %arg8[%mul3A_7, %add3A_260, %add3A_389], %get3A_386 : memref<1x77x768xf32, #tpu.memory_space<vmem>>[vector<16xi32>, vector<16xi32>, vector<16xi32>], vector<16xf32>,
        %get3A_390 = arith.constant 416 : index
        %get3A_391 = tpu.vector_load %arg7[%get3A_390] {strides = array<i32>} : memref<768xf32, #tpu.memory_space<vmem>>, vector<16xf32>,
        %add3A_392 = arith.constant 416 : i32
        %add3A_393 = vector.broadcast %add3A_392 : i32 to vector<16xi32>
        %add3A_394 = arith.addi %iota3A, %add3A_393 : vector<16xi32>
        tpu.vector_store_idx %arg8[%mul3A_7, %add3A_260, %add3A_394], %get3A_391 : memref<1x77x768xf32, #tpu.memory_space<vmem>>[vector<16xi32>, vector<16xi32>, vector<16xi32>], vector<16xf32>,
        %get3A_395 = arith.constant 432 : index
        %get3A_396 = tpu.vector_load %arg7[%get3A_395] {strides = array<i32>} : memref<768xf32, #tpu.memory_space<vmem>>, vector<16xf32>,
        %add3A_397 = arith.constant 432 : i32
        %add3A_398 = vector.broadcast %add3A_397 : i32 to vector<16xi32>
        %add3A_399 = arith.addi %iota3A, %add3A_398 : vector<16xi32>
        tpu.vector_store_idx %arg8[%mul3A_7, %add3A_260, %add3A_399], %get3A_396 : memref<1x77x768xf32, #tpu.memory_space<vmem>>[vector<16xi32>, vector<16xi32>, vector<16xi32>], vector<16xf32>,
        %get3A_400 = arith.constant 448 : index
        %get3A_401 = tpu.vector_load %arg7[%get3A_400] {strides = array<i32>} : memref<768xf32, #tpu.memory_space<vmem>>, vector<16xf32>,
        %add3A_402 = arith.constant 448 : i32
        %add3A_403 = vector.broadcast %add3A_402 : i32 to vector<16xi32>
        %add3A_404 = arith.addi %iota3A, %add3A_403 : vector<16xi32>
        tpu.vector_store_idx %arg8[%mul3A_7, %add3A_260, %add3A_404], %get3A_401 : memref<1x77x768xf32, #tpu.memory_space<vmem>>[vector<16xi32>, vector<16xi32>, vector<16xi32>], vector<16xf32>,
        %get3A_405 = arith.constant 464 : index
        %get3A_406 = tpu.vector_load %arg7[%get3A_405] {strides = array<i32>} : memref<768xf32, #tpu.memory_space<vmem>>, vector<16xf32>,
        %add3A_407 = arith.constant 464 : i32
        %add3A_408 = vector.broadcast %add3A_407 : i32 to vector<16xi32>
        %add3A_409 = arith.addi %iota3A, %add3A_408 : vector<16xi32>
        tpu.vector_store_idx %arg8[%mul3A_7, %add3A_260, %add3A_409], %get3A_406 : memref<1x77x768xf32, #tpu.memory_space<vmem>>[vector<16xi32>, vector<16xi32>, vector<16xi32>], vector<16xf32>,
        %get3A_410 = arith.constant 480 : index
        %get3A_411 = tpu.vector_load %arg7[%get3A_410] {strides = array<i32>} : memref<768xf32, #tpu.memory_space<vmem>>, vector<16xf32>,
        %add3A_412 = arith.constant 480 : i32
        %add3A_413 = vector.broadcast %add3A_412 : i32 to vector<16xi32>
        %add3A_414 = arith.addi %iota3A, %add3A_413 : vector<16xi32>
        tpu.vector_store_idx %arg8[%mul3A_7, %add3A_260, %add3A_414], %get3A_411 : memref<1x77x768xf32, #tpu.memory_space<vmem>>[vector<16xi32>, vector<16xi32>, vector<16xi32>], vector<16xf32>,
        %get3A_415 = arith.constant 496 : index
        %get3A_416 = tpu.vector_load %arg7[%get3A_415] {strides = array<i32>} : memref<768xf32, #tpu.memory_space<vmem>>, vector<16xf32>,
        %add3A_417 = arith.constant 496 : i32
        %add3A_418 = vector.broadcast %add3A_417 : i32 to vector<16xi32>
        %add3A_419 = arith.addi %iota3A, %add3A_418 : vector<16xi32>
        tpu.vector_store_idx %arg8[%mul3A_7, %add3A_260, %add3A_419], %get3A_416 : memref<1x77x768xf32, #tpu.memory_space<vmem>>[vector<16xi32>, vector<16xi32>, vector<16xi32>], vector<16xf32>,
        %get3A_420 = arith.constant 512 : index
        %get3A_421 = tpu.vector_load %arg7[%get3A_420] {strides = array<i32>} : memref<768xf32, #tpu.memory_space<vmem>>, vector<16xf32>,
        %add3A_422 = arith.constant 512 : i32
        %add3A_423 = vector.broadcast %add3A_422 : i32 to vector<16xi32>
        %add3A_424 = arith.addi %iota3A, %add3A_423 : vector<16xi32>
        tpu.vector_store_idx %arg8[%mul3A_7, %add3A_260, %add3A_424], %get3A_421 : memref<1x77x768xf32, #tpu.memory_space<vmem>>[vector<16xi32>, vector<16xi32>, vector<16xi32>], vector<16xf32>,
        %get3A_425 = arith.constant 528 : index
        %get3A_426 = tpu.vector_load %arg7[%get3A_425] {strides = array<i32>} : memref<768xf32, #tpu.memory_space<vmem>>, vector<16xf32>,
        %add3A_427 = arith.constant 528 : i32
        %add3A_428 = vector.broadcast %add3A_427 : i32 to vector<16xi32>
        %add3A_429 = arith.addi %iota3A, %add3A_428 : vector<16xi32>
        tpu.vector_store_idx %arg8[%mul3A_7, %add3A_260, %add3A_429], %get3A_426 : memref<1x77x768xf32, #tpu.memory_space<vmem>>[vector<16xi32>, vector<16xi32>, vector<16xi32>], vector<16xf32>,
        %get3A_430 = arith.constant 544 : index
        %get3A_431 = tpu.vector_load %arg7[%get3A_430] {strides = array<i32>} : memref<768xf32, #tpu.memory_space<vmem>>, vector<16xf32>,
        %add3A_432 = arith.constant 544 : i32
        %add3A_433 = vector.broadcast %add3A_432 : i32 to vector<16xi32>
        %add3A_434 = arith.addi %iota3A, %add3A_433 : vector<16xi32>
        tpu.vector_store_idx %arg8[%mul3A_7, %add3A_260, %add3A_434], %get3A_431 : memref<1x77x768xf32, #tpu.memory_space<vmem>>[vector<16xi32>, vector<16xi32>, vector<16xi32>], vector<16xf32>,
        %get3A_435 = arith.constant 560 : index
        %get3A_436 = tpu.vector_load %arg7[%get3A_435] {strides = array<i32>} : memref<768xf32, #tpu.memory_space<vmem>>, vector<16xf32>,
        %add3A_437 = arith.constant 560 : i32
        %add3A_438 = vector.broadcast %add3A_437 : i32 to vector<16xi32>
        %add3A_439 = arith.addi %iota3A, %add3A_438 : vector<16xi32>
        tpu.vector_store_idx %arg8[%mul3A_7, %add3A_260, %add3A_439], %get3A_436 : memref<1x77x768xf32, #tpu.memory_space<vmem>>[vector<16xi32>, vector<16xi32>, vector<16xi32>], vector<16xf32>,
        %get3A_440 = arith.constant 576 : index
        %get3A_441 = tpu.vector_load %arg7[%get3A_440] {strides = array<i32>} : memref<768xf32, #tpu.memory_space<vmem>>, vector<16xf32>,
        %add3A_442 = arith.constant 576 : i32
        %add3A_443 = vector.broadcast %add3A_442 : i32 to vector<16xi32>
        %add3A_444 = arith.addi %iota3A, %add3A_443 : vector<16xi32>
        tpu.vector_store_idx %arg8[%mul3A_7, %add3A_260, %add3A_444], %get3A_441 : memref<1x77x768xf32, #tpu.memory_space<vmem>>[vector<16xi32>, vector<16xi32>, vector<16xi32>], vector<16xf32>,
        %get3A_445 = arith.constant 592 : index
        %get3A_446 = tpu.vector_load %arg7[%get3A_445] {strides = array<i32>} : memref<768xf32, #tpu.memory_space<vmem>>, vector<16xf32>,
        %add3A_447 = arith.constant 592 : i32
        %add3A_448 = vector.broadcast %add3A_447 : i32 to vector<16xi32>
        %add3A_449 = arith.addi %iota3A, %add3A_448 : vector<16xi32>
        tpu.vector_store_idx %arg8[%mul3A_7, %add3A_260, %add3A_449], %get3A_446 : memref<1x77x768xf32, #tpu.memory_space<vmem>>[vector<16xi32>, vector<16xi32>, vector<16xi32>], vector<16xf32>,
        %get3A_450 = arith.constant 608 : index
        %get3A_451 = tpu.vector_load %arg7[%get3A_450] {strides = array<i32>} : memref<768xf32, #tpu.memory_space<vmem>>, vector<16xf32>,
        %add3A_452 = arith.constant 608 : i32
        %add3A_453 = vector.broadcast %add3A_452 : i32 to vector<16xi32>
        %add3A_454 = arith.addi %iota3A, %add3A_453 : vector<16xi32>
        tpu.vector_store_idx %arg8[%mul3A_7, %add3A_260, %add3A_454], %get3A_451 : memref<1x77x768xf32, #tpu.memory_space<vmem>>[vector<16xi32>, vector<16xi32>, vector<16xi32>], vector<16xf32>,
        %get3A_455 = arith.constant 624 : index
        %get3A_456 = tpu.vector_load %arg7[%get3A_455] {strides = array<i32>} : memref<768xf32, #tpu.memory_space<vmem>>, vector<16xf32>,
        %add3A_457 = arith.constant 624 : i32
        %add3A_458 = vector.broadcast %add3A_457 : i32 to vector<16xi32>
        %add3A_459 = arith.addi %iota3A, %add3A_458 : vector<16xi32>
        tpu.vector_store_idx %arg8[%mul3A_7, %add3A_260, %add3A_459], %get3A_456 : memref<1x77x768xf32, #tpu.memory_space<vmem>>[vector<16xi32>, vector<16xi32>, vector<16xi32>], vector<16xf32>,
        %get3A_460 = arith.constant 640 : index
        %get3A_461 = tpu.vector_load %arg7[%get3A_460] {strides = array<i32>} : memref<768xf32, #tpu.memory_space<vmem>>, vector<16xf32>,
        %add3A_462 = arith.constant 640 : i32
        %add3A_463 = vector.broadcast %add3A_462 : i32 to vector<16xi32>
        %add3A_464 = arith.addi %iota3A, %add3A_463 : vector<16xi32>
        tpu.vector_store_idx %arg8[%mul3A_7, %add3A_260, %add3A_464], %get3A_461 : memref<1x77x768xf32, #tpu.memory_space<vmem>>[vector<16xi32>, vector<16xi32>, vector<16xi32>], vector<16xf32>,
        %get3A_465 = arith.constant 656 : index
        %get3A_466 = tpu.vector_load %arg7[%get3A_465] {strides = array<i32>} : memref<768xf32, #tpu.memory_space<vmem>>, vector<16xf32>,
        %add3A_467 = arith.constant 656 : i32
        %add3A_468 = vector.broadcast %add3A_467 : i32 to vector<16xi32>
        %add3A_469 = arith.addi %iota3A, %add3A_468 : vector<16xi32>
        tpu.vector_store_idx %arg8[%mul3A_7, %add3A_260, %add3A_469], %get3A_466 : memref<1x77x768xf32, #tpu.memory_space<vmem>>[vector<16xi32>, vector<16xi32>, vector<16xi32>], vector<16xf32>,
        %get3A_470 = arith.constant 672 : index
        %get3A_471 = tpu.vector_load %arg7[%get3A_470] {strides = array<i32>} : memref<768xf32, #tpu.memory_space<vmem>>, vector<16xf32>,
        %add3A_472 = arith.constant 672 : i32
        %add3A_473 = vector.broadcast %add3A_472 : i32 to vector<16xi32>
        %add3A_474 = arith.addi %iota3A, %add3A_473 : vector<16xi32>
        tpu.vector_store_idx %arg8[%mul3A_7, %add3A_260, %add3A_474], %get3A_471 : memref<1x77x768xf32, #tpu.memory_space<vmem>>[vector<16xi32>, vector<16xi32>, vector<16xi32>], vector<16xf32>,
        %get3A_475 = arith.constant 688 : index
        %get3A_476 = tpu.vector_load %arg7[%get3A_475] {strides = array<i32>} : memref<768xf32, #tpu.memory_space<vmem>>, vector<16xf32>,
        %add3A_477 = arith.constant 688 : i32
        %add3A_478 = vector.broadcast %add3A_477 : i32 to vector<16xi32>
        %add3A_479 = arith.addi %iota3A, %add3A_478 : vector<16xi32>
        tpu.vector_store_idx %arg8[%mul3A_7, %add3A_260, %add3A_479], %get3A_476 : memref<1x77x768xf32, #tpu.memory_space<vmem>>[vector<16xi32>, vector<16xi32>, vector<16xi32>], vector<16xf32>,
        %get3A_480 = arith.constant 704 : index
        %get3A_481 = tpu.vector_load %arg7[%get3A_480] {strides = array<i32>} : memref<768xf32, #tpu.memory_space<vmem>>, vector<16xf32>,
        %add3A_482 = arith.constant 704 : i32
        %add3A_483 = vector.broadcast %add3A_482 : i32 to vector<16xi32>
        %add3A_484 = arith.addi %iota3A, %add3A_483 : vector<16xi32>
        tpu.vector_store_idx %arg8[%mul3A_7, %add3A_260, %add3A_484], %get3A_481 : memref<1x77x768xf32, #tpu.memory_space<vmem>>[vector<16xi32>, vector<16xi32>, vector<16xi32>], vector<16xf32>,
        %get3A_485 = arith.constant 720 : index
        %get3A_486 = tpu.vector_load %arg7[%get3A_485] {strides = array<i32>} : memref<768xf32, #tpu.memory_space<vmem>>, vector<16xf32>,
        %add3A_487 = arith.constant 720 : i32
        %add3A_488 = vector.broadcast %add3A_487 : i32 to vector<16xi32>
        %add3A_489 = arith.addi %iota3A, %add3A_488 : vector<16xi32>
        tpu.vector_store_idx %arg8[%mul3A_7, %add3A_260, %add3A_489], %get3A_486 : memref<1x77x768xf32, #tpu.memory_space<vmem>>[vector<16xi32>, vector<16xi32>, vector<16xi32>], vector<16xf32>,
        %get3A_490 = arith.constant 736 : index
        %get3A_491 = tpu.vector_load %arg7[%get3A_490] {strides = array<i32>} : memref<768xf32, #tpu.memory_space<vmem>>, vector<16xf32>,
        %add3A_492 = arith.constant 736 : i32
        %add3A_493 = vector.broadcast %add3A_492 : i32 to vector<16xi32>
        %add3A_494 = arith.addi %iota3A, %add3A_493 : vector<16xi32>
        tpu.vector_store_idx %arg8[%mul3A_7, %add3A_260, %add3A_494], %get3A_491 : memref<1x77x768xf32, #tpu.memory_space<vmem>>[vector<16xi32>, vector<16xi32>, vector<16xi32>], vector<16xf32>,
        %get3A_495 = arith.constant 752 : index
        %get3A_496 = tpu.vector_load %arg7[%get3A_495] {strides = array<i32>} : memref<768xf32, #tpu.memory_space<vmem>>, vector<16xf32>,
        %add3A_497 = arith.constant 752 : i32
        %add3A_498 = vector.broadcast %add3A_497 : i32 to vector<16xi32>
        %add3A_499 = arith.addi %iota3A, %add3A_498 : vector<16xi32>
        tpu.vector_store_idx %arg8[%mul3A_7, %add3A_260, %add3A_499], %get3A_496 : memref<1x77x768xf32, #tpu.memory_space<vmem>>[vector<16xi32>, vector<16xi32>, vector<16xi32>], vector<16xf32>,
        %jit3A_500 = arith.constant 0 : i32
        %broadcast_in_dim3A_501 = vector.broadcast %jit3A_500 : i32 to vector<16xi32>
        %select_n3A_502 = arith.select %eq3A_255, %broadcast_in_dim3A_501, %while3A_252 : vector<16xi1>, vector<16xi32>
        scf.yield %select_n3A_502 : vector<16xi32>
      }
      %mul3A_85 = arith.constant 77 : i32
      %mul3A_86 = arith.muli %add3A_39, %mul3A_85 : i32
      %add3A_87 = arith.constant 32 : i32
      %add3A_88 = arith.addi %mul3A_86, %add3A_87 : i32
      %add3A_89 = vector.broadcast %add3A_88 : i32 to vector<16xi32>
      %add3A_90 = arith.addi %iota3A, %add3A_89 : vector<16xi32>
      %gather3A_91 = tpu.vector_load_idx %arg6[%add3A_90] : memref<2464xi32, #tpu.memory_space<vmem>>[vector<16xi32>], vector<16xi32>,
      %eq3A_92 = arith.constant 42 : i32
      %eq3A_93 = vector.broadcast %eq3A_92 : i32 to vector<16xi32>
      %eq3A_94 = arith.cmpi eq, %gather3A_91, %eq3A_93 : vector<16xi32>
      %convert_element_type3A_95 = arith.extui %eq3A_94 : vector<16xi1> to vector<16xi32>
      %add3A_96 = arith.constant 32 : i32
      %add3A_97 = vector.broadcast %add3A_96 : i32 to vector<16xi32>
      %add3A_98 = arith.addi %iota3A, %add3A_97 : vector<16xi32>
      %while3A_99 = scf.while (%while3A_252 = %convert_element_type3A_95) : (vector<16xi32>) -> vector<16xi32> {
        %reduce_sum3A = arith.constant true
        %reduce_sum3A_253 = vector.broadcast %reduce_sum3A : i1 to vector<16xi1>
        %reduce_sum3A_254 = tpu.scan <sum>, %while3A_252 masked %reduce_sum3A_253 : vector<16xi32>, vector<16xi1> -> vector<16xi32>
        %reduce_sum3A_255 = vector.extract %reduce_sum3A_254[15] : i32 from vector<16xi32>
        %gt3A = arith.constant 0 : i32
        %gt3A_256 = arith.cmpi sgt, %reduce_sum3A_255, %gt3A : i32
        scf.condition(%gt3A_256) %while3A_252 : vector<16xi32>
      } do {
      ^bb0(%while3A_252: vector<16xi32>):
        %gt3A = arith.constant 0 : i32
        %gt3A_253 = vector.broadcast %gt3A : i32 to vector<16xi32>
        %gt3A_254 = arith.cmpi sgt, %while3A_252, %gt3A_253 : vector<16xi32>
        %all_reduce_ffs3A = tpu.all_reduce %gt3A_254 {dim = 0 : i64, kind = #tpu.reduction_kind<find_first_set>} : vector<16xi1> -> vector<16xi32>
        %eq3A_255 = arith.cmpi eq, %iota3A, %all_reduce_ffs3A : vector<16xi32>
        %jit3A = arith.constant 0 : i32
        %broadcast_in_dim3A = vector.broadcast %jit3A : i32 to vector<16xi32>
        %select_n3A = arith.select %eq3A_255, %add3A_98, %broadcast_in_dim3A : vector<16xi1>, vector<16xi32>
        %reduce_sum3A = arith.constant true
        %reduce_sum3A_256 = vector.broadcast %reduce_sum3A : i1 to vector<16xi1>
        %reduce_sum3A_257 = tpu.scan <sum>, %select_n3A masked %reduce_sum3A_256 : vector<16xi32>, vector<16xi1> -> vector<16xi32>
        %reduce_sum3A_258 = vector.extract %reduce_sum3A_257[15] : i32 from vector<16xi32>
        %add3A_259 = vector.broadcast %reduce_sum3A_258 : i32 to vector<16xi32>
        %add3A_260 = arith.addi %mul3A_7, %add3A_259 : vector<16xi32>
        %get3A = arith.constant 0 : index
        %get3A_261 = tpu.vector_load %arg7[%get3A] {strides = array<i32>} : memref<768xf32, #tpu.memory_space<vmem>>, vector<16xf32>,
        %add3A_262 = arith.constant 0 : i32
        %add3A_263 = vector.broadcast %add3A_262 : i32 to vector<16xi32>
        %add3A_264 = arith.addi %iota3A, %add3A_263 : vector<16xi32>
        tpu.vector_store_idx %arg8[%mul3A_7, %add3A_260, %add3A_264], %get3A_261 : memref<1x77x768xf32, #tpu.memory_space<vmem>>[vector<16xi32>, vector<16xi32>, vector<16xi32>], vector<16xf32>,
        %get3A_265 = arith.constant 16 : index
        %get3A_266 = tpu.vector_load %arg7[%get3A_265] {strides = array<i32>} : memref<768xf32, #tpu.memory_space<vmem>>, vector<16xf32>,
        %add3A_267 = arith.constant 16 : i32
        %add3A_268 = vector.broadcast %add3A_267 : i32 to vector<16xi32>
        %add3A_269 = arith.addi %iota3A, %add3A_268 : vector<16xi32>
        tpu.vector_store_idx %arg8[%mul3A_7, %add3A_260, %add3A_269], %get3A_266 : memref<1x77x768xf32, #tpu.memory_space<vmem>>[vector<16xi32>, vector<16xi32>, vector<16xi32>], vector<16xf32>,
        %get3A_270 = arith.constant 32 : index
        %get3A_271 = tpu.vector_load %arg7[%get3A_270] {strides = array<i32>} : memref<768xf32, #tpu.memory_space<vmem>>, vector<16xf32>,
        %add3A_272 = arith.constant 32 : i32
        %add3A_273 = vector.broadcast %add3A_272 : i32 to vector<16xi32>
        %add3A_274 = arith.addi %iota3A, %add3A_273 : vector<16xi32>
        tpu.vector_store_idx %arg8[%mul3A_7, %add3A_260, %add3A_274], %get3A_271 : memref<1x77x768xf32, #tpu.memory_space<vmem>>[vector<16xi32>, vector<16xi32>, vector<16xi32>], vector<16xf32>,
        %get3A_275 = arith.constant 48 : index
        %get3A_276 = tpu.vector_load %arg7[%get3A_275] {strides = array<i32>} : memref<768xf32, #tpu.memory_space<vmem>>, vector<16xf32>,
        %add3A_277 = arith.constant 48 : i32
        %add3A_278 = vector.broadcast %add3A_277 : i32 to vector<16xi32>
        %add3A_279 = arith.addi %iota3A, %add3A_278 : vector<16xi32>
        tpu.vector_store_idx %arg8[%mul3A_7, %add3A_260, %add3A_279], %get3A_276 : memref<1x77x768xf32, #tpu.memory_space<vmem>>[vector<16xi32>, vector<16xi32>, vector<16xi32>], vector<16xf32>,
        %get3A_280 = arith.constant 64 : index
        %get3A_281 = tpu.vector_load %arg7[%get3A_280] {strides = array<i32>} : memref<768xf32, #tpu.memory_space<vmem>>, vector<16xf32>,
        %add3A_282 = arith.constant 64 : i32
        %add3A_283 = vector.broadcast %add3A_282 : i32 to vector<16xi32>
        %add3A_284 = arith.addi %iota3A, %add3A_283 : vector<16xi32>
        tpu.vector_store_idx %arg8[%mul3A_7, %add3A_260, %add3A_284], %get3A_281 : memref<1x77x768xf32, #tpu.memory_space<vmem>>[vector<16xi32>, vector<16xi32>, vector<16xi32>], vector<16xf32>,
        %get3A_285 = arith.constant 80 : index
        %get3A_286 = tpu.vector_load %arg7[%get3A_285] {strides = array<i32>} : memref<768xf32, #tpu.memory_space<vmem>>, vector<16xf32>,
        %add3A_287 = arith.constant 80 : i32
        %add3A_288 = vector.broadcast %add3A_287 : i32 to vector<16xi32>
        %add3A_289 = arith.addi %iota3A, %add3A_288 : vector<16xi32>
        tpu.vector_store_idx %arg8[%mul3A_7, %add3A_260, %add3A_289], %get3A_286 : memref<1x77x768xf32, #tpu.memory_space<vmem>>[vector<16xi32>, vector<16xi32>, vector<16xi32>], vector<16xf32>,
        %get3A_290 = arith.constant 96 : index
        %get3A_291 = tpu.vector_load %arg7[%get3A_290] {strides = array<i32>} : memref<768xf32, #tpu.memory_space<vmem>>, vector<16xf32>,
        %add3A_292 = arith.constant 96 : i32
        %add3A_293 = vector.broadcast %add3A_292 : i32 to vector<16xi32>
        %add3A_294 = arith.addi %iota3A, %add3A_293 : vector<16xi32>
        tpu.vector_store_idx %arg8[%mul3A_7, %add3A_260, %add3A_294], %get3A_291 : memref<1x77x768xf32, #tpu.memory_space<vmem>>[vector<16xi32>, vector<16xi32>, vector<16xi32>], vector<16xf32>,
        %get3A_295 = arith.constant 112 : index
        %get3A_296 = tpu.vector_load %arg7[%get3A_295] {strides = array<i32>} : memref<768xf32, #tpu.memory_space<vmem>>, vector<16xf32>,
        %add3A_297 = arith.constant 112 : i32
        %add3A_298 = vector.broadcast %add3A_297 : i32 to vector<16xi32>
        %add3A_299 = arith.addi %iota3A, %add3A_298 : vector<16xi32>
        tpu.vector_store_idx %arg8[%mul3A_7, %add3A_260, %add3A_299], %get3A_296 : memref<1x77x768xf32, #tpu.memory_space<vmem>>[vector<16xi32>, vector<16xi32>, vector<16xi32>], vector<16xf32>,
        %get3A_300 = arith.constant 128 : index
        %get3A_301 = tpu.vector_load %arg7[%get3A_300] {strides = array<i32>} : memref<768xf32, #tpu.memory_space<vmem>>, vector<16xf32>,
        %add3A_302 = arith.constant 128 : i32
        %add3A_303 = vector.broadcast %add3A_302 : i32 to vector<16xi32>
        %add3A_304 = arith.addi %iota3A, %add3A_303 : vector<16xi32>
        tpu.vector_store_idx %arg8[%mul3A_7, %add3A_260, %add3A_304], %get3A_301 : memref<1x77x768xf32, #tpu.memory_space<vmem>>[vector<16xi32>, vector<16xi32>, vector<16xi32>], vector<16xf32>,
        %get3A_305 = arith.constant 144 : index
        %get3A_306 = tpu.vector_load %arg7[%get3A_305] {strides = array<i32>} : memref<768xf32, #tpu.memory_space<vmem>>, vector<16xf32>,
        %add3A_307 = arith.constant 144 : i32
        %add3A_308 = vector.broadcast %add3A_307 : i32 to vector<16xi32>
        %add3A_309 = arith.addi %iota3A, %add3A_308 : vector<16xi32>
        tpu.vector_store_idx %arg8[%mul3A_7, %add3A_260, %add3A_309], %get3A_306 : memref<1x77x768xf32, #tpu.memory_space<vmem>>[vector<16xi32>, vector<16xi32>, vector<16xi32>], vector<16xf32>,
        %get3A_310 = arith.constant 160 : index
        %get3A_311 = tpu.vector_load %arg7[%get3A_310] {strides = array<i32>} : memref<768xf32, #tpu.memory_space<vmem>>, vector<16xf32>,
        %add3A_312 = arith.constant 160 : i32
        %add3A_313 = vector.broadcast %add3A_312 : i32 to vector<16xi32>
        %add3A_314 = arith.addi %iota3A, %add3A_313 : vector<16xi32>
        tpu.vector_store_idx %arg8[%mul3A_7, %add3A_260, %add3A_314], %get3A_311 : memref<1x77x768xf32, #tpu.memory_space<vmem>>[vector<16xi32>, vector<16xi32>, vector<16xi32>], vector<16xf32>,
        %get3A_315 = arith.constant 176 : index
        %get3A_316 = tpu.vector_load %arg7[%get3A_315] {strides = array<i32>} : memref<768xf32, #tpu.memory_space<vmem>>, vector<16xf32>,
        %add3A_317 = arith.constant 176 : i32
        %add3A_318 = vector.broadcast %add3A_317 : i32 to vector<16xi32>
        %add3A_319 = arith.addi %iota3A, %add3A_318 : vector<16xi32>
        tpu.vector_store_idx %arg8[%mul3A_7, %add3A_260, %add3A_319], %get3A_316 : memref<1x77x768xf32, #tpu.memory_space<vmem>>[vector<16xi32>, vector<16xi32>, vector<16xi32>], vector<16xf32>,
        %get3A_320 = arith.constant 192 : index
        %get3A_321 = tpu.vector_load %arg7[%get3A_320] {strides = array<i32>} : memref<768xf32, #tpu.memory_space<vmem>>, vector<16xf32>,
        %add3A_322 = arith.constant 192 : i32
        %add3A_323 = vector.broadcast %add3A_322 : i32 to vector<16xi32>
        %add3A_324 = arith.addi %iota3A, %add3A_323 : vector<16xi32>
        tpu.vector_store_idx %arg8[%mul3A_7, %add3A_260, %add3A_324], %get3A_321 : memref<1x77x768xf32, #tpu.memory_space<vmem>>[vector<16xi32>, vector<16xi32>, vector<16xi32>], vector<16xf32>,
        %get3A_325 = arith.constant 208 : index
        %get3A_326 = tpu.vector_load %arg7[%get3A_325] {strides = array<i32>} : memref<768xf32, #tpu.memory_space<vmem>>, vector<16xf32>,
        %add3A_327 = arith.constant 208 : i32
        %add3A_328 = vector.broadcast %add3A_327 : i32 to vector<16xi32>
        %add3A_329 = arith.addi %iota3A, %add3A_328 : vector<16xi32>
        tpu.vector_store_idx %arg8[%mul3A_7, %add3A_260, %add3A_329], %get3A_326 : memref<1x77x768xf32, #tpu.memory_space<vmem>>[vector<16xi32>, vector<16xi32>, vector<16xi32>], vector<16xf32>,
        %get3A_330 = arith.constant 224 : index
        %get3A_331 = tpu.vector_load %arg7[%get3A_330] {strides = array<i32>} : memref<768xf32, #tpu.memory_space<vmem>>, vector<16xf32>,
        %add3A_332 = arith.constant 224 : i32
        %add3A_333 = vector.broadcast %add3A_332 : i32 to vector<16xi32>
        %add3A_334 = arith.addi %iota3A, %add3A_333 : vector<16xi32>
        tpu.vector_store_idx %arg8[%mul3A_7, %add3A_260, %add3A_334], %get3A_331 : memref<1x77x768xf32, #tpu.memory_space<vmem>>[vector<16xi32>, vector<16xi32>, vector<16xi32>], vector<16xf32>,
        %get3A_335 = arith.constant 240 : index
        %get3A_336 = tpu.vector_load %arg7[%get3A_335] {strides = array<i32>} : memref<768xf32, #tpu.memory_space<vmem>>, vector<16xf32>,
        %add3A_337 = arith.constant 240 : i32
        %add3A_338 = vector.broadcast %add3A_337 : i32 to vector<16xi32>
        %add3A_339 = arith.addi %iota3A, %add3A_338 : vector<16xi32>
        tpu.vector_store_idx %arg8[%mul3A_7, %add3A_260, %add3A_339], %get3A_336 : memref<1x77x768xf32, #tpu.memory_space<vmem>>[vector<16xi32>, vector<16xi32>, vector<16xi32>], vector<16xf32>,
        %get3A_340 = arith.constant 256 : index
        %get3A_341 = tpu.vector_load %arg7[%get3A_340] {strides = array<i32>} : memref<768xf32, #tpu.memory_space<vmem>>, vector<16xf32>,
        %add3A_342 = arith.constant 256 : i32
        %add3A_343 = vector.broadcast %add3A_342 : i32 to vector<16xi32>
        %add3A_344 = arith.addi %iota3A, %add3A_343 : vector<16xi32>
        tpu.vector_store_idx %arg8[%mul3A_7, %add3A_260, %add3A_344], %get3A_341 : memref<1x77x768xf32, #tpu.memory_space<vmem>>[vector<16xi32>, vector<16xi32>, vector<16xi32>], vector<16xf32>,
        %get3A_345 = arith.constant 272 : index
        %get3A_346 = tpu.vector_load %arg7[%get3A_345] {strides = array<i32>} : memref<768xf32, #tpu.memory_space<vmem>>, vector<16xf32>,
        %add3A_347 = arith.constant 272 : i32
        %add3A_348 = vector.broadcast %add3A_347 : i32 to vector<16xi32>
        %add3A_349 = arith.addi %iota3A, %add3A_348 : vector<16xi32>
        tpu.vector_store_idx %arg8[%mul3A_7, %add3A_260, %add3A_349], %get3A_346 : memref<1x77x768xf32, #tpu.memory_space<vmem>>[vector<16xi32>, vector<16xi32>, vector<16xi32>], vector<16xf32>,
        %get3A_350 = arith.constant 288 : index
        %get3A_351 = tpu.vector_load %arg7[%get3A_350] {strides = array<i32>} : memref<768xf32, #tpu.memory_space<vmem>>, vector<16xf32>,
        %add3A_352 = arith.constant 288 : i32
        %add3A_353 = vector.broadcast %add3A_352 : i32 to vector<16xi32>
        %add3A_354 = arith.addi %iota3A, %add3A_353 : vector<16xi32>
        tpu.vector_store_idx %arg8[%mul3A_7, %add3A_260, %add3A_354], %get3A_351 : memref<1x77x768xf32, #tpu.memory_space<vmem>>[vector<16xi32>, vector<16xi32>, vector<16xi32>], vector<16xf32>,
        %get3A_355 = arith.constant 304 : index
        %get3A_356 = tpu.vector_load %arg7[%get3A_355] {strides = array<i32>} : memref<768xf32, #tpu.memory_space<vmem>>, vector<16xf32>,
        %add3A_357 = arith.constant 304 : i32
        %add3A_358 = vector.broadcast %add3A_357 : i32 to vector<16xi32>
        %add3A_359 = arith.addi %iota3A, %add3A_358 : vector<16xi32>
        tpu.vector_store_idx %arg8[%mul3A_7, %add3A_260, %add3A_359], %get3A_356 : memref<1x77x768xf32, #tpu.memory_space<vmem>>[vector<16xi32>, vector<16xi32>, vector<16xi32>], vector<16xf32>,
        %get3A_360 = arith.constant 320 : index
        %get3A_361 = tpu.vector_load %arg7[%get3A_360] {strides = array<i32>} : memref<768xf32, #tpu.memory_space<vmem>>, vector<16xf32>,
        %add3A_362 = arith.constant 320 : i32
        %add3A_363 = vector.broadcast %add3A_362 : i32 to vector<16xi32>
        %add3A_364 = arith.addi %iota3A, %add3A_363 : vector<16xi32>
        tpu.vector_store_idx %arg8[%mul3A_7, %add3A_260, %add3A_364], %get3A_361 : memref<1x77x768xf32, #tpu.memory_space<vmem>>[vector<16xi32>, vector<16xi32>, vector<16xi32>], vector<16xf32>,
        %get3A_365 = arith.constant 336 : index
        %get3A_366 = tpu.vector_load %arg7[%get3A_365] {strides = array<i32>} : memref<768xf32, #tpu.memory_space<vmem>>, vector<16xf32>,
        %add3A_367 = arith.constant 336 : i32
        %add3A_368 = vector.broadcast %add3A_367 : i32 to vector<16xi32>
        %add3A_369 = arith.addi %iota3A, %add3A_368 : vector<16xi32>
        tpu.vector_store_idx %arg8[%mul3A_7, %add3A_260, %add3A_369], %get3A_366 : memref<1x77x768xf32, #tpu.memory_space<vmem>>[vector<16xi32>, vector<16xi32>, vector<16xi32>], vector<16xf32>,
        %get3A_370 = arith.constant 352 : index
        %get3A_371 = tpu.vector_load %arg7[%get3A_370] {strides = array<i32>} : memref<768xf32, #tpu.memory_space<vmem>>, vector<16xf32>,
        %add3A_372 = arith.constant 352 : i32
        %add3A_373 = vector.broadcast %add3A_372 : i32 to vector<16xi32>
        %add3A_374 = arith.addi %iota3A, %add3A_373 : vector<16xi32>
        tpu.vector_store_idx %arg8[%mul3A_7, %add3A_260, %add3A_374], %get3A_371 : memref<1x77x768xf32, #tpu.memory_space<vmem>>[vector<16xi32>, vector<16xi32>, vector<16xi32>], vector<16xf32>,
        %get3A_375 = arith.constant 368 : index
        %get3A_376 = tpu.vector_load %arg7[%get3A_375] {strides = array<i32>} : memref<768xf32, #tpu.memory_space<vmem>>, vector<16xf32>,
        %add3A_377 = arith.constant 368 : i32
        %add3A_378 = vector.broadcast %add3A_377 : i32 to vector<16xi32>
        %add3A_379 = arith.addi %iota3A, %add3A_378 : vector<16xi32>
        tpu.vector_store_idx %arg8[%mul3A_7, %add3A_260, %add3A_379], %get3A_376 : memref<1x77x768xf32, #tpu.memory_space<vmem>>[vector<16xi32>, vector<16xi32>, vector<16xi32>], vector<16xf32>,
        %get3A_380 = arith.constant 384 : index
        %get3A_381 = tpu.vector_load %arg7[%get3A_380] {strides = array<i32>} : memref<768xf32, #tpu.memory_space<vmem>>, vector<16xf32>,
        %add3A_382 = arith.constant 384 : i32
        %add3A_383 = vector.broadcast %add3A_382 : i32 to vector<16xi32>
        %add3A_384 = arith.addi %iota3A, %add3A_383 : vector<16xi32>
        tpu.vector_store_idx %arg8[%mul3A_7, %add3A_260, %add3A_384], %get3A_381 : memref<1x77x768xf32, #tpu.memory_space<vmem>>[vector<16xi32>, vector<16xi32>, vector<16xi32>], vector<16xf32>,
        %get3A_385 = arith.constant 400 : index
        %get3A_386 = tpu.vector_load %arg7[%get3A_385] {strides = array<i32>} : memref<768xf32, #tpu.memory_space<vmem>>, vector<16xf32>,
        %add3A_387 = arith.constant 400 : i32
        %add3A_388 = vector.broadcast %add3A_387 : i32 to vector<16xi32>
        %add3A_389 = arith.addi %iota3A, %add3A_388 : vector<16xi32>
        tpu.vector_store_idx %arg8[%mul3A_7, %add3A_260, %add3A_389], %get3A_386 : memref<1x77x768xf32, #tpu.memory_space<vmem>>[vector<16xi32>, vector<16xi32>, vector<16xi32>], vector<16xf32>,
        %get3A_390 = arith.constant 416 : index
        %get3A_391 = tpu.vector_load %arg7[%get3A_390] {strides = array<i32>} : memref<768xf32, #tpu.memory_space<vmem>>, vector<16xf32>,
        %add3A_392 = arith.constant 416 : i32
        %add3A_393 = vector.broadcast %add3A_392 : i32 to vector<16xi32>
        %add3A_394 = arith.addi %iota3A, %add3A_393 : vector<16xi32>
        tpu.vector_store_idx %arg8[%mul3A_7, %add3A_260, %add3A_394], %get3A_391 : memref<1x77x768xf32, #tpu.memory_space<vmem>>[vector<16xi32>, vector<16xi32>, vector<16xi32>], vector<16xf32>,
        %get3A_395 = arith.constant 432 : index
        %get3A_396 = tpu.vector_load %arg7[%get3A_395] {strides = array<i32>} : memref<768xf32, #tpu.memory_space<vmem>>, vector<16xf32>,
        %add3A_397 = arith.constant 432 : i32
        %add3A_398 = vector.broadcast %add3A_397 : i32 to vector<16xi32>
        %add3A_399 = arith.addi %iota3A, %add3A_398 : vector<16xi32>
        tpu.vector_store_idx %arg8[%mul3A_7, %add3A_260, %add3A_399], %get3A_396 : memref<1x77x768xf32, #tpu.memory_space<vmem>>[vector<16xi32>, vector<16xi32>, vector<16xi32>], vector<16xf32>,
        %get3A_400 = arith.constant 448 : index
        %get3A_401 = tpu.vector_load %arg7[%get3A_400] {strides = array<i32>} : memref<768xf32, #tpu.memory_space<vmem>>, vector<16xf32>,
        %add3A_402 = arith.constant 448 : i32
        %add3A_403 = vector.broadcast %add3A_402 : i32 to vector<16xi32>
        %add3A_404 = arith.addi %iota3A, %add3A_403 : vector<16xi32>
        tpu.vector_store_idx %arg8[%mul3A_7, %add3A_260, %add3A_404], %get3A_401 : memref<1x77x768xf32, #tpu.memory_space<vmem>>[vector<16xi32>, vector<16xi32>, vector<16xi32>], vector<16xf32>,
        %get3A_405 = arith.constant 464 : index
        %get3A_406 = tpu.vector_load %arg7[%get3A_405] {strides = array<i32>} : memref<768xf32, #tpu.memory_space<vmem>>, vector<16xf32>,
        %add3A_407 = arith.constant 464 : i32
        %add3A_408 = vector.broadcast %add3A_407 : i32 to vector<16xi32>
        %add3A_409 = arith.addi %iota3A, %add3A_408 : vector<16xi32>
        tpu.vector_store_idx %arg8[%mul3A_7, %add3A_260, %add3A_409], %get3A_406 : memref<1x77x768xf32, #tpu.memory_space<vmem>>[vector<16xi32>, vector<16xi32>, vector<16xi32>], vector<16xf32>,
        %get3A_410 = arith.constant 480 : index
        %get3A_411 = tpu.vector_load %arg7[%get3A_410] {strides = array<i32>} : memref<768xf32, #tpu.memory_space<vmem>>, vector<16xf32>,
        %add3A_412 = arith.constant 480 : i32
        %add3A_413 = vector.broadcast %add3A_412 : i32 to vector<16xi32>
        %add3A_414 = arith.addi %iota3A, %add3A_413 : vector<16xi32>
        tpu.vector_store_idx %arg8[%mul3A_7, %add3A_260, %add3A_414], %get3A_411 : memref<1x77x768xf32, #tpu.memory_space<vmem>>[vector<16xi32>, vector<16xi32>, vector<16xi32>], vector<16xf32>,
        %get3A_415 = arith.constant 496 : index
        %get3A_416 = tpu.vector_load %arg7[%get3A_415] {strides = array<i32>} : memref<768xf32, #tpu.memory_space<vmem>>, vector<16xf32>,
        %add3A_417 = arith.constant 496 : i32
        %add3A_418 = vector.broadcast %add3A_417 : i32 to vector<16xi32>
        %add3A_419 = arith.addi %iota3A, %add3A_418 : vector<16xi32>
        tpu.vector_store_idx %arg8[%mul3A_7, %add3A_260, %add3A_419], %get3A_416 : memref<1x77x768xf32, #tpu.memory_space<vmem>>[vector<16xi32>, vector<16xi32>, vector<16xi32>], vector<16xf32>,
        %get3A_420 = arith.constant 512 : index
        %get3A_421 = tpu.vector_load %arg7[%get3A_420] {strides = array<i32>} : memref<768xf32, #tpu.memory_space<vmem>>, vector<16xf32>,
        %add3A_422 = arith.constant 512 : i32
        %add3A_423 = vector.broadcast %add3A_422 : i32 to vector<16xi32>
        %add3A_424 = arith.addi %iota3A, %add3A_423 : vector<16xi32>
        tpu.vector_store_idx %arg8[%mul3A_7, %add3A_260, %add3A_424], %get3A_421 : memref<1x77x768xf32, #tpu.memory_space<vmem>>[vector<16xi32>, vector<16xi32>, vector<16xi32>], vector<16xf32>,
        %get3A_425 = arith.constant 528 : index
        %get3A_426 = tpu.vector_load %arg7[%get3A_425] {strides = array<i32>} : memref<768xf32, #tpu.memory_space<vmem>>, vector<16xf32>,
        %add3A_427 = arith.constant 528 : i32
        %add3A_428 = vector.broadcast %add3A_427 : i32 to vector<16xi32>
        %add3A_429 = arith.addi %iota3A, %add3A_428 : vector<16xi32>
        tpu.vector_store_idx %arg8[%mul3A_7, %add3A_260, %add3A_429], %get3A_426 : memref<1x77x768xf32, #tpu.memory_space<vmem>>[vector<16xi32>, vector<16xi32>, vector<16xi32>], vector<16xf32>,
        %get3A_430 = arith.constant 544 : index
        %get3A_431 = tpu.vector_load %arg7[%get3A_430] {strides = array<i32>} : memref<768xf32, #tpu.memory_space<vmem>>, vector<16xf32>,
        %add3A_432 = arith.constant 544 : i32
        %add3A_433 = vector.broadcast %add3A_432 : i32 to vector<16xi32>
        %add3A_434 = arith.addi %iota3A, %add3A_433 : vector<16xi32>
        tpu.vector_store_idx %arg8[%mul3A_7, %add3A_260, %add3A_434], %get3A_431 : memref<1x77x768xf32, #tpu.memory_space<vmem>>[vector<16xi32>, vector<16xi32>, vector<16xi32>], vector<16xf32>,
        %get3A_435 = arith.constant 560 : index
        %get3A_436 = tpu.vector_load %arg7[%get3A_435] {strides = array<i32>} : memref<768xf32, #tpu.memory_space<vmem>>, vector<16xf32>,
        %add3A_437 = arith.constant 560 : i32
        %add3A_438 = vector.broadcast %add3A_437 : i32 to vector<16xi32>
        %add3A_439 = arith.addi %iota3A, %add3A_438 : vector<16xi32>
        tpu.vector_store_idx %arg8[%mul3A_7, %add3A_260, %add3A_439], %get3A_436 : memref<1x77x768xf32, #tpu.memory_space<vmem>>[vector<16xi32>, vector<16xi32>, vector<16xi32>], vector<16xf32>,
        %get3A_440 = arith.constant 576 : index
        %get3A_441 = tpu.vector_load %arg7[%get3A_440] {strides = array<i32>} : memref<768xf32, #tpu.memory_space<vmem>>, vector<16xf32>,
        %add3A_442 = arith.constant 576 : i32
        %add3A_443 = vector.broadcast %add3A_442 : i32 to vector<16xi32>
        %add3A_444 = arith.addi %iota3A, %add3A_443 : vector<16xi32>
        tpu.vector_store_idx %arg8[%mul3A_7, %add3A_260, %add3A_444], %get3A_441 : memref<1x77x768xf32, #tpu.memory_space<vmem>>[vector<16xi32>, vector<16xi32>, vector<16xi32>], vector<16xf32>,
        %get3A_445 = arith.constant 592 : index
        %get3A_446 = tpu.vector_load %arg7[%get3A_445] {strides = array<i32>} : memref<768xf32, #tpu.memory_space<vmem>>, vector<16xf32>,
        %add3A_447 = arith.constant 592 : i32
        %add3A_448 = vector.broadcast %add3A_447 : i32 to vector<16xi32>
        %add3A_449 = arith.addi %iota3A, %add3A_448 : vector<16xi32>
        tpu.vector_store_idx %arg8[%mul3A_7, %add3A_260, %add3A_449], %get3A_446 : memref<1x77x768xf32, #tpu.memory_space<vmem>>[vector<16xi32>, vector<16xi32>, vector<16xi32>], vector<16xf32>,
        %get3A_450 = arith.constant 608 : index
        %get3A_451 = tpu.vector_load %arg7[%get3A_450] {strides = array<i32>} : memref<768xf32, #tpu.memory_space<vmem>>, vector<16xf32>,
        %add3A_452 = arith.constant 608 : i32
        %add3A_453 = vector.broadcast %add3A_452 : i32 to vector<16xi32>
        %add3A_454 = arith.addi %iota3A, %add3A_453 : vector<16xi32>
        tpu.vector_store_idx %arg8[%mul3A_7, %add3A_260, %add3A_454], %get3A_451 : memref<1x77x768xf32, #tpu.memory_space<vmem>>[vector<16xi32>, vector<16xi32>, vector<16xi32>], vector<16xf32>,
        %get3A_455 = arith.constant 624 : index
        %get3A_456 = tpu.vector_load %arg7[%get3A_455] {strides = array<i32>} : memref<768xf32, #tpu.memory_space<vmem>>, vector<16xf32>,
        %add3A_457 = arith.constant 624 : i32
        %add3A_458 = vector.broadcast %add3A_457 : i32 to vector<16xi32>
        %add3A_459 = arith.addi %iota3A, %add3A_458 : vector<16xi32>
        tpu.vector_store_idx %arg8[%mul3A_7, %add3A_260, %add3A_459], %get3A_456 : memref<1x77x768xf32, #tpu.memory_space<vmem>>[vector<16xi32>, vector<16xi32>, vector<16xi32>], vector<16xf32>,
        %get3A_460 = arith.constant 640 : index
        %get3A_461 = tpu.vector_load %arg7[%get3A_460] {strides = array<i32>} : memref<768xf32, #tpu.memory_space<vmem>>, vector<16xf32>,
        %add3A_462 = arith.constant 640 : i32
        %add3A_463 = vector.broadcast %add3A_462 : i32 to vector<16xi32>
        %add3A_464 = arith.addi %iota3A, %add3A_463 : vector<16xi32>
        tpu.vector_store_idx %arg8[%mul3A_7, %add3A_260, %add3A_464], %get3A_461 : memref<1x77x768xf32, #tpu.memory_space<vmem>>[vector<16xi32>, vector<16xi32>, vector<16xi32>], vector<16xf32>,
        %get3A_465 = arith.constant 656 : index
        %get3A_466 = tpu.vector_load %arg7[%get3A_465] {strides = array<i32>} : memref<768xf32, #tpu.memory_space<vmem>>, vector<16xf32>,
        %add3A_467 = arith.constant 656 : i32
        %add3A_468 = vector.broadcast %add3A_467 : i32 to vector<16xi32>
        %add3A_469 = arith.addi %iota3A, %add3A_468 : vector<16xi32>
        tpu.vector_store_idx %arg8[%mul3A_7, %add3A_260, %add3A_469], %get3A_466 : memref<1x77x768xf32, #tpu.memory_space<vmem>>[vector<16xi32>, vector<16xi32>, vector<16xi32>], vector<16xf32>,
        %get3A_470 = arith.constant 672 : index
        %get3A_471 = tpu.vector_load %arg7[%get3A_470] {strides = array<i32>} : memref<768xf32, #tpu.memory_space<vmem>>, vector<16xf32>,
        %add3A_472 = arith.constant 672 : i32
        %add3A_473 = vector.broadcast %add3A_472 : i32 to vector<16xi32>
        %add3A_474 = arith.addi %iota3A, %add3A_473 : vector<16xi32>
        tpu.vector_store_idx %arg8[%mul3A_7, %add3A_260, %add3A_474], %get3A_471 : memref<1x77x768xf32, #tpu.memory_space<vmem>>[vector<16xi32>, vector<16xi32>, vector<16xi32>], vector<16xf32>,
        %get3A_475 = arith.constant 688 : index
        %get3A_476 = tpu.vector_load %arg7[%get3A_475] {strides = array<i32>} : memref<768xf32, #tpu.memory_space<vmem>>, vector<16xf32>,
        %add3A_477 = arith.constant 688 : i32
        %add3A_478 = vector.broadcast %add3A_477 : i32 to vector<16xi32>
        %add3A_479 = arith.addi %iota3A, %add3A_478 : vector<16xi32>
        tpu.vector_store_idx %arg8[%mul3A_7, %add3A_260, %add3A_479], %get3A_476 : memref<1x77x768xf32, #tpu.memory_space<vmem>>[vector<16xi32>, vector<16xi32>, vector<16xi32>], vector<16xf32>,
        %get3A_480 = arith.constant 704 : index
        %get3A_481 = tpu.vector_load %arg7[%get3A_480] {strides = array<i32>} : memref<768xf32, #tpu.memory_space<vmem>>, vector<16xf32>,
        %add3A_482 = arith.constant 704 : i32
        %add3A_483 = vector.broadcast %add3A_482 : i32 to vector<16xi32>
        %add3A_484 = arith.addi %iota3A, %add3A_483 : vector<16xi32>
        tpu.vector_store_idx %arg8[%mul3A_7, %add3A_260, %add3A_484], %get3A_481 : memref<1x77x768xf32, #tpu.memory_space<vmem>>[vector<16xi32>, vector<16xi32>, vector<16xi32>], vector<16xf32>,
        %get3A_485 = arith.constant 720 : index
        %get3A_486 = tpu.vector_load %arg7[%get3A_485] {strides = array<i32>} : memref<768xf32, #tpu.memory_space<vmem>>, vector<16xf32>,
        %add3A_487 = arith.constant 720 : i32
        %add3A_488 = vector.broadcast %add3A_487 : i32 to vector<16xi32>
        %add3A_489 = arith.addi %iota3A, %add3A_488 : vector<16xi32>
        tpu.vector_store_idx %arg8[%mul3A_7, %add3A_260, %add3A_489], %get3A_486 : memref<1x77x768xf32, #tpu.memory_space<vmem>>[vector<16xi32>, vector<16xi32>, vector<16xi32>], vector<16xf32>,
        %get3A_490 = arith.constant 736 : index
        %get3A_491 = tpu.vector_load %arg7[%get3A_490] {strides = array<i32>} : memref<768xf32, #tpu.memory_space<vmem>>, vector<16xf32>,
        %add3A_492 = arith.constant 736 : i32
        %add3A_493 = vector.broadcast %add3A_492 : i32 to vector<16xi32>
        %add3A_494 = arith.addi %iota3A, %add3A_493 : vector<16xi32>
        tpu.vector_store_idx %arg8[%mul3A_7, %add3A_260, %add3A_494], %get3A_491 : memref<1x77x768xf32, #tpu.memory_space<vmem>>[vector<16xi32>, vector<16xi32>, vector<16xi32>], vector<16xf32>,
        %get3A_495 = arith.constant 752 : index
        %get3A_496 = tpu.vector_load %arg7[%get3A_495] {strides = array<i32>} : memref<768xf32, #tpu.memory_space<vmem>>, vector<16xf32>,
        %add3A_497 = arith.constant 752 : i32
        %add3A_498 = vector.broadcast %add3A_497 : i32 to vector<16xi32>
        %add3A_499 = arith.addi %iota3A, %add3A_498 : vector<16xi32>
        tpu.vector_store_idx %arg8[%mul3A_7, %add3A_260, %add3A_499], %get3A_496 : memref<1x77x768xf32, #tpu.memory_space<vmem>>[vector<16xi32>, vector<16xi32>, vector<16xi32>], vector<16xf32>,
        %jit3A_500 = arith.constant 0 : i32
        %broadcast_in_dim3A_501 = vector.broadcast %jit3A_500 : i32 to vector<16xi32>
        %select_n3A_502 = arith.select %eq3A_255, %broadcast_in_dim3A_501, %while3A_252 : vector<16xi1>, vector<16xi32>
        scf.yield %select_n3A_502 : vector<16xi32>
      }
      %mul3A_100 = arith.constant 77 : i32
      %mul3A_101 = arith.muli %add3A_39, %mul3A_100 : i32
      %add3A_102 = arith.constant 48 : i32
      %add3A_103 = arith.addi %mul3A_101, %add3A_102 : i32
      %add3A_104 = vector.broadcast %add3A_103 : i32 to vector<16xi32>
      %add3A_105 = arith.addi %iota3A, %add3A_104 : vector<16xi32>
      %gather3A_106 = tpu.vector_load_idx %arg6[%add3A_105] : memref<2464xi32, #tpu.memory_space<vmem>>[vector<16xi32>], vector<16xi32>,
      %eq3A_107 = arith.constant 42 : i32
      %eq3A_108 = vector.broadcast %eq3A_107 : i32 to vector<16xi32>
      %eq3A_109 = arith.cmpi eq, %gather3A_106, %eq3A_108 : vector<16xi32>
      %convert_element_type3A_110 = arith.extui %eq3A_109 : vector<16xi1> to vector<16xi32>
      %add3A_111 = arith.constant 48 : i32
      %add3A_112 = vector.broadcast %add3A_111 : i32 to vector<16xi32>
      %add3A_113 = arith.addi %iota3A, %add3A_112 : vector<16xi32>
      %while3A_114 = scf.while (%while3A_252 = %convert_element_type3A_110) : (vector<16xi32>) -> vector<16xi32> {
        %reduce_sum3A = arith.constant true
        %reduce_sum3A_253 = vector.broadcast %reduce_sum3A : i1 to vector<16xi1>
        %reduce_sum3A_254 = tpu.scan <sum>, %while3A_252 masked %reduce_sum3A_253 : vector<16xi32>, vector<16xi1> -> vector<16xi32>
        %reduce_sum3A_255 = vector.extract %reduce_sum3A_254[15] : i32 from vector<16xi32>
        %gt3A = arith.constant 0 : i32
        %gt3A_256 = arith.cmpi sgt, %reduce_sum3A_255, %gt3A : i32
        scf.condition(%gt3A_256) %while3A_252 : vector<16xi32>
      } do {
      ^bb0(%while3A_252: vector<16xi32>):
        %gt3A = arith.constant 0 : i32
        %gt3A_253 = vector.broadcast %gt3A : i32 to vector<16xi32>
        %gt3A_254 = arith.cmpi sgt, %while3A_252, %gt3A_253 : vector<16xi32>
        %all_reduce_ffs3A = tpu.all_reduce %gt3A_254 {dim = 0 : i64, kind = #tpu.reduction_kind<find_first_set>} : vector<16xi1> -> vector<16xi32>
        %eq3A_255 = arith.cmpi eq, %iota3A, %all_reduce_ffs3A : vector<16xi32>
        %jit3A = arith.constant 0 : i32
        %broadcast_in_dim3A = vector.broadcast %jit3A : i32 to vector<16xi32>
        %select_n3A = arith.select %eq3A_255, %add3A_113, %broadcast_in_dim3A : vector<16xi1>, vector<16xi32>
        %reduce_sum3A = arith.constant true
        %reduce_sum3A_256 = vector.broadcast %reduce_sum3A : i1 to vector<16xi1>
        %reduce_sum3A_257 = tpu.scan <sum>, %select_n3A masked %reduce_sum3A_256 : vector<16xi32>, vector<16xi1> -> vector<16xi32>
        %reduce_sum3A_258 = vector.extract %reduce_sum3A_257[15] : i32 from vector<16xi32>
        %add3A_259 = vector.broadcast %reduce_sum3A_258 : i32 to vector<16xi32>
        %add3A_260 = arith.addi %mul3A_7, %add3A_259 : vector<16xi32>
        %get3A = arith.constant 0 : index
        %get3A_261 = tpu.vector_load %arg7[%get3A] {strides = array<i32>} : memref<768xf32, #tpu.memory_space<vmem>>, vector<16xf32>,
        %add3A_262 = arith.constant 0 : i32
        %add3A_263 = vector.broadcast %add3A_262 : i32 to vector<16xi32>
        %add3A_264 = arith.addi %iota3A, %add3A_263 : vector<16xi32>
        tpu.vector_store_idx %arg8[%mul3A_7, %add3A_260, %add3A_264], %get3A_261 : memref<1x77x768xf32, #tpu.memory_space<vmem>>[vector<16xi32>, vector<16xi32>, vector<16xi32>], vector<16xf32>,
        %get3A_265 = arith.constant 16 : index
        %get3A_266 = tpu.vector_load %arg7[%get3A_265] {strides = array<i32>} : memref<768xf32, #tpu.memory_space<vmem>>, vector<16xf32>,
        %add3A_267 = arith.constant 16 : i32
        %add3A_268 = vector.broadcast %add3A_267 : i32 to vector<16xi32>
        %add3A_269 = arith.addi %iota3A, %add3A_268 : vector<16xi32>
        tpu.vector_store_idx %arg8[%mul3A_7, %add3A_260, %add3A_269], %get3A_266 : memref<1x77x768xf32, #tpu.memory_space<vmem>>[vector<16xi32>, vector<16xi32>, vector<16xi32>], vector<16xf32>,
        %get3A_270 = arith.constant 32 : index
        %get3A_271 = tpu.vector_load %arg7[%get3A_270] {strides = array<i32>} : memref<768xf32, #tpu.memory_space<vmem>>, vector<16xf32>,
        %add3A_272 = arith.constant 32 : i32
        %add3A_273 = vector.broadcast %add3A_272 : i32 to vector<16xi32>
        %add3A_274 = arith.addi %iota3A, %add3A_273 : vector<16xi32>
        tpu.vector_store_idx %arg8[%mul3A_7, %add3A_260, %add3A_274], %get3A_271 : memref<1x77x768xf32, #tpu.memory_space<vmem>>[vector<16xi32>, vector<16xi32>, vector<16xi32>], vector<16xf32>,
        %get3A_275 = arith.constant 48 : index
        %get3A_276 = tpu.vector_load %arg7[%get3A_275] {strides = array<i32>} : memref<768xf32, #tpu.memory_space<vmem>>, vector<16xf32>,
        %add3A_277 = arith.constant 48 : i32
        %add3A_278 = vector.broadcast %add3A_277 : i32 to vector<16xi32>
        %add3A_279 = arith.addi %iota3A, %add3A_278 : vector<16xi32>
        tpu.vector_store_idx %arg8[%mul3A_7, %add3A_260, %add3A_279], %get3A_276 : memref<1x77x768xf32, #tpu.memory_space<vmem>>[vector<16xi32>, vector<16xi32>, vector<16xi32>], vector<16xf32>,
        %get3A_280 = arith.constant 64 : index
        %get3A_281 = tpu.vector_load %arg7[%get3A_280] {strides = array<i32>} : memref<768xf32, #tpu.memory_space<vmem>>, vector<16xf32>,
        %add3A_282 = arith.constant 64 : i32
        %add3A_283 = vector.broadcast %add3A_282 : i32 to vector<16xi32>
        %add3A_284 = arith.addi %iota3A, %add3A_283 : vector<16xi32>
        tpu.vector_store_idx %arg8[%mul3A_7, %add3A_260, %add3A_284], %get3A_281 : memref<1x77x768xf32, #tpu.memory_space<vmem>>[vector<16xi32>, vector<16xi32>, vector<16xi32>], vector<16xf32>,
        %get3A_285 = arith.constant 80 : index
        %get3A_286 = tpu.vector_load %arg7[%get3A_285] {strides = array<i32>} : memref<768xf32, #tpu.memory_space<vmem>>, vector<16xf32>,
        %add3A_287 = arith.constant 80 : i32
        %add3A_288 = vector.broadcast %add3A_287 : i32 to vector<16xi32>
        %add3A_289 = arith.addi %iota3A, %add3A_288 : vector<16xi32>
        tpu.vector_store_idx %arg8[%mul3A_7, %add3A_260, %add3A_289], %get3A_286 : memref<1x77x768xf32, #tpu.memory_space<vmem>>[vector<16xi32>, vector<16xi32>, vector<16xi32>], vector<16xf32>,
        %get3A_290 = arith.constant 96 : index
        %get3A_291 = tpu.vector_load %arg7[%get3A_290] {strides = array<i32>} : memref<768xf32, #tpu.memory_space<vmem>>, vector<16xf32>,
        %add3A_292 = arith.constant 96 : i32
        %add3A_293 = vector.broadcast %add3A_292 : i32 to vector<16xi32>
        %add3A_294 = arith.addi %iota3A, %add3A_293 : vector<16xi32>
        tpu.vector_store_idx %arg8[%mul3A_7, %add3A_260, %add3A_294], %get3A_291 : memref<1x77x768xf32, #tpu.memory_space<vmem>>[vector<16xi32>, vector<16xi32>, vector<16xi32>], vector<16xf32>,
        %get3A_295 = arith.constant 112 : index
        %get3A_296 = tpu.vector_load %arg7[%get3A_295] {strides = array<i32>} : memref<768xf32, #tpu.memory_space<vmem>>, vector<16xf32>,
        %add3A_297 = arith.constant 112 : i32
        %add3A_298 = vector.broadcast %add3A_297 : i32 to vector<16xi32>
        %add3A_299 = arith.addi %iota3A, %add3A_298 : vector<16xi32>
        tpu.vector_store_idx %arg8[%mul3A_7, %add3A_260, %add3A_299], %get3A_296 : memref<1x77x768xf32, #tpu.memory_space<vmem>>[vector<16xi32>, vector<16xi32>, vector<16xi32>], vector<16xf32>,
        %get3A_300 = arith.constant 128 : index
        %get3A_301 = tpu.vector_load %arg7[%get3A_300] {strides = array<i32>} : memref<768xf32, #tpu.memory_space<vmem>>, vector<16xf32>,
        %add3A_302 = arith.constant 128 : i32
        %add3A_303 = vector.broadcast %add3A_302 : i32 to vector<16xi32>
        %add3A_304 = arith.addi %iota3A, %add3A_303 : vector<16xi32>
        tpu.vector_store_idx %arg8[%mul3A_7, %add3A_260, %add3A_304], %get3A_301 : memref<1x77x768xf32, #tpu.memory_space<vmem>>[vector<16xi32>, vector<16xi32>, vector<16xi32>], vector<16xf32>,
        %get3A_305 = arith.constant 144 : index
        %get3A_306 = tpu.vector_load %arg7[%get3A_305] {strides = array<i32>} : memref<768xf32, #tpu.memory_space<vmem>>, vector<16xf32>,
        %add3A_307 = arith.constant 144 : i32
        %add3A_308 = vector.broadcast %add3A_307 : i32 to vector<16xi32>
        %add3A_309 = arith.addi %iota3A, %add3A_308 : vector<16xi32>
        tpu.vector_store_idx %arg8[%mul3A_7, %add3A_260, %add3A_309], %get3A_306 : memref<1x77x768xf32, #tpu.memory_space<vmem>>[vector<16xi32>, vector<16xi32>, vector<16xi32>], vector<16xf32>,
        %get3A_310 = arith.constant 160 : index
        %get3A_311 = tpu.vector_load %arg7[%get3A_310] {strides = array<i32>} : memref<768xf32, #tpu.memory_space<vmem>>, vector<16xf32>,
        %add3A_312 = arith.constant 160 : i32
        %add3A_313 = vector.broadcast %add3A_312 : i32 to vector<16xi32>
        %add3A_314 = arith.addi %iota3A, %add3A_313 : vector<16xi32>
        tpu.vector_store_idx %arg8[%mul3A_7, %add3A_260, %add3A_314], %get3A_311 : memref<1x77x768xf32, #tpu.memory_space<vmem>>[vector<16xi32>, vector<16xi32>, vector<16xi32>], vector<16xf32>,
        %get3A_315 = arith.constant 176 : index
        %get3A_316 = tpu.vector_load %arg7[%get3A_315] {strides = array<i32>} : memref<768xf32, #tpu.memory_space<vmem>>, vector<16xf32>,
        %add3A_317 = arith.constant 176 : i32
        %add3A_318 = vector.broadcast %add3A_317 : i32 to vector<16xi32>
        %add3A_319 = arith.addi %iota3A, %add3A_318 : vector<16xi32>
        tpu.vector_store_idx %arg8[%mul3A_7, %add3A_260, %add3A_319], %get3A_316 : memref<1x77x768xf32, #tpu.memory_space<vmem>>[vector<16xi32>, vector<16xi32>, vector<16xi32>], vector<16xf32>,
        %get3A_320 = arith.constant 192 : index
        %get3A_321 = tpu.vector_load %arg7[%get3A_320] {strides = array<i32>} : memref<768xf32, #tpu.memory_space<vmem>>, vector<16xf32>,
        %add3A_322 = arith.constant 192 : i32
        %add3A_323 = vector.broadcast %add3A_322 : i32 to vector<16xi32>
        %add3A_324 = arith.addi %iota3A, %add3A_323 : vector<16xi32>
        tpu.vector_store_idx %arg8[%mul3A_7, %add3A_260, %add3A_324], %get3A_321 : memref<1x77x768xf32, #tpu.memory_space<vmem>>[vector<16xi32>, vector<16xi32>, vector<16xi32>], vector<16xf32>,
        %get3A_325 = arith.constant 208 : index
        %get3A_326 = tpu.vector_load %arg7[%get3A_325] {strides = array<i32>} : memref<768xf32, #tpu.memory_space<vmem>>, vector<16xf32>,
        %add3A_327 = arith.constant 208 : i32
        %add3A_328 = vector.broadcast %add3A_327 : i32 to vector<16xi32>
        %add3A_329 = arith.addi %iota3A, %add3A_328 : vector<16xi32>
        tpu.vector_store_idx %arg8[%mul3A_7, %add3A_260, %add3A_329], %get3A_326 : memref<1x77x768xf32, #tpu.memory_space<vmem>>[vector<16xi32>, vector<16xi32>, vector<16xi32>], vector<16xf32>,
        %get3A_330 = arith.constant 224 : index
        %get3A_331 = tpu.vector_load %arg7[%get3A_330] {strides = array<i32>} : memref<768xf32, #tpu.memory_space<vmem>>, vector<16xf32>,
        %add3A_332 = arith.constant 224 : i32
        %add3A_333 = vector.broadcast %add3A_332 : i32 to vector<16xi32>
        %add3A_334 = arith.addi %iota3A, %add3A_333 : vector<16xi32>
        tpu.vector_store_idx %arg8[%mul3A_7, %add3A_260, %add3A_334], %get3A_331 : memref<1x77x768xf32, #tpu.memory_space<vmem>>[vector<16xi32>, vector<16xi32>, vector<16xi32>], vector<16xf32>,
        %get3A_335 = arith.constant 240 : index
        %get3A_336 = tpu.vector_load %arg7[%get3A_335] {strides = array<i32>} : memref<768xf32, #tpu.memory_space<vmem>>, vector<16xf32>,
        %add3A_337 = arith.constant 240 : i32
        %add3A_338 = vector.broadcast %add3A_337 : i32 to vector<16xi32>
        %add3A_339 = arith.addi %iota3A, %add3A_338 : vector<16xi32>
        tpu.vector_store_idx %arg8[%mul3A_7, %add3A_260, %add3A_339], %get3A_336 : memref<1x77x768xf32, #tpu.memory_space<vmem>>[vector<16xi32>, vector<16xi32>, vector<16xi32>], vector<16xf32>,
        %get3A_340 = arith.constant 256 : index
        %get3A_341 = tpu.vector_load %arg7[%get3A_340] {strides = array<i32>} : memref<768xf32, #tpu.memory_space<vmem>>, vector<16xf32>,
        %add3A_342 = arith.constant 256 : i32
        %add3A_343 = vector.broadcast %add3A_342 : i32 to vector<16xi32>
        %add3A_344 = arith.addi %iota3A, %add3A_343 : vector<16xi32>
        tpu.vector_store_idx %arg8[%mul3A_7, %add3A_260, %add3A_344], %get3A_341 : memref<1x77x768xf32, #tpu.memory_space<vmem>>[vector<16xi32>, vector<16xi32>, vector<16xi32>], vector<16xf32>,
        %get3A_345 = arith.constant 272 : index
        %get3A_346 = tpu.vector_load %arg7[%get3A_345] {strides = array<i32>} : memref<768xf32, #tpu.memory_space<vmem>>, vector<16xf32>,
        %add3A_347 = arith.constant 272 : i32
        %add3A_348 = vector.broadcast %add3A_347 : i32 to vector<16xi32>
        %add3A_349 = arith.addi %iota3A, %add3A_348 : vector<16xi32>
        tpu.vector_store_idx %arg8[%mul3A_7, %add3A_260, %add3A_349], %get3A_346 : memref<1x77x768xf32, #tpu.memory_space<vmem>>[vector<16xi32>, vector<16xi32>, vector<16xi32>], vector<16xf32>,
        %get3A_350 = arith.constant 288 : index
        %get3A_351 = tpu.vector_load %arg7[%get3A_350] {strides = array<i32>} : memref<768xf32, #tpu.memory_space<vmem>>, vector<16xf32>,
        %add3A_352 = arith.constant 288 : i32
        %add3A_353 = vector.broadcast %add3A_352 : i32 to vector<16xi32>
        %add3A_354 = arith.addi %iota3A, %add3A_353 : vector<16xi32>
        tpu.vector_store_idx %arg8[%mul3A_7, %add3A_260, %add3A_354], %get3A_351 : memref<1x77x768xf32, #tpu.memory_space<vmem>>[vector<16xi32>, vector<16xi32>, vector<16xi32>], vector<16xf32>,
        %get3A_355 = arith.constant 304 : index
        %get3A_356 = tpu.vector_load %arg7[%get3A_355] {strides = array<i32>} : memref<768xf32, #tpu.memory_space<vmem>>, vector<16xf32>,
        %add3A_357 = arith.constant 304 : i32
        %add3A_358 = vector.broadcast %add3A_357 : i32 to vector<16xi32>
        %add3A_359 = arith.addi %iota3A, %add3A_358 : vector<16xi32>
        tpu.vector_store_idx %arg8[%mul3A_7, %add3A_260, %add3A_359], %get3A_356 : memref<1x77x768xf32, #tpu.memory_space<vmem>>[vector<16xi32>, vector<16xi32>, vector<16xi32>], vector<16xf32>,
        %get3A_360 = arith.constant 320 : index
        %get3A_361 = tpu.vector_load %arg7[%get3A_360] {strides = array<i32>} : memref<768xf32, #tpu.memory_space<vmem>>, vector<16xf32>,
        %add3A_362 = arith.constant 320 : i32
        %add3A_363 = vector.broadcast %add3A_362 : i32 to vector<16xi32>
        %add3A_364 = arith.addi %iota3A, %add3A_363 : vector<16xi32>
        tpu.vector_store_idx %arg8[%mul3A_7, %add3A_260, %add3A_364], %get3A_361 : memref<1x77x768xf32, #tpu.memory_space<vmem>>[vector<16xi32>, vector<16xi32>, vector<16xi32>], vector<16xf32>,
        %get3A_365 = arith.constant 336 : index
        %get3A_366 = tpu.vector_load %arg7[%get3A_365] {strides = array<i32>} : memref<768xf32, #tpu.memory_space<vmem>>, vector<16xf32>,
        %add3A_367 = arith.constant 336 : i32
        %add3A_368 = vector.broadcast %add3A_367 : i32 to vector<16xi32>
        %add3A_369 = arith.addi %iota3A, %add3A_368 : vector<16xi32>
        tpu.vector_store_idx %arg8[%mul3A_7, %add3A_260, %add3A_369], %get3A_366 : memref<1x77x768xf32, #tpu.memory_space<vmem>>[vector<16xi32>, vector<16xi32>, vector<16xi32>], vector<16xf32>,
        %get3A_370 = arith.constant 352 : index
        %get3A_371 = tpu.vector_load %arg7[%get3A_370] {strides = array<i32>} : memref<768xf32, #tpu.memory_space<vmem>>, vector<16xf32>,
        %add3A_372 = arith.constant 352 : i32
        %add3A_373 = vector.broadcast %add3A_372 : i32 to vector<16xi32>
        %add3A_374 = arith.addi %iota3A, %add3A_373 : vector<16xi32>
        tpu.vector_store_idx %arg8[%mul3A_7, %add3A_260, %add3A_374], %get3A_371 : memref<1x77x768xf32, #tpu.memory_space<vmem>>[vector<16xi32>, vector<16xi32>, vector<16xi32>], vector<16xf32>,
        %get3A_375 = arith.constant 368 : index
        %get3A_376 = tpu.vector_load %arg7[%get3A_375] {strides = array<i32>} : memref<768xf32, #tpu.memory_space<vmem>>, vector<16xf32>,
        %add3A_377 = arith.constant 368 : i32
        %add3A_378 = vector.broadcast %add3A_377 : i32 to vector<16xi32>
        %add3A_379 = arith.addi %iota3A, %add3A_378 : vector<16xi32>
        tpu.vector_store_idx %arg8[%mul3A_7, %add3A_260, %add3A_379], %get3A_376 : memref<1x77x768xf32, #tpu.memory_space<vmem>>[vector<16xi32>, vector<16xi32>, vector<16xi32>], vector<16xf32>,
        %get3A_380 = arith.constant 384 : index
        %get3A_381 = tpu.vector_load %arg7[%get3A_380] {strides = array<i32>} : memref<768xf32, #tpu.memory_space<vmem>>, vector<16xf32>,
        %add3A_382 = arith.constant 384 : i32
        %add3A_383 = vector.broadcast %add3A_382 : i32 to vector<16xi32>
        %add3A_384 = arith.addi %iota3A, %add3A_383 : vector<16xi32>
        tpu.vector_store_idx %arg8[%mul3A_7, %add3A_260, %add3A_384], %get3A_381 : memref<1x77x768xf32, #tpu.memory_space<vmem>>[vector<16xi32>, vector<16xi32>, vector<16xi32>], vector<16xf32>,
        %get3A_385 = arith.constant 400 : index
        %get3A_386 = tpu.vector_load %arg7[%get3A_385] {strides = array<i32>} : memref<768xf32, #tpu.memory_space<vmem>>, vector<16xf32>,
        %add3A_387 = arith.constant 400 : i32
        %add3A_388 = vector.broadcast %add3A_387 : i32 to vector<16xi32>
        %add3A_389 = arith.addi %iota3A, %add3A_388 : vector<16xi32>
        tpu.vector_store_idx %arg8[%mul3A_7, %add3A_260, %add3A_389], %get3A_386 : memref<1x77x768xf32, #tpu.memory_space<vmem>>[vector<16xi32>, vector<16xi32>, vector<16xi32>], vector<16xf32>,
        %get3A_390 = arith.constant 416 : index
        %get3A_391 = tpu.vector_load %arg7[%get3A_390] {strides = array<i32>} : memref<768xf32, #tpu.memory_space<vmem>>, vector<16xf32>,
        %add3A_392 = arith.constant 416 : i32
        %add3A_393 = vector.broadcast %add3A_392 : i32 to vector<16xi32>
        %add3A_394 = arith.addi %iota3A, %add3A_393 : vector<16xi32>
        tpu.vector_store_idx %arg8[%mul3A_7, %add3A_260, %add3A_394], %get3A_391 : memref<1x77x768xf32, #tpu.memory_space<vmem>>[vector<16xi32>, vector<16xi32>, vector<16xi32>], vector<16xf32>,
        %get3A_395 = arith.constant 432 : index
        %get3A_396 = tpu.vector_load %arg7[%get3A_395] {strides = array<i32>} : memref<768xf32, #tpu.memory_space<vmem>>, vector<16xf32>,
        %add3A_397 = arith.constant 432 : i32
        %add3A_398 = vector.broadcast %add3A_397 : i32 to vector<16xi32>
        %add3A_399 = arith.addi %iota3A, %add3A_398 : vector<16xi32>
        tpu.vector_store_idx %arg8[%mul3A_7, %add3A_260, %add3A_399], %get3A_396 : memref<1x77x768xf32, #tpu.memory_space<vmem>>[vector<16xi32>, vector<16xi32>, vector<16xi32>], vector<16xf32>,
        %get3A_400 = arith.constant 448 : index
        %get3A_401 = tpu.vector_load %arg7[%get3A_400] {strides = array<i32>} : memref<768xf32, #tpu.memory_space<vmem>>, vector<16xf32>,
        %add3A_402 = arith.constant 448 : i32
        %add3A_403 = vector.broadcast %add3A_402 : i32 to vector<16xi32>
        %add3A_404 = arith.addi %iota3A, %add3A_403 : vector<16xi32>
        tpu.vector_store_idx %arg8[%mul3A_7, %add3A_260, %add3A_404], %get3A_401 : memref<1x77x768xf32, #tpu.memory_space<vmem>>[vector<16xi32>, vector<16xi32>, vector<16xi32>], vector<16xf32>,
        %get3A_405 = arith.constant 464 : index
        %get3A_406 = tpu.vector_load %arg7[%get3A_405] {strides = array<i32>} : memref<768xf32, #tpu.memory_space<vmem>>, vector<16xf32>,
        %add3A_407 = arith.constant 464 : i32
        %add3A_408 = vector.broadcast %add3A_407 : i32 to vector<16xi32>
        %add3A_409 = arith.addi %iota3A, %add3A_408 : vector<16xi32>
        tpu.vector_store_idx %arg8[%mul3A_7, %add3A_260, %add3A_409], %get3A_406 : memref<1x77x768xf32, #tpu.memory_space<vmem>>[vector<16xi32>, vector<16xi32>, vector<16xi32>], vector<16xf32>,
        %get3A_410 = arith.constant 480 : index
        %get3A_411 = tpu.vector_load %arg7[%get3A_410] {strides = array<i32>} : memref<768xf32, #tpu.memory_space<vmem>>, vector<16xf32>,
        %add3A_412 = arith.constant 480 : i32
        %add3A_413 = vector.broadcast %add3A_412 : i32 to vector<16xi32>
        %add3A_414 = arith.addi %iota3A, %add3A_413 : vector<16xi32>
        tpu.vector_store_idx %arg8[%mul3A_7, %add3A_260, %add3A_414], %get3A_411 : memref<1x77x768xf32, #tpu.memory_space<vmem>>[vector<16xi32>, vector<16xi32>, vector<16xi32>], vector<16xf32>,
        %get3A_415 = arith.constant 496 : index
        %get3A_416 = tpu.vector_load %arg7[%get3A_415] {strides = array<i32>} : memref<768xf32, #tpu.memory_space<vmem>>, vector<16xf32>,
        %add3A_417 = arith.constant 496 : i32
        %add3A_418 = vector.broadcast %add3A_417 : i32 to vector<16xi32>
        %add3A_419 = arith.addi %iota3A, %add3A_418 : vector<16xi32>
        tpu.vector_store_idx %arg8[%mul3A_7, %add3A_260, %add3A_419], %get3A_416 : memref<1x77x768xf32, #tpu.memory_space<vmem>>[vector<16xi32>, vector<16xi32>, vector<16xi32>], vector<16xf32>,
        %get3A_420 = arith.constant 512 : index
        %get3A_421 = tpu.vector_load %arg7[%get3A_420] {strides = array<i32>} : memref<768xf32, #tpu.memory_space<vmem>>, vector<16xf32>,
        %add3A_422 = arith.constant 512 : i32
        %add3A_423 = vector.broadcast %add3A_422 : i32 to vector<16xi32>
        %add3A_424 = arith.addi %iota3A, %add3A_423 : vector<16xi32>
        tpu.vector_store_idx %arg8[%mul3A_7, %add3A_260, %add3A_424], %get3A_421 : memref<1x77x768xf32, #tpu.memory_space<vmem>>[vector<16xi32>, vector<16xi32>, vector<16xi32>], vector<16xf32>,
        %get3A_425 = arith.constant 528 : index
        %get3A_426 = tpu.vector_load %arg7[%get3A_425] {strides = array<i32>} : memref<768xf32, #tpu.memory_space<vmem>>, vector<16xf32>,
        %add3A_427 = arith.constant 528 : i32
        %add3A_428 = vector.broadcast %add3A_427 : i32 to vector<16xi32>
        %add3A_429 = arith.addi %iota3A, %add3A_428 : vector<16xi32>
        tpu.vector_store_idx %arg8[%mul3A_7, %add3A_260, %add3A_429], %get3A_426 : memref<1x77x768xf32, #tpu.memory_space<vmem>>[vector<16xi32>, vector<16xi32>, vector<16xi32>], vector<16xf32>,
        %get3A_430 = arith.constant 544 : index
        %get3A_431 = tpu.vector_load %arg7[%get3A_430] {strides = array<i32>} : memref<768xf32, #tpu.memory_space<vmem>>, vector<16xf32>,
        %add3A_432 = arith.constant 544 : i32
        %add3A_433 = vector.broadcast %add3A_432 : i32 to vector<16xi32>
        %add3A_434 = arith.addi %iota3A, %add3A_433 : vector<16xi32>
        tpu.vector_store_idx %arg8[%mul3A_7, %add3A_260, %add3A_434], %get3A_431 : memref<1x77x768xf32, #tpu.memory_space<vmem>>[vector<16xi32>, vector<16xi32>, vector<16xi32>], vector<16xf32>,
        %get3A_435 = arith.constant 560 : index
        %get3A_436 = tpu.vector_load %arg7[%get3A_435] {strides = array<i32>} : memref<768xf32, #tpu.memory_space<vmem>>, vector<16xf32>,
        %add3A_437 = arith.constant 560 : i32
        %add3A_438 = vector.broadcast %add3A_437 : i32 to vector<16xi32>
        %add3A_439 = arith.addi %iota3A, %add3A_438 : vector<16xi32>
        tpu.vector_store_idx %arg8[%mul3A_7, %add3A_260, %add3A_439], %get3A_436 : memref<1x77x768xf32, #tpu.memory_space<vmem>>[vector<16xi32>, vector<16xi32>, vector<16xi32>], vector<16xf32>,
        %get3A_440 = arith.constant 576 : index
        %get3A_441 = tpu.vector_load %arg7[%get3A_440] {strides = array<i32>} : memref<768xf32, #tpu.memory_space<vmem>>, vector<16xf32>,
        %add3A_442 = arith.constant 576 : i32
        %add3A_443 = vector.broadcast %add3A_442 : i32 to vector<16xi32>
        %add3A_444 = arith.addi %iota3A, %add3A_443 : vector<16xi32>
        tpu.vector_store_idx %arg8[%mul3A_7, %add3A_260, %add3A_444], %get3A_441 : memref<1x77x768xf32, #tpu.memory_space<vmem>>[vector<16xi32>, vector<16xi32>, vector<16xi32>], vector<16xf32>,
        %get3A_445 = arith.constant 592 : index
        %get3A_446 = tpu.vector_load %arg7[%get3A_445] {strides = array<i32>} : memref<768xf32, #tpu.memory_space<vmem>>, vector<16xf32>,
        %add3A_447 = arith.constant 592 : i32
        %add3A_448 = vector.broadcast %add3A_447 : i32 to vector<16xi32>
        %add3A_449 = arith.addi %iota3A, %add3A_448 : vector<16xi32>
        tpu.vector_store_idx %arg8[%mul3A_7, %add3A_260, %add3A_449], %get3A_446 : memref<1x77x768xf32, #tpu.memory_space<vmem>>[vector<16xi32>, vector<16xi32>, vector<16xi32>], vector<16xf32>,
        %get3A_450 = arith.constant 608 : index
        %get3A_451 = tpu.vector_load %arg7[%get3A_450] {strides = array<i32>} : memref<768xf32, #tpu.memory_space<vmem>>, vector<16xf32>,
        %add3A_452 = arith.constant 608 : i32
        %add3A_453 = vector.broadcast %add3A_452 : i32 to vector<16xi32>
        %add3A_454 = arith.addi %iota3A, %add3A_453 : vector<16xi32>
        tpu.vector_store_idx %arg8[%mul3A_7, %add3A_260, %add3A_454], %get3A_451 : memref<1x77x768xf32, #tpu.memory_space<vmem>>[vector<16xi32>, vector<16xi32>, vector<16xi32>], vector<16xf32>,
        %get3A_455 = arith.constant 624 : index
        %get3A_456 = tpu.vector_load %arg7[%get3A_455] {strides = array<i32>} : memref<768xf32, #tpu.memory_space<vmem>>, vector<16xf32>,
        %add3A_457 = arith.constant 624 : i32
        %add3A_458 = vector.broadcast %add3A_457 : i32 to vector<16xi32>
        %add3A_459 = arith.addi %iota3A, %add3A_458 : vector<16xi32>
        tpu.vector_store_idx %arg8[%mul3A_7, %add3A_260, %add3A_459], %get3A_456 : memref<1x77x768xf32, #tpu.memory_space<vmem>>[vector<16xi32>, vector<16xi32>, vector<16xi32>], vector<16xf32>,
        %get3A_460 = arith.constant 640 : index
        %get3A_461 = tpu.vector_load %arg7[%get3A_460] {strides = array<i32>} : memref<768xf32, #tpu.memory_space<vmem>>, vector<16xf32>,
        %add3A_462 = arith.constant 640 : i32
        %add3A_463 = vector.broadcast %add3A_462 : i32 to vector<16xi32>
        %add3A_464 = arith.addi %iota3A, %add3A_463 : vector<16xi32>
        tpu.vector_store_idx %arg8[%mul3A_7, %add3A_260, %add3A_464], %get3A_461 : memref<1x77x768xf32, #tpu.memory_space<vmem>>[vector<16xi32>, vector<16xi32>, vector<16xi32>], vector<16xf32>,
        %get3A_465 = arith.constant 656 : index
        %get3A_466 = tpu.vector_load %arg7[%get3A_465] {strides = array<i32>} : memref<768xf32, #tpu.memory_space<vmem>>, vector<16xf32>,
        %add3A_467 = arith.constant 656 : i32
        %add3A_468 = vector.broadcast %add3A_467 : i32 to vector<16xi32>
        %add3A_469 = arith.addi %iota3A, %add3A_468 : vector<16xi32>
        tpu.vector_store_idx %arg8[%mul3A_7, %add3A_260, %add3A_469], %get3A_466 : memref<1x77x768xf32, #tpu.memory_space<vmem>>[vector<16xi32>, vector<16xi32>, vector<16xi32>], vector<16xf32>,
        %get3A_470 = arith.constant 672 : index
        %get3A_471 = tpu.vector_load %arg7[%get3A_470] {strides = array<i32>} : memref<768xf32, #tpu.memory_space<vmem>>, vector<16xf32>,
        %add3A_472 = arith.constant 672 : i32
        %add3A_473 = vector.broadcast %add3A_472 : i32 to vector<16xi32>
        %add3A_474 = arith.addi %iota3A, %add3A_473 : vector<16xi32>
        tpu.vector_store_idx %arg8[%mul3A_7, %add3A_260, %add3A_474], %get3A_471 : memref<1x77x768xf32, #tpu.memory_space<vmem>>[vector<16xi32>, vector<16xi32>, vector<16xi32>], vector<16xf32>,
        %get3A_475 = arith.constant 688 : index
        %get3A_476 = tpu.vector_load %arg7[%get3A_475] {strides = array<i32>} : memref<768xf32, #tpu.memory_space<vmem>>, vector<16xf32>,
        %add3A_477 = arith.constant 688 : i32
        %add3A_478 = vector.broadcast %add3A_477 : i32 to vector<16xi32>
        %add3A_479 = arith.addi %iota3A, %add3A_478 : vector<16xi32>
        tpu.vector_store_idx %arg8[%mul3A_7, %add3A_260, %add3A_479], %get3A_476 : memref<1x77x768xf32, #tpu.memory_space<vmem>>[vector<16xi32>, vector<16xi32>, vector<16xi32>], vector<16xf32>,
        %get3A_480 = arith.constant 704 : index
        %get3A_481 = tpu.vector_load %arg7[%get3A_480] {strides = array<i32>} : memref<768xf32, #tpu.memory_space<vmem>>, vector<16xf32>,
        %add3A_482 = arith.constant 704 : i32
        %add3A_483 = vector.broadcast %add3A_482 : i32 to vector<16xi32>
        %add3A_484 = arith.addi %iota3A, %add3A_483 : vector<16xi32>
        tpu.vector_store_idx %arg8[%mul3A_7, %add3A_260, %add3A_484], %get3A_481 : memref<1x77x768xf32, #tpu.memory_space<vmem>>[vector<16xi32>, vector<16xi32>, vector<16xi32>], vector<16xf32>,
        %get3A_485 = arith.constant 720 : index
        %get3A_486 = tpu.vector_load %arg7[%get3A_485] {strides = array<i32>} : memref<768xf32, #tpu.memory_space<vmem>>, vector<16xf32>,
        %add3A_487 = arith.constant 720 : i32
        %add3A_488 = vector.broadcast %add3A_487 : i32 to vector<16xi32>
        %add3A_489 = arith.addi %iota3A, %add3A_488 : vector<16xi32>
        tpu.vector_store_idx %arg8[%mul3A_7, %add3A_260, %add3A_489], %get3A_486 : memref<1x77x768xf32, #tpu.memory_space<vmem>>[vector<16xi32>, vector<16xi32>, vector<16xi32>], vector<16xf32>,
        %get3A_490 = arith.constant 736 : index
        %get3A_491 = tpu.vector_load %arg7[%get3A_490] {strides = array<i32>} : memref<768xf32, #tpu.memory_space<vmem>>, vector<16xf32>,
        %add3A_492 = arith.constant 736 : i32
        %add3A_493 = vector.broadcast %add3A_492 : i32 to vector<16xi32>
        %add3A_494 = arith.addi %iota3A, %add3A_493 : vector<16xi32>
        tpu.vector_store_idx %arg8[%mul3A_7, %add3A_260, %add3A_494], %get3A_491 : memref<1x77x768xf32, #tpu.memory_space<vmem>>[vector<16xi32>, vector<16xi32>, vector<16xi32>], vector<16xf32>,
        %get3A_495 = arith.constant 752 : index
        %get3A_496 = tpu.vector_load %arg7[%get3A_495] {strides = array<i32>} : memref<768xf32, #tpu.memory_space<vmem>>, vector<16xf32>,
        %add3A_497 = arith.constant 752 : i32
        %add3A_498 = vector.broadcast %add3A_497 : i32 to vector<16xi32>
        %add3A_499 = arith.addi %iota3A, %add3A_498 : vector<16xi32>
        tpu.vector_store_idx %arg8[%mul3A_7, %add3A_260, %add3A_499], %get3A_496 : memref<1x77x768xf32, #tpu.memory_space<vmem>>[vector<16xi32>, vector<16xi32>, vector<16xi32>], vector<16xf32>,
        %jit3A_500 = arith.constant 0 : i32
        %broadcast_in_dim3A_501 = vector.broadcast %jit3A_500 : i32 to vector<16xi32>
        %select_n3A_502 = arith.select %eq3A_255, %broadcast_in_dim3A_501, %while3A_252 : vector<16xi1>, vector<16xi32>
        scf.yield %select_n3A_502 : vector<16xi32>
      }
      %mul3A_115 = arith.constant 77 : i32
      %mul3A_116 = arith.muli %add3A_39, %mul3A_115 : i32
      %add3A_117 = arith.constant 61 : i32
      %add3A_118 = arith.addi %mul3A_116, %add3A_117 : i32
      %add3A_119 = vector.broadcast %add3A_118 : i32 to vector<16xi32>
      %add3A_120 = arith.addi %iota3A, %add3A_119 : vector<16xi32>
      %gather3A_121 = tpu.vector_load_idx %arg6[%add3A_120] : memref<2464xi32, #tpu.memory_space<vmem>>[vector<16xi32>], vector<16xi32>,
      %eq3A_122 = arith.constant 42 : i32
      %eq3A_123 = vector.broadcast %eq3A_122 : i32 to vector<16xi32>
      %eq3A_124 = arith.cmpi eq, %gather3A_121, %eq3A_123 : vector<16xi32>
      %convert_element_type3A_125 = arith.extui %eq3A_124 : vector<16xi1> to vector<16xi32>
      %add3A_126 = arith.constant 61 : i32
      %add3A_127 = vector.broadcast %add3A_126 : i32 to vector<16xi32>
      %add3A_128 = arith.addi %iota3A, %add3A_127 : vector<16xi32>
      %while3A_129 = scf.while (%while3A_252 = %convert_element_type3A_125) : (vector<16xi32>) -> vector<16xi32> {
        %reduce_sum3A = arith.constant true
        %reduce_sum3A_253 = vector.broadcast %reduce_sum3A : i1 to vector<16xi1>
        %reduce_sum3A_254 = tpu.scan <sum>, %while3A_252 masked %reduce_sum3A_253 : vector<16xi32>, vector<16xi1> -> vector<16xi32>
        %reduce_sum3A_255 = vector.extract %reduce_sum3A_254[15] : i32 from vector<16xi32>
        %gt3A = arith.constant 0 : i32
        %gt3A_256 = arith.cmpi sgt, %reduce_sum3A_255, %gt3A : i32
        scf.condition(%gt3A_256) %while3A_252 : vector<16xi32>
      } do {
      ^bb0(%while3A_252: vector<16xi32>):
        %gt3A = arith.constant 0 : i32
        %gt3A_253 = vector.broadcast %gt3A : i32 to vector<16xi32>
        %gt3A_254 = arith.cmpi sgt, %while3A_252, %gt3A_253 : vector<16xi32>
        %all_reduce_ffs3A = tpu.all_reduce %gt3A_254 {dim = 0 : i64, kind = #tpu.reduction_kind<find_first_set>} : vector<16xi1> -> vector<16xi32>
        %eq3A_255 = arith.cmpi eq, %iota3A, %all_reduce_ffs3A : vector<16xi32>
        %jit3A = arith.constant 0 : i32
        %broadcast_in_dim3A = vector.broadcast %jit3A : i32 to vector<16xi32>
        %select_n3A = arith.select %eq3A_255, %add3A_128, %broadcast_in_dim3A : vector<16xi1>, vector<16xi32>
        %reduce_sum3A = arith.constant true
        %reduce_sum3A_256 = vector.broadcast %reduce_sum3A : i1 to vector<16xi1>
        %reduce_sum3A_257 = tpu.scan <sum>, %select_n3A masked %reduce_sum3A_256 : vector<16xi32>, vector<16xi1> -> vector<16xi32>
        %reduce_sum3A_258 = vector.extract %reduce_sum3A_257[15] : i32 from vector<16xi32>
        %add3A_259 = vector.broadcast %reduce_sum3A_258 : i32 to vector<16xi32>
        %add3A_260 = arith.addi %mul3A_7, %add3A_259 : vector<16xi32>
        %get3A = arith.constant 0 : index
        %get3A_261 = tpu.vector_load %arg7[%get3A] {strides = array<i32>} : memref<768xf32, #tpu.memory_space<vmem>>, vector<16xf32>,
        %add3A_262 = arith.constant 0 : i32
        %add3A_263 = vector.broadcast %add3A_262 : i32 to vector<16xi32>
        %add3A_264 = arith.addi %iota3A, %add3A_263 : vector<16xi32>
        tpu.vector_store_idx %arg8[%mul3A_7, %add3A_260, %add3A_264], %get3A_261 : memref<1x77x768xf32, #tpu.memory_space<vmem>>[vector<16xi32>, vector<16xi32>, vector<16xi32>], vector<16xf32>,
        %get3A_265 = arith.constant 16 : index
        %get3A_266 = tpu.vector_load %arg7[%get3A_265] {strides = array<i32>} : memref<768xf32, #tpu.memory_space<vmem>>, vector<16xf32>,
        %add3A_267 = arith.constant 16 : i32
        %add3A_268 = vector.broadcast %add3A_267 : i32 to vector<16xi32>
        %add3A_269 = arith.addi %iota3A, %add3A_268 : vector<16xi32>
        tpu.vector_store_idx %arg8[%mul3A_7, %add3A_260, %add3A_269], %get3A_266 : memref<1x77x768xf32, #tpu.memory_space<vmem>>[vector<16xi32>, vector<16xi32>, vector<16xi32>], vector<16xf32>,
        %get3A_270 = arith.constant 32 : index
        %get3A_271 = tpu.vector_load %arg7[%get3A_270] {strides = array<i32>} : memref<768xf32, #tpu.memory_space<vmem>>, vector<16xf32>,
        %add3A_272 = arith.constant 32 : i32
        %add3A_273 = vector.broadcast %add3A_272 : i32 to vector<16xi32>
        %add3A_274 = arith.addi %iota3A, %add3A_273 : vector<16xi32>
        tpu.vector_store_idx %arg8[%mul3A_7, %add3A_260, %add3A_274], %get3A_271 : memref<1x77x768xf32, #tpu.memory_space<vmem>>[vector<16xi32>, vector<16xi32>, vector<16xi32>], vector<16xf32>,
        %get3A_275 = arith.constant 48 : index
        %get3A_276 = tpu.vector_load %arg7[%get3A_275] {strides = array<i32>} : memref<768xf32, #tpu.memory_space<vmem>>, vector<16xf32>,
        %add3A_277 = arith.constant 48 : i32
        %add3A_278 = vector.broadcast %add3A_277 : i32 to vector<16xi32>
        %add3A_279 = arith.addi %iota3A, %add3A_278 : vector<16xi32>
        tpu.vector_store_idx %arg8[%mul3A_7, %add3A_260, %add3A_279], %get3A_276 : memref<1x77x768xf32, #tpu.memory_space<vmem>>[vector<16xi32>, vector<16xi32>, vector<16xi32>], vector<16xf32>,
        %get3A_280 = arith.constant 64 : index
        %get3A_281 = tpu.vector_load %arg7[%get3A_280] {strides = array<i32>} : memref<768xf32, #tpu.memory_space<vmem>>, vector<16xf32>,
        %add3A_282 = arith.constant 64 : i32
        %add3A_283 = vector.broadcast %add3A_282 : i32 to vector<16xi32>
        %add3A_284 = arith.addi %iota3A, %add3A_283 : vector<16xi32>
        tpu.vector_store_idx %arg8[%mul3A_7, %add3A_260, %add3A_284], %get3A_281 : memref<1x77x768xf32, #tpu.memory_space<vmem>>[vector<16xi32>, vector<16xi32>, vector<16xi32>], vector<16xf32>,
        %get3A_285 = arith.constant 80 : index
        %get3A_286 = tpu.vector_load %arg7[%get3A_285] {strides = array<i32>} : memref<768xf32, #tpu.memory_space<vmem>>, vector<16xf32>,
        %add3A_287 = arith.constant 80 : i32
        %add3A_288 = vector.broadcast %add3A_287 : i32 to vector<16xi32>
        %add3A_289 = arith.addi %iota3A, %add3A_288 : vector<16xi32>
        tpu.vector_store_idx %arg8[%mul3A_7, %add3A_260, %add3A_289], %get3A_286 : memref<1x77x768xf32, #tpu.memory_space<vmem>>[vector<16xi32>, vector<16xi32>, vector<16xi32>], vector<16xf32>,
        %get3A_290 = arith.constant 96 : index
        %get3A_291 = tpu.vector_load %arg7[%get3A_290] {strides = array<i32>} : memref<768xf32, #tpu.memory_space<vmem>>, vector<16xf32>,
        %add3A_292 = arith.constant 96 : i32
        %add3A_293 = vector.broadcast %add3A_292 : i32 to vector<16xi32>
        %add3A_294 = arith.addi %iota3A, %add3A_293 : vector<16xi32>
        tpu.vector_store_idx %arg8[%mul3A_7, %add3A_260, %add3A_294], %get3A_291 : memref<1x77x768xf32, #tpu.memory_space<vmem>>[vector<16xi32>, vector<16xi32>, vector<16xi32>], vector<16xf32>,
        %get3A_295 = arith.constant 112 : index
        %get3A_296 = tpu.vector_load %arg7[%get3A_295] {strides = array<i32>} : memref<768xf32, #tpu.memory_space<vmem>>, vector<16xf32>,
        %add3A_297 = arith.constant 112 : i32
        %add3A_298 = vector.broadcast %add3A_297 : i32 to vector<16xi32>
        %add3A_299 = arith.addi %iota3A, %add3A_298 : vector<16xi32>
        tpu.vector_store_idx %arg8[%mul3A_7, %add3A_260, %add3A_299], %get3A_296 : memref<1x77x768xf32, #tpu.memory_space<vmem>>[vector<16xi32>, vector<16xi32>, vector<16xi32>], vector<16xf32>,
        %get3A_300 = arith.constant 128 : index
        %get3A_301 = tpu.vector_load %arg7[%get3A_300] {strides = array<i32>} : memref<768xf32, #tpu.memory_space<vmem>>, vector<16xf32>,
        %add3A_302 = arith.constant 128 : i32
        %add3A_303 = vector.broadcast %add3A_302 : i32 to vector<16xi32>
        %add3A_304 = arith.addi %iota3A, %add3A_303 : vector<16xi32>
        tpu.vector_store_idx %arg8[%mul3A_7, %add3A_260, %add3A_304], %get3A_301 : memref<1x77x768xf32, #tpu.memory_space<vmem>>[vector<16xi32>, vector<16xi32>, vector<16xi32>], vector<16xf32>,
        %get3A_305 = arith.constant 144 : index
        %get3A_306 = tpu.vector_load %arg7[%get3A_305] {strides = array<i32>} : memref<768xf32, #tpu.memory_space<vmem>>, vector<16xf32>,
        %add3A_307 = arith.constant 144 : i32
        %add3A_308 = vector.broadcast %add3A_307 : i32 to vector<16xi32>
        %add3A_309 = arith.addi %iota3A, %add3A_308 : vector<16xi32>
        tpu.vector_store_idx %arg8[%mul3A_7, %add3A_260, %add3A_309], %get3A_306 : memref<1x77x768xf32, #tpu.memory_space<vmem>>[vector<16xi32>, vector<16xi32>, vector<16xi32>], vector<16xf32>,
        %get3A_310 = arith.constant 160 : index
        %get3A_311 = tpu.vector_load %arg7[%get3A_310] {strides = array<i32>} : memref<768xf32, #tpu.memory_space<vmem>>, vector<16xf32>,
        %add3A_312 = arith.constant 160 : i32
        %add3A_313 = vector.broadcast %add3A_312 : i32 to vector<16xi32>
        %add3A_314 = arith.addi %iota3A, %add3A_313 : vector<16xi32>
        tpu.vector_store_idx %arg8[%mul3A_7, %add3A_260, %add3A_314], %get3A_311 : memref<1x77x768xf32, #tpu.memory_space<vmem>>[vector<16xi32>, vector<16xi32>, vector<16xi32>], vector<16xf32>,
        %get3A_315 = arith.constant 176 : index
        %get3A_316 = tpu.vector_load %arg7[%get3A_315] {strides = array<i32>} : memref<768xf32, #tpu.memory_space<vmem>>, vector<16xf32>,
        %add3A_317 = arith.constant 176 : i32
        %add3A_318 = vector.broadcast %add3A_317 : i32 to vector<16xi32>
        %add3A_319 = arith.addi %iota3A, %add3A_318 : vector<16xi32>
        tpu.vector_store_idx %arg8[%mul3A_7, %add3A_260, %add3A_319], %get3A_316 : memref<1x77x768xf32, #tpu.memory_space<vmem>>[vector<16xi32>, vector<16xi32>, vector<16xi32>], vector<16xf32>,
        %get3A_320 = arith.constant 192 : index
        %get3A_321 = tpu.vector_load %arg7[%get3A_320] {strides = array<i32>} : memref<768xf32, #tpu.memory_space<vmem>>, vector<16xf32>,
        %add3A_322 = arith.constant 192 : i32
        %add3A_323 = vector.broadcast %add3A_322 : i32 to vector<16xi32>
        %add3A_324 = arith.addi %iota3A, %add3A_323 : vector<16xi32>
        tpu.vector_store_idx %arg8[%mul3A_7, %add3A_260, %add3A_324], %get3A_321 : memref<1x77x768xf32, #tpu.memory_space<vmem>>[vector<16xi32>, vector<16xi32>, vector<16xi32>], vector<16xf32>,
        %get3A_325 = arith.constant 208 : index
        %get3A_326 = tpu.vector_load %arg7[%get3A_325] {strides = array<i32>} : memref<768xf32, #tpu.memory_space<vmem>>, vector<16xf32>,
        %add3A_327 = arith.constant 208 : i32
        %add3A_328 = vector.broadcast %add3A_327 : i32 to vector<16xi32>
        %add3A_329 = arith.addi %iota3A, %add3A_328 : vector<16xi32>
        tpu.vector_store_idx %arg8[%mul3A_7, %add3A_260, %add3A_329], %get3A_326 : memref<1x77x768xf32, #tpu.memory_space<vmem>>[vector<16xi32>, vector<16xi32>, vector<16xi32>], vector<16xf32>,
        %get3A_330 = arith.constant 224 : index
        %get3A_331 = tpu.vector_load %arg7[%get3A_330] {strides = array<i32>} : memref<768xf32, #tpu.memory_space<vmem>>, vector<16xf32>,
        %add3A_332 = arith.constant 224 : i32
        %add3A_333 = vector.broadcast %add3A_332 : i32 to vector<16xi32>
        %add3A_334 = arith.addi %iota3A, %add3A_333 : vector<16xi32>
        tpu.vector_store_idx %arg8[%mul3A_7, %add3A_260, %add3A_334], %get3A_331 : memref<1x77x768xf32, #tpu.memory_space<vmem>>[vector<16xi32>, vector<16xi32>, vector<16xi32>], vector<16xf32>,
        %get3A_335 = arith.constant 240 : index
        %get3A_336 = tpu.vector_load %arg7[%get3A_335] {strides = array<i32>} : memref<768xf32, #tpu.memory_space<vmem>>, vector<16xf32>,
        %add3A_337 = arith.constant 240 : i32
        %add3A_338 = vector.broadcast %add3A_337 : i32 to vector<16xi32>
        %add3A_339 = arith.addi %iota3A, %add3A_338 : vector<16xi32>
        tpu.vector_store_idx %arg8[%mul3A_7, %add3A_260, %add3A_339], %get3A_336 : memref<1x77x768xf32, #tpu.memory_space<vmem>>[vector<16xi32>, vector<16xi32>, vector<16xi32>], vector<16xf32>,
        %get3A_340 = arith.constant 256 : index
        %get3A_341 = tpu.vector_load %arg7[%get3A_340] {strides = array<i32>} : memref<768xf32, #tpu.memory_space<vmem>>, vector<16xf32>,
        %add3A_342 = arith.constant 256 : i32
        %add3A_343 = vector.broadcast %add3A_342 : i32 to vector<16xi32>
        %add3A_344 = arith.addi %iota3A, %add3A_343 : vector<16xi32>
        tpu.vector_store_idx %arg8[%mul3A_7, %add3A_260, %add3A_344], %get3A_341 : memref<1x77x768xf32, #tpu.memory_space<vmem>>[vector<16xi32>, vector<16xi32>, vector<16xi32>], vector<16xf32>,
        %get3A_345 = arith.constant 272 : index
        %get3A_346 = tpu.vector_load %arg7[%get3A_345] {strides = array<i32>} : memref<768xf32, #tpu.memory_space<vmem>>, vector<16xf32>,
        %add3A_347 = arith.constant 272 : i32
        %add3A_348 = vector.broadcast %add3A_347 : i32 to vector<16xi32>
        %add3A_349 = arith.addi %iota3A, %add3A_348 : vector<16xi32>
        tpu.vector_store_idx %arg8[%mul3A_7, %add3A_260, %add3A_349], %get3A_346 : memref<1x77x768xf32, #tpu.memory_space<vmem>>[vector<16xi32>, vector<16xi32>, vector<16xi32>], vector<16xf32>,
        %get3A_350 = arith.constant 288 : index
        %get3A_351 = tpu.vector_load %arg7[%get3A_350] {strides = array<i32>} : memref<768xf32, #tpu.memory_space<vmem>>, vector<16xf32>,
        %add3A_352 = arith.constant 288 : i32
        %add3A_353 = vector.broadcast %add3A_352 : i32 to vector<16xi32>
        %add3A_354 = arith.addi %iota3A, %add3A_353 : vector<16xi32>
        tpu.vector_store_idx %arg8[%mul3A_7, %add3A_260, %add3A_354], %get3A_351 : memref<1x77x768xf32, #tpu.memory_space<vmem>>[vector<16xi32>, vector<16xi32>, vector<16xi32>], vector<16xf32>,
        %get3A_355 = arith.constant 304 : index
        %get3A_356 = tpu.vector_load %arg7[%get3A_355] {strides = array<i32>} : memref<768xf32, #tpu.memory_space<vmem>>, vector<16xf32>,
        %add3A_357 = arith.constant 304 : i32
        %add3A_358 = vector.broadcast %add3A_357 : i32 to vector<16xi32>
        %add3A_359 = arith.addi %iota3A, %add3A_358 : vector<16xi32>
        tpu.vector_store_idx %arg8[%mul3A_7, %add3A_260, %add3A_359], %get3A_356 : memref<1x77x768xf32, #tpu.memory_space<vmem>>[vector<16xi32>, vector<16xi32>, vector<16xi32>], vector<16xf32>,
        %get3A_360 = arith.constant 320 : index
        %get3A_361 = tpu.vector_load %arg7[%get3A_360] {strides = array<i32>} : memref<768xf32, #tpu.memory_space<vmem>>, vector<16xf32>,
        %add3A_362 = arith.constant 320 : i32
        %add3A_363 = vector.broadcast %add3A_362 : i32 to vector<16xi32>
        %add3A_364 = arith.addi %iota3A, %add3A_363 : vector<16xi32>
        tpu.vector_store_idx %arg8[%mul3A_7, %add3A_260, %add3A_364], %get3A_361 : memref<1x77x768xf32, #tpu.memory_space<vmem>>[vector<16xi32>, vector<16xi32>, vector<16xi32>], vector<16xf32>,
        %get3A_365 = arith.constant 336 : index
        %get3A_366 = tpu.vector_load %arg7[%get3A_365] {strides = array<i32>} : memref<768xf32, #tpu.memory_space<vmem>>, vector<16xf32>,
        %add3A_367 = arith.constant 336 : i32
        %add3A_368 = vector.broadcast %add3A_367 : i32 to vector<16xi32>
        %add3A_369 = arith.addi %iota3A, %add3A_368 : vector<16xi32>
        tpu.vector_store_idx %arg8[%mul3A_7, %add3A_260, %add3A_369], %get3A_366 : memref<1x77x768xf32, #tpu.memory_space<vmem>>[vector<16xi32>, vector<16xi32>, vector<16xi32>], vector<16xf32>,
        %get3A_370 = arith.constant 352 : index
        %get3A_371 = tpu.vector_load %arg7[%get3A_370] {strides = array<i32>} : memref<768xf32, #tpu.memory_space<vmem>>, vector<16xf32>,
        %add3A_372 = arith.constant 352 : i32
        %add3A_373 = vector.broadcast %add3A_372 : i32 to vector<16xi32>
        %add3A_374 = arith.addi %iota3A, %add3A_373 : vector<16xi32>
        tpu.vector_store_idx %arg8[%mul3A_7, %add3A_260, %add3A_374], %get3A_371 : memref<1x77x768xf32, #tpu.memory_space<vmem>>[vector<16xi32>, vector<16xi32>, vector<16xi32>], vector<16xf32>,
        %get3A_375 = arith.constant 368 : index
        %get3A_376 = tpu.vector_load %arg7[%get3A_375] {strides = array<i32>} : memref<768xf32, #tpu.memory_space<vmem>>, vector<16xf32>,
        %add3A_377 = arith.constant 368 : i32
        %add3A_378 = vector.broadcast %add3A_377 : i32 to vector<16xi32>
        %add3A_379 = arith.addi %iota3A, %add3A_378 : vector<16xi32>
        tpu.vector_store_idx %arg8[%mul3A_7, %add3A_260, %add3A_379], %get3A_376 : memref<1x77x768xf32, #tpu.memory_space<vmem>>[vector<16xi32>, vector<16xi32>, vector<16xi32>], vector<16xf32>,
        %get3A_380 = arith.constant 384 : index
        %get3A_381 = tpu.vector_load %arg7[%get3A_380] {strides = array<i32>} : memref<768xf32, #tpu.memory_space<vmem>>, vector<16xf32>,
        %add3A_382 = arith.constant 384 : i32
        %add3A_383 = vector.broadcast %add3A_382 : i32 to vector<16xi32>
        %add3A_384 = arith.addi %iota3A, %add3A_383 : vector<16xi32>
        tpu.vector_store_idx %arg8[%mul3A_7, %add3A_260, %add3A_384], %get3A_381 : memref<1x77x768xf32, #tpu.memory_space<vmem>>[vector<16xi32>, vector<16xi32>, vector<16xi32>], vector<16xf32>,
        %get3A_385 = arith.constant 400 : index
        %get3A_386 = tpu.vector_load %arg7[%get3A_385] {strides = array<i32>} : memref<768xf32, #tpu.memory_space<vmem>>, vector<16xf32>,
        %add3A_387 = arith.constant 400 : i32
        %add3A_388 = vector.broadcast %add3A_387 : i32 to vector<16xi32>
        %add3A_389 = arith.addi %iota3A, %add3A_388 : vector<16xi32>
        tpu.vector_store_idx %arg8[%mul3A_7, %add3A_260, %add3A_389], %get3A_386 : memref<1x77x768xf32, #tpu.memory_space<vmem>>[vector<16xi32>, vector<16xi32>, vector<16xi32>], vector<16xf32>,
        %get3A_390 = arith.constant 416 : index
        %get3A_391 = tpu.vector_load %arg7[%get3A_390] {strides = array<i32>} : memref<768xf32, #tpu.memory_space<vmem>>, vector<16xf32>,
        %add3A_392 = arith.constant 416 : i32
        %add3A_393 = vector.broadcast %add3A_392 : i32 to vector<16xi32>
        %add3A_394 = arith.addi %iota3A, %add3A_393 : vector<16xi32>
        tpu.vector_store_idx %arg8[%mul3A_7, %add3A_260, %add3A_394], %get3A_391 : memref<1x77x768xf32, #tpu.memory_space<vmem>>[vector<16xi32>, vector<16xi32>, vector<16xi32>], vector<16xf32>,
        %get3A_395 = arith.constant 432 : index
        %get3A_396 = tpu.vector_load %arg7[%get3A_395] {strides = array<i32>} : memref<768xf32, #tpu.memory_space<vmem>>, vector<16xf32>,
        %add3A_397 = arith.constant 432 : i32
        %add3A_398 = vector.broadcast %add3A_397 : i32 to vector<16xi32>
        %add3A_399 = arith.addi %iota3A, %add3A_398 : vector<16xi32>
        tpu.vector_store_idx %arg8[%mul3A_7, %add3A_260, %add3A_399], %get3A_396 : memref<1x77x768xf32, #tpu.memory_space<vmem>>[vector<16xi32>, vector<16xi32>, vector<16xi32>], vector<16xf32>,
        %get3A_400 = arith.constant 448 : index
        %get3A_401 = tpu.vector_load %arg7[%get3A_400] {strides = array<i32>} : memref<768xf32, #tpu.memory_space<vmem>>, vector<16xf32>,
        %add3A_402 = arith.constant 448 : i32
        %add3A_403 = vector.broadcast %add3A_402 : i32 to vector<16xi32>
        %add3A_404 = arith.addi %iota3A, %add3A_403 : vector<16xi32>
        tpu.vector_store_idx %arg8[%mul3A_7, %add3A_260, %add3A_404], %get3A_401 : memref<1x77x768xf32, #tpu.memory_space<vmem>>[vector<16xi32>, vector<16xi32>, vector<16xi32>], vector<16xf32>,
        %get3A_405 = arith.constant 464 : index
        %get3A_406 = tpu.vector_load %arg7[%get3A_405] {strides = array<i32>} : memref<768xf32, #tpu.memory_space<vmem>>, vector<16xf32>,
        %add3A_407 = arith.constant 464 : i32
        %add3A_408 = vector.broadcast %add3A_407 : i32 to vector<16xi32>
        %add3A_409 = arith.addi %iota3A, %add3A_408 : vector<16xi32>
        tpu.vector_store_idx %arg8[%mul3A_7, %add3A_260, %add3A_409], %get3A_406 : memref<1x77x768xf32, #tpu.memory_space<vmem>>[vector<16xi32>, vector<16xi32>, vector<16xi32>], vector<16xf32>,
        %get3A_410 = arith.constant 480 : index
        %get3A_411 = tpu.vector_load %arg7[%get3A_410] {strides = array<i32>} : memref<768xf32, #tpu.memory_space<vmem>>, vector<16xf32>,
        %add3A_412 = arith.constant 480 : i32
        %add3A_413 = vector.broadcast %add3A_412 : i32 to vector<16xi32>
        %add3A_414 = arith.addi %iota3A, %add3A_413 : vector<16xi32>
        tpu.vector_store_idx %arg8[%mul3A_7, %add3A_260, %add3A_414], %get3A_411 : memref<1x77x768xf32, #tpu.memory_space<vmem>>[vector<16xi32>, vector<16xi32>, vector<16xi32>], vector<16xf32>,
        %get3A_415 = arith.constant 496 : index
        %get3A_416 = tpu.vector_load %arg7[%get3A_415] {strides = array<i32>} : memref<768xf32, #tpu.memory_space<vmem>>, vector<16xf32>,
        %add3A_417 = arith.constant 496 : i32
        %add3A_418 = vector.broadcast %add3A_417 : i32 to vector<16xi32>
        %add3A_419 = arith.addi %iota3A, %add3A_418 : vector<16xi32>
        tpu.vector_store_idx %arg8[%mul3A_7, %add3A_260, %add3A_419], %get3A_416 : memref<1x77x768xf32, #tpu.memory_space<vmem>>[vector<16xi32>, vector<16xi32>, vector<16xi32>], vector<16xf32>,
        %get3A_420 = arith.constant 512 : index
        %get3A_421 = tpu.vector_load %arg7[%get3A_420] {strides = array<i32>} : memref<768xf32, #tpu.memory_space<vmem>>, vector<16xf32>,
        %add3A_422 = arith.constant 512 : i32
        %add3A_423 = vector.broadcast %add3A_422 : i32 to vector<16xi32>
        %add3A_424 = arith.addi %iota3A, %add3A_423 : vector<16xi32>
        tpu.vector_store_idx %arg8[%mul3A_7, %add3A_260, %add3A_424], %get3A_421 : memref<1x77x768xf32, #tpu.memory_space<vmem>>[vector<16xi32>, vector<16xi32>, vector<16xi32>], vector<16xf32>,
        %get3A_425 = arith.constant 528 : index
        %get3A_426 = tpu.vector_load %arg7[%get3A_425] {strides = array<i32>} : memref<768xf32, #tpu.memory_space<vmem>>, vector<16xf32>,
        %add3A_427 = arith.constant 528 : i32
        %add3A_428 = vector.broadcast %add3A_427 : i32 to vector<16xi32>
        %add3A_429 = arith.addi %iota3A, %add3A_428 : vector<16xi32>
        tpu.vector_store_idx %arg8[%mul3A_7, %add3A_260, %add3A_429], %get3A_426 : memref<1x77x768xf32, #tpu.memory_space<vmem>>[vector<16xi32>, vector<16xi32>, vector<16xi32>], vector<16xf32>,
        %get3A_430 = arith.constant 544 : index
        %get3A_431 = tpu.vector_load %arg7[%get3A_430] {strides = array<i32>} : memref<768xf32, #tpu.memory_space<vmem>>, vector<16xf32>,
        %add3A_432 = arith.constant 544 : i32
        %add3A_433 = vector.broadcast %add3A_432 : i32 to vector<16xi32>
        %add3A_434 = arith.addi %iota3A, %add3A_433 : vector<16xi32>
        tpu.vector_store_idx %arg8[%mul3A_7, %add3A_260, %add3A_434], %get3A_431 : memref<1x77x768xf32, #tpu.memory_space<vmem>>[vector<16xi32>, vector<16xi32>, vector<16xi32>], vector<16xf32>,
        %get3A_435 = arith.constant 560 : index
        %get3A_436 = tpu.vector_load %arg7[%get3A_435] {strides = array<i32>} : memref<768xf32, #tpu.memory_space<vmem>>, vector<16xf32>,
        %add3A_437 = arith.constant 560 : i32
        %add3A_438 = vector.broadcast %add3A_437 : i32 to vector<16xi32>
        %add3A_439 = arith.addi %iota3A, %add3A_438 : vector<16xi32>
        tpu.vector_store_idx %arg8[%mul3A_7, %add3A_260, %add3A_439], %get3A_436 : memref<1x77x768xf32, #tpu.memory_space<vmem>>[vector<16xi32>, vector<16xi32>, vector<16xi32>], vector<16xf32>,
        %get3A_440 = arith.constant 576 : index
        %get3A_441 = tpu.vector_load %arg7[%get3A_440] {strides = array<i32>} : memref<768xf32, #tpu.memory_space<vmem>>, vector<16xf32>,
        %add3A_442 = arith.constant 576 : i32
        %add3A_443 = vector.broadcast %add3A_442 : i32 to vector<16xi32>
        %add3A_444 = arith.addi %iota3A, %add3A_443 : vector<16xi32>
        tpu.vector_store_idx %arg8[%mul3A_7, %add3A_260, %add3A_444], %get3A_441 : memref<1x77x768xf32, #tpu.memory_space<vmem>>[vector<16xi32>, vector<16xi32>, vector<16xi32>], vector<16xf32>,
        %get3A_445 = arith.constant 592 : index
        %get3A_446 = tpu.vector_load %arg7[%get3A_445] {strides = array<i32>} : memref<768xf32, #tpu.memory_space<vmem>>, vector<16xf32>,
        %add3A_447 = arith.constant 592 : i32
        %add3A_448 = vector.broadcast %add3A_447 : i32 to vector<16xi32>
        %add3A_449 = arith.addi %iota3A, %add3A_448 : vector<16xi32>
        tpu.vector_store_idx %arg8[%mul3A_7, %add3A_260, %add3A_449], %get3A_446 : memref<1x77x768xf32, #tpu.memory_space<vmem>>[vector<16xi32>, vector<16xi32>, vector<16xi32>], vector<16xf32>,
        %get3A_450 = arith.constant 608 : index
        %get3A_451 = tpu.vector_load %arg7[%get3A_450] {strides = array<i32>} : memref<768xf32, #tpu.memory_space<vmem>>, vector<16xf32>,
        %add3A_452 = arith.constant 608 : i32
        %add3A_453 = vector.broadcast %add3A_452 : i32 to vector<16xi32>
        %add3A_454 = arith.addi %iota3A, %add3A_453 : vector<16xi32>
        tpu.vector_store_idx %arg8[%mul3A_7, %add3A_260, %add3A_454], %get3A_451 : memref<1x77x768xf32, #tpu.memory_space<vmem>>[vector<16xi32>, vector<16xi32>, vector<16xi32>], vector<16xf32>,
        %get3A_455 = arith.constant 624 : index
        %get3A_456 = tpu.vector_load %arg7[%get3A_455] {strides = array<i32>} : memref<768xf32, #tpu.memory_space<vmem>>, vector<16xf32>,
        %add3A_457 = arith.constant 624 : i32
        %add3A_458 = vector.broadcast %add3A_457 : i32 to vector<16xi32>
        %add3A_459 = arith.addi %iota3A, %add3A_458 : vector<16xi32>
        tpu.vector_store_idx %arg8[%mul3A_7, %add3A_260, %add3A_459], %get3A_456 : memref<1x77x768xf32, #tpu.memory_space<vmem>>[vector<16xi32>, vector<16xi32>, vector<16xi32>], vector<16xf32>,
        %get3A_460 = arith.constant 640 : index
        %get3A_461 = tpu.vector_load %arg7[%get3A_460] {strides = array<i32>} : memref<768xf32, #tpu.memory_space<vmem>>, vector<16xf32>,
        %add3A_462 = arith.constant 640 : i32
        %add3A_463 = vector.broadcast %add3A_462 : i32 to vector<16xi32>
        %add3A_464 = arith.addi %iota3A, %add3A_463 : vector<16xi32>
        tpu.vector_store_idx %arg8[%mul3A_7, %add3A_260, %add3A_464], %get3A_461 : memref<1x77x768xf32, #tpu.memory_space<vmem>>[vector<16xi32>, vector<16xi32>, vector<16xi32>], vector<16xf32>,
        %get3A_465 = arith.constant 656 : index
        %get3A_466 = tpu.vector_load %arg7[%get3A_465] {strides = array<i32>} : memref<768xf32, #tpu.memory_space<vmem>>, vector<16xf32>,
        %add3A_467 = arith.constant 656 : i32
        %add3A_468 = vector.broadcast %add3A_467 : i32 to vector<16xi32>
        %add3A_469 = arith.addi %iota3A, %add3A_468 : vector<16xi32>
        tpu.vector_store_idx %arg8[%mul3A_7, %add3A_260, %add3A_469], %get3A_466 : memref<1x77x768xf32, #tpu.memory_space<vmem>>[vector<16xi32>, vector<16xi32>, vector<16xi32>], vector<16xf32>,
        %get3A_470 = arith.constant 672 : index
        %get3A_471 = tpu.vector_load %arg7[%get3A_470] {strides = array<i32>} : memref<768xf32, #tpu.memory_space<vmem>>, vector<16xf32>,
        %add3A_472 = arith.constant 672 : i32
        %add3A_473 = vector.broadcast %add3A_472 : i32 to vector<16xi32>
        %add3A_474 = arith.addi %iota3A, %add3A_473 : vector<16xi32>
        tpu.vector_store_idx %arg8[%mul3A_7, %add3A_260, %add3A_474], %get3A_471 : memref<1x77x768xf32, #tpu.memory_space<vmem>>[vector<16xi32>, vector<16xi32>, vector<16xi32>], vector<16xf32>,
        %get3A_475 = arith.constant 688 : index
        %get3A_476 = tpu.vector_load %arg7[%get3A_475] {strides = array<i32>} : memref<768xf32, #tpu.memory_space<vmem>>, vector<16xf32>,
        %add3A_477 = arith.constant 688 : i32
        %add3A_478 = vector.broadcast %add3A_477 : i32 to vector<16xi32>
        %add3A_479 = arith.addi %iota3A, %add3A_478 : vector<16xi32>
        tpu.vector_store_idx %arg8[%mul3A_7, %add3A_260, %add3A_479], %get3A_476 : memref<1x77x768xf32, #tpu.memory_space<vmem>>[vector<16xi32>, vector<16xi32>, vector<16xi32>], vector<16xf32>,
        %get3A_480 = arith.constant 704 : index
        %get3A_481 = tpu.vector_load %arg7[%get3A_480] {strides = array<i32>} : memref<768xf32, #tpu.memory_space<vmem>>, vector<16xf32>,
        %add3A_482 = arith.constant 704 : i32
        %add3A_483 = vector.broadcast %add3A_482 : i32 to vector<16xi32>
        %add3A_484 = arith.addi %iota3A, %add3A_483 : vector<16xi32>
        tpu.vector_store_idx %arg8[%mul3A_7, %add3A_260, %add3A_484], %get3A_481 : memref<1x77x768xf32, #tpu.memory_space<vmem>>[vector<16xi32>, vector<16xi32>, vector<16xi32>], vector<16xf32>,
        %get3A_485 = arith.constant 720 : index
        %get3A_486 = tpu.vector_load %arg7[%get3A_485] {strides = array<i32>} : memref<768xf32, #tpu.memory_space<vmem>>, vector<16xf32>,
        %add3A_487 = arith.constant 720 : i32
        %add3A_488 = vector.broadcast %add3A_487 : i32 to vector<16xi32>
        %add3A_489 = arith.addi %iota3A, %add3A_488 : vector<16xi32>
        tpu.vector_store_idx %arg8[%mul3A_7, %add3A_260, %add3A_489], %get3A_486 : memref<1x77x768xf32, #tpu.memory_space<vmem>>[vector<16xi32>, vector<16xi32>, vector<16xi32>], vector<16xf32>,
        %get3A_490 = arith.constant 736 : index
        %get3A_491 = tpu.vector_load %arg7[%get3A_490] {strides = array<i32>} : memref<768xf32, #tpu.memory_space<vmem>>, vector<16xf32>,
        %add3A_492 = arith.constant 736 : i32
        %add3A_493 = vector.broadcast %add3A_492 : i32 to vector<16xi32>
        %add3A_494 = arith.addi %iota3A, %add3A_493 : vector<16xi32>
        tpu.vector_store_idx %arg8[%mul3A_7, %add3A_260, %add3A_494], %get3A_491 : memref<1x77x768xf32, #tpu.memory_space<vmem>>[vector<16xi32>, vector<16xi32>, vector<16xi32>], vector<16xf32>,
        %get3A_495 = arith.constant 752 : index
        %get3A_496 = tpu.vector_load %arg7[%get3A_495] {strides = array<i32>} : memref<768xf32, #tpu.memory_space<vmem>>, vector<16xf32>,
        %add3A_497 = arith.constant 752 : i32
        %add3A_498 = vector.broadcast %add3A_497 : i32 to vector<16xi32>
        %add3A_499 = arith.addi %iota3A, %add3A_498 : vector<16xi32>
        tpu.vector_store_idx %arg8[%mul3A_7, %add3A_260, %add3A_499], %get3A_496 : memref<1x77x768xf32, #tpu.memory_space<vmem>>[vector<16xi32>, vector<16xi32>, vector<16xi32>], vector<16xf32>,
        %jit3A_500 = arith.constant 0 : i32
        %broadcast_in_dim3A_501 = vector.broadcast %jit3A_500 : i32 to vector<16xi32>
        %select_n3A_502 = arith.select %eq3A_255, %broadcast_in_dim3A_501, %while3A_252 : vector<16xi1>, vector<16xi32>
        scf.yield %select_n3A_502 : vector<16xi32>
      }
      %add3A_130 = arith.addi %mul3A_2, %add3A_39 : i32
      %dma_start3A_131 = arith.constant 0 : i32
      %dma_start3A_132 = arith.constant 0 : i32
      %dma_start3A_133 = arith.constant 0 : i32
      %dma_start3A_134 = tpu.memref_slice %arg5[%add3A_130, %dma_start3A_132, %dma_start3A_133] : memref<1024x77x768xf32, #tpu.memory_space<hbm>> -> memref<1x77x768xf32, #tpu.memory_space<hbm>>
      %dma_start3A_135 = tpu.memref_slice %arg11[%dma_start3A_131] : memref<2x!tpu.dma_semaphore, #tpu.memory_space<semaphore_mem>> -> memref<1x!tpu.dma_semaphore, #tpu.memory_space<semaphore_mem>>
      %dma_start3A_136 = tpu.memref_squeeze %dma_start3A_135 : memref<1x!tpu.dma_semaphore, #tpu.memory_space<semaphore_mem>> -> memref<!tpu.dma_semaphore, #tpu.memory_space<semaphore_mem>>
      %dma_start3A_137 = arith.constant 0 : i32
      %dma_start3A_138 = arith.constant 0 : i32
      %dma_start3A_139 = tpu.memref_slice %arg5[%add3A_130, %dma_start3A_137, %dma_start3A_138] : memref<1024x77x768xf32, #tpu.memory_space<hbm>> -> memref<1x77x768xf32, #tpu.memory_space<hbm>>
      tpu.enqueue_dma source(%arg8 : memref<1x77x768xf32, #tpu.memory_space<vmem>>) target(%dma_start3A_139 : memref<1x77x768xf32, #tpu.memory_space<hbm>>) target_semaphore(%dma_start3A_136 : memref<!tpu.dma_semaphore, #tpu.memory_space<semaphore_mem>>)
      %mul3A_140 = arith.constant 2 : i32
      %mul3A_141 = arith.muli %scan3A_34, %mul3A_140 : i32
      %add3A_142 = arith.constant 1 : i32
      %add3A_143 = arith.addi %mul3A_141, %add3A_142 : i32
      %add3A_144 = arith.addi %mul3A_2, %add3A_143 : i32
      %dma_wait3A_145 = arith.constant 1 : i32
      %dma_wait3A_146 = arith.constant 0 : i32
      %dma_wait3A_147 = arith.constant 0 : i32
      %dma_wait3A_148 = tpu.memref_slice %arg3[%add3A_144, %dma_wait3A_146, %dma_wait3A_147] : memref<1024x77x768xf32, #tpu.memory_space<hbm>> -> memref<1x77x768xf32, #tpu.memory_space<hbm>>
      %dma_wait3A_149 = tpu.memref_slice %arg10[%dma_wait3A_145] : memref<2x!tpu.dma_semaphore, #tpu.memory_space<semaphore_mem>> -> memref<1x!tpu.dma_semaphore, #tpu.memory_space<semaphore_mem>>
      %dma_wait3A_150 = tpu.memref_squeeze %dma_wait3A_149 : memref<1x!tpu.dma_semaphore, #tpu.memory_space<semaphore_mem>> -> memref<!tpu.dma_semaphore, #tpu.memory_space<semaphore_mem>>
      %dma_wait3A_151 = arith.constant 0 : i32
      %dma_wait3A_152 = arith.constant 0 : i32
      %dma_wait3A_153 = tpu.memref_slice %arg3[%add3A_144, %dma_wait3A_151, %dma_wait3A_152] : memref<1024x77x768xf32, #tpu.memory_space<hbm>> -> memref<1x77x768xf32, #tpu.memory_space<hbm>>
      tpu.wait_dma2 semaphore(%dma_wait3A_150 : memref<!tpu.dma_semaphore, #tpu.memory_space<semaphore_mem>>) src(%dma_wait3A_153 : memref<1x77x768xf32, #tpu.memory_space<hbm>>) dst(%arg9 : memref<1x77x768xf32, #tpu.memory_space<vmem>>)
      %ge3A_154 = arith.constant 1 : i32
      %ge3A_155 = arith.cmpi sge, %add3A_143, %ge3A_154 : i32
      %convert_element_type3A_156 = arith.extui %ge3A_155 : i1 to i32
      %cond3A_157 = arith.constant 0 : i32
      %cond3A_158 = arith.cmpi ne, %convert_element_type3A_156, %cond3A_157 : i32
      scf.if %cond3A_158 {
        %sub3A = arith.constant 1 : i32
        %sub3A_252 = arith.subi %add3A_143, %sub3A : i32
        %add3A_253 = arith.addi %mul3A_2, %sub3A_252 : i32
        %dma_wait3A_254 = arith.constant 0 : i32
        %dma_wait3A_255 = arith.constant 0 : i32
        %dma_wait3A_256 = arith.constant 0 : i32
        %dma_wait3A_257 = tpu.memref_slice %arg5[%add3A_253, %dma_wait3A_255, %dma_wait3A_256] : memref<1024x77x768xf32, #tpu.memory_space<hbm>> -> memref<1x77x768xf32, #tpu.memory_space<hbm>>
        %dma_wait3A_258 = tpu.memref_slice %arg11[%dma_wait3A_254] : memref<2x!tpu.dma_semaphore, #tpu.memory_space<semaphore_mem>> -> memref<1x!tpu.dma_semaphore, #tpu.memory_space<semaphore_mem>>
        %dma_wait3A_259 = tpu.memref_squeeze %dma_wait3A_258 : memref<1x!tpu.dma_semaphore, #tpu.memory_space<semaphore_mem>> -> memref<!tpu.dma_semaphore, #tpu.memory_space<semaphore_mem>>
        %dma_wait3A_260 = arith.constant 0 : i32
        %dma_wait3A_261 = arith.constant 0 : i32
        %dma_wait3A_262 = tpu.memref_slice %arg5[%add3A_253, %dma_wait3A_260, %dma_wait3A_261] : memref<1024x77x768xf32, #tpu.memory_space<hbm>> -> memref<1x77x768xf32, #tpu.memory_space<hbm>>
        tpu.wait_dma2 semaphore(%dma_wait3A_259 : memref<!tpu.dma_semaphore, #tpu.memory_space<semaphore_mem>>) src(%arg8 : memref<1x77x768xf32, #tpu.memory_space<vmem>>) dst(%dma_wait3A_262 : memref<1x77x768xf32, #tpu.memory_space<hbm>>)
      } else {
      }
      %add3A_159 = arith.constant 1 : i32
      %add3A_160 = arith.addi %add3A_143, %add3A_159 : i32
      %lt3A_161 = arith.constant 32 : i32
      %lt3A_162 = arith.cmpi slt, %add3A_160, %lt3A_161 : i32
      %convert_element_type3A_163 = arith.extui %lt3A_162 : i1 to i32
      %cond3A_164 = arith.constant 0 : i32
      %cond3A_165 = arith.cmpi ne, %convert_element_type3A_163, %cond3A_164 : i32
      scf.if %cond3A_165 {
        %add3A_252 = arith.constant 1 : i32
        %add3A_253 = arith.addi %add3A_143, %add3A_252 : i32
        %add3A_254 = arith.addi %mul3A_2, %add3A_253 : i32
        %dma_start3A_255 = arith.constant 0 : i32
        %dma_start3A_256 = arith.constant 0 : i32
        %dma_start3A_257 = arith.constant 0 : i32
        %dma_start3A_258 = tpu.memref_slice %arg3[%add3A_254, %dma_start3A_256, %dma_start3A_257] : memref<1024x77x768xf32, #tpu.memory_space<hbm>> -> memref<1x77x768xf32, #tpu.memory_space<hbm>>
        %dma_start3A_259 = tpu.memref_slice %arg10[%dma_start3A_255] : memref<2x!tpu.dma_semaphore, #tpu.memory_space<semaphore_mem>> -> memref<1x!tpu.dma_semaphore, #tpu.memory_space<semaphore_mem>>
        %dma_start3A_260 = tpu.memref_squeeze %dma_start3A_259 : memref<1x!tpu.dma_semaphore, #tpu.memory_space<semaphore_mem>> -> memref<!tpu.dma_semaphore, #tpu.memory_space<semaphore_mem>>
        %dma_start3A_261 = arith.constant 0 : i32
        %dma_start3A_262 = arith.constant 0 : i32
        %dma_start3A_263 = tpu.memref_slice %arg3[%add3A_254, %dma_start3A_261, %dma_start3A_262] : memref<1024x77x768xf32, #tpu.memory_space<hbm>> -> memref<1x77x768xf32, #tpu.memory_space<hbm>>
        tpu.enqueue_dma source(%dma_start3A_263 : memref<1x77x768xf32, #tpu.memory_space<hbm>>) target(%arg8 : memref<1x77x768xf32, #tpu.memory_space<vmem>>) target_semaphore(%dma_start3A_260 : memref<!tpu.dma_semaphore, #tpu.memory_space<semaphore_mem>>)
      } else {
      }
      %mul3A_166 = arith.constant 77 : i32
      %mul3A_167 = arith.muli %add3A_143, %mul3A_166 : i32
      %add3A_168 = arith.constant 0 : i32
      %add3A_169 = arith.addi %mul3A_167, %add3A_168 : i32
      %add3A_170 = vector.broadcast %add3A_169 : i32 to vector<16xi32>
      %add3A_171 = arith.addi %iota3A, %add3A_170 : vector<16xi32>
      %gather3A_172 = tpu.vector_load_idx %arg6[%add3A_171] : memref<2464xi32, #tpu.memory_space<vmem>>[vector<16xi32>], vector<16xi32>,
      %eq3A_173 = arith.constant 42 : i32
      %eq3A_174 = vector.broadcast %eq3A_173 : i32 to vector<16xi32>
      %eq3A_175 = arith.cmpi eq, %gather3A_172, %eq3A_174 : vector<16xi32>
      %convert_element_type3A_176 = arith.extui %eq3A_175 : vector<16xi1> to vector<16xi32>
      %add3A_177 = arith.constant 0 : i32
      %add3A_178 = vector.broadcast %add3A_177 : i32 to vector<16xi32>
      %add3A_179 = arith.addi %iota3A, %add3A_178 : vector<16xi32>
      %while3A_180 = scf.while (%while3A_252 = %convert_element_type3A_176) : (vector<16xi32>) -> vector<16xi32> {
        %reduce_sum3A = arith.constant true
        %reduce_sum3A_253 = vector.broadcast %reduce_sum3A : i1 to vector<16xi1>
        %reduce_sum3A_254 = tpu.scan <sum>, %while3A_252 masked %reduce_sum3A_253 : vector<16xi32>, vector<16xi1> -> vector<16xi32>
        %reduce_sum3A_255 = vector.extract %reduce_sum3A_254[15] : i32 from vector<16xi32>
        %gt3A = arith.constant 0 : i32
        %gt3A_256 = arith.cmpi sgt, %reduce_sum3A_255, %gt3A : i32
        scf.condition(%gt3A_256) %while3A_252 : vector<16xi32>
      } do {
      ^bb0(%while3A_252: vector<16xi32>):
        %gt3A = arith.constant 0 : i32
        %gt3A_253 = vector.broadcast %gt3A : i32 to vector<16xi32>
        %gt3A_254 = arith.cmpi sgt, %while3A_252, %gt3A_253 : vector<16xi32>
        %all_reduce_ffs3A = tpu.all_reduce %gt3A_254 {dim = 0 : i64, kind = #tpu.reduction_kind<find_first_set>} : vector<16xi1> -> vector<16xi32>
        %eq3A_255 = arith.cmpi eq, %iota3A, %all_reduce_ffs3A : vector<16xi32>
        %jit3A = arith.constant 0 : i32
        %broadcast_in_dim3A = vector.broadcast %jit3A : i32 to vector<16xi32>
        %select_n3A = arith.select %eq3A_255, %add3A_179, %broadcast_in_dim3A : vector<16xi1>, vector<16xi32>
        %reduce_sum3A = arith.constant true
        %reduce_sum3A_256 = vector.broadcast %reduce_sum3A : i1 to vector<16xi1>
        %reduce_sum3A_257 = tpu.scan <sum>, %select_n3A masked %reduce_sum3A_256 : vector<16xi32>, vector<16xi1> -> vector<16xi32>
        %reduce_sum3A_258 = vector.extract %reduce_sum3A_257[15] : i32 from vector<16xi32>
        %add3A_259 = vector.broadcast %reduce_sum3A_258 : i32 to vector<16xi32>
        %add3A_260 = arith.addi %mul3A_7, %add3A_259 : vector<16xi32>
        %get3A = arith.constant 0 : index
        %get3A_261 = tpu.vector_load %arg7[%get3A] {strides = array<i32>} : memref<768xf32, #tpu.memory_space<vmem>>, vector<16xf32>,
        %add3A_262 = arith.constant 0 : i32
        %add3A_263 = vector.broadcast %add3A_262 : i32 to vector<16xi32>
        %add3A_264 = arith.addi %iota3A, %add3A_263 : vector<16xi32>
        tpu.vector_store_idx %arg9[%mul3A_7, %add3A_260, %add3A_264], %get3A_261 : memref<1x77x768xf32, #tpu.memory_space<vmem>>[vector<16xi32>, vector<16xi32>, vector<16xi32>], vector<16xf32>,
        %get3A_265 = arith.constant 16 : index
        %get3A_266 = tpu.vector_load %arg7[%get3A_265] {strides = array<i32>} : memref<768xf32, #tpu.memory_space<vmem>>, vector<16xf32>,
        %add3A_267 = arith.constant 16 : i32
        %add3A_268 = vector.broadcast %add3A_267 : i32 to vector<16xi32>
        %add3A_269 = arith.addi %iota3A, %add3A_268 : vector<16xi32>
        tpu.vector_store_idx %arg9[%mul3A_7, %add3A_260, %add3A_269], %get3A_266 : memref<1x77x768xf32, #tpu.memory_space<vmem>>[vector<16xi32>, vector<16xi32>, vector<16xi32>], vector<16xf32>,
        %get3A_270 = arith.constant 32 : index
        %get3A_271 = tpu.vector_load %arg7[%get3A_270] {strides = array<i32>} : memref<768xf32, #tpu.memory_space<vmem>>, vector<16xf32>,
        %add3A_272 = arith.constant 32 : i32
        %add3A_273 = vector.broadcast %add3A_272 : i32 to vector<16xi32>
        %add3A_274 = arith.addi %iota3A, %add3A_273 : vector<16xi32>
        tpu.vector_store_idx %arg9[%mul3A_7, %add3A_260, %add3A_274], %get3A_271 : memref<1x77x768xf32, #tpu.memory_space<vmem>>[vector<16xi32>, vector<16xi32>, vector<16xi32>], vector<16xf32>,
        %get3A_275 = arith.constant 48 : index
        %get3A_276 = tpu.vector_load %arg7[%get3A_275] {strides = array<i32>} : memref<768xf32, #tpu.memory_space<vmem>>, vector<16xf32>,
        %add3A_277 = arith.constant 48 : i32
        %add3A_278 = vector.broadcast %add3A_277 : i32 to vector<16xi32>
        %add3A_279 = arith.addi %iota3A, %add3A_278 : vector<16xi32>
        tpu.vector_store_idx %arg9[%mul3A_7, %add3A_260, %add3A_279], %get3A_276 : memref<1x77x768xf32, #tpu.memory_space<vmem>>[vector<16xi32>, vector<16xi32>, vector<16xi32>], vector<16xf32>,
        %get3A_280 = arith.constant 64 : index
        %get3A_281 = tpu.vector_load %arg7[%get3A_280] {strides = array<i32>} : memref<768xf32, #tpu.memory_space<vmem>>, vector<16xf32>,
        %add3A_282 = arith.constant 64 : i32
        %add3A_283 = vector.broadcast %add3A_282 : i32 to vector<16xi32>
        %add3A_284 = arith.addi %iota3A, %add3A_283 : vector<16xi32>
        tpu.vector_store_idx %arg9[%mul3A_7, %add3A_260, %add3A_284], %get3A_281 : memref<1x77x768xf32, #tpu.memory_space<vmem>>[vector<16xi32>, vector<16xi32>, vector<16xi32>], vector<16xf32>,
        %get3A_285 = arith.constant 80 : index
        %get3A_286 = tpu.vector_load %arg7[%get3A_285] {strides = array<i32>} : memref<768xf32, #tpu.memory_space<vmem>>, vector<16xf32>,
        %add3A_287 = arith.constant 80 : i32
        %add3A_288 = vector.broadcast %add3A_287 : i32 to vector<16xi32>
        %add3A_289 = arith.addi %iota3A, %add3A_288 : vector<16xi32>
        tpu.vector_store_idx %arg9[%mul3A_7, %add3A_260, %add3A_289], %get3A_286 : memref<1x77x768xf32, #tpu.memory_space<vmem>>[vector<16xi32>, vector<16xi32>, vector<16xi32>], vector<16xf32>,
        %get3A_290 = arith.constant 96 : index
        %get3A_291 = tpu.vector_load %arg7[%get3A_290] {strides = array<i32>} : memref<768xf32, #tpu.memory_space<vmem>>, vector<16xf32>,
        %add3A_292 = arith.constant 96 : i32
        %add3A_293 = vector.broadcast %add3A_292 : i32 to vector<16xi32>
        %add3A_294 = arith.addi %iota3A, %add3A_293 : vector<16xi32>
        tpu.vector_store_idx %arg9[%mul3A_7, %add3A_260, %add3A_294], %get3A_291 : memref<1x77x768xf32, #tpu.memory_space<vmem>>[vector<16xi32>, vector<16xi32>, vector<16xi32>], vector<16xf32>,
        %get3A_295 = arith.constant 112 : index
        %get3A_296 = tpu.vector_load %arg7[%get3A_295] {strides = array<i32>} : memref<768xf32, #tpu.memory_space<vmem>>, vector<16xf32>,
        %add3A_297 = arith.constant 112 : i32
        %add3A_298 = vector.broadcast %add3A_297 : i32 to vector<16xi32>
        %add3A_299 = arith.addi %iota3A, %add3A_298 : vector<16xi32>
        tpu.vector_store_idx %arg9[%mul3A_7, %add3A_260, %add3A_299], %get3A_296 : memref<1x77x768xf32, #tpu.memory_space<vmem>>[vector<16xi32>, vector<16xi32>, vector<16xi32>], vector<16xf32>,
        %get3A_300 = arith.constant 128 : index
        %get3A_301 = tpu.vector_load %arg7[%get3A_300] {strides = array<i32>} : memref<768xf32, #tpu.memory_space<vmem>>, vector<16xf32>,
        %add3A_302 = arith.constant 128 : i32
        %add3A_303 = vector.broadcast %add3A_302 : i32 to vector<16xi32>
        %add3A_304 = arith.addi %iota3A, %add3A_303 : vector<16xi32>
        tpu.vector_store_idx %arg9[%mul3A_7, %add3A_260, %add3A_304], %get3A_301 : memref<1x77x768xf32, #tpu.memory_space<vmem>>[vector<16xi32>, vector<16xi32>, vector<16xi32>], vector<16xf32>,
        %get3A_305 = arith.constant 144 : index
        %get3A_306 = tpu.vector_load %arg7[%get3A_305] {strides = array<i32>} : memref<768xf32, #tpu.memory_space<vmem>>, vector<16xf32>,
        %add3A_307 = arith.constant 144 : i32
        %add3A_308 = vector.broadcast %add3A_307 : i32 to vector<16xi32>
        %add3A_309 = arith.addi %iota3A, %add3A_308 : vector<16xi32>
        tpu.vector_store_idx %arg9[%mul3A_7, %add3A_260, %add3A_309], %get3A_306 : memref<1x77x768xf32, #tpu.memory_space<vmem>>[vector<16xi32>, vector<16xi32>, vector<16xi32>], vector<16xf32>,
        %get3A_310 = arith.constant 160 : index
        %get3A_311 = tpu.vector_load %arg7[%get3A_310] {strides = array<i32>} : memref<768xf32, #tpu.memory_space<vmem>>, vector<16xf32>,
        %add3A_312 = arith.constant 160 : i32
        %add3A_313 = vector.broadcast %add3A_312 : i32 to vector<16xi32>
        %add3A_314 = arith.addi %iota3A, %add3A_313 : vector<16xi32>
        tpu.vector_store_idx %arg9[%mul3A_7, %add3A_260, %add3A_314], %get3A_311 : memref<1x77x768xf32, #tpu.memory_space<vmem>>[vector<16xi32>, vector<16xi32>, vector<16xi32>], vector<16xf32>,
        %get3A_315 = arith.constant 176 : index
        %get3A_316 = tpu.vector_load %arg7[%get3A_315] {strides = array<i32>} : memref<768xf32, #tpu.memory_space<vmem>>, vector<16xf32>,
        %add3A_317 = arith.constant 176 : i32
        %add3A_318 = vector.broadcast %add3A_317 : i32 to vector<16xi32>
        %add3A_319 = arith.addi %iota3A, %add3A_318 : vector<16xi32>
        tpu.vector_store_idx %arg9[%mul3A_7, %add3A_260, %add3A_319], %get3A_316 : memref<1x77x768xf32, #tpu.memory_space<vmem>>[vector<16xi32>, vector<16xi32>, vector<16xi32>], vector<16xf32>,
        %get3A_320 = arith.constant 192 : index
        %get3A_321 = tpu.vector_load %arg7[%get3A_320] {strides = array<i32>} : memref<768xf32, #tpu.memory_space<vmem>>, vector<16xf32>,
        %add3A_322 = arith.constant 192 : i32
        %add3A_323 = vector.broadcast %add3A_322 : i32 to vector<16xi32>
        %add3A_324 = arith.addi %iota3A, %add3A_323 : vector<16xi32>
        tpu.vector_store_idx %arg9[%mul3A_7, %add3A_260, %add3A_324], %get3A_321 : memref<1x77x768xf32, #tpu.memory_space<vmem>>[vector<16xi32>, vector<16xi32>, vector<16xi32>], vector<16xf32>,
        %get3A_325 = arith.constant 208 : index
        %get3A_326 = tpu.vector_load %arg7[%get3A_325] {strides = array<i32>} : memref<768xf32, #tpu.memory_space<vmem>>, vector<16xf32>,
        %add3A_327 = arith.constant 208 : i32
        %add3A_328 = vector.broadcast %add3A_327 : i32 to vector<16xi32>
        %add3A_329 = arith.addi %iota3A, %add3A_328 : vector<16xi32>
        tpu.vector_store_idx %arg9[%mul3A_7, %add3A_260, %add3A_329], %get3A_326 : memref<1x77x768xf32, #tpu.memory_space<vmem>>[vector<16xi32>, vector<16xi32>, vector<16xi32>], vector<16xf32>,
        %get3A_330 = arith.constant 224 : index
        %get3A_331 = tpu.vector_load %arg7[%get3A_330] {strides = array<i32>} : memref<768xf32, #tpu.memory_space<vmem>>, vector<16xf32>,
        %add3A_332 = arith.constant 224 : i32
        %add3A_333 = vector.broadcast %add3A_332 : i32 to vector<16xi32>
        %add3A_334 = arith.addi %iota3A, %add3A_333 : vector<16xi32>
        tpu.vector_store_idx %arg9[%mul3A_7, %add3A_260, %add3A_334], %get3A_331 : memref<1x77x768xf32, #tpu.memory_space<vmem>>[vector<16xi32>, vector<16xi32>, vector<16xi32>], vector<16xf32>,
        %get3A_335 = arith.constant 240 : index
        %get3A_336 = tpu.vector_load %arg7[%get3A_335] {strides = array<i32>} : memref<768xf32, #tpu.memory_space<vmem>>, vector<16xf32>,
        %add3A_337 = arith.constant 240 : i32
        %add3A_338 = vector.broadcast %add3A_337 : i32 to vector<16xi32>
        %add3A_339 = arith.addi %iota3A, %add3A_338 : vector<16xi32>
        tpu.vector_store_idx %arg9[%mul3A_7, %add3A_260, %add3A_339], %get3A_336 : memref<1x77x768xf32, #tpu.memory_space<vmem>>[vector<16xi32>, vector<16xi32>, vector<16xi32>], vector<16xf32>,
        %get3A_340 = arith.constant 256 : index
        %get3A_341 = tpu.vector_load %arg7[%get3A_340] {strides = array<i32>} : memref<768xf32, #tpu.memory_space<vmem>>, vector<16xf32>,
        %add3A_342 = arith.constant 256 : i32
        %add3A_343 = vector.broadcast %add3A_342 : i32 to vector<16xi32>
        %add3A_344 = arith.addi %iota3A, %add3A_343 : vector<16xi32>
        tpu.vector_store_idx %arg9[%mul3A_7, %add3A_260, %add3A_344], %get3A_341 : memref<1x77x768xf32, #tpu.memory_space<vmem>>[vector<16xi32>, vector<16xi32>, vector<16xi32>], vector<16xf32>,
        %get3A_345 = arith.constant 272 : index
        %get3A_346 = tpu.vector_load %arg7[%get3A_345] {strides = array<i32>} : memref<768xf32, #tpu.memory_space<vmem>>, vector<16xf32>,
        %add3A_347 = arith.constant 272 : i32
        %add3A_348 = vector.broadcast %add3A_347 : i32 to vector<16xi32>
        %add3A_349 = arith.addi %iota3A, %add3A_348 : vector<16xi32>
        tpu.vector_store_idx %arg9[%mul3A_7, %add3A_260, %add3A_349], %get3A_346 : memref<1x77x768xf32, #tpu.memory_space<vmem>>[vector<16xi32>, vector<16xi32>, vector<16xi32>], vector<16xf32>,
        %get3A_350 = arith.constant 288 : index
        %get3A_351 = tpu.vector_load %arg7[%get3A_350] {strides = array<i32>} : memref<768xf32, #tpu.memory_space<vmem>>, vector<16xf32>,
        %add3A_352 = arith.constant 288 : i32
        %add3A_353 = vector.broadcast %add3A_352 : i32 to vector<16xi32>
        %add3A_354 = arith.addi %iota3A, %add3A_353 : vector<16xi32>
        tpu.vector_store_idx %arg9[%mul3A_7, %add3A_260, %add3A_354], %get3A_351 : memref<1x77x768xf32, #tpu.memory_space<vmem>>[vector<16xi32>, vector<16xi32>, vector<16xi32>], vector<16xf32>,
        %get3A_355 = arith.constant 304 : index
        %get3A_356 = tpu.vector_load %arg7[%get3A_355] {strides = array<i32>} : memref<768xf32, #tpu.memory_space<vmem>>, vector<16xf32>,
        %add3A_357 = arith.constant 304 : i32
        %add3A_358 = vector.broadcast %add3A_357 : i32 to vector<16xi32>
        %add3A_359 = arith.addi %iota3A, %add3A_358 : vector<16xi32>
        tpu.vector_store_idx %arg9[%mul3A_7, %add3A_260, %add3A_359], %get3A_356 : memref<1x77x768xf32, #tpu.memory_space<vmem>>[vector<16xi32>, vector<16xi32>, vector<16xi32>], vector<16xf32>,
        %get3A_360 = arith.constant 320 : index
        %get3A_361 = tpu.vector_load %arg7[%get3A_360] {strides = array<i32>} : memref<768xf32, #tpu.memory_space<vmem>>, vector<16xf32>,
        %add3A_362 = arith.constant 320 : i32
        %add3A_363 = vector.broadcast %add3A_362 : i32 to vector<16xi32>
        %add3A_364 = arith.addi %iota3A, %add3A_363 : vector<16xi32>
        tpu.vector_store_idx %arg9[%mul3A_7, %add3A_260, %add3A_364], %get3A_361 : memref<1x77x768xf32, #tpu.memory_space<vmem>>[vector<16xi32>, vector<16xi32>, vector<16xi32>], vector<16xf32>,
        %get3A_365 = arith.constant 336 : index
        %get3A_366 = tpu.vector_load %arg7[%get3A_365] {strides = array<i32>} : memref<768xf32, #tpu.memory_space<vmem>>, vector<16xf32>,
        %add3A_367 = arith.constant 336 : i32
        %add3A_368 = vector.broadcast %add3A_367 : i32 to vector<16xi32>
        %add3A_369 = arith.addi %iota3A, %add3A_368 : vector<16xi32>
        tpu.vector_store_idx %arg9[%mul3A_7, %add3A_260, %add3A_369], %get3A_366 : memref<1x77x768xf32, #tpu.memory_space<vmem>>[vector<16xi32>, vector<16xi32>, vector<16xi32>], vector<16xf32>,
        %get3A_370 = arith.constant 352 : index
        %get3A_371 = tpu.vector_load %arg7[%get3A_370] {strides = array<i32>} : memref<768xf32, #tpu.memory_space<vmem>>, vector<16xf32>,
        %add3A_372 = arith.constant 352 : i32
        %add3A_373 = vector.broadcast %add3A_372 : i32 to vector<16xi32>
        %add3A_374 = arith.addi %iota3A, %add3A_373 : vector<16xi32>
        tpu.vector_store_idx %arg9[%mul3A_7, %add3A_260, %add3A_374], %get3A_371 : memref<1x77x768xf32, #tpu.memory_space<vmem>>[vector<16xi32>, vector<16xi32>, vector<16xi32>], vector<16xf32>,
        %get3A_375 = arith.constant 368 : index
        %get3A_376 = tpu.vector_load %arg7[%get3A_375] {strides = array<i32>} : memref<768xf32, #tpu.memory_space<vmem>>, vector<16xf32>,
        %add3A_377 = arith.constant 368 : i32
        %add3A_378 = vector.broadcast %add3A_377 : i32 to vector<16xi32>
        %add3A_379 = arith.addi %iota3A, %add3A_378 : vector<16xi32>
        tpu.vector_store_idx %arg9[%mul3A_7, %add3A_260, %add3A_379], %get3A_376 : memref<1x77x768xf32, #tpu.memory_space<vmem>>[vector<16xi32>, vector<16xi32>, vector<16xi32>], vector<16xf32>,
        %get3A_380 = arith.constant 384 : index
        %get3A_381 = tpu.vector_load %arg7[%get3A_380] {strides = array<i32>} : memref<768xf32, #tpu.memory_space<vmem>>, vector<16xf32>,
        %add3A_382 = arith.constant 384 : i32
        %add3A_383 = vector.broadcast %add3A_382 : i32 to vector<16xi32>
        %add3A_384 = arith.addi %iota3A, %add3A_383 : vector<16xi32>
        tpu.vector_store_idx %arg9[%mul3A_7, %add3A_260, %add3A_384], %get3A_381 : memref<1x77x768xf32, #tpu.memory_space<vmem>>[vector<16xi32>, vector<16xi32>, vector<16xi32>], vector<16xf32>,
        %get3A_385 = arith.constant 400 : index
        %get3A_386 = tpu.vector_load %arg7[%get3A_385] {strides = array<i32>} : memref<768xf32, #tpu.memory_space<vmem>>, vector<16xf32>,
        %add3A_387 = arith.constant 400 : i32
        %add3A_388 = vector.broadcast %add3A_387 : i32 to vector<16xi32>
        %add3A_389 = arith.addi %iota3A, %add3A_388 : vector<16xi32>
        tpu.vector_store_idx %arg9[%mul3A_7, %add3A_260, %add3A_389], %get3A_386 : memref<1x77x768xf32, #tpu.memory_space<vmem>>[vector<16xi32>, vector<16xi32>, vector<16xi32>], vector<16xf32>,
        %get3A_390 = arith.constant 416 : index
        %get3A_391 = tpu.vector_load %arg7[%get3A_390] {strides = array<i32>} : memref<768xf32, #tpu.memory_space<vmem>>, vector<16xf32>,
        %add3A_392 = arith.constant 416 : i32
        %add3A_393 = vector.broadcast %add3A_392 : i32 to vector<16xi32>
        %add3A_394 = arith.addi %iota3A, %add3A_393 : vector<16xi32>
        tpu.vector_store_idx %arg9[%mul3A_7, %add3A_260, %add3A_394], %get3A_391 : memref<1x77x768xf32, #tpu.memory_space<vmem>>[vector<16xi32>, vector<16xi32>, vector<16xi32>], vector<16xf32>,
        %get3A_395 = arith.constant 432 : index
        %get3A_396 = tpu.vector_load %arg7[%get3A_395] {strides = array<i32>} : memref<768xf32, #tpu.memory_space<vmem>>, vector<16xf32>,
        %add3A_397 = arith.constant 432 : i32
        %add3A_398 = vector.broadcast %add3A_397 : i32 to vector<16xi32>
        %add3A_399 = arith.addi %iota3A, %add3A_398 : vector<16xi32>
        tpu.vector_store_idx %arg9[%mul3A_7, %add3A_260, %add3A_399], %get3A_396 : memref<1x77x768xf32, #tpu.memory_space<vmem>>[vector<16xi32>, vector<16xi32>, vector<16xi32>], vector<16xf32>,
        %get3A_400 = arith.constant 448 : index
        %get3A_401 = tpu.vector_load %arg7[%get3A_400] {strides = array<i32>} : memref<768xf32, #tpu.memory_space<vmem>>, vector<16xf32>,
        %add3A_402 = arith.constant 448 : i32
        %add3A_403 = vector.broadcast %add3A_402 : i32 to vector<16xi32>
        %add3A_404 = arith.addi %iota3A, %add3A_403 : vector<16xi32>
        tpu.vector_store_idx %arg9[%mul3A_7, %add3A_260, %add3A_404], %get3A_401 : memref<1x77x768xf32, #tpu.memory_space<vmem>>[vector<16xi32>, vector<16xi32>, vector<16xi32>], vector<16xf32>,
        %get3A_405 = arith.constant 464 : index
        %get3A_406 = tpu.vector_load %arg7[%get3A_405] {strides = array<i32>} : memref<768xf32, #tpu.memory_space<vmem>>, vector<16xf32>,
        %add3A_407 = arith.constant 464 : i32
        %add3A_408 = vector.broadcast %add3A_407 : i32 to vector<16xi32>
        %add3A_409 = arith.addi %iota3A, %add3A_408 : vector<16xi32>
        tpu.vector_store_idx %arg9[%mul3A_7, %add3A_260, %add3A_409], %get3A_406 : memref<1x77x768xf32, #tpu.memory_space<vmem>>[vector<16xi32>, vector<16xi32>, vector<16xi32>], vector<16xf32>,
        %get3A_410 = arith.constant 480 : index
        %get3A_411 = tpu.vector_load %arg7[%get3A_410] {strides = array<i32>} : memref<768xf32, #tpu.memory_space<vmem>>, vector<16xf32>,
        %add3A_412 = arith.constant 480 : i32
        %add3A_413 = vector.broadcast %add3A_412 : i32 to vector<16xi32>
        %add3A_414 = arith.addi %iota3A, %add3A_413 : vector<16xi32>
        tpu.vector_store_idx %arg9[%mul3A_7, %add3A_260, %add3A_414], %get3A_411 : memref<1x77x768xf32, #tpu.memory_space<vmem>>[vector<16xi32>, vector<16xi32>, vector<16xi32>], vector<16xf32>,
        %get3A_415 = arith.constant 496 : index
        %get3A_416 = tpu.vector_load %arg7[%get3A_415] {strides = array<i32>} : memref<768xf32, #tpu.memory_space<vmem>>, vector<16xf32>,
        %add3A_417 = arith.constant 496 : i32
        %add3A_418 = vector.broadcast %add3A_417 : i32 to vector<16xi32>
        %add3A_419 = arith.addi %iota3A, %add3A_418 : vector<16xi32>
        tpu.vector_store_idx %arg9[%mul3A_7, %add3A_260, %add3A_419], %get3A_416 : memref<1x77x768xf32, #tpu.memory_space<vmem>>[vector<16xi32>, vector<16xi32>, vector<16xi32>], vector<16xf32>,
        %get3A_420 = arith.constant 512 : index
        %get3A_421 = tpu.vector_load %arg7[%get3A_420] {strides = array<i32>} : memref<768xf32, #tpu.memory_space<vmem>>, vector<16xf32>,
        %add3A_422 = arith.constant 512 : i32
        %add3A_423 = vector.broadcast %add3A_422 : i32 to vector<16xi32>
        %add3A_424 = arith.addi %iota3A, %add3A_423 : vector<16xi32>
        tpu.vector_store_idx %arg9[%mul3A_7, %add3A_260, %add3A_424], %get3A_421 : memref<1x77x768xf32, #tpu.memory_space<vmem>>[vector<16xi32>, vector<16xi32>, vector<16xi32>], vector<16xf32>,
        %get3A_425 = arith.constant 528 : index
        %get3A_426 = tpu.vector_load %arg7[%get3A_425] {strides = array<i32>} : memref<768xf32, #tpu.memory_space<vmem>>, vector<16xf32>,
        %add3A_427 = arith.constant 528 : i32
        %add3A_428 = vector.broadcast %add3A_427 : i32 to vector<16xi32>
        %add3A_429 = arith.addi %iota3A, %add3A_428 : vector<16xi32>
        tpu.vector_store_idx %arg9[%mul3A_7, %add3A_260, %add3A_429], %get3A_426 : memref<1x77x768xf32, #tpu.memory_space<vmem>>[vector<16xi32>, vector<16xi32>, vector<16xi32>], vector<16xf32>,
        %get3A_430 = arith.constant 544 : index
        %get3A_431 = tpu.vector_load %arg7[%get3A_430] {strides = array<i32>} : memref<768xf32, #tpu.memory_space<vmem>>, vector<16xf32>,
        %add3A_432 = arith.constant 544 : i32
        %add3A_433 = vector.broadcast %add3A_432 : i32 to vector<16xi32>
        %add3A_434 = arith.addi %iota3A, %add3A_433 : vector<16xi32>
        tpu.vector_store_idx %arg9[%mul3A_7, %add3A_260, %add3A_434], %get3A_431 : memref<1x77x768xf32, #tpu.memory_space<vmem>>[vector<16xi32>, vector<16xi32>, vector<16xi32>], vector<16xf32>,
        %get3A_435 = arith.constant 560 : index
        %get3A_436 = tpu.vector_load %arg7[%get3A_435] {strides = array<i32>} : memref<768xf32, #tpu.memory_space<vmem>>, vector<16xf32>,
        %add3A_437 = arith.constant 560 : i32
        %add3A_438 = vector.broadcast %add3A_437 : i32 to vector<16xi32>
        %add3A_439 = arith.addi %iota3A, %add3A_438 : vector<16xi32>
        tpu.vector_store_idx %arg9[%mul3A_7, %add3A_260, %add3A_439], %get3A_436 : memref<1x77x768xf32, #tpu.memory_space<vmem>>[vector<16xi32>, vector<16xi32>, vector<16xi32>], vector<16xf32>,
        %get3A_440 = arith.constant 576 : index
        %get3A_441 = tpu.vector_load %arg7[%get3A_440] {strides = array<i32>} : memref<768xf32, #tpu.memory_space<vmem>>, vector<16xf32>,
        %add3A_442 = arith.constant 576 : i32
        %add3A_443 = vector.broadcast %add3A_442 : i32 to vector<16xi32>
        %add3A_444 = arith.addi %iota3A, %add3A_443 : vector<16xi32>
        tpu.vector_store_idx %arg9[%mul3A_7, %add3A_260, %add3A_444], %get3A_441 : memref<1x77x768xf32, #tpu.memory_space<vmem>>[vector<16xi32>, vector<16xi32>, vector<16xi32>], vector<16xf32>,
        %get3A_445 = arith.constant 592 : index
        %get3A_446 = tpu.vector_load %arg7[%get3A_445] {strides = array<i32>} : memref<768xf32, #tpu.memory_space<vmem>>, vector<16xf32>,
        %add3A_447 = arith.constant 592 : i32
        %add3A_448 = vector.broadcast %add3A_447 : i32 to vector<16xi32>
        %add3A_449 = arith.addi %iota3A, %add3A_448 : vector<16xi32>
        tpu.vector_store_idx %arg9[%mul3A_7, %add3A_260, %add3A_449], %get3A_446 : memref<1x77x768xf32, #tpu.memory_space<vmem>>[vector<16xi32>, vector<16xi32>, vector<16xi32>], vector<16xf32>,
        %get3A_450 = arith.constant 608 : index
        %get3A_451 = tpu.vector_load %arg7[%get3A_450] {strides = array<i32>} : memref<768xf32, #tpu.memory_space<vmem>>, vector<16xf32>,
        %add3A_452 = arith.constant 608 : i32
        %add3A_453 = vector.broadcast %add3A_452 : i32 to vector<16xi32>
        %add3A_454 = arith.addi %iota3A, %add3A_453 : vector<16xi32>
        tpu.vector_store_idx %arg9[%mul3A_7, %add3A_260, %add3A_454], %get3A_451 : memref<1x77x768xf32, #tpu.memory_space<vmem>>[vector<16xi32>, vector<16xi32>, vector<16xi32>], vector<16xf32>,
        %get3A_455 = arith.constant 624 : index
        %get3A_456 = tpu.vector_load %arg7[%get3A_455] {strides = array<i32>} : memref<768xf32, #tpu.memory_space<vmem>>, vector<16xf32>,
        %add3A_457 = arith.constant 624 : i32
        %add3A_458 = vector.broadcast %add3A_457 : i32 to vector<16xi32>
        %add3A_459 = arith.addi %iota3A, %add3A_458 : vector<16xi32>
        tpu.vector_store_idx %arg9[%mul3A_7, %add3A_260, %add3A_459], %get3A_456 : memref<1x77x768xf32, #tpu.memory_space<vmem>>[vector<16xi32>, vector<16xi32>, vector<16xi32>], vector<16xf32>,
        %get3A_460 = arith.constant 640 : index
        %get3A_461 = tpu.vector_load %arg7[%get3A_460] {strides = array<i32>} : memref<768xf32, #tpu.memory_space<vmem>>, vector<16xf32>,
        %add3A_462 = arith.constant 640 : i32
        %add3A_463 = vector.broadcast %add3A_462 : i32 to vector<16xi32>
        %add3A_464 = arith.addi %iota3A, %add3A_463 : vector<16xi32>
        tpu.vector_store_idx %arg9[%mul3A_7, %add3A_260, %add3A_464], %get3A_461 : memref<1x77x768xf32, #tpu.memory_space<vmem>>[vector<16xi32>, vector<16xi32>, vector<16xi32>], vector<16xf32>,
        %get3A_465 = arith.constant 656 : index
        %get3A_466 = tpu.vector_load %arg7[%get3A_465] {strides = array<i32>} : memref<768xf32, #tpu.memory_space<vmem>>, vector<16xf32>,
        %add3A_467 = arith.constant 656 : i32
        %add3A_468 = vector.broadcast %add3A_467 : i32 to vector<16xi32>
        %add3A_469 = arith.addi %iota3A, %add3A_468 : vector<16xi32>
        tpu.vector_store_idx %arg9[%mul3A_7, %add3A_260, %add3A_469], %get3A_466 : memref<1x77x768xf32, #tpu.memory_space<vmem>>[vector<16xi32>, vector<16xi32>, vector<16xi32>], vector<16xf32>,
        %get3A_470 = arith.constant 672 : index
        %get3A_471 = tpu.vector_load %arg7[%get3A_470] {strides = array<i32>} : memref<768xf32, #tpu.memory_space<vmem>>, vector<16xf32>,
        %add3A_472 = arith.constant 672 : i32
        %add3A_473 = vector.broadcast %add3A_472 : i32 to vector<16xi32>
        %add3A_474 = arith.addi %iota3A, %add3A_473 : vector<16xi32>
        tpu.vector_store_idx %arg9[%mul3A_7, %add3A_260, %add3A_474], %get3A_471 : memref<1x77x768xf32, #tpu.memory_space<vmem>>[vector<16xi32>, vector<16xi32>, vector<16xi32>], vector<16xf32>,
        %get3A_475 = arith.constant 688 : index
        %get3A_476 = tpu.vector_load %arg7[%get3A_475] {strides = array<i32>} : memref<768xf32, #tpu.memory_space<vmem>>, vector<16xf32>,
        %add3A_477 = arith.constant 688 : i32
        %add3A_478 = vector.broadcast %add3A_477 : i32 to vector<16xi32>
        %add3A_479 = arith.addi %iota3A, %add3A_478 : vector<16xi32>
        tpu.vector_store_idx %arg9[%mul3A_7, %add3A_260, %add3A_479], %get3A_476 : memref<1x77x768xf32, #tpu.memory_space<vmem>>[vector<16xi32>, vector<16xi32>, vector<16xi32>], vector<16xf32>,
        %get3A_480 = arith.constant 704 : index
        %get3A_481 = tpu.vector_load %arg7[%get3A_480] {strides = array<i32>} : memref<768xf32, #tpu.memory_space<vmem>>, vector<16xf32>,
        %add3A_482 = arith.constant 704 : i32
        %add3A_483 = vector.broadcast %add3A_482 : i32 to vector<16xi32>
        %add3A_484 = arith.addi %iota3A, %add3A_483 : vector<16xi32>
        tpu.vector_store_idx %arg9[%mul3A_7, %add3A_260, %add3A_484], %get3A_481 : memref<1x77x768xf32, #tpu.memory_space<vmem>>[vector<16xi32>, vector<16xi32>, vector<16xi32>], vector<16xf32>,
        %get3A_485 = arith.constant 720 : index
        %get3A_486 = tpu.vector_load %arg7[%get3A_485] {strides = array<i32>} : memref<768xf32, #tpu.memory_space<vmem>>, vector<16xf32>,
        %add3A_487 = arith.constant 720 : i32
        %add3A_488 = vector.broadcast %add3A_487 : i32 to vector<16xi32>
        %add3A_489 = arith.addi %iota3A, %add3A_488 : vector<16xi32>
        tpu.vector_store_idx %arg9[%mul3A_7, %add3A_260, %add3A_489], %get3A_486 : memref<1x77x768xf32, #tpu.memory_space<vmem>>[vector<16xi32>, vector<16xi32>, vector<16xi32>], vector<16xf32>,
        %get3A_490 = arith.constant 736 : index
        %get3A_491 = tpu.vector_load %arg7[%get3A_490] {strides = array<i32>} : memref<768xf32, #tpu.memory_space<vmem>>, vector<16xf32>,
        %add3A_492 = arith.constant 736 : i32
        %add3A_493 = vector.broadcast %add3A_492 : i32 to vector<16xi32>
        %add3A_494 = arith.addi %iota3A, %add3A_493 : vector<16xi32>
        tpu.vector_store_idx %arg9[%mul3A_7, %add3A_260, %add3A_494], %get3A_491 : memref<1x77x768xf32, #tpu.memory_space<vmem>>[vector<16xi32>, vector<16xi32>, vector<16xi32>], vector<16xf32>,
        %get3A_495 = arith.constant 752 : index
        %get3A_496 = tpu.vector_load %arg7[%get3A_495] {strides = array<i32>} : memref<768xf32, #tpu.memory_space<vmem>>, vector<16xf32>,
        %add3A_497 = arith.constant 752 : i32
        %add3A_498 = vector.broadcast %add3A_497 : i32 to vector<16xi32>
        %add3A_499 = arith.addi %iota3A, %add3A_498 : vector<16xi32>
        tpu.vector_store_idx %arg9[%mul3A_7, %add3A_260, %add3A_499], %get3A_496 : memref<1x77x768xf32, #tpu.memory_space<vmem>>[vector<16xi32>, vector<16xi32>, vector<16xi32>], vector<16xf32>,
        %jit3A_500 = arith.constant 0 : i32
        %broadcast_in_dim3A_501 = vector.broadcast %jit3A_500 : i32 to vector<16xi32>
        %select_n3A_502 = arith.select %eq3A_255, %broadcast_in_dim3A_501, %while3A_252 : vector<16xi1>, vector<16xi32>
        scf.yield %select_n3A_502 : vector<16xi32>
      }
      %mul3A_181 = arith.constant 77 : i32
      %mul3A_182 = arith.muli %add3A_143, %mul3A_181 : i32
      %add3A_183 = arith.constant 16 : i32
      %add3A_184 = arith.addi %mul3A_182, %add3A_183 : i32
      %add3A_185 = vector.broadcast %add3A_184 : i32 to vector<16xi32>
      %add3A_186 = arith.addi %iota3A, %add3A_185 : vector<16xi32>
      %gather3A_187 = tpu.vector_load_idx %arg6[%add3A_186] : memref<2464xi32, #tpu.memory_space<vmem>>[vector<16xi32>], vector<16xi32>,
      %eq3A_188 = arith.constant 42 : i32
      %eq3A_189 = vector.broadcast %eq3A_188 : i32 to vector<16xi32>
      %eq3A_190 = arith.cmpi eq, %gather3A_187, %eq3A_189 : vector<16xi32>
      %convert_element_type3A_191 = arith.extui %eq3A_190 : vector<16xi1> to vector<16xi32>
      %add3A_192 = arith.constant 16 : i32
      %add3A_193 = vector.broadcast %add3A_192 : i32 to vector<16xi32>
      %add3A_194 = arith.addi %iota3A, %add3A_193 : vector<16xi32>
      %while3A_195 = scf.while (%while3A_252 = %convert_element_type3A_191) : (vector<16xi32>) -> vector<16xi32> {
        %reduce_sum3A = arith.constant true
        %reduce_sum3A_253 = vector.broadcast %reduce_sum3A : i1 to vector<16xi1>
        %reduce_sum3A_254 = tpu.scan <sum>, %while3A_252 masked %reduce_sum3A_253 : vector<16xi32>, vector<16xi1> -> vector<16xi32>
        %reduce_sum3A_255 = vector.extract %reduce_sum3A_254[15] : i32 from vector<16xi32>
        %gt3A = arith.constant 0 : i32
        %gt3A_256 = arith.cmpi sgt, %reduce_sum3A_255, %gt3A : i32
        scf.condition(%gt3A_256) %while3A_252 : vector<16xi32>
      } do {
      ^bb0(%while3A_252: vector<16xi32>):
        %gt3A = arith.constant 0 : i32
        %gt3A_253 = vector.broadcast %gt3A : i32 to vector<16xi32>
        %gt3A_254 = arith.cmpi sgt, %while3A_252, %gt3A_253 : vector<16xi32>
        %all_reduce_ffs3A = tpu.all_reduce %gt3A_254 {dim = 0 : i64, kind = #tpu.reduction_kind<find_first_set>} : vector<16xi1> -> vector<16xi32>
        %eq3A_255 = arith.cmpi eq, %iota3A, %all_reduce_ffs3A : vector<16xi32>
        %jit3A = arith.constant 0 : i32
        %broadcast_in_dim3A = vector.broadcast %jit3A : i32 to vector<16xi32>
        %select_n3A = arith.select %eq3A_255, %add3A_194, %broadcast_in_dim3A : vector<16xi1>, vector<16xi32>
        %reduce_sum3A = arith.constant true
        %reduce_sum3A_256 = vector.broadcast %reduce_sum3A : i1 to vector<16xi1>
        %reduce_sum3A_257 = tpu.scan <sum>, %select_n3A masked %reduce_sum3A_256 : vector<16xi32>, vector<16xi1> -> vector<16xi32>
        %reduce_sum3A_258 = vector.extract %reduce_sum3A_257[15] : i32 from vector<16xi32>
        %add3A_259 = vector.broadcast %reduce_sum3A_258 : i32 to vector<16xi32>
        %add3A_260 = arith.addi %mul3A_7, %add3A_259 : vector<16xi32>
        %get3A = arith.constant 0 : index
        %get3A_261 = tpu.vector_load %arg7[%get3A] {strides = array<i32>} : memref<768xf32, #tpu.memory_space<vmem>>, vector<16xf32>,
        %add3A_262 = arith.constant 0 : i32
        %add3A_263 = vector.broadcast %add3A_262 : i32 to vector<16xi32>
        %add3A_264 = arith.addi %iota3A, %add3A_263 : vector<16xi32>
        tpu.vector_store_idx %arg9[%mul3A_7, %add3A_260, %add3A_264], %get3A_261 : memref<1x77x768xf32, #tpu.memory_space<vmem>>[vector<16xi32>, vector<16xi32>, vector<16xi32>], vector<16xf32>,
        %get3A_265 = arith.constant 16 : index
        %get3A_266 = tpu.vector_load %arg7[%get3A_265] {strides = array<i32>} : memref<768xf32, #tpu.memory_space<vmem>>, vector<16xf32>,
        %add3A_267 = arith.constant 16 : i32
        %add3A_268 = vector.broadcast %add3A_267 : i32 to vector<16xi32>
        %add3A_269 = arith.addi %iota3A, %add3A_268 : vector<16xi32>
        tpu.vector_store_idx %arg9[%mul3A_7, %add3A_260, %add3A_269], %get3A_266 : memref<1x77x768xf32, #tpu.memory_space<vmem>>[vector<16xi32>, vector<16xi32>, vector<16xi32>], vector<16xf32>,
        %get3A_270 = arith.constant 32 : index
        %get3A_271 = tpu.vector_load %arg7[%get3A_270] {strides = array<i32>} : memref<768xf32, #tpu.memory_space<vmem>>, vector<16xf32>,
        %add3A_272 = arith.constant 32 : i32
        %add3A_273 = vector.broadcast %add3A_272 : i32 to vector<16xi32>
        %add3A_274 = arith.addi %iota3A, %add3A_273 : vector<16xi32>
        tpu.vector_store_idx %arg9[%mul3A_7, %add3A_260, %add3A_274], %get3A_271 : memref<1x77x768xf32, #tpu.memory_space<vmem>>[vector<16xi32>, vector<16xi32>, vector<16xi32>], vector<16xf32>,
        %get3A_275 = arith.constant 48 : index
        %get3A_276 = tpu.vector_load %arg7[%get3A_275] {strides = array<i32>} : memref<768xf32, #tpu.memory_space<vmem>>, vector<16xf32>,
        %add3A_277 = arith.constant 48 : i32
        %add3A_278 = vector.broadcast %add3A_277 : i32 to vector<16xi32>
        %add3A_279 = arith.addi %iota3A, %add3A_278 : vector<16xi32>
        tpu.vector_store_idx %arg9[%mul3A_7, %add3A_260, %add3A_279], %get3A_276 : memref<1x77x768xf32, #tpu.memory_space<vmem>>[vector<16xi32>, vector<16xi32>, vector<16xi32>], vector<16xf32>,
        %get3A_280 = arith.constant 64 : index
        %get3A_281 = tpu.vector_load %arg7[%get3A_280] {strides = array<i32>} : memref<768xf32, #tpu.memory_space<vmem>>, vector<16xf32>,
        %add3A_282 = arith.constant 64 : i32
        %add3A_283 = vector.broadcast %add3A_282 : i32 to vector<16xi32>
        %add3A_284 = arith.addi %iota3A, %add3A_283 : vector<16xi32>
        tpu.vector_store_idx %arg9[%mul3A_7, %add3A_260, %add3A_284], %get3A_281 : memref<1x77x768xf32, #tpu.memory_space<vmem>>[vector<16xi32>, vector<16xi32>, vector<16xi32>], vector<16xf32>,
        %get3A_285 = arith.constant 80 : index
        %get3A_286 = tpu.vector_load %arg7[%get3A_285] {strides = array<i32>} : memref<768xf32, #tpu.memory_space<vmem>>, vector<16xf32>,
        %add3A_287 = arith.constant 80 : i32
        %add3A_288 = vector.broadcast %add3A_287 : i32 to vector<16xi32>
        %add3A_289 = arith.addi %iota3A, %add3A_288 : vector<16xi32>
        tpu.vector_store_idx %arg9[%mul3A_7, %add3A_260, %add3A_289], %get3A_286 : memref<1x77x768xf32, #tpu.memory_space<vmem>>[vector<16xi32>, vector<16xi32>, vector<16xi32>], vector<16xf32>,
        %get3A_290 = arith.constant 96 : index
        %get3A_291 = tpu.vector_load %arg7[%get3A_290] {strides = array<i32>} : memref<768xf32, #tpu.memory_space<vmem>>, vector<16xf32>,
        %add3A_292 = arith.constant 96 : i32
        %add3A_293 = vector.broadcast %add3A_292 : i32 to vector<16xi32>
        %add3A_294 = arith.addi %iota3A, %add3A_293 : vector<16xi32>
        tpu.vector_store_idx %arg9[%mul3A_7, %add3A_260, %add3A_294], %get3A_291 : memref<1x77x768xf32, #tpu.memory_space<vmem>>[vector<16xi32>, vector<16xi32>, vector<16xi32>], vector<16xf32>,
        %get3A_295 = arith.constant 112 : index
        %get3A_296 = tpu.vector_load %arg7[%get3A_295] {strides = array<i32>} : memref<768xf32, #tpu.memory_space<vmem>>, vector<16xf32>,
        %add3A_297 = arith.constant 112 : i32
        %add3A_298 = vector.broadcast %add3A_297 : i32 to vector<16xi32>
        %add3A_299 = arith.addi %iota3A, %add3A_298 : vector<16xi32>
        tpu.vector_store_idx %arg9[%mul3A_7, %add3A_260, %add3A_299], %get3A_296 : memref<1x77x768xf32, #tpu.memory_space<vmem>>[vector<16xi32>, vector<16xi32>, vector<16xi32>], vector<16xf32>,
        %get3A_300 = arith.constant 128 : index
        %get3A_301 = tpu.vector_load %arg7[%get3A_300] {strides = array<i32>} : memref<768xf32, #tpu.memory_space<vmem>>, vector<16xf32>,
        %add3A_302 = arith.constant 128 : i32
        %add3A_303 = vector.broadcast %add3A_302 : i32 to vector<16xi32>
        %add3A_304 = arith.addi %iota3A, %add3A_303 : vector<16xi32>
        tpu.vector_store_idx %arg9[%mul3A_7, %add3A_260, %add3A_304], %get3A_301 : memref<1x77x768xf32, #tpu.memory_space<vmem>>[vector<16xi32>, vector<16xi32>, vector<16xi32>], vector<16xf32>,
        %get3A_305 = arith.constant 144 : index
        %get3A_306 = tpu.vector_load %arg7[%get3A_305] {strides = array<i32>} : memref<768xf32, #tpu.memory_space<vmem>>, vector<16xf32>,
        %add3A_307 = arith.constant 144 : i32
        %add3A_308 = vector.broadcast %add3A_307 : i32 to vector<16xi32>
        %add3A_309 = arith.addi %iota3A, %add3A_308 : vector<16xi32>
        tpu.vector_store_idx %arg9[%mul3A_7, %add3A_260, %add3A_309], %get3A_306 : memref<1x77x768xf32, #tpu.memory_space<vmem>>[vector<16xi32>, vector<16xi32>, vector<16xi32>], vector<16xf32>,
        %get3A_310 = arith.constant 160 : index
        %get3A_311 = tpu.vector_load %arg7[%get3A_310] {strides = array<i32>} : memref<768xf32, #tpu.memory_space<vmem>>, vector<16xf32>,
        %add3A_312 = arith.constant 160 : i32
        %add3A_313 = vector.broadcast %add3A_312 : i32 to vector<16xi32>
        %add3A_314 = arith.addi %iota3A, %add3A_313 : vector<16xi32>
        tpu.vector_store_idx %arg9[%mul3A_7, %add3A_260, %add3A_314], %get3A_311 : memref<1x77x768xf32, #tpu.memory_space<vmem>>[vector<16xi32>, vector<16xi32>, vector<16xi32>], vector<16xf32>,
        %get3A_315 = arith.constant 176 : index
        %get3A_316 = tpu.vector_load %arg7[%get3A_315] {strides = array<i32>} : memref<768xf32, #tpu.memory_space<vmem>>, vector<16xf32>,
        %add3A_317 = arith.constant 176 : i32
        %add3A_318 = vector.broadcast %add3A_317 : i32 to vector<16xi32>
        %add3A_319 = arith.addi %iota3A, %add3A_318 : vector<16xi32>
        tpu.vector_store_idx %arg9[%mul3A_7, %add3A_260, %add3A_319], %get3A_316 : memref<1x77x768xf32, #tpu.memory_space<vmem>>[vector<16xi32>, vector<16xi32>, vector<16xi32>], vector<16xf32>,
        %get3A_320 = arith.constant 192 : index
        %get3A_321 = tpu.vector_load %arg7[%get3A_320] {strides = array<i32>} : memref<768xf32, #tpu.memory_space<vmem>>, vector<16xf32>,
        %add3A_322 = arith.constant 192 : i32
        %add3A_323 = vector.broadcast %add3A_322 : i32 to vector<16xi32>
        %add3A_324 = arith.addi %iota3A, %add3A_323 : vector<16xi32>
        tpu.vector_store_idx %arg9[%mul3A_7, %add3A_260, %add3A_324], %get3A_321 : memref<1x77x768xf32, #tpu.memory_space<vmem>>[vector<16xi32>, vector<16xi32>, vector<16xi32>], vector<16xf32>,
        %get3A_325 = arith.constant 208 : index
        %get3A_326 = tpu.vector_load %arg7[%get3A_325] {strides = array<i32>} : memref<768xf32, #tpu.memory_space<vmem>>, vector<16xf32>,
        %add3A_327 = arith.constant 208 : i32
        %add3A_328 = vector.broadcast %add3A_327 : i32 to vector<16xi32>
        %add3A_329 = arith.addi %iota3A, %add3A_328 : vector<16xi32>
        tpu.vector_store_idx %arg9[%mul3A_7, %add3A_260, %add3A_329], %get3A_326 : memref<1x77x768xf32, #tpu.memory_space<vmem>>[vector<16xi32>, vector<16xi32>, vector<16xi32>], vector<16xf32>,
        %get3A_330 = arith.constant 224 : index
        %get3A_331 = tpu.vector_load %arg7[%get3A_330] {strides = array<i32>} : memref<768xf32, #tpu.memory_space<vmem>>, vector<16xf32>,
        %add3A_332 = arith.constant 224 : i32
        %add3A_333 = vector.broadcast %add3A_332 : i32 to vector<16xi32>
        %add3A_334 = arith.addi %iota3A, %add3A_333 : vector<16xi32>
        tpu.vector_store_idx %arg9[%mul3A_7, %add3A_260, %add3A_334], %get3A_331 : memref<1x77x768xf32, #tpu.memory_space<vmem>>[vector<16xi32>, vector<16xi32>, vector<16xi32>], vector<16xf32>,
        %get3A_335 = arith.constant 240 : index
        %get3A_336 = tpu.vector_load %arg7[%get3A_335] {strides = array<i32>} : memref<768xf32, #tpu.memory_space<vmem>>, vector<16xf32>,
        %add3A_337 = arith.constant 240 : i32
        %add3A_338 = vector.broadcast %add3A_337 : i32 to vector<16xi32>
        %add3A_339 = arith.addi %iota3A, %add3A_338 : vector<16xi32>
        tpu.vector_store_idx %arg9[%mul3A_7, %add3A_260, %add3A_339], %get3A_336 : memref<1x77x768xf32, #tpu.memory_space<vmem>>[vector<16xi32>, vector<16xi32>, vector<16xi32>], vector<16xf32>,
        %get3A_340 = arith.constant 256 : index
        %get3A_341 = tpu.vector_load %arg7[%get3A_340] {strides = array<i32>} : memref<768xf32, #tpu.memory_space<vmem>>, vector<16xf32>,
        %add3A_342 = arith.constant 256 : i32
        %add3A_343 = vector.broadcast %add3A_342 : i32 to vector<16xi32>
        %add3A_344 = arith.addi %iota3A, %add3A_343 : vector<16xi32>
        tpu.vector_store_idx %arg9[%mul3A_7, %add3A_260, %add3A_344], %get3A_341 : memref<1x77x768xf32, #tpu.memory_space<vmem>>[vector<16xi32>, vector<16xi32>, vector<16xi32>], vector<16xf32>,
        %get3A_345 = arith.constant 272 : index
        %get3A_346 = tpu.vector_load %arg7[%get3A_345] {strides = array<i32>} : memref<768xf32, #tpu.memory_space<vmem>>, vector<16xf32>,
        %add3A_347 = arith.constant 272 : i32
        %add3A_348 = vector.broadcast %add3A_347 : i32 to vector<16xi32>
        %add3A_349 = arith.addi %iota3A, %add3A_348 : vector<16xi32>
        tpu.vector_store_idx %arg9[%mul3A_7, %add3A_260, %add3A_349], %get3A_346 : memref<1x77x768xf32, #tpu.memory_space<vmem>>[vector<16xi32>, vector<16xi32>, vector<16xi32>], vector<16xf32>,
        %get3A_350 = arith.constant 288 : index
        %get3A_351 = tpu.vector_load %arg7[%get3A_350] {strides = array<i32>} : memref<768xf32, #tpu.memory_space<vmem>>, vector<16xf32>,
        %add3A_352 = arith.constant 288 : i32
        %add3A_353 = vector.broadcast %add3A_352 : i32 to vector<16xi32>
        %add3A_354 = arith.addi %iota3A, %add3A_353 : vector<16xi32>
        tpu.vector_store_idx %arg9[%mul3A_7, %add3A_260, %add3A_354], %get3A_351 : memref<1x77x768xf32, #tpu.memory_space<vmem>>[vector<16xi32>, vector<16xi32>, vector<16xi32>], vector<16xf32>,
        %get3A_355 = arith.constant 304 : index
        %get3A_356 = tpu.vector_load %arg7[%get3A_355] {strides = array<i32>} : memref<768xf32, #tpu.memory_space<vmem>>, vector<16xf32>,
        %add3A_357 = arith.constant 304 : i32
        %add3A_358 = vector.broadcast %add3A_357 : i32 to vector<16xi32>
        %add3A_359 = arith.addi %iota3A, %add3A_358 : vector<16xi32>
        tpu.vector_store_idx %arg9[%mul3A_7, %add3A_260, %add3A_359], %get3A_356 : memref<1x77x768xf32, #tpu.memory_space<vmem>>[vector<16xi32>, vector<16xi32>, vector<16xi32>], vector<16xf32>,
        %get3A_360 = arith.constant 320 : index
        %get3A_361 = tpu.vector_load %arg7[%get3A_360] {strides = array<i32>} : memref<768xf32, #tpu.memory_space<vmem>>, vector<16xf32>,
        %add3A_362 = arith.constant 320 : i32
        %add3A_363 = vector.broadcast %add3A_362 : i32 to vector<16xi32>
        %add3A_364 = arith.addi %iota3A, %add3A_363 : vector<16xi32>
        tpu.vector_store_idx %arg9[%mul3A_7, %add3A_260, %add3A_364], %get3A_361 : memref<1x77x768xf32, #tpu.memory_space<vmem>>[vector<16xi32>, vector<16xi32>, vector<16xi32>], vector<16xf32>,
        %get3A_365 = arith.constant 336 : index
        %get3A_366 = tpu.vector_load %arg7[%get3A_365] {strides = array<i32>} : memref<768xf32, #tpu.memory_space<vmem>>, vector<16xf32>,
        %add3A_367 = arith.constant 336 : i32
        %add3A_368 = vector.broadcast %add3A_367 : i32 to vector<16xi32>
        %add3A_369 = arith.addi %iota3A, %add3A_368 : vector<16xi32>
        tpu.vector_store_idx %arg9[%mul3A_7, %add3A_260, %add3A_369], %get3A_366 : memref<1x77x768xf32, #tpu.memory_space<vmem>>[vector<16xi32>, vector<16xi32>, vector<16xi32>], vector<16xf32>,
        %get3A_370 = arith.constant 352 : index
        %get3A_371 = tpu.vector_load %arg7[%get3A_370] {strides = array<i32>} : memref<768xf32, #tpu.memory_space<vmem>>, vector<16xf32>,
        %add3A_372 = arith.constant 352 : i32
        %add3A_373 = vector.broadcast %add3A_372 : i32 to vector<16xi32>
        %add3A_374 = arith.addi %iota3A, %add3A_373 : vector<16xi32>
        tpu.vector_store_idx %arg9[%mul3A_7, %add3A_260, %add3A_374], %get3A_371 : memref<1x77x768xf32, #tpu.memory_space<vmem>>[vector<16xi32>, vector<16xi32>, vector<16xi32>], vector<16xf32>,
        %get3A_375 = arith.constant 368 : index
        %get3A_376 = tpu.vector_load %arg7[%get3A_375] {strides = array<i32>} : memref<768xf32, #tpu.memory_space<vmem>>, vector<16xf32>,
        %add3A_377 = arith.constant 368 : i32
        %add3A_378 = vector.broadcast %add3A_377 : i32 to vector<16xi32>
        %add3A_379 = arith.addi %iota3A, %add3A_378 : vector<16xi32>
        tpu.vector_store_idx %arg9[%mul3A_7, %add3A_260, %add3A_379], %get3A_376 : memref<1x77x768xf32, #tpu.memory_space<vmem>>[vector<16xi32>, vector<16xi32>, vector<16xi32>], vector<16xf32>,
        %get3A_380 = arith.constant 384 : index
        %get3A_381 = tpu.vector_load %arg7[%get3A_380] {strides = array<i32>} : memref<768xf32, #tpu.memory_space<vmem>>, vector<16xf32>,
        %add3A_382 = arith.constant 384 : i32
        %add3A_383 = vector.broadcast %add3A_382 : i32 to vector<16xi32>
        %add3A_384 = arith.addi %iota3A, %add3A_383 : vector<16xi32>
        tpu.vector_store_idx %arg9[%mul3A_7, %add3A_260, %add3A_384], %get3A_381 : memref<1x77x768xf32, #tpu.memory_space<vmem>>[vector<16xi32>, vector<16xi32>, vector<16xi32>], vector<16xf32>,
        %get3A_385 = arith.constant 400 : index
        %get3A_386 = tpu.vector_load %arg7[%get3A_385] {strides = array<i32>} : memref<768xf32, #tpu.memory_space<vmem>>, vector<16xf32>,
        %add3A_387 = arith.constant 400 : i32
        %add3A_388 = vector.broadcast %add3A_387 : i32 to vector<16xi32>
        %add3A_389 = arith.addi %iota3A, %add3A_388 : vector<16xi32>
        tpu.vector_store_idx %arg9[%mul3A_7, %add3A_260, %add3A_389], %get3A_386 : memref<1x77x768xf32, #tpu.memory_space<vmem>>[vector<16xi32>, vector<16xi32>, vector<16xi32>], vector<16xf32>,
        %get3A_390 = arith.constant 416 : index
        %get3A_391 = tpu.vector_load %arg7[%get3A_390] {strides = array<i32>} : memref<768xf32, #tpu.memory_space<vmem>>, vector<16xf32>,
        %add3A_392 = arith.constant 416 : i32
        %add3A_393 = vector.broadcast %add3A_392 : i32 to vector<16xi32>
        %add3A_394 = arith.addi %iota3A, %add3A_393 : vector<16xi32>
        tpu.vector_store_idx %arg9[%mul3A_7, %add3A_260, %add3A_394], %get3A_391 : memref<1x77x768xf32, #tpu.memory_space<vmem>>[vector<16xi32>, vector<16xi32>, vector<16xi32>], vector<16xf32>,
        %get3A_395 = arith.constant 432 : index
        %get3A_396 = tpu.vector_load %arg7[%get3A_395] {strides = array<i32>} : memref<768xf32, #tpu.memory_space<vmem>>, vector<16xf32>,
        %add3A_397 = arith.constant 432 : i32
        %add3A_398 = vector.broadcast %add3A_397 : i32 to vector<16xi32>
        %add3A_399 = arith.addi %iota3A, %add3A_398 : vector<16xi32>
        tpu.vector_store_idx %arg9[%mul3A_7, %add3A_260, %add3A_399], %get3A_396 : memref<1x77x768xf32, #tpu.memory_space<vmem>>[vector<16xi32>, vector<16xi32>, vector<16xi32>], vector<16xf32>,
        %get3A_400 = arith.constant 448 : index
        %get3A_401 = tpu.vector_load %arg7[%get3A_400] {strides = array<i32>} : memref<768xf32, #tpu.memory_space<vmem>>, vector<16xf32>,
        %add3A_402 = arith.constant 448 : i32
        %add3A_403 = vector.broadcast %add3A_402 : i32 to vector<16xi32>
        %add3A_404 = arith.addi %iota3A, %add3A_403 : vector<16xi32>
        tpu.vector_store_idx %arg9[%mul3A_7, %add3A_260, %add3A_404], %get3A_401 : memref<1x77x768xf32, #tpu.memory_space<vmem>>[vector<16xi32>, vector<16xi32>, vector<16xi32>], vector<16xf32>,
        %get3A_405 = arith.constant 464 : index
        %get3A_406 = tpu.vector_load %arg7[%get3A_405] {strides = array<i32>} : memref<768xf32, #tpu.memory_space<vmem>>, vector<16xf32>,
        %add3A_407 = arith.constant 464 : i32
        %add3A_408 = vector.broadcast %add3A_407 : i32 to vector<16xi32>
        %add3A_409 = arith.addi %iota3A, %add3A_408 : vector<16xi32>
        tpu.vector_store_idx %arg9[%mul3A_7, %add3A_260, %add3A_409], %get3A_406 : memref<1x77x768xf32, #tpu.memory_space<vmem>>[vector<16xi32>, vector<16xi32>, vector<16xi32>], vector<16xf32>,
        %get3A_410 = arith.constant 480 : index
        %get3A_411 = tpu.vector_load %arg7[%get3A_410] {strides = array<i32>} : memref<768xf32, #tpu.memory_space<vmem>>, vector<16xf32>,
        %add3A_412 = arith.constant 480 : i32
        %add3A_413 = vector.broadcast %add3A_412 : i32 to vector<16xi32>
        %add3A_414 = arith.addi %iota3A, %add3A_413 : vector<16xi32>
        tpu.vector_store_idx %arg9[%mul3A_7, %add3A_260, %add3A_414], %get3A_411 : memref<1x77x768xf32, #tpu.memory_space<vmem>>[vector<16xi32>, vector<16xi32>, vector<16xi32>], vector<16xf32>,
        %get3A_415 = arith.constant 496 : index
        %get3A_416 = tpu.vector_load %arg7[%get3A_415] {strides = array<i32>} : memref<768xf32, #tpu.memory_space<vmem>>, vector<16xf32>,
        %add3A_417 = arith.constant 496 : i32
        %add3A_418 = vector.broadcast %add3A_417 : i32 to vector<16xi32>
        %add3A_419 = arith.addi %iota3A, %add3A_418 : vector<16xi32>
        tpu.vector_store_idx %arg9[%mul3A_7, %add3A_260, %add3A_419], %get3A_416 : memref<1x77x768xf32, #tpu.memory_space<vmem>>[vector<16xi32>, vector<16xi32>, vector<16xi32>], vector<16xf32>,
        %get3A_420 = arith.constant 512 : index
        %get3A_421 = tpu.vector_load %arg7[%get3A_420] {strides = array<i32>} : memref<768xf32, #tpu.memory_space<vmem>>, vector<16xf32>,
        %add3A_422 = arith.constant 512 : i32
        %add3A_423 = vector.broadcast %add3A_422 : i32 to vector<16xi32>
        %add3A_424 = arith.addi %iota3A, %add3A_423 : vector<16xi32>
        tpu.vector_store_idx %arg9[%mul3A_7, %add3A_260, %add3A_424], %get3A_421 : memref<1x77x768xf32, #tpu.memory_space<vmem>>[vector<16xi32>, vector<16xi32>, vector<16xi32>], vector<16xf32>,
        %get3A_425 = arith.constant 528 : index
        %get3A_426 = tpu.vector_load %arg7[%get3A_425] {strides = array<i32>} : memref<768xf32, #tpu.memory_space<vmem>>, vector<16xf32>,
        %add3A_427 = arith.constant 528 : i32
        %add3A_428 = vector.broadcast %add3A_427 : i32 to vector<16xi32>
        %add3A_429 = arith.addi %iota3A, %add3A_428 : vector<16xi32>
        tpu.vector_store_idx %arg9[%mul3A_7, %add3A_260, %add3A_429], %get3A_426 : memref<1x77x768xf32, #tpu.memory_space<vmem>>[vector<16xi32>, vector<16xi32>, vector<16xi32>], vector<16xf32>,
        %get3A_430 = arith.constant 544 : index
        %get3A_431 = tpu.vector_load %arg7[%get3A_430] {strides = array<i32>} : memref<768xf32, #tpu.memory_space<vmem>>, vector<16xf32>,
        %add3A_432 = arith.constant 544 : i32
        %add3A_433 = vector.broadcast %add3A_432 : i32 to vector<16xi32>
        %add3A_434 = arith.addi %iota3A, %add3A_433 : vector<16xi32>
        tpu.vector_store_idx %arg9[%mul3A_7, %add3A_260, %add3A_434], %get3A_431 : memref<1x77x768xf32, #tpu.memory_space<vmem>>[vector<16xi32>, vector<16xi32>, vector<16xi32>], vector<16xf32>,
        %get3A_435 = arith.constant 560 : index
        %get3A_436 = tpu.vector_load %arg7[%get3A_435] {strides = array<i32>} : memref<768xf32, #tpu.memory_space<vmem>>, vector<16xf32>,
        %add3A_437 = arith.constant 560 : i32
        %add3A_438 = vector.broadcast %add3A_437 : i32 to vector<16xi32>
        %add3A_439 = arith.addi %iota3A, %add3A_438 : vector<16xi32>
        tpu.vector_store_idx %arg9[%mul3A_7, %add3A_260, %add3A_439], %get3A_436 : memref<1x77x768xf32, #tpu.memory_space<vmem>>[vector<16xi32>, vector<16xi32>, vector<16xi32>], vector<16xf32>,
        %get3A_440 = arith.constant 576 : index
        %get3A_441 = tpu.vector_load %arg7[%get3A_440] {strides = array<i32>} : memref<768xf32, #tpu.memory_space<vmem>>, vector<16xf32>,
        %add3A_442 = arith.constant 576 : i32
        %add3A_443 = vector.broadcast %add3A_442 : i32 to vector<16xi32>
        %add3A_444 = arith.addi %iota3A, %add3A_443 : vector<16xi32>
        tpu.vector_store_idx %arg9[%mul3A_7, %add3A_260, %add3A_444], %get3A_441 : memref<1x77x768xf32, #tpu.memory_space<vmem>>[vector<16xi32>, vector<16xi32>, vector<16xi32>], vector<16xf32>,
        %get3A_445 = arith.constant 592 : index
        %get3A_446 = tpu.vector_load %arg7[%get3A_445] {strides = array<i32>} : memref<768xf32, #tpu.memory_space<vmem>>, vector<16xf32>,
        %add3A_447 = arith.constant 592 : i32
        %add3A_448 = vector.broadcast %add3A_447 : i32 to vector<16xi32>
        %add3A_449 = arith.addi %iota3A, %add3A_448 : vector<16xi32>
        tpu.vector_store_idx %arg9[%mul3A_7, %add3A_260, %add3A_449], %get3A_446 : memref<1x77x768xf32, #tpu.memory_space<vmem>>[vector<16xi32>, vector<16xi32>, vector<16xi32>], vector<16xf32>,
        %get3A_450 = arith.constant 608 : index
        %get3A_451 = tpu.vector_load %arg7[%get3A_450] {strides = array<i32>} : memref<768xf32, #tpu.memory_space<vmem>>, vector<16xf32>,
        %add3A_452 = arith.constant 608 : i32
        %add3A_453 = vector.broadcast %add3A_452 : i32 to vector<16xi32>
        %add3A_454 = arith.addi %iota3A, %add3A_453 : vector<16xi32>
        tpu.vector_store_idx %arg9[%mul3A_7, %add3A_260, %add3A_454], %get3A_451 : memref<1x77x768xf32, #tpu.memory_space<vmem>>[vector<16xi32>, vector<16xi32>, vector<16xi32>], vector<16xf32>,
        %get3A_455 = arith.constant 624 : index
        %get3A_456 = tpu.vector_load %arg7[%get3A_455] {strides = array<i32>} : memref<768xf32, #tpu.memory_space<vmem>>, vector<16xf32>,
        %add3A_457 = arith.constant 624 : i32
        %add3A_458 = vector.broadcast %add3A_457 : i32 to vector<16xi32>
        %add3A_459 = arith.addi %iota3A, %add3A_458 : vector<16xi32>
        tpu.vector_store_idx %arg9[%mul3A_7, %add3A_260, %add3A_459], %get3A_456 : memref<1x77x768xf32, #tpu.memory_space<vmem>>[vector<16xi32>, vector<16xi32>, vector<16xi32>], vector<16xf32>,
        %get3A_460 = arith.constant 640 : index
        %get3A_461 = tpu.vector_load %arg7[%get3A_460] {strides = array<i32>} : memref<768xf32, #tpu.memory_space<vmem>>, vector<16xf32>,
        %add3A_462 = arith.constant 640 : i32
        %add3A_463 = vector.broadcast %add3A_462 : i32 to vector<16xi32>
        %add3A_464 = arith.addi %iota3A, %add3A_463 : vector<16xi32>
        tpu.vector_store_idx %arg9[%mul3A_7, %add3A_260, %add3A_464], %get3A_461 : memref<1x77x768xf32, #tpu.memory_space<vmem>>[vector<16xi32>, vector<16xi32>, vector<16xi32>], vector<16xf32>,
        %get3A_465 = arith.constant 656 : index
        %get3A_466 = tpu.vector_load %arg7[%get3A_465] {strides = array<i32>} : memref<768xf32, #tpu.memory_space<vmem>>, vector<16xf32>,
        %add3A_467 = arith.constant 656 : i32
        %add3A_468 = vector.broadcast %add3A_467 : i32 to vector<16xi32>
        %add3A_469 = arith.addi %iota3A, %add3A_468 : vector<16xi32>
        tpu.vector_store_idx %arg9[%mul3A_7, %add3A_260, %add3A_469], %get3A_466 : memref<1x77x768xf32, #tpu.memory_space<vmem>>[vector<16xi32>, vector<16xi32>, vector<16xi32>], vector<16xf32>,
        %get3A_470 = arith.constant 672 : index
        %get3A_471 = tpu.vector_load %arg7[%get3A_470] {strides = array<i32>} : memref<768xf32, #tpu.memory_space<vmem>>, vector<16xf32>,
        %add3A_472 = arith.constant 672 : i32
        %add3A_473 = vector.broadcast %add3A_472 : i32 to vector<16xi32>
        %add3A_474 = arith.addi %iota3A, %add3A_473 : vector<16xi32>
        tpu.vector_store_idx %arg9[%mul3A_7, %add3A_260, %add3A_474], %get3A_471 : memref<1x77x768xf32, #tpu.memory_space<vmem>>[vector<16xi32>, vector<16xi32>, vector<16xi32>], vector<16xf32>,
        %get3A_475 = arith.constant 688 : index
        %get3A_476 = tpu.vector_load %arg7[%get3A_475] {strides = array<i32>} : memref<768xf32, #tpu.memory_space<vmem>>, vector<16xf32>,
        %add3A_477 = arith.constant 688 : i32
        %add3A_478 = vector.broadcast %add3A_477 : i32 to vector<16xi32>
        %add3A_479 = arith.addi %iota3A, %add3A_478 : vector<16xi32>
        tpu.vector_store_idx %arg9[%mul3A_7, %add3A_260, %add3A_479], %get3A_476 : memref<1x77x768xf32, #tpu.memory_space<vmem>>[vector<16xi32>, vector<16xi32>, vector<16xi32>], vector<16xf32>,
        %get3A_480 = arith.constant 704 : index
        %get3A_481 = tpu.vector_load %arg7[%get3A_480] {strides = array<i32>} : memref<768xf32, #tpu.memory_space<vmem>>, vector<16xf32>,
        %add3A_482 = arith.constant 704 : i32
        %add3A_483 = vector.broadcast %add3A_482 : i32 to vector<16xi32>
        %add3A_484 = arith.addi %iota3A, %add3A_483 : vector<16xi32>
        tpu.vector_store_idx %arg9[%mul3A_7, %add3A_260, %add3A_484], %get3A_481 : memref<1x77x768xf32, #tpu.memory_space<vmem>>[vector<16xi32>, vector<16xi32>, vector<16xi32>], vector<16xf32>,
        %get3A_485 = arith.constant 720 : index
        %get3A_486 = tpu.vector_load %arg7[%get3A_485] {strides = array<i32>} : memref<768xf32, #tpu.memory_space<vmem>>, vector<16xf32>,
        %add3A_487 = arith.constant 720 : i32
        %add3A_488 = vector.broadcast %add3A_487 : i32 to vector<16xi32>
        %add3A_489 = arith.addi %iota3A, %add3A_488 : vector<16xi32>
        tpu.vector_store_idx %arg9[%mul3A_7, %add3A_260, %add3A_489], %get3A_486 : memref<1x77x768xf32, #tpu.memory_space<vmem>>[vector<16xi32>, vector<16xi32>, vector<16xi32>], vector<16xf32>,
        %get3A_490 = arith.constant 736 : index
        %get3A_491 = tpu.vector_load %arg7[%get3A_490] {strides = array<i32>} : memref<768xf32, #tpu.memory_space<vmem>>, vector<16xf32>,
        %add3A_492 = arith.constant 736 : i32
        %add3A_493 = vector.broadcast %add3A_492 : i32 to vector<16xi32>
        %add3A_494 = arith.addi %iota3A, %add3A_493 : vector<16xi32>
        tpu.vector_store_idx %arg9[%mul3A_7, %add3A_260, %add3A_494], %get3A_491 : memref<1x77x768xf32, #tpu.memory_space<vmem>>[vector<16xi32>, vector<16xi32>, vector<16xi32>], vector<16xf32>,
        %get3A_495 = arith.constant 752 : index
        %get3A_496 = tpu.vector_load %arg7[%get3A_495] {strides = array<i32>} : memref<768xf32, #tpu.memory_space<vmem>>, vector<16xf32>,
        %add3A_497 = arith.constant 752 : i32
        %add3A_498 = vector.broadcast %add3A_497 : i32 to vector<16xi32>
        %add3A_499 = arith.addi %iota3A, %add3A_498 : vector<16xi32>
        tpu.vector_store_idx %arg9[%mul3A_7, %add3A_260, %add3A_499], %get3A_496 : memref<1x77x768xf32, #tpu.memory_space<vmem>>[vector<16xi32>, vector<16xi32>, vector<16xi32>], vector<16xf32>,
        %jit3A_500 = arith.constant 0 : i32
        %broadcast_in_dim3A_501 = vector.broadcast %jit3A_500 : i32 to vector<16xi32>
        %select_n3A_502 = arith.select %eq3A_255, %broadcast_in_dim3A_501, %while3A_252 : vector<16xi1>, vector<16xi32>
        scf.yield %select_n3A_502 : vector<16xi32>
      }
      %mul3A_196 = arith.constant 77 : i32
      %mul3A_197 = arith.muli %add3A_143, %mul3A_196 : i32
      %add3A_198 = arith.constant 32 : i32
      %add3A_199 = arith.addi %mul3A_197, %add3A_198 : i32
      %add3A_200 = vector.broadcast %add3A_199 : i32 to vector<16xi32>
      %add3A_201 = arith.addi %iota3A, %add3A_200 : vector<16xi32>
      %gather3A_202 = tpu.vector_load_idx %arg6[%add3A_201] : memref<2464xi32, #tpu.memory_space<vmem>>[vector<16xi32>], vector<16xi32>,
      %eq3A_203 = arith.constant 42 : i32
      %eq3A_204 = vector.broadcast %eq3A_203 : i32 to vector<16xi32>
      %eq3A_205 = arith.cmpi eq, %gather3A_202, %eq3A_204 : vector<16xi32>
      %convert_element_type3A_206 = arith.extui %eq3A_205 : vector<16xi1> to vector<16xi32>
      %add3A_207 = arith.constant 32 : i32
      %add3A_208 = vector.broadcast %add3A_207 : i32 to vector<16xi32>
      %add3A_209 = arith.addi %iota3A, %add3A_208 : vector<16xi32>
      %while3A_210 = scf.while (%while3A_252 = %convert_element_type3A_206) : (vector<16xi32>) -> vector<16xi32> {
        %reduce_sum3A = arith.constant true
        %reduce_sum3A_253 = vector.broadcast %reduce_sum3A : i1 to vector<16xi1>
        %reduce_sum3A_254 = tpu.scan <sum>, %while3A_252 masked %reduce_sum3A_253 : vector<16xi32>, vector<16xi1> -> vector<16xi32>
        %reduce_sum3A_255 = vector.extract %reduce_sum3A_254[15] : i32 from vector<16xi32>
        %gt3A = arith.constant 0 : i32
        %gt3A_256 = arith.cmpi sgt, %reduce_sum3A_255, %gt3A : i32
        scf.condition(%gt3A_256) %while3A_252 : vector<16xi32>
      } do {
      ^bb0(%while3A_252: vector<16xi32>):
        %gt3A = arith.constant 0 : i32
        %gt3A_253 = vector.broadcast %gt3A : i32 to vector<16xi32>
        %gt3A_254 = arith.cmpi sgt, %while3A_252, %gt3A_253 : vector<16xi32>
        %all_reduce_ffs3A = tpu.all_reduce %gt3A_254 {dim = 0 : i64, kind = #tpu.reduction_kind<find_first_set>} : vector<16xi1> -> vector<16xi32>
        %eq3A_255 = arith.cmpi eq, %iota3A, %all_reduce_ffs3A : vector<16xi32>
        %jit3A = arith.constant 0 : i32
        %broadcast_in_dim3A = vector.broadcast %jit3A : i32 to vector<16xi32>
        %select_n3A = arith.select %eq3A_255, %add3A_209, %broadcast_in_dim3A : vector<16xi1>, vector<16xi32>
        %reduce_sum3A = arith.constant true
        %reduce_sum3A_256 = vector.broadcast %reduce_sum3A : i1 to vector<16xi1>
        %reduce_sum3A_257 = tpu.scan <sum>, %select_n3A masked %reduce_sum3A_256 : vector<16xi32>, vector<16xi1> -> vector<16xi32>
        %reduce_sum3A_258 = vector.extract %reduce_sum3A_257[15] : i32 from vector<16xi32>
        %add3A_259 = vector.broadcast %reduce_sum3A_258 : i32 to vector<16xi32>
        %add3A_260 = arith.addi %mul3A_7, %add3A_259 : vector<16xi32>
        %get3A = arith.constant 0 : index
        %get3A_261 = tpu.vector_load %arg7[%get3A] {strides = array<i32>} : memref<768xf32, #tpu.memory_space<vmem>>, vector<16xf32>,
        %add3A_262 = arith.constant 0 : i32
        %add3A_263 = vector.broadcast %add3A_262 : i32 to vector<16xi32>
        %add3A_264 = arith.addi %iota3A, %add3A_263 : vector<16xi32>
        tpu.vector_store_idx %arg9[%mul3A_7, %add3A_260, %add3A_264], %get3A_261 : memref<1x77x768xf32, #tpu.memory_space<vmem>>[vector<16xi32>, vector<16xi32>, vector<16xi32>], vector<16xf32>,
        %get3A_265 = arith.constant 16 : index
        %get3A_266 = tpu.vector_load %arg7[%get3A_265] {strides = array<i32>} : memref<768xf32, #tpu.memory_space<vmem>>, vector<16xf32>,
        %add3A_267 = arith.constant 16 : i32
        %add3A_268 = vector.broadcast %add3A_267 : i32 to vector<16xi32>
        %add3A_269 = arith.addi %iota3A, %add3A_268 : vector<16xi32>
        tpu.vector_store_idx %arg9[%mul3A_7, %add3A_260, %add3A_269], %get3A_266 : memref<1x77x768xf32, #tpu.memory_space<vmem>>[vector<16xi32>, vector<16xi32>, vector<16xi32>], vector<16xf32>,
        %get3A_270 = arith.constant 32 : index
        %get3A_271 = tpu.vector_load %arg7[%get3A_270] {strides = array<i32>} : memref<768xf32, #tpu.memory_space<vmem>>, vector<16xf32>,
        %add3A_272 = arith.constant 32 : i32
        %add3A_273 = vector.broadcast %add3A_272 : i32 to vector<16xi32>
        %add3A_274 = arith.addi %iota3A, %add3A_273 : vector<16xi32>
        tpu.vector_store_idx %arg9[%mul3A_7, %add3A_260, %add3A_274], %get3A_271 : memref<1x77x768xf32, #tpu.memory_space<vmem>>[vector<16xi32>, vector<16xi32>, vector<16xi32>], vector<16xf32>,
        %get3A_275 = arith.constant 48 : index
        %get3A_276 = tpu.vector_load %arg7[%get3A_275] {strides = array<i32>} : memref<768xf32, #tpu.memory_space<vmem>>, vector<16xf32>,
        %add3A_277 = arith.constant 48 : i32
        %add3A_278 = vector.broadcast %add3A_277 : i32 to vector<16xi32>
        %add3A_279 = arith.addi %iota3A, %add3A_278 : vector<16xi32>
        tpu.vector_store_idx %arg9[%mul3A_7, %add3A_260, %add3A_279], %get3A_276 : memref<1x77x768xf32, #tpu.memory_space<vmem>>[vector<16xi32>, vector<16xi32>, vector<16xi32>], vector<16xf32>,
        %get3A_280 = arith.constant 64 : index
        %get3A_281 = tpu.vector_load %arg7[%get3A_280] {strides = array<i32>} : memref<768xf32, #tpu.memory_space<vmem>>, vector<16xf32>,
        %add3A_282 = arith.constant 64 : i32
        %add3A_283 = vector.broadcast %add3A_282 : i32 to vector<16xi32>
        %add3A_284 = arith.addi %iota3A, %add3A_283 : vector<16xi32>
        tpu.vector_store_idx %arg9[%mul3A_7, %add3A_260, %add3A_284], %get3A_281 : memref<1x77x768xf32, #tpu.memory_space<vmem>>[vector<16xi32>, vector<16xi32>, vector<16xi32>], vector<16xf32>,
        %get3A_285 = arith.constant 80 : index
        %get3A_286 = tpu.vector_load %arg7[%get3A_285] {strides = array<i32>} : memref<768xf32, #tpu.memory_space<vmem>>, vector<16xf32>,
        %add3A_287 = arith.constant 80 : i32
        %add3A_288 = vector.broadcast %add3A_287 : i32 to vector<16xi32>
        %add3A_289 = arith.addi %iota3A, %add3A_288 : vector<16xi32>
        tpu.vector_store_idx %arg9[%mul3A_7, %add3A_260, %add3A_289], %get3A_286 : memref<1x77x768xf32, #tpu.memory_space<vmem>>[vector<16xi32>, vector<16xi32>, vector<16xi32>], vector<16xf32>,
        %get3A_290 = arith.constant 96 : index
        %get3A_291 = tpu.vector_load %arg7[%get3A_290] {strides = array<i32>} : memref<768xf32, #tpu.memory_space<vmem>>, vector<16xf32>,
        %add3A_292 = arith.constant 96 : i32
        %add3A_293 = vector.broadcast %add3A_292 : i32 to vector<16xi32>
        %add3A_294 = arith.addi %iota3A, %add3A_293 : vector<16xi32>
        tpu.vector_store_idx %arg9[%mul3A_7, %add3A_260, %add3A_294], %get3A_291 : memref<1x77x768xf32, #tpu.memory_space<vmem>>[vector<16xi32>, vector<16xi32>, vector<16xi32>], vector<16xf32>,
        %get3A_295 = arith.constant 112 : index
        %get3A_296 = tpu.vector_load %arg7[%get3A_295] {strides = array<i32>} : memref<768xf32, #tpu.memory_space<vmem>>, vector<16xf32>,
        %add3A_297 = arith.constant 112 : i32
        %add3A_298 = vector.broadcast %add3A_297 : i32 to vector<16xi32>
        %add3A_299 = arith.addi %iota3A, %add3A_298 : vector<16xi32>
        tpu.vector_store_idx %arg9[%mul3A_7, %add3A_260, %add3A_299], %get3A_296 : memref<1x77x768xf32, #tpu.memory_space<vmem>>[vector<16xi32>, vector<16xi32>, vector<16xi32>], vector<16xf32>,
        %get3A_300 = arith.constant 128 : index
        %get3A_301 = tpu.vector_load %arg7[%get3A_300] {strides = array<i32>} : memref<768xf32, #tpu.memory_space<vmem>>, vector<16xf32>,
        %add3A_302 = arith.constant 128 : i32
        %add3A_303 = vector.broadcast %add3A_302 : i32 to vector<16xi32>
        %add3A_304 = arith.addi %iota3A, %add3A_303 : vector<16xi32>
        tpu.vector_store_idx %arg9[%mul3A_7, %add3A_260, %add3A_304], %get3A_301 : memref<1x77x768xf32, #tpu.memory_space<vmem>>[vector<16xi32>, vector<16xi32>, vector<16xi32>], vector<16xf32>,
        %get3A_305 = arith.constant 144 : index
        %get3A_306 = tpu.vector_load %arg7[%get3A_305] {strides = array<i32>} : memref<768xf32, #tpu.memory_space<vmem>>, vector<16xf32>,
        %add3A_307 = arith.constant 144 : i32
        %add3A_308 = vector.broadcast %add3A_307 : i32 to vector<16xi32>
        %add3A_309 = arith.addi %iota3A, %add3A_308 : vector<16xi32>
        tpu.vector_store_idx %arg9[%mul3A_7, %add3A_260, %add3A_309], %get3A_306 : memref<1x77x768xf32, #tpu.memory_space<vmem>>[vector<16xi32>, vector<16xi32>, vector<16xi32>], vector<16xf32>,
        %get3A_310 = arith.constant 160 : index
        %get3A_311 = tpu.vector_load %arg7[%get3A_310] {strides = array<i32>} : memref<768xf32, #tpu.memory_space<vmem>>, vector<16xf32>,
        %add3A_312 = arith.constant 160 : i32
        %add3A_313 = vector.broadcast %add3A_312 : i32 to vector<16xi32>
        %add3A_314 = arith.addi %iota3A, %add3A_313 : vector<16xi32>
        tpu.vector_store_idx %arg9[%mul3A_7, %add3A_260, %add3A_314], %get3A_311 : memref<1x77x768xf32, #tpu.memory_space<vmem>>[vector<16xi32>, vector<16xi32>, vector<16xi32>], vector<16xf32>,
        %get3A_315 = arith.constant 176 : index
        %get3A_316 = tpu.vector_load %arg7[%get3A_315] {strides = array<i32>} : memref<768xf32, #tpu.memory_space<vmem>>, vector<16xf32>,
        %add3A_317 = arith.constant 176 : i32
        %add3A_318 = vector.broadcast %add3A_317 : i32 to vector<16xi32>
        %add3A_319 = arith.addi %iota3A, %add3A_318 : vector<16xi32>
        tpu.vector_store_idx %arg9[%mul3A_7, %add3A_260, %add3A_319], %get3A_316 : memref<1x77x768xf32, #tpu.memory_space<vmem>>[vector<16xi32>, vector<16xi32>, vector<16xi32>], vector<16xf32>,
        %get3A_320 = arith.constant 192 : index
        %get3A_321 = tpu.vector_load %arg7[%get3A_320] {strides = array<i32>} : memref<768xf32, #tpu.memory_space<vmem>>, vector<16xf32>,
        %add3A_322 = arith.constant 192 : i32
        %add3A_323 = vector.broadcast %add3A_322 : i32 to vector<16xi32>
        %add3A_324 = arith.addi %iota3A, %add3A_323 : vector<16xi32>
        tpu.vector_store_idx %arg9[%mul3A_7, %add3A_260, %add3A_324], %get3A_321 : memref<1x77x768xf32, #tpu.memory_space<vmem>>[vector<16xi32>, vector<16xi32>, vector<16xi32>], vector<16xf32>,
        %get3A_325 = arith.constant 208 : index
        %get3A_326 = tpu.vector_load %arg7[%get3A_325] {strides = array<i32>} : memref<768xf32, #tpu.memory_space<vmem>>, vector<16xf32>,
        %add3A_327 = arith.constant 208 : i32
        %add3A_328 = vector.broadcast %add3A_327 : i32 to vector<16xi32>
        %add3A_329 = arith.addi %iota3A, %add3A_328 : vector<16xi32>
        tpu.vector_store_idx %arg9[%mul3A_7, %add3A_260, %add3A_329], %get3A_326 : memref<1x77x768xf32, #tpu.memory_space<vmem>>[vector<16xi32>, vector<16xi32>, vector<16xi32>], vector<16xf32>,
        %get3A_330 = arith.constant 224 : index
        %get3A_331 = tpu.vector_load %arg7[%get3A_330] {strides = array<i32>} : memref<768xf32, #tpu.memory_space<vmem>>, vector<16xf32>,
        %add3A_332 = arith.constant 224 : i32
        %add3A_333 = vector.broadcast %add3A_332 : i32 to vector<16xi32>
        %add3A_334 = arith.addi %iota3A, %add3A_333 : vector<16xi32>
        tpu.vector_store_idx %arg9[%mul3A_7, %add3A_260, %add3A_334], %get3A_331 : memref<1x77x768xf32, #tpu.memory_space<vmem>>[vector<16xi32>, vector<16xi32>, vector<16xi32>], vector<16xf32>,
        %get3A_335 = arith.constant 240 : index
        %get3A_336 = tpu.vector_load %arg7[%get3A_335] {strides = array<i32>} : memref<768xf32, #tpu.memory_space<vmem>>, vector<16xf32>,
        %add3A_337 = arith.constant 240 : i32
        %add3A_338 = vector.broadcast %add3A_337 : i32 to vector<16xi32>
        %add3A_339 = arith.addi %iota3A, %add3A_338 : vector<16xi32>
        tpu.vector_store_idx %arg9[%mul3A_7, %add3A_260, %add3A_339], %get3A_336 : memref<1x77x768xf32, #tpu.memory_space<vmem>>[vector<16xi32>, vector<16xi32>, vector<16xi32>], vector<16xf32>,
        %get3A_340 = arith.constant 256 : index
        %get3A_341 = tpu.vector_load %arg7[%get3A_340] {strides = array<i32>} : memref<768xf32, #tpu.memory_space<vmem>>, vector<16xf32>,
        %add3A_342 = arith.constant 256 : i32
        %add3A_343 = vector.broadcast %add3A_342 : i32 to vector<16xi32>
        %add3A_344 = arith.addi %iota3A, %add3A_343 : vector<16xi32>
        tpu.vector_store_idx %arg9[%mul3A_7, %add3A_260, %add3A_344], %get3A_341 : memref<1x77x768xf32, #tpu.memory_space<vmem>>[vector<16xi32>, vector<16xi32>, vector<16xi32>], vector<16xf32>,
        %get3A_345 = arith.constant 272 : index
        %get3A_346 = tpu.vector_load %arg7[%get3A_345] {strides = array<i32>} : memref<768xf32, #tpu.memory_space<vmem>>, vector<16xf32>,
        %add3A_347 = arith.constant 272 : i32
        %add3A_348 = vector.broadcast %add3A_347 : i32 to vector<16xi32>
        %add3A_349 = arith.addi %iota3A, %add3A_348 : vector<16xi32>
        tpu.vector_store_idx %arg9[%mul3A_7, %add3A_260, %add3A_349], %get3A_346 : memref<1x77x768xf32, #tpu.memory_space<vmem>>[vector<16xi32>, vector<16xi32>, vector<16xi32>], vector<16xf32>,
        %get3A_350 = arith.constant 288 : index
        %get3A_351 = tpu.vector_load %arg7[%get3A_350] {strides = array<i32>} : memref<768xf32, #tpu.memory_space<vmem>>, vector<16xf32>,
        %add3A_352 = arith.constant 288 : i32
        %add3A_353 = vector.broadcast %add3A_352 : i32 to vector<16xi32>
        %add3A_354 = arith.addi %iota3A, %add3A_353 : vector<16xi32>
        tpu.vector_store_idx %arg9[%mul3A_7, %add3A_260, %add3A_354], %get3A_351 : memref<1x77x768xf32, #tpu.memory_space<vmem>>[vector<16xi32>, vector<16xi32>, vector<16xi32>], vector<16xf32>,
        %get3A_355 = arith.constant 304 : index
        %get3A_356 = tpu.vector_load %arg7[%get3A_355] {strides = array<i32>} : memref<768xf32, #tpu.memory_space<vmem>>, vector<16xf32>,
        %add3A_357 = arith.constant 304 : i32
        %add3A_358 = vector.broadcast %add3A_357 : i32 to vector<16xi32>
        %add3A_359 = arith.addi %iota3A, %add3A_358 : vector<16xi32>
        tpu.vector_store_idx %arg9[%mul3A_7, %add3A_260, %add3A_359], %get3A_356 : memref<1x77x768xf32, #tpu.memory_space<vmem>>[vector<16xi32>, vector<16xi32>, vector<16xi32>], vector<16xf32>,
        %get3A_360 = arith.constant 320 : index
        %get3A_361 = tpu.vector_load %arg7[%get3A_360] {strides = array<i32>} : memref<768xf32, #tpu.memory_space<vmem>>, vector<16xf32>,
        %add3A_362 = arith.constant 320 : i32
        %add3A_363 = vector.broadcast %add3A_362 : i32 to vector<16xi32>
        %add3A_364 = arith.addi %iota3A, %add3A_363 : vector<16xi32>
        tpu.vector_store_idx %arg9[%mul3A_7, %add3A_260, %add3A_364], %get3A_361 : memref<1x77x768xf32, #tpu.memory_space<vmem>>[vector<16xi32>, vector<16xi32>, vector<16xi32>], vector<16xf32>,
        %get3A_365 = arith.constant 336 : index
        %get3A_366 = tpu.vector_load %arg7[%get3A_365] {strides = array<i32>} : memref<768xf32, #tpu.memory_space<vmem>>, vector<16xf32>,
        %add3A_367 = arith.constant 336 : i32
        %add3A_368 = vector.broadcast %add3A_367 : i32 to vector<16xi32>
        %add3A_369 = arith.addi %iota3A, %add3A_368 : vector<16xi32>
        tpu.vector_store_idx %arg9[%mul3A_7, %add3A_260, %add3A_369], %get3A_366 : memref<1x77x768xf32, #tpu.memory_space<vmem>>[vector<16xi32>, vector<16xi32>, vector<16xi32>], vector<16xf32>,
        %get3A_370 = arith.constant 352 : index
        %get3A_371 = tpu.vector_load %arg7[%get3A_370] {strides = array<i32>} : memref<768xf32, #tpu.memory_space<vmem>>, vector<16xf32>,
        %add3A_372 = arith.constant 352 : i32
        %add3A_373 = vector.broadcast %add3A_372 : i32 to vector<16xi32>
        %add3A_374 = arith.addi %iota3A, %add3A_373 : vector<16xi32>
        tpu.vector_store_idx %arg9[%mul3A_7, %add3A_260, %add3A_374], %get3A_371 : memref<1x77x768xf32, #tpu.memory_space<vmem>>[vector<16xi32>, vector<16xi32>, vector<16xi32>], vector<16xf32>,
        %get3A_375 = arith.constant 368 : index
        %get3A_376 = tpu.vector_load %arg7[%get3A_375] {strides = array<i32>} : memref<768xf32, #tpu.memory_space<vmem>>, vector<16xf32>,
        %add3A_377 = arith.constant 368 : i32
        %add3A_378 = vector.broadcast %add3A_377 : i32 to vector<16xi32>
        %add3A_379 = arith.addi %iota3A, %add3A_378 : vector<16xi32>
        tpu.vector_store_idx %arg9[%mul3A_7, %add3A_260, %add3A_379], %get3A_376 : memref<1x77x768xf32, #tpu.memory_space<vmem>>[vector<16xi32>, vector<16xi32>, vector<16xi32>], vector<16xf32>,
        %get3A_380 = arith.constant 384 : index
        %get3A_381 = tpu.vector_load %arg7[%get3A_380] {strides = array<i32>} : memref<768xf32, #tpu.memory_space<vmem>>, vector<16xf32>,
        %add3A_382 = arith.constant 384 : i32
        %add3A_383 = vector.broadcast %add3A_382 : i32 to vector<16xi32>
        %add3A_384 = arith.addi %iota3A, %add3A_383 : vector<16xi32>
        tpu.vector_store_idx %arg9[%mul3A_7, %add3A_260, %add3A_384], %get3A_381 : memref<1x77x768xf32, #tpu.memory_space<vmem>>[vector<16xi32>, vector<16xi32>, vector<16xi32>], vector<16xf32>,
        %get3A_385 = arith.constant 400 : index
        %get3A_386 = tpu.vector_load %arg7[%get3A_385] {strides = array<i32>} : memref<768xf32, #tpu.memory_space<vmem>>, vector<16xf32>,
        %add3A_387 = arith.constant 400 : i32
        %add3A_388 = vector.broadcast %add3A_387 : i32 to vector<16xi32>
        %add3A_389 = arith.addi %iota3A, %add3A_388 : vector<16xi32>
        tpu.vector_store_idx %arg9[%mul3A_7, %add3A_260, %add3A_389], %get3A_386 : memref<1x77x768xf32, #tpu.memory_space<vmem>>[vector<16xi32>, vector<16xi32>, vector<16xi32>], vector<16xf32>,
        %get3A_390 = arith.constant 416 : index
        %get3A_391 = tpu.vector_load %arg7[%get3A_390] {strides = array<i32>} : memref<768xf32, #tpu.memory_space<vmem>>, vector<16xf32>,
        %add3A_392 = arith.constant 416 : i32
        %add3A_393 = vector.broadcast %add3A_392 : i32 to vector<16xi32>
        %add3A_394 = arith.addi %iota3A, %add3A_393 : vector<16xi32>
        tpu.vector_store_idx %arg9[%mul3A_7, %add3A_260, %add3A_394], %get3A_391 : memref<1x77x768xf32, #tpu.memory_space<vmem>>[vector<16xi32>, vector<16xi32>, vector<16xi32>], vector<16xf32>,
        %get3A_395 = arith.constant 432 : index
        %get3A_396 = tpu.vector_load %arg7[%get3A_395] {strides = array<i32>} : memref<768xf32, #tpu.memory_space<vmem>>, vector<16xf32>,
        %add3A_397 = arith.constant 432 : i32
        %add3A_398 = vector.broadcast %add3A_397 : i32 to vector<16xi32>
        %add3A_399 = arith.addi %iota3A, %add3A_398 : vector<16xi32>
        tpu.vector_store_idx %arg9[%mul3A_7, %add3A_260, %add3A_399], %get3A_396 : memref<1x77x768xf32, #tpu.memory_space<vmem>>[vector<16xi32>, vector<16xi32>, vector<16xi32>], vector<16xf32>,
        %get3A_400 = arith.constant 448 : index
        %get3A_401 = tpu.vector_load %arg7[%get3A_400] {strides = array<i32>} : memref<768xf32, #tpu.memory_space<vmem>>, vector<16xf32>,
        %add3A_402 = arith.constant 448 : i32
        %add3A_403 = vector.broadcast %add3A_402 : i32 to vector<16xi32>
        %add3A_404 = arith.addi %iota3A, %add3A_403 : vector<16xi32>
        tpu.vector_store_idx %arg9[%mul3A_7, %add3A_260, %add3A_404], %get3A_401 : memref<1x77x768xf32, #tpu.memory_space<vmem>>[vector<16xi32>, vector<16xi32>, vector<16xi32>], vector<16xf32>,
        %get3A_405 = arith.constant 464 : index
        %get3A_406 = tpu.vector_load %arg7[%get3A_405] {strides = array<i32>} : memref<768xf32, #tpu.memory_space<vmem>>, vector<16xf32>,
        %add3A_407 = arith.constant 464 : i32
        %add3A_408 = vector.broadcast %add3A_407 : i32 to vector<16xi32>
        %add3A_409 = arith.addi %iota3A, %add3A_408 : vector<16xi32>
        tpu.vector_store_idx %arg9[%mul3A_7, %add3A_260, %add3A_409], %get3A_406 : memref<1x77x768xf32, #tpu.memory_space<vmem>>[vector<16xi32>, vector<16xi32>, vector<16xi32>], vector<16xf32>,
        %get3A_410 = arith.constant 480 : index
        %get3A_411 = tpu.vector_load %arg7[%get3A_410] {strides = array<i32>} : memref<768xf32, #tpu.memory_space<vmem>>, vector<16xf32>,
        %add3A_412 = arith.constant 480 : i32
        %add3A_413 = vector.broadcast %add3A_412 : i32 to vector<16xi32>
        %add3A_414 = arith.addi %iota3A, %add3A_413 : vector<16xi32>
        tpu.vector_store_idx %arg9[%mul3A_7, %add3A_260, %add3A_414], %get3A_411 : memref<1x77x768xf32, #tpu.memory_space<vmem>>[vector<16xi32>, vector<16xi32>, vector<16xi32>], vector<16xf32>,
        %get3A_415 = arith.constant 496 : index
        %get3A_416 = tpu.vector_load %arg7[%get3A_415] {strides = array<i32>} : memref<768xf32, #tpu.memory_space<vmem>>, vector<16xf32>,
        %add3A_417 = arith.constant 496 : i32
        %add3A_418 = vector.broadcast %add3A_417 : i32 to vector<16xi32>
        %add3A_419 = arith.addi %iota3A, %add3A_418 : vector<16xi32>
        tpu.vector_store_idx %arg9[%mul3A_7, %add3A_260, %add3A_419], %get3A_416 : memref<1x77x768xf32, #tpu.memory_space<vmem>>[vector<16xi32>, vector<16xi32>, vector<16xi32>], vector<16xf32>,
        %get3A_420 = arith.constant 512 : index
        %get3A_421 = tpu.vector_load %arg7[%get3A_420] {strides = array<i32>} : memref<768xf32, #tpu.memory_space<vmem>>, vector<16xf32>,
        %add3A_422 = arith.constant 512 : i32
        %add3A_423 = vector.broadcast %add3A_422 : i32 to vector<16xi32>
        %add3A_424 = arith.addi %iota3A, %add3A_423 : vector<16xi32>
        tpu.vector_store_idx %arg9[%mul3A_7, %add3A_260, %add3A_424], %get3A_421 : memref<1x77x768xf32, #tpu.memory_space<vmem>>[vector<16xi32>, vector<16xi32>, vector<16xi32>], vector<16xf32>,
        %get3A_425 = arith.constant 528 : index
        %get3A_426 = tpu.vector_load %arg7[%get3A_425] {strides = array<i32>} : memref<768xf32, #tpu.memory_space<vmem>>, vector<16xf32>,
        %add3A_427 = arith.constant 528 : i32
        %add3A_428 = vector.broadcast %add3A_427 : i32 to vector<16xi32>
        %add3A_429 = arith.addi %iota3A, %add3A_428 : vector<16xi32>
        tpu.vector_store_idx %arg9[%mul3A_7, %add3A_260, %add3A_429], %get3A_426 : memref<1x77x768xf32, #tpu.memory_space<vmem>>[vector<16xi32>, vector<16xi32>, vector<16xi32>], vector<16xf32>,
        %get3A_430 = arith.constant 544 : index
        %get3A_431 = tpu.vector_load %arg7[%get3A_430] {strides = array<i32>} : memref<768xf32, #tpu.memory_space<vmem>>, vector<16xf32>,
        %add3A_432 = arith.constant 544 : i32
        %add3A_433 = vector.broadcast %add3A_432 : i32 to vector<16xi32>
        %add3A_434 = arith.addi %iota3A, %add3A_433 : vector<16xi32>
        tpu.vector_store_idx %arg9[%mul3A_7, %add3A_260, %add3A_434], %get3A_431 : memref<1x77x768xf32, #tpu.memory_space<vmem>>[vector<16xi32>, vector<16xi32>, vector<16xi32>], vector<16xf32>,
        %get3A_435 = arith.constant 560 : index
        %get3A_436 = tpu.vector_load %arg7[%get3A_435] {strides = array<i32>} : memref<768xf32, #tpu.memory_space<vmem>>, vector<16xf32>,
        %add3A_437 = arith.constant 560 : i32
        %add3A_438 = vector.broadcast %add3A_437 : i32 to vector<16xi32>
        %add3A_439 = arith.addi %iota3A, %add3A_438 : vector<16xi32>
        tpu.vector_store_idx %arg9[%mul3A_7, %add3A_260, %add3A_439], %get3A_436 : memref<1x77x768xf32, #tpu.memory_space<vmem>>[vector<16xi32>, vector<16xi32>, vector<16xi32>], vector<16xf32>,
        %get3A_440 = arith.constant 576 : index
        %get3A_441 = tpu.vector_load %arg7[%get3A_440] {strides = array<i32>} : memref<768xf32, #tpu.memory_space<vmem>>, vector<16xf32>,
        %add3A_442 = arith.constant 576 : i32
        %add3A_443 = vector.broadcast %add3A_442 : i32 to vector<16xi32>
        %add3A_444 = arith.addi %iota3A, %add3A_443 : vector<16xi32>
        tpu.vector_store_idx %arg9[%mul3A_7, %add3A_260, %add3A_444], %get3A_441 : memref<1x77x768xf32, #tpu.memory_space<vmem>>[vector<16xi32>, vector<16xi32>, vector<16xi32>], vector<16xf32>,
        %get3A_445 = arith.constant 592 : index
        %get3A_446 = tpu.vector_load %arg7[%get3A_445] {strides = array<i32>} : memref<768xf32, #tpu.memory_space<vmem>>, vector<16xf32>,
        %add3A_447 = arith.constant 592 : i32
        %add3A_448 = vector.broadcast %add3A_447 : i32 to vector<16xi32>
        %add3A_449 = arith.addi %iota3A, %add3A_448 : vector<16xi32>
        tpu.vector_store_idx %arg9[%mul3A_7, %add3A_260, %add3A_449], %get3A_446 : memref<1x77x768xf32, #tpu.memory_space<vmem>>[vector<16xi32>, vector<16xi32>, vector<16xi32>], vector<16xf32>,
        %get3A_450 = arith.constant 608 : index
        %get3A_451 = tpu.vector_load %arg7[%get3A_450] {strides = array<i32>} : memref<768xf32, #tpu.memory_space<vmem>>, vector<16xf32>,
        %add3A_452 = arith.constant 608 : i32
        %add3A_453 = vector.broadcast %add3A_452 : i32 to vector<16xi32>
        %add3A_454 = arith.addi %iota3A, %add3A_453 : vector<16xi32>
        tpu.vector_store_idx %arg9[%mul3A_7, %add3A_260, %add3A_454], %get3A_451 : memref<1x77x768xf32, #tpu.memory_space<vmem>>[vector<16xi32>, vector<16xi32>, vector<16xi32>], vector<16xf32>,
        %get3A_455 = arith.constant 624 : index
        %get3A_456 = tpu.vector_load %arg7[%get3A_455] {strides = array<i32>} : memref<768xf32, #tpu.memory_space<vmem>>, vector<16xf32>,
        %add3A_457 = arith.constant 624 : i32
        %add3A_458 = vector.broadcast %add3A_457 : i32 to vector<16xi32>
        %add3A_459 = arith.addi %iota3A, %add3A_458 : vector<16xi32>
        tpu.vector_store_idx %arg9[%mul3A_7, %add3A_260, %add3A_459], %get3A_456 : memref<1x77x768xf32, #tpu.memory_space<vmem>>[vector<16xi32>, vector<16xi32>, vector<16xi32>], vector<16xf32>,
        %get3A_460 = arith.constant 640 : index
        %get3A_461 = tpu.vector_load %arg7[%get3A_460] {strides = array<i32>} : memref<768xf32, #tpu.memory_space<vmem>>, vector<16xf32>,
        %add3A_462 = arith.constant 640 : i32
        %add3A_463 = vector.broadcast %add3A_462 : i32 to vector<16xi32>
        %add3A_464 = arith.addi %iota3A, %add3A_463 : vector<16xi32>
        tpu.vector_store_idx %arg9[%mul3A_7, %add3A_260, %add3A_464], %get3A_461 : memref<1x77x768xf32, #tpu.memory_space<vmem>>[vector<16xi32>, vector<16xi32>, vector<16xi32>], vector<16xf32>,
        %get3A_465 = arith.constant 656 : index
        %get3A_466 = tpu.vector_load %arg7[%get3A_465] {strides = array<i32>} : memref<768xf32, #tpu.memory_space<vmem>>, vector<16xf32>,
        %add3A_467 = arith.constant 656 : i32
        %add3A_468 = vector.broadcast %add3A_467 : i32 to vector<16xi32>
        %add3A_469 = arith.addi %iota3A, %add3A_468 : vector<16xi32>
        tpu.vector_store_idx %arg9[%mul3A_7, %add3A_260, %add3A_469], %get3A_466 : memref<1x77x768xf32, #tpu.memory_space<vmem>>[vector<16xi32>, vector<16xi32>, vector<16xi32>], vector<16xf32>,
        %get3A_470 = arith.constant 672 : index
        %get3A_471 = tpu.vector_load %arg7[%get3A_470] {strides = array<i32>} : memref<768xf32, #tpu.memory_space<vmem>>, vector<16xf32>,
        %add3A_472 = arith.constant 672 : i32
        %add3A_473 = vector.broadcast %add3A_472 : i32 to vector<16xi32>
        %add3A_474 = arith.addi %iota3A, %add3A_473 : vector<16xi32>
        tpu.vector_store_idx %arg9[%mul3A_7, %add3A_260, %add3A_474], %get3A_471 : memref<1x77x768xf32, #tpu.memory_space<vmem>>[vector<16xi32>, vector<16xi32>, vector<16xi32>], vector<16xf32>,
        %get3A_475 = arith.constant 688 : index
        %get3A_476 = tpu.vector_load %arg7[%get3A_475] {strides = array<i32>} : memref<768xf32, #tpu.memory_space<vmem>>, vector<16xf32>,
        %add3A_477 = arith.constant 688 : i32
        %add3A_478 = vector.broadcast %add3A_477 : i32 to vector<16xi32>
        %add3A_479 = arith.addi %iota3A, %add3A_478 : vector<16xi32>
        tpu.vector_store_idx %arg9[%mul3A_7, %add3A_260, %add3A_479], %get3A_476 : memref<1x77x768xf32, #tpu.memory_space<vmem>>[vector<16xi32>, vector<16xi32>, vector<16xi32>], vector<16xf32>,
        %get3A_480 = arith.constant 704 : index
        %get3A_481 = tpu.vector_load %arg7[%get3A_480] {strides = array<i32>} : memref<768xf32, #tpu.memory_space<vmem>>, vector<16xf32>,
        %add3A_482 = arith.constant 704 : i32
        %add3A_483 = vector.broadcast %add3A_482 : i32 to vector<16xi32>
        %add3A_484 = arith.addi %iota3A, %add3A_483 : vector<16xi32>
        tpu.vector_store_idx %arg9[%mul3A_7, %add3A_260, %add3A_484], %get3A_481 : memref<1x77x768xf32, #tpu.memory_space<vmem>>[vector<16xi32>, vector<16xi32>, vector<16xi32>], vector<16xf32>,
        %get3A_485 = arith.constant 720 : index
        %get3A_486 = tpu.vector_load %arg7[%get3A_485] {strides = array<i32>} : memref<768xf32, #tpu.memory_space<vmem>>, vector<16xf32>,
        %add3A_487 = arith.constant 720 : i32
        %add3A_488 = vector.broadcast %add3A_487 : i32 to vector<16xi32>
        %add3A_489 = arith.addi %iota3A, %add3A_488 : vector<16xi32>
        tpu.vector_store_idx %arg9[%mul3A_7, %add3A_260, %add3A_489], %get3A_486 : memref<1x77x768xf32, #tpu.memory_space<vmem>>[vector<16xi32>, vector<16xi32>, vector<16xi32>], vector<16xf32>,
        %get3A_490 = arith.constant 736 : index
        %get3A_491 = tpu.vector_load %arg7[%get3A_490] {strides = array<i32>} : memref<768xf32, #tpu.memory_space<vmem>>, vector<16xf32>,
        %add3A_492 = arith.constant 736 : i32
        %add3A_493 = vector.broadcast %add3A_492 : i32 to vector<16xi32>
        %add3A_494 = arith.addi %iota3A, %add3A_493 : vector<16xi32>
        tpu.vector_store_idx %arg9[%mul3A_7, %add3A_260, %add3A_494], %get3A_491 : memref<1x77x768xf32, #tpu.memory_space<vmem>>[vector<16xi32>, vector<16xi32>, vector<16xi32>], vector<16xf32>,
        %get3A_495 = arith.constant 752 : index
        %get3A_496 = tpu.vector_load %arg7[%get3A_495] {strides = array<i32>} : memref<768xf32, #tpu.memory_space<vmem>>, vector<16xf32>,
        %add3A_497 = arith.constant 752 : i32
        %add3A_498 = vector.broadcast %add3A_497 : i32 to vector<16xi32>
        %add3A_499 = arith.addi %iota3A, %add3A_498 : vector<16xi32>
        tpu.vector_store_idx %arg9[%mul3A_7, %add3A_260, %add3A_499], %get3A_496 : memref<1x77x768xf32, #tpu.memory_space<vmem>>[vector<16xi32>, vector<16xi32>, vector<16xi32>], vector<16xf32>,
        %jit3A_500 = arith.constant 0 : i32
        %broadcast_in_dim3A_501 = vector.broadcast %jit3A_500 : i32 to vector<16xi32>
        %select_n3A_502 = arith.select %eq3A_255, %broadcast_in_dim3A_501, %while3A_252 : vector<16xi1>, vector<16xi32>
        scf.yield %select_n3A_502 : vector<16xi32>
      }
      %mul3A_211 = arith.constant 77 : i32
      %mul3A_212 = arith.muli %add3A_143, %mul3A_211 : i32
      %add3A_213 = arith.constant 48 : i32
      %add3A_214 = arith.addi %mul3A_212, %add3A_213 : i32
      %add3A_215 = vector.broadcast %add3A_214 : i32 to vector<16xi32>
      %add3A_216 = arith.addi %iota3A, %add3A_215 : vector<16xi32>
      %gather3A_217 = tpu.vector_load_idx %arg6[%add3A_216] : memref<2464xi32, #tpu.memory_space<vmem>>[vector<16xi32>], vector<16xi32>,
      %eq3A_218 = arith.constant 42 : i32
      %eq3A_219 = vector.broadcast %eq3A_218 : i32 to vector<16xi32>
      %eq3A_220 = arith.cmpi eq, %gather3A_217, %eq3A_219 : vector<16xi32>
      %convert_element_type3A_221 = arith.extui %eq3A_220 : vector<16xi1> to vector<16xi32>
      %add3A_222 = arith.constant 48 : i32
      %add3A_223 = vector.broadcast %add3A_222 : i32 to vector<16xi32>
      %add3A_224 = arith.addi %iota3A, %add3A_223 : vector<16xi32>
      %while3A_225 = scf.while (%while3A_252 = %convert_element_type3A_221) : (vector<16xi32>) -> vector<16xi32> {
        %reduce_sum3A = arith.constant true
        %reduce_sum3A_253 = vector.broadcast %reduce_sum3A : i1 to vector<16xi1>
        %reduce_sum3A_254 = tpu.scan <sum>, %while3A_252 masked %reduce_sum3A_253 : vector<16xi32>, vector<16xi1> -> vector<16xi32>
        %reduce_sum3A_255 = vector.extract %reduce_sum3A_254[15] : i32 from vector<16xi32>
        %gt3A = arith.constant 0 : i32
        %gt3A_256 = arith.cmpi sgt, %reduce_sum3A_255, %gt3A : i32
        scf.condition(%gt3A_256) %while3A_252 : vector<16xi32>
      } do {
      ^bb0(%while3A_252: vector<16xi32>):
        %gt3A = arith.constant 0 : i32
        %gt3A_253 = vector.broadcast %gt3A : i32 to vector<16xi32>
        %gt3A_254 = arith.cmpi sgt, %while3A_252, %gt3A_253 : vector<16xi32>
        %all_reduce_ffs3A = tpu.all_reduce %gt3A_254 {dim = 0 : i64, kind = #tpu.reduction_kind<find_first_set>} : vector<16xi1> -> vector<16xi32>
        %eq3A_255 = arith.cmpi eq, %iota3A, %all_reduce_ffs3A : vector<16xi32>
        %jit3A = arith.constant 0 : i32
        %broadcast_in_dim3A = vector.broadcast %jit3A : i32 to vector<16xi32>
        %select_n3A = arith.select %eq3A_255, %add3A_224, %broadcast_in_dim3A : vector<16xi1>, vector<16xi32>
        %reduce_sum3A = arith.constant true
        %reduce_sum3A_256 = vector.broadcast %reduce_sum3A : i1 to vector<16xi1>
        %reduce_sum3A_257 = tpu.scan <sum>, %select_n3A masked %reduce_sum3A_256 : vector<16xi32>, vector<16xi1> -> vector<16xi32>
        %reduce_sum3A_258 = vector.extract %reduce_sum3A_257[15] : i32 from vector<16xi32>
        %add3A_259 = vector.broadcast %reduce_sum3A_258 : i32 to vector<16xi32>
        %add3A_260 = arith.addi %mul3A_7, %add3A_259 : vector<16xi32>
        %get3A = arith.constant 0 : index
        %get3A_261 = tpu.vector_load %arg7[%get3A] {strides = array<i32>} : memref<768xf32, #tpu.memory_space<vmem>>, vector<16xf32>,
        %add3A_262 = arith.constant 0 : i32
        %add3A_263 = vector.broadcast %add3A_262 : i32 to vector<16xi32>
        %add3A_264 = arith.addi %iota3A, %add3A_263 : vector<16xi32>
        tpu.vector_store_idx %arg9[%mul3A_7, %add3A_260, %add3A_264], %get3A_261 : memref<1x77x768xf32, #tpu.memory_space<vmem>>[vector<16xi32>, vector<16xi32>, vector<16xi32>], vector<16xf32>,
        %get3A_265 = arith.constant 16 : index
        %get3A_266 = tpu.vector_load %arg7[%get3A_265] {strides = array<i32>} : memref<768xf32, #tpu.memory_space<vmem>>, vector<16xf32>,
        %add3A_267 = arith.constant 16 : i32
        %add3A_268 = vector.broadcast %add3A_267 : i32 to vector<16xi32>
        %add3A_269 = arith.addi %iota3A, %add3A_268 : vector<16xi32>
        tpu.vector_store_idx %arg9[%mul3A_7, %add3A_260, %add3A_269], %get3A_266 : memref<1x77x768xf32, #tpu.memory_space<vmem>>[vector<16xi32>, vector<16xi32>, vector<16xi32>], vector<16xf32>,
        %get3A_270 = arith.constant 32 : index
        %get3A_271 = tpu.vector_load %arg7[%get3A_270] {strides = array<i32>} : memref<768xf32, #tpu.memory_space<vmem>>, vector<16xf32>,
        %add3A_272 = arith.constant 32 : i32
        %add3A_273 = vector.broadcast %add3A_272 : i32 to vector<16xi32>
        %add3A_274 = arith.addi %iota3A, %add3A_273 : vector<16xi32>
        tpu.vector_store_idx %arg9[%mul3A_7, %add3A_260, %add3A_274], %get3A_271 : memref<1x77x768xf32, #tpu.memory_space<vmem>>[vector<16xi32>, vector<16xi32>, vector<16xi32>], vector<16xf32>,
        %get3A_275 = arith.constant 48 : index
        %get3A_276 = tpu.vector_load %arg7[%get3A_275] {strides = array<i32>} : memref<768xf32, #tpu.memory_space<vmem>>, vector<16xf32>,
        %add3A_277 = arith.constant 48 : i32
        %add3A_278 = vector.broadcast %add3A_277 : i32 to vector<16xi32>
        %add3A_279 = arith.addi %iota3A, %add3A_278 : vector<16xi32>
        tpu.vector_store_idx %arg9[%mul3A_7, %add3A_260, %add3A_279], %get3A_276 : memref<1x77x768xf32, #tpu.memory_space<vmem>>[vector<16xi32>, vector<16xi32>, vector<16xi32>], vector<16xf32>,
        %get3A_280 = arith.constant 64 : index
        %get3A_281 = tpu.vector_load %arg7[%get3A_280] {strides = array<i32>} : memref<768xf32, #tpu.memory_space<vmem>>, vector<16xf32>,
        %add3A_282 = arith.constant 64 : i32
        %add3A_283 = vector.broadcast %add3A_282 : i32 to vector<16xi32>
        %add3A_284 = arith.addi %iota3A, %add3A_283 : vector<16xi32>
        tpu.vector_store_idx %arg9[%mul3A_7, %add3A_260, %add3A_284], %get3A_281 : memref<1x77x768xf32, #tpu.memory_space<vmem>>[vector<16xi32>, vector<16xi32>, vector<16xi32>], vector<16xf32>,
        %get3A_285 = arith.constant 80 : index
        %get3A_286 = tpu.vector_load %arg7[%get3A_285] {strides = array<i32>} : memref<768xf32, #tpu.memory_space<vmem>>, vector<16xf32>,
        %add3A_287 = arith.constant 80 : i32
        %add3A_288 = vector.broadcast %add3A_287 : i32 to vector<16xi32>
        %add3A_289 = arith.addi %iota3A, %add3A_288 : vector<16xi32>
        tpu.vector_store_idx %arg9[%mul3A_7, %add3A_260, %add3A_289], %get3A_286 : memref<1x77x768xf32, #tpu.memory_space<vmem>>[vector<16xi32>, vector<16xi32>, vector<16xi32>], vector<16xf32>,
        %get3A_290 = arith.constant 96 : index
        %get3A_291 = tpu.vector_load %arg7[%get3A_290] {strides = array<i32>} : memref<768xf32, #tpu.memory_space<vmem>>, vector<16xf32>,
        %add3A_292 = arith.constant 96 : i32
        %add3A_293 = vector.broadcast %add3A_292 : i32 to vector<16xi32>
        %add3A_294 = arith.addi %iota3A, %add3A_293 : vector<16xi32>
        tpu.vector_store_idx %arg9[%mul3A_7, %add3A_260, %add3A_294], %get3A_291 : memref<1x77x768xf32, #tpu.memory_space<vmem>>[vector<16xi32>, vector<16xi32>, vector<16xi32>], vector<16xf32>,
        %get3A_295 = arith.constant 112 : index
        %get3A_296 = tpu.vector_load %arg7[%get3A_295] {strides = array<i32>} : memref<768xf32, #tpu.memory_space<vmem>>, vector<16xf32>,
        %add3A_297 = arith.constant 112 : i32
        %add3A_298 = vector.broadcast %add3A_297 : i32 to vector<16xi32>
        %add3A_299 = arith.addi %iota3A, %add3A_298 : vector<16xi32>
        tpu.vector_store_idx %arg9[%mul3A_7, %add3A_260, %add3A_299], %get3A_296 : memref<1x77x768xf32, #tpu.memory_space<vmem>>[vector<16xi32>, vector<16xi32>, vector<16xi32>], vector<16xf32>,
        %get3A_300 = arith.constant 128 : index
        %get3A_301 = tpu.vector_load %arg7[%get3A_300] {strides = array<i32>} : memref<768xf32, #tpu.memory_space<vmem>>, vector<16xf32>,
        %add3A_302 = arith.constant 128 : i32
        %add3A_303 = vector.broadcast %add3A_302 : i32 to vector<16xi32>
        %add3A_304 = arith.addi %iota3A, %add3A_303 : vector<16xi32>
        tpu.vector_store_idx %arg9[%mul3A_7, %add3A_260, %add3A_304], %get3A_301 : memref<1x77x768xf32, #tpu.memory_space<vmem>>[vector<16xi32>, vector<16xi32>, vector<16xi32>], vector<16xf32>,
        %get3A_305 = arith.constant 144 : index
        %get3A_306 = tpu.vector_load %arg7[%get3A_305] {strides = array<i32>} : memref<768xf32, #tpu.memory_space<vmem>>, vector<16xf32>,
        %add3A_307 = arith.constant 144 : i32
        %add3A_308 = vector.broadcast %add3A_307 : i32 to vector<16xi32>
        %add3A_309 = arith.addi %iota3A, %add3A_308 : vector<16xi32>
        tpu.vector_store_idx %arg9[%mul3A_7, %add3A_260, %add3A_309], %get3A_306 : memref<1x77x768xf32, #tpu.memory_space<vmem>>[vector<16xi32>, vector<16xi32>, vector<16xi32>], vector<16xf32>,
        %get3A_310 = arith.constant 160 : index
        %get3A_311 = tpu.vector_load %arg7[%get3A_310] {strides = array<i32>} : memref<768xf32, #tpu.memory_space<vmem>>, vector<16xf32>,
        %add3A_312 = arith.constant 160 : i32
        %add3A_313 = vector.broadcast %add3A_312 : i32 to vector<16xi32>
        %add3A_314 = arith.addi %iota3A, %add3A_313 : vector<16xi32>
        tpu.vector_store_idx %arg9[%mul3A_7, %add3A_260, %add3A_314], %get3A_311 : memref<1x77x768xf32, #tpu.memory_space<vmem>>[vector<16xi32>, vector<16xi32>, vector<16xi32>], vector<16xf32>,
        %get3A_315 = arith.constant 176 : index
        %get3A_316 = tpu.vector_load %arg7[%get3A_315] {strides = array<i32>} : memref<768xf32, #tpu.memory_space<vmem>>, vector<16xf32>,
        %add3A_317 = arith.constant 176 : i32
        %add3A_318 = vector.broadcast %add3A_317 : i32 to vector<16xi32>
        %add3A_319 = arith.addi %iota3A, %add3A_318 : vector<16xi32>
        tpu.vector_store_idx %arg9[%mul3A_7, %add3A_260, %add3A_319], %get3A_316 : memref<1x77x768xf32, #tpu.memory_space<vmem>>[vector<16xi32>, vector<16xi32>, vector<16xi32>], vector<16xf32>,
        %get3A_320 = arith.constant 192 : index
        %get3A_321 = tpu.vector_load %arg7[%get3A_320] {strides = array<i32>} : memref<768xf32, #tpu.memory_space<vmem>>, vector<16xf32>,
        %add3A_322 = arith.constant 192 : i32
        %add3A_323 = vector.broadcast %add3A_322 : i32 to vector<16xi32>
        %add3A_324 = arith.addi %iota3A, %add3A_323 : vector<16xi32>
        tpu.vector_store_idx %arg9[%mul3A_7, %add3A_260, %add3A_324], %get3A_321 : memref<1x77x768xf32, #tpu.memory_space<vmem>>[vector<16xi32>, vector<16xi32>, vector<16xi32>], vector<16xf32>,
        %get3A_325 = arith.constant 208 : index
        %get3A_326 = tpu.vector_load %arg7[%get3A_325] {strides = array<i32>} : memref<768xf32, #tpu.memory_space<vmem>>, vector<16xf32>,
        %add3A_327 = arith.constant 208 : i32
        %add3A_328 = vector.broadcast %add3A_327 : i32 to vector<16xi32>
        %add3A_329 = arith.addi %iota3A, %add3A_328 : vector<16xi32>
        tpu.vector_store_idx %arg9[%mul3A_7, %add3A_260, %add3A_329], %get3A_326 : memref<1x77x768xf32, #tpu.memory_space<vmem>>[vector<16xi32>, vector<16xi32>, vector<16xi32>], vector<16xf32>,
        %get3A_330 = arith.constant 224 : index
        %get3A_331 = tpu.vector_load %arg7[%get3A_330] {strides = array<i32>} : memref<768xf32, #tpu.memory_space<vmem>>, vector<16xf32>,
        %add3A_332 = arith.constant 224 : i32
        %add3A_333 = vector.broadcast %add3A_332 : i32 to vector<16xi32>
        %add3A_334 = arith.addi %iota3A, %add3A_333 : vector<16xi32>
        tpu.vector_store_idx %arg9[%mul3A_7, %add3A_260, %add3A_334], %get3A_331 : memref<1x77x768xf32, #tpu.memory_space<vmem>>[vector<16xi32>, vector<16xi32>, vector<16xi32>], vector<16xf32>,
        %get3A_335 = arith.constant 240 : index
        %get3A_336 = tpu.vector_load %arg7[%get3A_335] {strides = array<i32>} : memref<768xf32, #tpu.memory_space<vmem>>, vector<16xf32>,
        %add3A_337 = arith.constant 240 : i32
        %add3A_338 = vector.broadcast %add3A_337 : i32 to vector<16xi32>
        %add3A_339 = arith.addi %iota3A, %add3A_338 : vector<16xi32>
        tpu.vector_store_idx %arg9[%mul3A_7, %add3A_260, %add3A_339], %get3A_336 : memref<1x77x768xf32, #tpu.memory_space<vmem>>[vector<16xi32>, vector<16xi32>, vector<16xi32>], vector<16xf32>,
        %get3A_340 = arith.constant 256 : index
        %get3A_341 = tpu.vector_load %arg7[%get3A_340] {strides = array<i32>} : memref<768xf32, #tpu.memory_space<vmem>>, vector<16xf32>,
        %add3A_342 = arith.constant 256 : i32
        %add3A_343 = vector.broadcast %add3A_342 : i32 to vector<16xi32>
        %add3A_344 = arith.addi %iota3A, %add3A_343 : vector<16xi32>
        tpu.vector_store_idx %arg9[%mul3A_7, %add3A_260, %add3A_344], %get3A_341 : memref<1x77x768xf32, #tpu.memory_space<vmem>>[vector<16xi32>, vector<16xi32>, vector<16xi32>], vector<16xf32>,
        %get3A_345 = arith.constant 272 : index
        %get3A_346 = tpu.vector_load %arg7[%get3A_345] {strides = array<i32>} : memref<768xf32, #tpu.memory_space<vmem>>, vector<16xf32>,
        %add3A_347 = arith.constant 272 : i32
        %add3A_348 = vector.broadcast %add3A_347 : i32 to vector<16xi32>
        %add3A_349 = arith.addi %iota3A, %add3A_348 : vector<16xi32>
        tpu.vector_store_idx %arg9[%mul3A_7, %add3A_260, %add3A_349], %get3A_346 : memref<1x77x768xf32, #tpu.memory_space<vmem>>[vector<16xi32>, vector<16xi32>, vector<16xi32>], vector<16xf32>,
        %get3A_350 = arith.constant 288 : index
        %get3A_351 = tpu.vector_load %arg7[%get3A_350] {strides = array<i32>} : memref<768xf32, #tpu.memory_space<vmem>>, vector<16xf32>,
        %add3A_352 = arith.constant 288 : i32
        %add3A_353 = vector.broadcast %add3A_352 : i32 to vector<16xi32>
        %add3A_354 = arith.addi %iota3A, %add3A_353 : vector<16xi32>
        tpu.vector_store_idx %arg9[%mul3A_7, %add3A_260, %add3A_354], %get3A_351 : memref<1x77x768xf32, #tpu.memory_space<vmem>>[vector<16xi32>, vector<16xi32>, vector<16xi32>], vector<16xf32>,
        %get3A_355 = arith.constant 304 : index
        %get3A_356 = tpu.vector_load %arg7[%get3A_355] {strides = array<i32>} : memref<768xf32, #tpu.memory_space<vmem>>, vector<16xf32>,
        %add3A_357 = arith.constant 304 : i32
        %add3A_358 = vector.broadcast %add3A_357 : i32 to vector<16xi32>
        %add3A_359 = arith.addi %iota3A, %add3A_358 : vector<16xi32>
        tpu.vector_store_idx %arg9[%mul3A_7, %add3A_260, %add3A_359], %get3A_356 : memref<1x77x768xf32, #tpu.memory_space<vmem>>[vector<16xi32>, vector<16xi32>, vector<16xi32>], vector<16xf32>,
        %get3A_360 = arith.constant 320 : index
        %get3A_361 = tpu.vector_load %arg7[%get3A_360] {strides = array<i32>} : memref<768xf32, #tpu.memory_space<vmem>>, vector<16xf32>,
        %add3A_362 = arith.constant 320 : i32
        %add3A_363 = vector.broadcast %add3A_362 : i32 to vector<16xi32>
        %add3A_364 = arith.addi %iota3A, %add3A_363 : vector<16xi32>
        tpu.vector_store_idx %arg9[%mul3A_7, %add3A_260, %add3A_364], %get3A_361 : memref<1x77x768xf32, #tpu.memory_space<vmem>>[vector<16xi32>, vector<16xi32>, vector<16xi32>], vector<16xf32>,
        %get3A_365 = arith.constant 336 : index
        %get3A_366 = tpu.vector_load %arg7[%get3A_365] {strides = array<i32>} : memref<768xf32, #tpu.memory_space<vmem>>, vector<16xf32>,
        %add3A_367 = arith.constant 336 : i32
        %add3A_368 = vector.broadcast %add3A_367 : i32 to vector<16xi32>
        %add3A_369 = arith.addi %iota3A, %add3A_368 : vector<16xi32>
        tpu.vector_store_idx %arg9[%mul3A_7, %add3A_260, %add3A_369], %get3A_366 : memref<1x77x768xf32, #tpu.memory_space<vmem>>[vector<16xi32>, vector<16xi32>, vector<16xi32>], vector<16xf32>,
        %get3A_370 = arith.constant 352 : index
        %get3A_371 = tpu.vector_load %arg7[%get3A_370] {strides = array<i32>} : memref<768xf32, #tpu.memory_space<vmem>>, vector<16xf32>,
        %add3A_372 = arith.constant 352 : i32
        %add3A_373 = vector.broadcast %add3A_372 : i32 to vector<16xi32>
        %add3A_374 = arith.addi %iota3A, %add3A_373 : vector<16xi32>
        tpu.vector_store_idx %arg9[%mul3A_7, %add3A_260, %add3A_374], %get3A_371 : memref<1x77x768xf32, #tpu.memory_space<vmem>>[vector<16xi32>, vector<16xi32>, vector<16xi32>], vector<16xf32>,
        %get3A_375 = arith.constant 368 : index
        %get3A_376 = tpu.vector_load %arg7[%get3A_375] {strides = array<i32>} : memref<768xf32, #tpu.memory_space<vmem>>, vector<16xf32>,
        %add3A_377 = arith.constant 368 : i32
        %add3A_378 = vector.broadcast %add3A_377 : i32 to vector<16xi32>
        %add3A_379 = arith.addi %iota3A, %add3A_378 : vector<16xi32>
        tpu.vector_store_idx %arg9[%mul3A_7, %add3A_260, %add3A_379], %get3A_376 : memref<1x77x768xf32, #tpu.memory_space<vmem>>[vector<16xi32>, vector<16xi32>, vector<16xi32>], vector<16xf32>,
        %get3A_380 = arith.constant 384 : index
        %get3A_381 = tpu.vector_load %arg7[%get3A_380] {strides = array<i32>} : memref<768xf32, #tpu.memory_space<vmem>>, vector<16xf32>,
        %add3A_382 = arith.constant 384 : i32
        %add3A_383 = vector.broadcast %add3A_382 : i32 to vector<16xi32>
        %add3A_384 = arith.addi %iota3A, %add3A_383 : vector<16xi32>
        tpu.vector_store_idx %arg9[%mul3A_7, %add3A_260, %add3A_384], %get3A_381 : memref<1x77x768xf32, #tpu.memory_space<vmem>>[vector<16xi32>, vector<16xi32>, vector<16xi32>], vector<16xf32>,
        %get3A_385 = arith.constant 400 : index
        %get3A_386 = tpu.vector_load %arg7[%get3A_385] {strides = array<i32>} : memref<768xf32, #tpu.memory_space<vmem>>, vector<16xf32>,
        %add3A_387 = arith.constant 400 : i32
        %add3A_388 = vector.broadcast %add3A_387 : i32 to vector<16xi32>
        %add3A_389 = arith.addi %iota3A, %add3A_388 : vector<16xi32>
        tpu.vector_store_idx %arg9[%mul3A_7, %add3A_260, %add3A_389], %get3A_386 : memref<1x77x768xf32, #tpu.memory_space<vmem>>[vector<16xi32>, vector<16xi32>, vector<16xi32>], vector<16xf32>,
        %get3A_390 = arith.constant 416 : index
        %get3A_391 = tpu.vector_load %arg7[%get3A_390] {strides = array<i32>} : memref<768xf32, #tpu.memory_space<vmem>>, vector<16xf32>,
        %add3A_392 = arith.constant 416 : i32
        %add3A_393 = vector.broadcast %add3A_392 : i32 to vector<16xi32>
        %add3A_394 = arith.addi %iota3A, %add3A_393 : vector<16xi32>
        tpu.vector_store_idx %arg9[%mul3A_7, %add3A_260, %add3A_394], %get3A_391 : memref<1x77x768xf32, #tpu.memory_space<vmem>>[vector<16xi32>, vector<16xi32>, vector<16xi32>], vector<16xf32>,
        %get3A_395 = arith.constant 432 : index
        %get3A_396 = tpu.vector_load %arg7[%get3A_395] {strides = array<i32>} : memref<768xf32, #tpu.memory_space<vmem>>, vector<16xf32>,
        %add3A_397 = arith.constant 432 : i32
        %add3A_398 = vector.broadcast %add3A_397 : i32 to vector<16xi32>
        %add3A_399 = arith.addi %iota3A, %add3A_398 : vector<16xi32>
        tpu.vector_store_idx %arg9[%mul3A_7, %add3A_260, %add3A_399], %get3A_396 : memref<1x77x768xf32, #tpu.memory_space<vmem>>[vector<16xi32>, vector<16xi32>, vector<16xi32>], vector<16xf32>,
        %get3A_400 = arith.constant 448 : index
        %get3A_401 = tpu.vector_load %arg7[%get3A_400] {strides = array<i32>} : memref<768xf32, #tpu.memory_space<vmem>>, vector<16xf32>,
        %add3A_402 = arith.constant 448 : i32
        %add3A_403 = vector.broadcast %add3A_402 : i32 to vector<16xi32>
        %add3A_404 = arith.addi %iota3A, %add3A_403 : vector<16xi32>
        tpu.vector_store_idx %arg9[%mul3A_7, %add3A_260, %add3A_404], %get3A_401 : memref<1x77x768xf32, #tpu.memory_space<vmem>>[vector<16xi32>, vector<16xi32>, vector<16xi32>], vector<16xf32>,
        %get3A_405 = arith.constant 464 : index
        %get3A_406 = tpu.vector_load %arg7[%get3A_405] {strides = array<i32>} : memref<768xf32, #tpu.memory_space<vmem>>, vector<16xf32>,
        %add3A_407 = arith.constant 464 : i32
        %add3A_408 = vector.broadcast %add3A_407 : i32 to vector<16xi32>
        %add3A_409 = arith.addi %iota3A, %add3A_408 : vector<16xi32>
        tpu.vector_store_idx %arg9[%mul3A_7, %add3A_260, %add3A_409], %get3A_406 : memref<1x77x768xf32, #tpu.memory_space<vmem>>[vector<16xi32>, vector<16xi32>, vector<16xi32>], vector<16xf32>,
        %get3A_410 = arith.constant 480 : index
        %get3A_411 = tpu.vector_load %arg7[%get3A_410] {strides = array<i32>} : memref<768xf32, #tpu.memory_space<vmem>>, vector<16xf32>,
        %add3A_412 = arith.constant 480 : i32
        %add3A_413 = vector.broadcast %add3A_412 : i32 to vector<16xi32>
        %add3A_414 = arith.addi %iota3A, %add3A_413 : vector<16xi32>
        tpu.vector_store_idx %arg9[%mul3A_7, %add3A_260, %add3A_414], %get3A_411 : memref<1x77x768xf32, #tpu.memory_space<vmem>>[vector<16xi32>, vector<16xi32>, vector<16xi32>], vector<16xf32>,
        %get3A_415 = arith.constant 496 : index
        %get3A_416 = tpu.vector_load %arg7[%get3A_415] {strides = array<i32>} : memref<768xf32, #tpu.memory_space<vmem>>, vector<16xf32>,
        %add3A_417 = arith.constant 496 : i32
        %add3A_418 = vector.broadcast %add3A_417 : i32 to vector<16xi32>
        %add3A_419 = arith.addi %iota3A, %add3A_418 : vector<16xi32>
        tpu.vector_store_idx %arg9[%mul3A_7, %add3A_260, %add3A_419], %get3A_416 : memref<1x77x768xf32, #tpu.memory_space<vmem>>[vector<16xi32>, vector<16xi32>, vector<16xi32>], vector<16xf32>,
        %get3A_420 = arith.constant 512 : index
        %get3A_421 = tpu.vector_load %arg7[%get3A_420] {strides = array<i32>} : memref<768xf32, #tpu.memory_space<vmem>>, vector<16xf32>,
        %add3A_422 = arith.constant 512 : i32
        %add3A_423 = vector.broadcast %add3A_422 : i32 to vector<16xi32>
        %add3A_424 = arith.addi %iota3A, %add3A_423 : vector<16xi32>
        tpu.vector_store_idx %arg9[%mul3A_7, %add3A_260, %add3A_424], %get3A_421 : memref<1x77x768xf32, #tpu.memory_space<vmem>>[vector<16xi32>, vector<16xi32>, vector<16xi32>], vector<16xf32>,
        %get3A_425 = arith.constant 528 : index
        %get3A_426 = tpu.vector_load %arg7[%get3A_425] {strides = array<i32>} : memref<768xf32, #tpu.memory_space<vmem>>, vector<16xf32>,
        %add3A_427 = arith.constant 528 : i32
        %add3A_428 = vector.broadcast %add3A_427 : i32 to vector<16xi32>
        %add3A_429 = arith.addi %iota3A, %add3A_428 : vector<16xi32>
        tpu.vector_store_idx %arg9[%mul3A_7, %add3A_260, %add3A_429], %get3A_426 : memref<1x77x768xf32, #tpu.memory_space<vmem>>[vector<16xi32>, vector<16xi32>, vector<16xi32>], vector<16xf32>,
        %get3A_430 = arith.constant 544 : index
        %get3A_431 = tpu.vector_load %arg7[%get3A_430] {strides = array<i32>} : memref<768xf32, #tpu.memory_space<vmem>>, vector<16xf32>,
        %add3A_432 = arith.constant 544 : i32
        %add3A_433 = vector.broadcast %add3A_432 : i32 to vector<16xi32>
        %add3A_434 = arith.addi %iota3A, %add3A_433 : vector<16xi32>
        tpu.vector_store_idx %arg9[%mul3A_7, %add3A_260, %add3A_434], %get3A_431 : memref<1x77x768xf32, #tpu.memory_space<vmem>>[vector<16xi32>, vector<16xi32>, vector<16xi32>], vector<16xf32>,
        %get3A_435 = arith.constant 560 : index
        %get3A_436 = tpu.vector_load %arg7[%get3A_435] {strides = array<i32>} : memref<768xf32, #tpu.memory_space<vmem>>, vector<16xf32>,
        %add3A_437 = arith.constant 560 : i32
        %add3A_438 = vector.broadcast %add3A_437 : i32 to vector<16xi32>
        %add3A_439 = arith.addi %iota3A, %add3A_438 : vector<16xi32>
        tpu.vector_store_idx %arg9[%mul3A_7, %add3A_260, %add3A_439], %get3A_436 : memref<1x77x768xf32, #tpu.memory_space<vmem>>[vector<16xi32>, vector<16xi32>, vector<16xi32>], vector<16xf32>,
        %get3A_440 = arith.constant 576 : index
        %get3A_441 = tpu.vector_load %arg7[%get3A_440] {strides = array<i32>} : memref<768xf32, #tpu.memory_space<vmem>>, vector<16xf32>,
        %add3A_442 = arith.constant 576 : i32
        %add3A_443 = vector.broadcast %add3A_442 : i32 to vector<16xi32>
        %add3A_444 = arith.addi %iota3A, %add3A_443 : vector<16xi32>
        tpu.vector_store_idx %arg9[%mul3A_7, %add3A_260, %add3A_444], %get3A_441 : memref<1x77x768xf32, #tpu.memory_space<vmem>>[vector<16xi32>, vector<16xi32>, vector<16xi32>], vector<16xf32>,
        %get3A_445 = arith.constant 592 : index
        %get3A_446 = tpu.vector_load %arg7[%get3A_445] {strides = array<i32>} : memref<768xf32, #tpu.memory_space<vmem>>, vector<16xf32>,
        %add3A_447 = arith.constant 592 : i32
        %add3A_448 = vector.broadcast %add3A_447 : i32 to vector<16xi32>
        %add3A_449 = arith.addi %iota3A, %add3A_448 : vector<16xi32>
        tpu.vector_store_idx %arg9[%mul3A_7, %add3A_260, %add3A_449], %get3A_446 : memref<1x77x768xf32, #tpu.memory_space<vmem>>[vector<16xi32>, vector<16xi32>, vector<16xi32>], vector<16xf32>,
        %get3A_450 = arith.constant 608 : index
        %get3A_451 = tpu.vector_load %arg7[%get3A_450] {strides = array<i32>} : memref<768xf32, #tpu.memory_space<vmem>>, vector<16xf32>,
        %add3A_452 = arith.constant 608 : i32
        %add3A_453 = vector.broadcast %add3A_452 : i32 to vector<16xi32>
        %add3A_454 = arith.addi %iota3A, %add3A_453 : vector<16xi32>
        tpu.vector_store_idx %arg9[%mul3A_7, %add3A_260, %add3A_454], %get3A_451 : memref<1x77x768xf32, #tpu.memory_space<vmem>>[vector<16xi32>, vector<16xi32>, vector<16xi32>], vector<16xf32>,
        %get3A_455 = arith.constant 624 : index
        %get3A_456 = tpu.vector_load %arg7[%get3A_455] {strides = array<i32>} : memref<768xf32, #tpu.memory_space<vmem>>, vector<16xf32>,
        %add3A_457 = arith.constant 624 : i32
        %add3A_458 = vector.broadcast %add3A_457 : i32 to vector<16xi32>
        %add3A_459 = arith.addi %iota3A, %add3A_458 : vector<16xi32>
        tpu.vector_store_idx %arg9[%mul3A_7, %add3A_260, %add3A_459], %get3A_456 : memref<1x77x768xf32, #tpu.memory_space<vmem>>[vector<16xi32>, vector<16xi32>, vector<16xi32>], vector<16xf32>,
        %get3A_460 = arith.constant 640 : index
        %get3A_461 = tpu.vector_load %arg7[%get3A_460] {strides = array<i32>} : memref<768xf32, #tpu.memory_space<vmem>>, vector<16xf32>,
        %add3A_462 = arith.constant 640 : i32
        %add3A_463 = vector.broadcast %add3A_462 : i32 to vector<16xi32>
        %add3A_464 = arith.addi %iota3A, %add3A_463 : vector<16xi32>
        tpu.vector_store_idx %arg9[%mul3A_7, %add3A_260, %add3A_464], %get3A_461 : memref<1x77x768xf32, #tpu.memory_space<vmem>>[vector<16xi32>, vector<16xi32>, vector<16xi32>], vector<16xf32>,
        %get3A_465 = arith.constant 656 : index
        %get3A_466 = tpu.vector_load %arg7[%get3A_465] {strides = array<i32>} : memref<768xf32, #tpu.memory_space<vmem>>, vector<16xf32>,
        %add3A_467 = arith.constant 656 : i32
        %add3A_468 = vector.broadcast %add3A_467 : i32 to vector<16xi32>
        %add3A_469 = arith.addi %iota3A, %add3A_468 : vector<16xi32>
        tpu.vector_store_idx %arg9[%mul3A_7, %add3A_260, %add3A_469], %get3A_466 : memref<1x77x768xf32, #tpu.memory_space<vmem>>[vector<16xi32>, vector<16xi32>, vector<16xi32>], vector<16xf32>,
        %get3A_470 = arith.constant 672 : index
        %get3A_471 = tpu.vector_load %arg7[%get3A_470] {strides = array<i32>} : memref<768xf32, #tpu.memory_space<vmem>>, vector<16xf32>,
        %add3A_472 = arith.constant 672 : i32
        %add3A_473 = vector.broadcast %add3A_472 : i32 to vector<16xi32>
        %add3A_474 = arith.addi %iota3A, %add3A_473 : vector<16xi32>
        tpu.vector_store_idx %arg9[%mul3A_7, %add3A_260, %add3A_474], %get3A_471 : memref<1x77x768xf32, #tpu.memory_space<vmem>>[vector<16xi32>, vector<16xi32>, vector<16xi32>], vector<16xf32>,
        %get3A_475 = arith.constant 688 : index
        %get3A_476 = tpu.vector_load %arg7[%get3A_475] {strides = array<i32>} : memref<768xf32, #tpu.memory_space<vmem>>, vector<16xf32>,
        %add3A_477 = arith.constant 688 : i32
        %add3A_478 = vector.broadcast %add3A_477 : i32 to vector<16xi32>
        %add3A_479 = arith.addi %iota3A, %add3A_478 : vector<16xi32>
        tpu.vector_store_idx %arg9[%mul3A_7, %add3A_260, %add3A_479], %get3A_476 : memref<1x77x768xf32, #tpu.memory_space<vmem>>[vector<16xi32>, vector<16xi32>, vector<16xi32>], vector<16xf32>,
        %get3A_480 = arith.constant 704 : index
        %get3A_481 = tpu.vector_load %arg7[%get3A_480] {strides = array<i32>} : memref<768xf32, #tpu.memory_space<vmem>>, vector<16xf32>,
        %add3A_482 = arith.constant 704 : i32
        %add3A_483 = vector.broadcast %add3A_482 : i32 to vector<16xi32>
        %add3A_484 = arith.addi %iota3A, %add3A_483 : vector<16xi32>
        tpu.vector_store_idx %arg9[%mul3A_7, %add3A_260, %add3A_484], %get3A_481 : memref<1x77x768xf32, #tpu.memory_space<vmem>>[vector<16xi32>, vector<16xi32>, vector<16xi32>], vector<16xf32>,
        %get3A_485 = arith.constant 720 : index
        %get3A_486 = tpu.vector_load %arg7[%get3A_485] {strides = array<i32>} : memref<768xf32, #tpu.memory_space<vmem>>, vector<16xf32>,
        %add3A_487 = arith.constant 720 : i32
        %add3A_488 = vector.broadcast %add3A_487 : i32 to vector<16xi32>
        %add3A_489 = arith.addi %iota3A, %add3A_488 : vector<16xi32>
        tpu.vector_store_idx %arg9[%mul3A_7, %add3A_260, %add3A_489], %get3A_486 : memref<1x77x768xf32, #tpu.memory_space<vmem>>[vector<16xi32>, vector<16xi32>, vector<16xi32>], vector<16xf32>,
        %get3A_490 = arith.constant 736 : index
        %get3A_491 = tpu.vector_load %arg7[%get3A_490] {strides = array<i32>} : memref<768xf32, #tpu.memory_space<vmem>>, vector<16xf32>,
        %add3A_492 = arith.constant 736 : i32
        %add3A_493 = vector.broadcast %add3A_492 : i32 to vector<16xi32>
        %add3A_494 = arith.addi %iota3A, %add3A_493 : vector<16xi32>
        tpu.vector_store_idx %arg9[%mul3A_7, %add3A_260, %add3A_494], %get3A_491 : memref<1x77x768xf32, #tpu.memory_space<vmem>>[vector<16xi32>, vector<16xi32>, vector<16xi32>], vector<16xf32>,
        %get3A_495 = arith.constant 752 : index
        %get3A_496 = tpu.vector_load %arg7[%get3A_495] {strides = array<i32>} : memref<768xf32, #tpu.memory_space<vmem>>, vector<16xf32>,
        %add3A_497 = arith.constant 752 : i32
        %add3A_498 = vector.broadcast %add3A_497 : i32 to vector<16xi32>
        %add3A_499 = arith.addi %iota3A, %add3A_498 : vector<16xi32>
        tpu.vector_store_idx %arg9[%mul3A_7, %add3A_260, %add3A_499], %get3A_496 : memref<1x77x768xf32, #tpu.memory_space<vmem>>[vector<16xi32>, vector<16xi32>, vector<16xi32>], vector<16xf32>,
        %jit3A_500 = arith.constant 0 : i32
        %broadcast_in_dim3A_501 = vector.broadcast %jit3A_500 : i32 to vector<16xi32>
        %select_n3A_502 = arith.select %eq3A_255, %broadcast_in_dim3A_501, %while3A_252 : vector<16xi1>, vector<16xi32>
        scf.yield %select_n3A_502 : vector<16xi32>
      }
      %mul3A_226 = arith.constant 77 : i32
      %mul3A_227 = arith.muli %add3A_143, %mul3A_226 : i32
      %add3A_228 = arith.constant 61 : i32
      %add3A_229 = arith.addi %mul3A_227, %add3A_228 : i32
      %add3A_230 = vector.broadcast %add3A_229 : i32 to vector<16xi32>
      %add3A_231 = arith.addi %iota3A, %add3A_230 : vector<16xi32>
      %gather3A_232 = tpu.vector_load_idx %arg6[%add3A_231] : memref<2464xi32, #tpu.memory_space<vmem>>[vector<16xi32>], vector<16xi32>,
      %eq3A_233 = arith.constant 42 : i32
      %eq3A_234 = vector.broadcast %eq3A_233 : i32 to vector<16xi32>
      %eq3A_235 = arith.cmpi eq, %gather3A_232, %eq3A_234 : vector<16xi32>
      %convert_element_type3A_236 = arith.extui %eq3A_235 : vector<16xi1> to vector<16xi32>
      %add3A_237 = arith.constant 61 : i32
      %add3A_238 = vector.broadcast %add3A_237 : i32 to vector<16xi32>
      %add3A_239 = arith.addi %iota3A, %add3A_238 : vector<16xi32>
      %while3A_240 = scf.while (%while3A_252 = %convert_element_type3A_236) : (vector<16xi32>) -> vector<16xi32> {
        %reduce_sum3A = arith.constant true
        %reduce_sum3A_253 = vector.broadcast %reduce_sum3A : i1 to vector<16xi1>
        %reduce_sum3A_254 = tpu.scan <sum>, %while3A_252 masked %reduce_sum3A_253 : vector<16xi32>, vector<16xi1> -> vector<16xi32>
        %reduce_sum3A_255 = vector.extract %reduce_sum3A_254[15] : i32 from vector<16xi32>
        %gt3A = arith.constant 0 : i32
        %gt3A_256 = arith.cmpi sgt, %reduce_sum3A_255, %gt3A : i32
        scf.condition(%gt3A_256) %while3A_252 : vector<16xi32>
      } do {
      ^bb0(%while3A_252: vector<16xi32>):
        %gt3A = arith.constant 0 : i32
        %gt3A_253 = vector.broadcast %gt3A : i32 to vector<16xi32>
        %gt3A_254 = arith.cmpi sgt, %while3A_252, %gt3A_253 : vector<16xi32>
        %all_reduce_ffs3A = tpu.all_reduce %gt3A_254 {dim = 0 : i64, kind = #tpu.reduction_kind<find_first_set>} : vector<16xi1> -> vector<16xi32>
        %eq3A_255 = arith.cmpi eq, %iota3A, %all_reduce_ffs3A : vector<16xi32>
        %jit3A = arith.constant 0 : i32
        %broadcast_in_dim3A = vector.broadcast %jit3A : i32 to vector<16xi32>
        %select_n3A = arith.select %eq3A_255, %add3A_239, %broadcast_in_dim3A : vector<16xi1>, vector<16xi32>
        %reduce_sum3A = arith.constant true
        %reduce_sum3A_256 = vector.broadcast %reduce_sum3A : i1 to vector<16xi1>
        %reduce_sum3A_257 = tpu.scan <sum>, %select_n3A masked %reduce_sum3A_256 : vector<16xi32>, vector<16xi1> -> vector<16xi32>
        %reduce_sum3A_258 = vector.extract %reduce_sum3A_257[15] : i32 from vector<16xi32>
        %add3A_259 = vector.broadcast %reduce_sum3A_258 : i32 to vector<16xi32>
        %add3A_260 = arith.addi %mul3A_7, %add3A_259 : vector<16xi32>
        %get3A = arith.constant 0 : index
        %get3A_261 = tpu.vector_load %arg7[%get3A] {strides = array<i32>} : memref<768xf32, #tpu.memory_space<vmem>>, vector<16xf32>,
        %add3A_262 = arith.constant 0 : i32
        %add3A_263 = vector.broadcast %add3A_262 : i32 to vector<16xi32>
        %add3A_264 = arith.addi %iota3A, %add3A_263 : vector<16xi32>
        tpu.vector_store_idx %arg9[%mul3A_7, %add3A_260, %add3A_264], %get3A_261 : memref<1x77x768xf32, #tpu.memory_space<vmem>>[vector<16xi32>, vector<16xi32>, vector<16xi32>], vector<16xf32>,
        %get3A_265 = arith.constant 16 : index
        %get3A_266 = tpu.vector_load %arg7[%get3A_265] {strides = array<i32>} : memref<768xf32, #tpu.memory_space<vmem>>, vector<16xf32>,
        %add3A_267 = arith.constant 16 : i32
        %add3A_268 = vector.broadcast %add3A_267 : i32 to vector<16xi32>
        %add3A_269 = arith.addi %iota3A, %add3A_268 : vector<16xi32>
        tpu.vector_store_idx %arg9[%mul3A_7, %add3A_260, %add3A_269], %get3A_266 : memref<1x77x768xf32, #tpu.memory_space<vmem>>[vector<16xi32>, vector<16xi32>, vector<16xi32>], vector<16xf32>,
        %get3A_270 = arith.constant 32 : index
        %get3A_271 = tpu.vector_load %arg7[%get3A_270] {strides = array<i32>} : memref<768xf32, #tpu.memory_space<vmem>>, vector<16xf32>,
        %add3A_272 = arith.constant 32 : i32
        %add3A_273 = vector.broadcast %add3A_272 : i32 to vector<16xi32>
        %add3A_274 = arith.addi %iota3A, %add3A_273 : vector<16xi32>
        tpu.vector_store_idx %arg9[%mul3A_7, %add3A_260, %add3A_274], %get3A_271 : memref<1x77x768xf32, #tpu.memory_space<vmem>>[vector<16xi32>, vector<16xi32>, vector<16xi32>], vector<16xf32>,
        %get3A_275 = arith.constant 48 : index
        %get3A_276 = tpu.vector_load %arg7[%get3A_275] {strides = array<i32>} : memref<768xf32, #tpu.memory_space<vmem>>, vector<16xf32>,
        %add3A_277 = arith.constant 48 : i32
        %add3A_278 = vector.broadcast %add3A_277 : i32 to vector<16xi32>
        %add3A_279 = arith.addi %iota3A, %add3A_278 : vector<16xi32>
        tpu.vector_store_idx %arg9[%mul3A_7, %add3A_260, %add3A_279], %get3A_276 : memref<1x77x768xf32, #tpu.memory_space<vmem>>[vector<16xi32>, vector<16xi32>, vector<16xi32>], vector<16xf32>,
        %get3A_280 = arith.constant 64 : index
        %get3A_281 = tpu.vector_load %arg7[%get3A_280] {strides = array<i32>} : memref<768xf32, #tpu.memory_space<vmem>>, vector<16xf32>,
        %add3A_282 = arith.constant 64 : i32
        %add3A_283 = vector.broadcast %add3A_282 : i32 to vector<16xi32>
        %add3A_284 = arith.addi %iota3A, %add3A_283 : vector<16xi32>
        tpu.vector_store_idx %arg9[%mul3A_7, %add3A_260, %add3A_284], %get3A_281 : memref<1x77x768xf32, #tpu.memory_space<vmem>>[vector<16xi32>, vector<16xi32>, vector<16xi32>], vector<16xf32>,
        %get3A_285 = arith.constant 80 : index
        %get3A_286 = tpu.vector_load %arg7[%get3A_285] {strides = array<i32>} : memref<768xf32, #tpu.memory_space<vmem>>, vector<16xf32>,
        %add3A_287 = arith.constant 80 : i32
        %add3A_288 = vector.broadcast %add3A_287 : i32 to vector<16xi32>
        %add3A_289 = arith.addi %iota3A, %add3A_288 : vector<16xi32>
        tpu.vector_store_idx %arg9[%mul3A_7, %add3A_260, %add3A_289], %get3A_286 : memref<1x77x768xf32, #tpu.memory_space<vmem>>[vector<16xi32>, vector<16xi32>, vector<16xi32>], vector<16xf32>,
        %get3A_290 = arith.constant 96 : index
        %get3A_291 = tpu.vector_load %arg7[%get3A_290] {strides = array<i32>} : memref<768xf32, #tpu.memory_space<vmem>>, vector<16xf32>,
        %add3A_292 = arith.constant 96 : i32
        %add3A_293 = vector.broadcast %add3A_292 : i32 to vector<16xi32>
        %add3A_294 = arith.addi %iota3A, %add3A_293 : vector<16xi32>
        tpu.vector_store_idx %arg9[%mul3A_7, %add3A_260, %add3A_294], %get3A_291 : memref<1x77x768xf32, #tpu.memory_space<vmem>>[vector<16xi32>, vector<16xi32>, vector<16xi32>], vector<16xf32>,
        %get3A_295 = arith.constant 112 : index
        %get3A_296 = tpu.vector_load %arg7[%get3A_295] {strides = array<i32>} : memref<768xf32, #tpu.memory_space<vmem>>, vector<16xf32>,
        %add3A_297 = arith.constant 112 : i32
        %add3A_298 = vector.broadcast %add3A_297 : i32 to vector<16xi32>
        %add3A_299 = arith.addi %iota3A, %add3A_298 : vector<16xi32>
        tpu.vector_store_idx %arg9[%mul3A_7, %add3A_260, %add3A_299], %get3A_296 : memref<1x77x768xf32, #tpu.memory_space<vmem>>[vector<16xi32>, vector<16xi32>, vector<16xi32>], vector<16xf32>,
        %get3A_300 = arith.constant 128 : index
        %get3A_301 = tpu.vector_load %arg7[%get3A_300] {strides = array<i32>} : memref<768xf32, #tpu.memory_space<vmem>>, vector<16xf32>,
        %add3A_302 = arith.constant 128 : i32
        %add3A_303 = vector.broadcast %add3A_302 : i32 to vector<16xi32>
        %add3A_304 = arith.addi %iota3A, %add3A_303 : vector<16xi32>
        tpu.vector_store_idx %arg9[%mul3A_7, %add3A_260, %add3A_304], %get3A_301 : memref<1x77x768xf32, #tpu.memory_space<vmem>>[vector<16xi32>, vector<16xi32>, vector<16xi32>], vector<16xf32>,
        %get3A_305 = arith.constant 144 : index
        %get3A_306 = tpu.vector_load %arg7[%get3A_305] {strides = array<i32>} : memref<768xf32, #tpu.memory_space<vmem>>, vector<16xf32>,
        %add3A_307 = arith.constant 144 : i32
        %add3A_308 = vector.broadcast %add3A_307 : i32 to vector<16xi32>
        %add3A_309 = arith.addi %iota3A, %add3A_308 : vector<16xi32>
        tpu.vector_store_idx %arg9[%mul3A_7, %add3A_260, %add3A_309], %get3A_306 : memref<1x77x768xf32, #tpu.memory_space<vmem>>[vector<16xi32>, vector<16xi32>, vector<16xi32>], vector<16xf32>,
        %get3A_310 = arith.constant 160 : index
        %get3A_311 = tpu.vector_load %arg7[%get3A_310] {strides = array<i32>} : memref<768xf32, #tpu.memory_space<vmem>>, vector<16xf32>,
        %add3A_312 = arith.constant 160 : i32
        %add3A_313 = vector.broadcast %add3A_312 : i32 to vector<16xi32>
        %add3A_314 = arith.addi %iota3A, %add3A_313 : vector<16xi32>
        tpu.vector_store_idx %arg9[%mul3A_7, %add3A_260, %add3A_314], %get3A_311 : memref<1x77x768xf32, #tpu.memory_space<vmem>>[vector<16xi32>, vector<16xi32>, vector<16xi32>], vector<16xf32>,
        %get3A_315 = arith.constant 176 : index
        %get3A_316 = tpu.vector_load %arg7[%get3A_315] {strides = array<i32>} : memref<768xf32, #tpu.memory_space<vmem>>, vector<16xf32>,
        %add3A_317 = arith.constant 176 : i32
        %add3A_318 = vector.broadcast %add3A_317 : i32 to vector<16xi32>
        %add3A_319 = arith.addi %iota3A, %add3A_318 : vector<16xi32>
        tpu.vector_store_idx %arg9[%mul3A_7, %add3A_260, %add3A_319], %get3A_316 : memref<1x77x768xf32, #tpu.memory_space<vmem>>[vector<16xi32>, vector<16xi32>, vector<16xi32>], vector<16xf32>,
        %get3A_320 = arith.constant 192 : index
        %get3A_321 = tpu.vector_load %arg7[%get3A_320] {strides = array<i32>} : memref<768xf32, #tpu.memory_space<vmem>>, vector<16xf32>,
        %add3A_322 = arith.constant 192 : i32
        %add3A_323 = vector.broadcast %add3A_322 : i32 to vector<16xi32>
        %add3A_324 = arith.addi %iota3A, %add3A_323 : vector<16xi32>
        tpu.vector_store_idx %arg9[%mul3A_7, %add3A_260, %add3A_324], %get3A_321 : memref<1x77x768xf32, #tpu.memory_space<vmem>>[vector<16xi32>, vector<16xi32>, vector<16xi32>], vector<16xf32>,
        %get3A_325 = arith.constant 208 : index
        %get3A_326 = tpu.vector_load %arg7[%get3A_325] {strides = array<i32>} : memref<768xf32, #tpu.memory_space<vmem>>, vector<16xf32>,
        %add3A_327 = arith.constant 208 : i32
        %add3A_328 = vector.broadcast %add3A_327 : i32 to vector<16xi32>
        %add3A_329 = arith.addi %iota3A, %add3A_328 : vector<16xi32>
        tpu.vector_store_idx %arg9[%mul3A_7, %add3A_260, %add3A_329], %get3A_326 : memref<1x77x768xf32, #tpu.memory_space<vmem>>[vector<16xi32>, vector<16xi32>, vector<16xi32>], vector<16xf32>,
        %get3A_330 = arith.constant 224 : index
        %get3A_331 = tpu.vector_load %arg7[%get3A_330] {strides = array<i32>} : memref<768xf32, #tpu.memory_space<vmem>>, vector<16xf32>,
        %add3A_332 = arith.constant 224 : i32
        %add3A_333 = vector.broadcast %add3A_332 : i32 to vector<16xi32>
        %add3A_334 = arith.addi %iota3A, %add3A_333 : vector<16xi32>
        tpu.vector_store_idx %arg9[%mul3A_7, %add3A_260, %add3A_334], %get3A_331 : memref<1x77x768xf32, #tpu.memory_space<vmem>>[vector<16xi32>, vector<16xi32>, vector<16xi32>], vector<16xf32>,
        %get3A_335 = arith.constant 240 : index
        %get3A_336 = tpu.vector_load %arg7[%get3A_335] {strides = array<i32>} : memref<768xf32, #tpu.memory_space<vmem>>, vector<16xf32>,
        %add3A_337 = arith.constant 240 : i32
        %add3A_338 = vector.broadcast %add3A_337 : i32 to vector<16xi32>
        %add3A_339 = arith.addi %iota3A, %add3A_338 : vector<16xi32>
        tpu.vector_store_idx %arg9[%mul3A_7, %add3A_260, %add3A_339], %get3A_336 : memref<1x77x768xf32, #tpu.memory_space<vmem>>[vector<16xi32>, vector<16xi32>, vector<16xi32>], vector<16xf32>,
        %get3A_340 = arith.constant 256 : index
        %get3A_341 = tpu.vector_load %arg7[%get3A_340] {strides = array<i32>} : memref<768xf32, #tpu.memory_space<vmem>>, vector<16xf32>,
        %add3A_342 = arith.constant 256 : i32
        %add3A_343 = vector.broadcast %add3A_342 : i32 to vector<16xi32>
        %add3A_344 = arith.addi %iota3A, %add3A_343 : vector<16xi32>
        tpu.vector_store_idx %arg9[%mul3A_7, %add3A_260, %add3A_344], %get3A_341 : memref<1x77x768xf32, #tpu.memory_space<vmem>>[vector<16xi32>, vector<16xi32>, vector<16xi32>], vector<16xf32>,
        %get3A_345 = arith.constant 272 : index
        %get3A_346 = tpu.vector_load %arg7[%get3A_345] {strides = array<i32>} : memref<768xf32, #tpu.memory_space<vmem>>, vector<16xf32>,
        %add3A_347 = arith.constant 272 : i32
        %add3A_348 = vector.broadcast %add3A_347 : i32 to vector<16xi32>
        %add3A_349 = arith.addi %iota3A, %add3A_348 : vector<16xi32>
        tpu.vector_store_idx %arg9[%mul3A_7, %add3A_260, %add3A_349], %get3A_346 : memref<1x77x768xf32, #tpu.memory_space<vmem>>[vector<16xi32>, vector<16xi32>, vector<16xi32>], vector<16xf32>,
        %get3A_350 = arith.constant 288 : index
        %get3A_351 = tpu.vector_load %arg7[%get3A_350] {strides = array<i32>} : memref<768xf32, #tpu.memory_space<vmem>>, vector<16xf32>,
        %add3A_352 = arith.constant 288 : i32
        %add3A_353 = vector.broadcast %add3A_352 : i32 to vector<16xi32>
        %add3A_354 = arith.addi %iota3A, %add3A_353 : vector<16xi32>
        tpu.vector_store_idx %arg9[%mul3A_7, %add3A_260, %add3A_354], %get3A_351 : memref<1x77x768xf32, #tpu.memory_space<vmem>>[vector<16xi32>, vector<16xi32>, vector<16xi32>], vector<16xf32>,
        %get3A_355 = arith.constant 304 : index
        %get3A_356 = tpu.vector_load %arg7[%get3A_355] {strides = array<i32>} : memref<768xf32, #tpu.memory_space<vmem>>, vector<16xf32>,
        %add3A_357 = arith.constant 304 : i32
        %add3A_358 = vector.broadcast %add3A_357 : i32 to vector<16xi32>
        %add3A_359 = arith.addi %iota3A, %add3A_358 : vector<16xi32>
        tpu.vector_store_idx %arg9[%mul3A_7, %add3A_260, %add3A_359], %get3A_356 : memref<1x77x768xf32, #tpu.memory_space<vmem>>[vector<16xi32>, vector<16xi32>, vector<16xi32>], vector<16xf32>,
        %get3A_360 = arith.constant 320 : index
        %get3A_361 = tpu.vector_load %arg7[%get3A_360] {strides = array<i32>} : memref<768xf32, #tpu.memory_space<vmem>>, vector<16xf32>,
        %add3A_362 = arith.constant 320 : i32
        %add3A_363 = vector.broadcast %add3A_362 : i32 to vector<16xi32>
        %add3A_364 = arith.addi %iota3A, %add3A_363 : vector<16xi32>
        tpu.vector_store_idx %arg9[%mul3A_7, %add3A_260, %add3A_364], %get3A_361 : memref<1x77x768xf32, #tpu.memory_space<vmem>>[vector<16xi32>, vector<16xi32>, vector<16xi32>], vector<16xf32>,
        %get3A_365 = arith.constant 336 : index
        %get3A_366 = tpu.vector_load %arg7[%get3A_365] {strides = array<i32>} : memref<768xf32, #tpu.memory_space<vmem>>, vector<16xf32>,
        %add3A_367 = arith.constant 336 : i32
        %add3A_368 = vector.broadcast %add3A_367 : i32 to vector<16xi32>
        %add3A_369 = arith.addi %iota3A, %add3A_368 : vector<16xi32>
        tpu.vector_store_idx %arg9[%mul3A_7, %add3A_260, %add3A_369], %get3A_366 : memref<1x77x768xf32, #tpu.memory_space<vmem>>[vector<16xi32>, vector<16xi32>, vector<16xi32>], vector<16xf32>,
        %get3A_370 = arith.constant 352 : index
        %get3A_371 = tpu.vector_load %arg7[%get3A_370] {strides = array<i32>} : memref<768xf32, #tpu.memory_space<vmem>>, vector<16xf32>,
        %add3A_372 = arith.constant 352 : i32
        %add3A_373 = vector.broadcast %add3A_372 : i32 to vector<16xi32>
        %add3A_374 = arith.addi %iota3A, %add3A_373 : vector<16xi32>
        tpu.vector_store_idx %arg9[%mul3A_7, %add3A_260, %add3A_374], %get3A_371 : memref<1x77x768xf32, #tpu.memory_space<vmem>>[vector<16xi32>, vector<16xi32>, vector<16xi32>], vector<16xf32>,
        %get3A_375 = arith.constant 368 : index
        %get3A_376 = tpu.vector_load %arg7[%get3A_375] {strides = array<i32>} : memref<768xf32, #tpu.memory_space<vmem>>, vector<16xf32>,
        %add3A_377 = arith.constant 368 : i32
        %add3A_378 = vector.broadcast %add3A_377 : i32 to vector<16xi32>
        %add3A_379 = arith.addi %iota3A, %add3A_378 : vector<16xi32>
        tpu.vector_store_idx %arg9[%mul3A_7, %add3A_260, %add3A_379], %get3A_376 : memref<1x77x768xf32, #tpu.memory_space<vmem>>[vector<16xi32>, vector<16xi32>, vector<16xi32>], vector<16xf32>,
        %get3A_380 = arith.constant 384 : index
        %get3A_381 = tpu.vector_load %arg7[%get3A_380] {strides = array<i32>} : memref<768xf32, #tpu.memory_space<vmem>>, vector<16xf32>,
        %add3A_382 = arith.constant 384 : i32
        %add3A_383 = vector.broadcast %add3A_382 : i32 to vector<16xi32>
        %add3A_384 = arith.addi %iota3A, %add3A_383 : vector<16xi32>
        tpu.vector_store_idx %arg9[%mul3A_7, %add3A_260, %add3A_384], %get3A_381 : memref<1x77x768xf32, #tpu.memory_space<vmem>>[vector<16xi32>, vector<16xi32>, vector<16xi32>], vector<16xf32>,
        %get3A_385 = arith.constant 400 : index
        %get3A_386 = tpu.vector_load %arg7[%get3A_385] {strides = array<i32>} : memref<768xf32, #tpu.memory_space<vmem>>, vector<16xf32>,
        %add3A_387 = arith.constant 400 : i32
        %add3A_388 = vector.broadcast %add3A_387 : i32 to vector<16xi32>
        %add3A_389 = arith.addi %iota3A, %add3A_388 : vector<16xi32>
        tpu.vector_store_idx %arg9[%mul3A_7, %add3A_260, %add3A_389], %get3A_386 : memref<1x77x768xf32, #tpu.memory_space<vmem>>[vector<16xi32>, vector<16xi32>, vector<16xi32>], vector<16xf32>,
        %get3A_390 = arith.constant 416 : index
        %get3A_391 = tpu.vector_load %arg7[%get3A_390] {strides = array<i32>} : memref<768xf32, #tpu.memory_space<vmem>>, vector<16xf32>,
        %add3A_392 = arith.constant 416 : i32
        %add3A_393 = vector.broadcast %add3A_392 : i32 to vector<16xi32>
        %add3A_394 = arith.addi %iota3A, %add3A_393 : vector<16xi32>
        tpu.vector_store_idx %arg9[%mul3A_7, %add3A_260, %add3A_394], %get3A_391 : memref<1x77x768xf32, #tpu.memory_space<vmem>>[vector<16xi32>, vector<16xi32>, vector<16xi32>], vector<16xf32>,
        %get3A_395 = arith.constant 432 : index
        %get3A_396 = tpu.vector_load %arg7[%get3A_395] {strides = array<i32>} : memref<768xf32, #tpu.memory_space<vmem>>, vector<16xf32>,
        %add3A_397 = arith.constant 432 : i32
        %add3A_398 = vector.broadcast %add3A_397 : i32 to vector<16xi32>
        %add3A_399 = arith.addi %iota3A, %add3A_398 : vector<16xi32>
        tpu.vector_store_idx %arg9[%mul3A_7, %add3A_260, %add3A_399], %get3A_396 : memref<1x77x768xf32, #tpu.memory_space<vmem>>[vector<16xi32>, vector<16xi32>, vector<16xi32>], vector<16xf32>,
        %get3A_400 = arith.constant 448 : index
        %get3A_401 = tpu.vector_load %arg7[%get3A_400] {strides = array<i32>} : memref<768xf32, #tpu.memory_space<vmem>>, vector<16xf32>,
        %add3A_402 = arith.constant 448 : i32
        %add3A_403 = vector.broadcast %add3A_402 : i32 to vector<16xi32>
        %add3A_404 = arith.addi %iota3A, %add3A_403 : vector<16xi32>
        tpu.vector_store_idx %arg9[%mul3A_7, %add3A_260, %add3A_404], %get3A_401 : memref<1x77x768xf32, #tpu.memory_space<vmem>>[vector<16xi32>, vector<16xi32>, vector<16xi32>], vector<16xf32>,
        %get3A_405 = arith.constant 464 : index
        %get3A_406 = tpu.vector_load %arg7[%get3A_405] {strides = array<i32>} : memref<768xf32, #tpu.memory_space<vmem>>, vector<16xf32>,
        %add3A_407 = arith.constant 464 : i32
        %add3A_408 = vector.broadcast %add3A_407 : i32 to vector<16xi32>
        %add3A_409 = arith.addi %iota3A, %add3A_408 : vector<16xi32>
        tpu.vector_store_idx %arg9[%mul3A_7, %add3A_260, %add3A_409], %get3A_406 : memref<1x77x768xf32, #tpu.memory_space<vmem>>[vector<16xi32>, vector<16xi32>, vector<16xi32>], vector<16xf32>,
        %get3A_410 = arith.constant 480 : index
        %get3A_411 = tpu.vector_load %arg7[%get3A_410] {strides = array<i32>} : memref<768xf32, #tpu.memory_space<vmem>>, vector<16xf32>,
        %add3A_412 = arith.constant 480 : i32
        %add3A_413 = vector.broadcast %add3A_412 : i32 to vector<16xi32>
        %add3A_414 = arith.addi %iota3A, %add3A_413 : vector<16xi32>
        tpu.vector_store_idx %arg9[%mul3A_7, %add3A_260, %add3A_414], %get3A_411 : memref<1x77x768xf32, #tpu.memory_space<vmem>>[vector<16xi32>, vector<16xi32>, vector<16xi32>], vector<16xf32>,
        %get3A_415 = arith.constant 496 : index
        %get3A_416 = tpu.vector_load %arg7[%get3A_415] {strides = array<i32>} : memref<768xf32, #tpu.memory_space<vmem>>, vector<16xf32>,
        %add3A_417 = arith.constant 496 : i32
        %add3A_418 = vector.broadcast %add3A_417 : i32 to vector<16xi32>
        %add3A_419 = arith.addi %iota3A, %add3A_418 : vector<16xi32>
        tpu.vector_store_idx %arg9[%mul3A_7, %add3A_260, %add3A_419], %get3A_416 : memref<1x77x768xf32, #tpu.memory_space<vmem>>[vector<16xi32>, vector<16xi32>, vector<16xi32>], vector<16xf32>,
        %get3A_420 = arith.constant 512 : index
        %get3A_421 = tpu.vector_load %arg7[%get3A_420] {strides = array<i32>} : memref<768xf32, #tpu.memory_space<vmem>>, vector<16xf32>,
        %add3A_422 = arith.constant 512 : i32
        %add3A_423 = vector.broadcast %add3A_422 : i32 to vector<16xi32>
        %add3A_424 = arith.addi %iota3A, %add3A_423 : vector<16xi32>
        tpu.vector_store_idx %arg9[%mul3A_7, %add3A_260, %add3A_424], %get3A_421 : memref<1x77x768xf32, #tpu.memory_space<vmem>>[vector<16xi32>, vector<16xi32>, vector<16xi32>], vector<16xf32>,
        %get3A_425 = arith.constant 528 : index
        %get3A_426 = tpu.vector_load %arg7[%get3A_425] {strides = array<i32>} : memref<768xf32, #tpu.memory_space<vmem>>, vector<16xf32>,
        %add3A_427 = arith.constant 528 : i32
        %add3A_428 = vector.broadcast %add3A_427 : i32 to vector<16xi32>
        %add3A_429 = arith.addi %iota3A, %add3A_428 : vector<16xi32>
        tpu.vector_store_idx %arg9[%mul3A_7, %add3A_260, %add3A_429], %get3A_426 : memref<1x77x768xf32, #tpu.memory_space<vmem>>[vector<16xi32>, vector<16xi32>, vector<16xi32>], vector<16xf32>,
        %get3A_430 = arith.constant 544 : index
        %get3A_431 = tpu.vector_load %arg7[%get3A_430] {strides = array<i32>} : memref<768xf32, #tpu.memory_space<vmem>>, vector<16xf32>,
        %add3A_432 = arith.constant 544 : i32
        %add3A_433 = vector.broadcast %add3A_432 : i32 to vector<16xi32>
        %add3A_434 = arith.addi %iota3A, %add3A_433 : vector<16xi32>
        tpu.vector_store_idx %arg9[%mul3A_7, %add3A_260, %add3A_434], %get3A_431 : memref<1x77x768xf32, #tpu.memory_space<vmem>>[vector<16xi32>, vector<16xi32>, vector<16xi32>], vector<16xf32>,
        %get3A_435 = arith.constant 560 : index
        %get3A_436 = tpu.vector_load %arg7[%get3A_435] {strides = array<i32>} : memref<768xf32, #tpu.memory_space<vmem>>, vector<16xf32>,
        %add3A_437 = arith.constant 560 : i32
        %add3A_438 = vector.broadcast %add3A_437 : i32 to vector<16xi32>
        %add3A_439 = arith.addi %iota3A, %add3A_438 : vector<16xi32>
        tpu.vector_store_idx %arg9[%mul3A_7, %add3A_260, %add3A_439], %get3A_436 : memref<1x77x768xf32, #tpu.memory_space<vmem>>[vector<16xi32>, vector<16xi32>, vector<16xi32>], vector<16xf32>,
        %get3A_440 = arith.constant 576 : index
        %get3A_441 = tpu.vector_load %arg7[%get3A_440] {strides = array<i32>} : memref<768xf32, #tpu.memory_space<vmem>>, vector<16xf32>,
        %add3A_442 = arith.constant 576 : i32
        %add3A_443 = vector.broadcast %add3A_442 : i32 to vector<16xi32>
        %add3A_444 = arith.addi %iota3A, %add3A_443 : vector<16xi32>
        tpu.vector_store_idx %arg9[%mul3A_7, %add3A_260, %add3A_444], %get3A_441 : memref<1x77x768xf32, #tpu.memory_space<vmem>>[vector<16xi32>, vector<16xi32>, vector<16xi32>], vector<16xf32>,
        %get3A_445 = arith.constant 592 : index
        %get3A_446 = tpu.vector_load %arg7[%get3A_445] {strides = array<i32>} : memref<768xf32, #tpu.memory_space<vmem>>, vector<16xf32>,
        %add3A_447 = arith.constant 592 : i32
        %add3A_448 = vector.broadcast %add3A_447 : i32 to vector<16xi32>
        %add3A_449 = arith.addi %iota3A, %add3A_448 : vector<16xi32>
        tpu.vector_store_idx %arg9[%mul3A_7, %add3A_260, %add3A_449], %get3A_446 : memref<1x77x768xf32, #tpu.memory_space<vmem>>[vector<16xi32>, vector<16xi32>, vector<16xi32>], vector<16xf32>,
        %get3A_450 = arith.constant 608 : index
        %get3A_451 = tpu.vector_load %arg7[%get3A_450] {strides = array<i32>} : memref<768xf32, #tpu.memory_space<vmem>>, vector<16xf32>,
        %add3A_452 = arith.constant 608 : i32
        %add3A_453 = vector.broadcast %add3A_452 : i32 to vector<16xi32>
        %add3A_454 = arith.addi %iota3A, %add3A_453 : vector<16xi32>
        tpu.vector_store_idx %arg9[%mul3A_7, %add3A_260, %add3A_454], %get3A_451 : memref<1x77x768xf32, #tpu.memory_space<vmem>>[vector<16xi32>, vector<16xi32>, vector<16xi32>], vector<16xf32>,
        %get3A_455 = arith.constant 624 : index
        %get3A_456 = tpu.vector_load %arg7[%get3A_455] {strides = array<i32>} : memref<768xf32, #tpu.memory_space<vmem>>, vector<16xf32>,
        %add3A_457 = arith.constant 624 : i32
        %add3A_458 = vector.broadcast %add3A_457 : i32 to vector<16xi32>
        %add3A_459 = arith.addi %iota3A, %add3A_458 : vector<16xi32>
        tpu.vector_store_idx %arg9[%mul3A_7, %add3A_260, %add3A_459], %get3A_456 : memref<1x77x768xf32, #tpu.memory_space<vmem>>[vector<16xi32>, vector<16xi32>, vector<16xi32>], vector<16xf32>,
        %get3A_460 = arith.constant 640 : index
        %get3A_461 = tpu.vector_load %arg7[%get3A_460] {strides = array<i32>} : memref<768xf32, #tpu.memory_space<vmem>>, vector<16xf32>,
        %add3A_462 = arith.constant 640 : i32
        %add3A_463 = vector.broadcast %add3A_462 : i32 to vector<16xi32>
        %add3A_464 = arith.addi %iota3A, %add3A_463 : vector<16xi32>
        tpu.vector_store_idx %arg9[%mul3A_7, %add3A_260, %add3A_464], %get3A_461 : memref<1x77x768xf32, #tpu.memory_space<vmem>>[vector<16xi32>, vector<16xi32>, vector<16xi32>], vector<16xf32>,
        %get3A_465 = arith.constant 656 : index
        %get3A_466 = tpu.vector_load %arg7[%get3A_465] {strides = array<i32>} : memref<768xf32, #tpu.memory_space<vmem>>, vector<16xf32>,
        %add3A_467 = arith.constant 656 : i32
        %add3A_468 = vector.broadcast %add3A_467 : i32 to vector<16xi32>
        %add3A_469 = arith.addi %iota3A, %add3A_468 : vector<16xi32>
        tpu.vector_store_idx %arg9[%mul3A_7, %add3A_260, %add3A_469], %get3A_466 : memref<1x77x768xf32, #tpu.memory_space<vmem>>[vector<16xi32>, vector<16xi32>, vector<16xi32>], vector<16xf32>,
        %get3A_470 = arith.constant 672 : index
        %get3A_471 = tpu.vector_load %arg7[%get3A_470] {strides = array<i32>} : memref<768xf32, #tpu.memory_space<vmem>>, vector<16xf32>,
        %add3A_472 = arith.constant 672 : i32
        %add3A_473 = vector.broadcast %add3A_472 : i32 to vector<16xi32>
        %add3A_474 = arith.addi %iota3A, %add3A_473 : vector<16xi32>
        tpu.vector_store_idx %arg9[%mul3A_7, %add3A_260, %add3A_474], %get3A_471 : memref<1x77x768xf32, #tpu.memory_space<vmem>>[vector<16xi32>, vector<16xi32>, vector<16xi32>], vector<16xf32>,
        %get3A_475 = arith.constant 688 : index
        %get3A_476 = tpu.vector_load %arg7[%get3A_475] {strides = array<i32>} : memref<768xf32, #tpu.memory_space<vmem>>, vector<16xf32>,
        %add3A_477 = arith.constant 688 : i32
        %add3A_478 = vector.broadcast %add3A_477 : i32 to vector<16xi32>
        %add3A_479 = arith.addi %iota3A, %add3A_478 : vector<16xi32>
        tpu.vector_store_idx %arg9[%mul3A_7, %add3A_260, %add3A_479], %get3A_476 : memref<1x77x768xf32, #tpu.memory_space<vmem>>[vector<16xi32>, vector<16xi32>, vector<16xi32>], vector<16xf32>,
        %get3A_480 = arith.constant 704 : index
        %get3A_481 = tpu.vector_load %arg7[%get3A_480] {strides = array<i32>} : memref<768xf32, #tpu.memory_space<vmem>>, vector<16xf32>,
        %add3A_482 = arith.constant 704 : i32
        %add3A_483 = vector.broadcast %add3A_482 : i32 to vector<16xi32>
        %add3A_484 = arith.addi %iota3A, %add3A_483 : vector<16xi32>
        tpu.vector_store_idx %arg9[%mul3A_7, %add3A_260, %add3A_484], %get3A_481 : memref<1x77x768xf32, #tpu.memory_space<vmem>>[vector<16xi32>, vector<16xi32>, vector<16xi32>], vector<16xf32>,
        %get3A_485 = arith.constant 720 : index
        %get3A_486 = tpu.vector_load %arg7[%get3A_485] {strides = array<i32>} : memref<768xf32, #tpu.memory_space<vmem>>, vector<16xf32>,
        %add3A_487 = arith.constant 720 : i32
        %add3A_488 = vector.broadcast %add3A_487 : i32 to vector<16xi32>
        %add3A_489 = arith.addi %iota3A, %add3A_488 : vector<16xi32>
        tpu.vector_store_idx %arg9[%mul3A_7, %add3A_260, %add3A_489], %get3A_486 : memref<1x77x768xf32, #tpu.memory_space<vmem>>[vector<16xi32>, vector<16xi32>, vector<16xi32>], vector<16xf32>,
        %get3A_490 = arith.constant 736 : index
        %get3A_491 = tpu.vector_load %arg7[%get3A_490] {strides = array<i32>} : memref<768xf32, #tpu.memory_space<vmem>>, vector<16xf32>,
        %add3A_492 = arith.constant 736 : i32
        %add3A_493 = vector.broadcast %add3A_492 : i32 to vector<16xi32>
        %add3A_494 = arith.addi %iota3A, %add3A_493 : vector<16xi32>
        tpu.vector_store_idx %arg9[%mul3A_7, %add3A_260, %add3A_494], %get3A_491 : memref<1x77x768xf32, #tpu.memory_space<vmem>>[vector<16xi32>, vector<16xi32>, vector<16xi32>], vector<16xf32>,
        %get3A_495 = arith.constant 752 : index
        %get3A_496 = tpu.vector_load %arg7[%get3A_495] {strides = array<i32>} : memref<768xf32, #tpu.memory_space<vmem>>, vector<16xf32>,
        %add3A_497 = arith.constant 752 : i32
        %add3A_498 = vector.broadcast %add3A_497 : i32 to vector<16xi32>
        %add3A_499 = arith.addi %iota3A, %add3A_498 : vector<16xi32>
        tpu.vector_store_idx %arg9[%mul3A_7, %add3A_260, %add3A_499], %get3A_496 : memref<1x77x768xf32, #tpu.memory_space<vmem>>[vector<16xi32>, vector<16xi32>, vector<16xi32>], vector<16xf32>,
        %jit3A_500 = arith.constant 0 : i32
        %broadcast_in_dim3A_501 = vector.broadcast %jit3A_500 : i32 to vector<16xi32>
        %select_n3A_502 = arith.select %eq3A_255, %broadcast_in_dim3A_501, %while3A_252 : vector<16xi1>, vector<16xi32>
        scf.yield %select_n3A_502 : vector<16xi32>
      }
      %add3A_241 = arith.addi %mul3A_2, %add3A_143 : i32
      %dma_start3A_242 = arith.constant 1 : i32
      %dma_start3A_243 = arith.constant 0 : i32
      %dma_start3A_244 = arith.constant 0 : i32
      %dma_start3A_245 = tpu.memref_slice %arg5[%add3A_241, %dma_start3A_243, %dma_start3A_244] : memref<1024x77x768xf32, #tpu.memory_space<hbm>> -> memref<1x77x768xf32, #tpu.memory_space<hbm>>
      %dma_start3A_246 = tpu.memref_slice %arg11[%dma_start3A_242] : memref<2x!tpu.dma_semaphore, #tpu.memory_space<semaphore_mem>> -> memref<1x!tpu.dma_semaphore, #tpu.memory_space<semaphore_mem>>
      %dma_start3A_247 = tpu.memref_squeeze %dma_start3A_246 : memref<1x!tpu.dma_semaphore, #tpu.memory_space<semaphore_mem>> -> memref<!tpu.dma_semaphore, #tpu.memory_space<semaphore_mem>>
      %dma_start3A_248 = arith.constant 0 : i32
      %dma_start3A_249 = arith.constant 0 : i32
      %dma_start3A_250 = tpu.memref_slice %arg5[%add3A_241, %dma_start3A_248, %dma_start3A_249] : memref<1024x77x768xf32, #tpu.memory_space<hbm>> -> memref<1x77x768xf32, #tpu.memory_space<hbm>>
      tpu.enqueue_dma source(%arg9 : memref<1x77x768xf32, #tpu.memory_space<vmem>>) target(%dma_start3A_250 : memref<1x77x768xf32, #tpu.memory_space<hbm>>) target_semaphore(%dma_start3A_247 : memref<!tpu.dma_semaphore, #tpu.memory_space<semaphore_mem>>)
      %scan3A_251 = arith.constant 0 : i32
      scf.yield %scan3A_251 : i32
    }
    %scan3A_23 = arith.constant 16 : i32
    %add3A_24 = arith.constant 31 : i32
    %add3A_25 = arith.addi %mul3A_2, %add3A_24 : i32
    %dma_wait3A = arith.constant 1 : i32
    %dma_wait3A_26 = arith.constant 0 : i32
    %dma_wait3A_27 = arith.constant 0 : i32
    %dma_wait3A_28 = tpu.memref_slice %arg5[%add3A_25, %dma_wait3A_26, %dma_wait3A_27] : memref<1024x77x768xf32, #tpu.memory_space<hbm>> -> memref<1x77x768xf32, #tpu.memory_space<hbm>>
    %dma_wait3A_29 = tpu.memref_slice %arg11[%dma_wait3A] : memref<2x!tpu.dma_semaphore, #tpu.memory_space<semaphore_mem>> -> memref<1x!tpu.dma_semaphore, #tpu.memory_space<semaphore_mem>>
    %dma_wait3A_30 = tpu.memref_squeeze %dma_wait3A_29 : memref<1x!tpu.dma_semaphore, #tpu.memory_space<semaphore_mem>> -> memref<!tpu.dma_semaphore, #tpu.memory_space<semaphore_mem>>
    %dma_wait3A_31 = arith.constant 0 : i32
    %dma_wait3A_32 = arith.constant 0 : i32
    %dma_wait3A_33 = tpu.memref_slice %arg5[%add3A_25, %dma_wait3A_31, %dma_wait3A_32] : memref<1024x77x768xf32, #tpu.memory_space<hbm>> -> memref<1x77x768xf32, #tpu.memory_space<hbm>>
    tpu.wait_dma2 semaphore(%dma_wait3A_30 : memref<!tpu.dma_semaphore, #tpu.memory_space<semaphore_mem>>) src(%arg9 : memref<1x77x768xf32, #tpu.memory_space<vmem>>) dst(%dma_wait3A_33 : memref<1x77x768xf32, #tpu.memory_space<hbm>>)
    return
  }
}

</mosaic_0001>

<sc_bundles>
// kernel: kernel.3.cloned.1.call-start
scs
__scs_entry_jumppad:
0x0: {  	(pc) =	sbr.rel $0x88, $3  }
0x1: {  	(tag) =	ssettag $0x0;
	lr =	simm.s32 $0x1  }
0x2: {  	[smem:$0x3F9E] =	sst lr;
	_ =	strace $0xD0000000  }
0x3: {  	_ = 	snop  }
0x4: {  	_ = 	snop  }
0x5: {  	_ = 	snop  }
0x6: {  	_ = 	snop  }
0x7: {  	_ = 	snop  }
__scs_overlays_trampoline_lowered:
0x8: {  	[smem:$0x3FAD] =	sst s0  }
0x9: {  	[smem:$0x3FAE] =	sst s1  }
0xa: {  	[smem:$0x3FAF] =	sst s2  }
0xb: {  	[smem:$0x3FB0] =	sst s3  }
0xc: {  	[smem:$0x3FB1] =	sst s4  }
0xd: {  	[smem:$0x3FB2] =	sst s5  }
0xe: {  	[smem:$0x3FB3] =	sst s6  }
0xf: {  	[smem:$0x3FB4] =	sst s7  }
0x10: {  	[smem:$0x3FB5] =	sst s8  }
0x11: {  	[smem:$0x3FB6] =	sst s9;
	s0 =	simm.s32 @!p0 $0x0  }
0x12: {  	s1 =	sld [smem:$0x3F9C];
	s0 =	simm.s32 @p0 $0x1  }
0x13: {  	[smem:$0x3FB7] =	sst s0;
	s0 =	simm.s32 @!p1 $0x0  }
0x14: {  	s2 =	sld [smem:$0x3F9B];
	s0 =	simm.s32 @p1 $0x1  }
0x15: {  	[smem:$0x3FB8] =	sst s0;
	s0 =	simm.s32 @!p2 $0x0  }
0x16: {  	s3 =	sld [smem:$0x3FDB];
	s0 =	simm.s32 @p2 $0x1  }
0x17: {  	s4 =	simm.s32 $0x1BF5;
	[smem:$0x3FBA] =	sst s0  }
0x18: {  	s0 =	sld [smem:$0x3F9D];
	_ =	swait.ge [sflag:s4], $0x0  }
0x19: {  	s7 =	sld [smem:$0x3F9E]  }
0x1a: {  	s8 =	sadd.s32 $0xFFFFE003, lr  }
0x1b: {  	s9 =	sadd.s32 $0xFFFFFEF7, lr;
	s5 =	simm.s32 $0xFFFFFFFF;
	p2 =	slt.u32 s8, $0xFFFFF086  }
0x1c: {  	p1 =	slt.u32 s9, $0xF7A;
	s5 =	simm.s32 @!p2 $0x0  }
0x1d: {  	s5 =	simm.s32 @p1 $0x1;
	p0 =	seq.s32 s7, s2  }
0x1e: {  	s7 =	smul.u32 @!p0 $0xF7A, s2;
	p2 =	seq.s32 @!p0 s5, $0x0  }
0x1f: {  	s9 =	smul.u32 $0xF7A, s1;
	s8 =	simm.s32 @!p0 $0x1BF5;
	p2 =	por !p2, p0  }
0x20: {  	[sflag:s8] =	ssyncset.s32 @!p0 $0xFFFFF086;
	s6 =	sadd.s32 @!p0 s3, s7;
	s7 =	simm.s32 @!p0 $0x108  }
0x21: {  	s3 =	sadd.s32 s3, s9;
	s6 =	sadd.s32 @!p0 $0x88, s6;
	s7 =	simm.s32 @p2 $0x1082  }
0x22: {  	[simem:s7], [sflag:s8] =	dma.local @!p0 [hbm:s6], $0xF7A  }
0x23: {  	s9 =	sor.u32 $0xD0000000, s2;
	s6 =	simm.s32 $0x108;
	_ =	swait.ge @!p0 [sflag:s8], $0x0  }
0x24: {  	s3 =	sadd.s32 $0x88, s3;
	s6 =	simm.s32 @!p1 $0x1082;
	[sflag:s4] =	ssyncset.s32 $0xFFFFF086  }
0x25: {  	[simem:s6], [sflag:s4] =	dma.local [hbm:s3], $0xF7A  }
0x26: {  	[smem:$0x3F9E] =	sst s1;
	(tag) =	ssettag s2;
	_ =	strace s9  }
0x27: {  	s1 =	sld [smem:$0x3FAE]  }
0x28: {  	s2 =	sld [smem:$0x3FAF]  }
0x29: {  	s4 =	sld [smem:$0x3FB1]  }
0x2a: {  	p0 =	seq.s32 s5, $0x0;
	s5 =	sld [smem:$0x3FB2]  }
0x2b: {  	s6 =	sld [smem:$0x3FB3]  }
0x2c: {  	s7 =	sld [smem:$0x3FB4]  }
0x2d: {  	s3 =	simm.s32 $0x108;
	s8 =	sld [smem:$0x3FB5]  }
0x2e: {  	s3 =	simm.s32 @!p0 $0x1082;
	s9 =	sld [smem:$0x3FB6]  }
0x2f: {  	lr =	sadd.s32 s0, s3;
	s0 =	sld [smem:$0x3FAD]  }
0x30: {  	s3 =	sld [smem:$0x3FB0]  }
0x31: {  	[smem:$0x3FB9] =	sst s10  }
0x32: {  	s10 =	sld [smem:$0x3FB7];
	_ =	sdelay $0x3  }
0x33: {  	p0 =	seq.s32 s10, $0x1;
	s10 =	sld [smem:$0x3FB9];
	_ =	sdelay $0x3  }
0x34: {  	[smem:$0x3FB9] =	sst s10  }
0x35: {  	s10 =	sld [smem:$0x3FB8];
	_ =	sdelay $0x3  }
0x36: {  	p1 =	seq.s32 s10, $0x1;
	s10 =	sld [smem:$0x3FB9];
	_ =	sdelay $0x3  }
0x37: {  	[smem:$0x3FB9] =	sst s10  }
0x38: {  	s10 =	sld [smem:$0x3FBA]  }
0x39: {  	_ = 	snop;
	(pc) =	sbr.ind lr, $3  }
0x3a: {  	_ = 	snop  }
0x3b: {  	_ = 	snop  }
0x3c: {  	p2 =	seq.s32 s10, $0x1;
	s10 =	sld [smem:$0x3FB9]  }
0x3d: {  	_ =	shalt  }
0x3e: {  	_ =	shalt  }
0x3f: {  	_ =	shalt  }
0x40: {  	_ =	shalt  }
0x41: {  	_ =	shalt  }
0x42: {  	_ =	shalt  }
0x43: {  	_ =	shalt  }
0x44: {  	_ =	shalt  }
0x45: {  	_ =	shalt  }
0x46: {  	_ =	shalt  }
0x47: {  	_ =	shalt  }
0x48: {  	_ =	shalt  }
0x49: {  	_ =	shalt  }
0x4a: {  	_ =	shalt  }
0x4b: {  	_ =	shalt  }
0x4c: {  	_ =	shalt  }
0x4d: {  	_ =	shalt  }
0x4e: {  	_ =	shalt  }
0x4f: {  	_ =	shalt  }
0x50: {  	_ =	shalt  }
0x51: {  	_ =	shalt  }
0x52: {  	_ =	shalt  }
0x53: {  	_ =	shalt  }
0x54: {  	_ =	shalt  }
0x55: {  	_ =	shalt  }
0x56: {  	_ =	shalt  }
0x57: {  	_ =	shalt  }
0x58: {  	_ =	shalt  }
0x59: {  	_ =	shalt  }
0x5a: {  	_ =	shalt  }
0x5b: {  	_ =	shalt  }
0x5c: {  	_ =	shalt  }
0x5d: {  	_ =	shalt  }
0x5e: {  	_ =	shalt  }
0x5f: {  	_ =	shalt  }
0x60: {  	_ =	shalt  }
0x61: {  	_ =	shalt  }
0x62: {  	_ =	shalt  }
0x63: {  	_ =	shalt  }
0x64: {  	_ =	shalt  }
0x65: {  	_ =	shalt  }
0x66: {  	_ =	shalt  }
0x67: {  	_ =	shalt  }
0x68: {  	_ =	shalt  }
0x69: {  	_ =	shalt  }
0x6a: {  	_ =	shalt  }
0x6b: {  	_ =	shalt  }
0x6c: {  	_ =	shalt  }
0x6d: {  	_ =	shalt  }
0x6e: {  	_ =	shalt  }
0x6f: {  	_ =	shalt  }
0x70: {  	_ =	shalt  }
0x71: {  	_ =	shalt  }
0x72: {  	_ =	shalt  }
0x73: {  	_ =	shalt  }
0x74: {  	_ =	shalt  }
0x75: {  	_ =	shalt  }
0x76: {  	_ =	shalt  }
0x77: {  	_ =	shalt  }
0x78: {  	_ =	shalt  }
0x79: {  	_ =	shalt  }
0x7a: {  	_ =	shalt  }
0x7b: {  	_ =	shalt  }
0x7c: {  	_ =	shalt  }
0x7d: {  	_ =	shalt  }
0x7e: {  	_ =	shalt  }
0x7f: {  	_ =	shalt  }
0x80: {  	_ =	shalt  }
0x81: {  	_ =	shalt  }
0x82: {  	_ =	shalt  }
0x83: {  	_ =	shalt  }
0x84: {  	_ =	shalt  }
0x85: {  	_ =	shalt  }
0x86: {  	_ =	shalt  }
0x87: {  	_ =	shalt  }
.Lfunc_end0:
.L_simem_size_0:
called_computation_lowered:
.L_overlay_start_0:
0x88: {  	s2 =	sld [smem:$0x3FD9]  }
0x89: {  	s3 =	sld [smem:$0x3FFE];
	_ =	sdelay $0x1  }
0x8a: {  	s1 =	srdreg.scid  }
0x8b: {  	s0 =	sand.u32 $0x1, s1  }
0x8c: {  	s17 =	sshll.u32 s0, $0xA;
	s2 =	sadd.s32 s3, s2  }
0x8d: {  	s2 =	sadd.s32 s2, s17  }
0x8e: {  	[smem:$0x3FC5] =	sst s2  }
0x8f: {  	_ = 	snop  }
0x90: {  	s2 =	sld [smem:$0x3FD0];
	(tm) =	ssettm $0x1  }
0x91: {  	s18 =	sld [smem:$0x3FFB];
	_ =	sdelay $0x3  }
0x92: {  	_ =	strace s18  }
0x93: {  	s3 =	sld [smem:$0x3FFC];
	_ =	sdelay $0x3  }
0x94: {  	_ =	strace s3  }
0x95: {  	s3 =	sld [smem:$0x3FFD];
	_ =	sdelay $0x3  }
0x96: {  	_ =	strace s3  }
0x97: {  	_ =	strace $0x8FFFFFFF  }
0x98: {  	s19 =	sld [smem:$0x3FDB];
	_ =	sdelay $0x1  }
0x99: {  	s4 =	simm.s32 $_scs_section_size  }
0x9a: {  	s5 =	simm.s32 $_size__tile_overlayer_lowered;
	s6 =	simm.s32 $_tile_overlayer_lowered  }
0x9b: {  	s22 =	simm.s32 $0x1BFF;
	s21 =	sshll.u32 s6, $0x1;
	s3 =	sadd.s32 s4, s19  }
0x9c: {  	s7 =	simm.s32 $0x0;
	s20 =	sshll.u32 s5, $0x1;
	s5 =	sadd.s32 s21, s3  }
0x9d: {  	[timem:s7], [sflag:s22] =	dma.local [hbm:s5], s20  }
0x9e: {  	_ =	swait.ge [sflag:s22], s20  }
0x9f: {  	s4 =	ssub.s32 $0x0, s20;
	[sflag:s22] =	ssyncset.done $0x0  }
0xa0: {  	[sflag:s22] =	ssyncadd.s32 s4;
	_ =	sdelay $0x1  }
0xa1: {  	s23 =	simm.s32 $0x1B8B  }
0xa2: {  	_ =	swait.ge [sflag:s23], $0x1  }
0xa3: {  	[sflag:s23] =	ssyncset.done $0x0  }
0xa4: {  	s25 =	simm.s32 $0x1B8E;
	s24 =	sld [smem:$0x3FFE];
	[sflag:s23] =	ssyncadd.s32 $0xFFFFFFFF  }
0xa5: {  	s26 =	simm.s32 $execute0_lowered;
	[smem:$0x3FD2] =	sst s25  }
0xa6: {  	s5 =	sshll.u32 s26, $0x1;
	_ =	strace $0x80000046;
	[dreg:$0x1] =	wrdreg $0xFFFFFFFF  }
0xa7: {  	s28 =	simm.s32 $_size_execute0_lowered;
	s3 =	sadd.s32 s3, s5;
	[dreg:$0x0] =	wrdreg $0x0  }
0xa8: {  	s5 =	sshll.u32 s28, $0x1;
	[dreg:$0x2] =	wrdreg s3  }
0xa9: {  	[dreg:$0x3] =	wrdreg s5  }
0xaa: {  	[dreg:$0x4] =	wrdreg $0xC0  }
0xab: {  	_ =	task [dreg:s7], $0x5FFFF  }
0xac: {  	[dreg:$0x1] =	wrdreg $0xFFFFFFFF  }
0xad: {  	[dreg:$0x0] =	wrdreg $0x60  }
0xae: {  	[dreg:$0x2] =	wrdreg s2  }
0xaf: {  	[dreg:$0x3] =	wrdreg s24  }
0xb0: {  	[dreg:$0x4] =	wrdreg $0x9  }
0xb1: {  	_ =	task.clear_ibuf [dreg:s7], $0x5FFFF;
	_ =	strace $0x90000046  }
0xb2: {  	s29 =	simm.s32 $0x9;
	_ =	strace $0x80000048  }
0xb3: {  	_ =	swait.ge [sflag:s29], $0x1  }
0xb4: {  	[sflag:s29] =	ssyncadd.s32 $0xFFFFFFFF  }
0xb5: {  	_ =	strace $0x90000048  }
0xb6: {  	_ =	sfence  }
0xb7: {  	s30 =	sld [smem:$0x0];
	_ =	sdelay $0x2  }
0xb8: {  	s31 =	sshll.u32 s1, $0xD;
	s1 =	sshrl.u32 s1, $0x2  }
0xb9: {  	s3 =	sand.u32 $0x4000, s31;
	s1 =	sadd.s32 s1, s30  }
0xba: {  	s0 =	sor.u32 s3, s0;
	s1 =	sshll.u32 s1, $0x11  }
0xbb: {  	s0 =	sor.u32 s1, s0  }
0xbc: {  	s0 =	sadd.s32 $0x8F2B, s0  }
0xbd: {  	[sflag:s0] =	ssyncadd.remote.s32 $0x1  }
0xbe: {  	_ =	sfence.sel $0xFFFF  }
0xbf: {  	[dreg:$0x0] =	wrdreg $0xFFFFFFFF;
	(pc) =	sbr.abs _section_cstart, $3  }
0xc0: {  	[dreg:$0x1] =	wrdreg $0xFFFFFFFF  }
0xc1: {  	_ =	task.clear_ibuf [dreg:s7], $0x2FFFF;
	_ =	strace $0x9FFFFFFF  }
0xc2: {  	(tm) =	ssettm $0x7FFFFFFF  }
0xc3: {  	_ =	shalt  }
tec
execute0_lowered:
.L_overlay_start_1:
0x0: {  	(tag) =	ssettag $0x1  }
0x1: {  	v0 =	vlaneseq.u32;
	v1 =	vimm.s32 $0x0  }
0x2: {  	v2 =	vor.u32 $0x10, v0;
	v3 =	vor.u32 $0x20, v0;
	v4 =	vor.u32 $0x30, v0  }
0x3: {  	v5 =	vor.u32 $0x40, v0;
	v6 =	vor.u32 $0x50, v0;
	v7 =	vor.u32 $0x60, v0  }
0x4: {  	v8 =	vor.u32 $0x70, v0;
	v10 =	vor.u32 $0x410, v0;
	v11 =	vor.u32 $0x420, v0  }
0x5: {  	s7 =	rddreg [dreg:$0x0];
	v12 =	vor.u32 $0x430, v0;
	v13 =	vor.u32 $0x440, v0;
	v14 =	vor.u32 $0x450, v0  }
0x6: {  	s5 =	rddreg [dreg:$0x1];
	v15 =	vor.u32 $0x460, v0;
	v16 =	vor.u32 $0x470, v0;
	v17 =	vor.u32 $0x800, v0  }
0x7: {  	s0 =	rddreg [dreg:$0x2];
	s2 =	simm.s32 $0x0;
	v18 =	vor.u32 $0x810, v0;
	v19 =	vor.u32 $0x820, v0;
	v20 =	vor.u32 $0x830, v0  }
0x8: {  	s3 =	srdreg.scid;
	s1 =	stileid.u32;
	s12 =	simm.s32 $0xA00;
	v21 =	vor.u32 $0x840, v0;
	v22 =	vor.u32 $0x850, v0;
	v23 =	vor.u32 $0x860, v0  }
0x9: {  	s13 =	simm.s32 $0xD00;
	s14 =	simm.s32 $0x1;
	s15 =	simm.s32 $0xFD00;
	v24 =	vor.u32 $0x870, v0;
	v25 =	vor.u32 $0xC00, v0;
	v26 =	vor.u32 $0xC10, v0  }
0xa: {  	s16 =	simm.s32 $0x2;
	s6 =	sand.u32 $0x1, s3;
	s4 =	sshll.u32 s1, $0x1;
	v27 =	vor.u32 $0xC20, v0;
	v28 =	vor.u32 $0xC30, v0;
	v29 =	vor.u32 $0xC40, v0  }
0xb: {  	s17 =	simm.s32 $0x3;
	s18 =	simm.s32 $0x4;
	v30 =	vor.u32 $0xC50, v0;
	v31 =	vor.u32 $0xC60, v0;
	v32 =	vor.u32 $0xC70, v0;
	s8 =	sor.u32 s6, s4  }
0xc: {  	s19 =	simm.s32 $0x0;
	[smem:$0x7FF] =	sst s2;
	v33 =	vor.u32 $0x1000, v0;
	v34 =	vor.u32 $0x1010, v0;
	v35 =	vor.u32 $0x1020, v0;
	s9 =	smul.u32 $0x134, s8  }
.Ltmp0:
0xd: {  	s3 =	sadd.s32 $0x200, s5;
	v36 =	vor.u32 $0x1030, v0;
	v37 =	vor.u32 $0x1040, v0;
	v38 =	vor.u32 $0x1050, v0;
	s6 =	ssub.s32 $0x2, s6;
	(pc) =	sbr.rel .LBB2_1-.Ltmp0, $4  }
0xe: {  	v39 =	vor.u32 $0x1060, v0;
	v40 =	vor.u32 $0x1070, v0;
	v41 =	vor.u32 $0x1400, v0;
	_ =	strace $0x80000047;
	s10 =	sshrl.u32 s6, $0x1;
	s11 =	smul.u32 $0x3C000, s8  }
0xf: {  	v9 =	vor.u32 $0x400, v0;
	v42 =	vor.u32 $0x1410, v0;
	v43 =	vor.u32 $0x1420, v0;
	s4 =	sadd.s32 $0x780200, s5;
	s5 =	sadd.s32 $0x780400, s5;
	s10 =	ssub.s32 s6, s10  }
0x10: {  	v44 =	vor.u32 $0x1430, v0;
	v45 =	vor.u32 $0x1440, v0;
	v46 =	vor.u32 $0x1450, v0;
	s6 =	sshll.u32 s8, $0x5;
	s7 =	sadd.s32 s7, s9;
	s8 =	sadd.s32 s3, s11  }
0x11: {  	v47 =	vor.u32 $0x1460, v0;
	v48 =	vor.u32 $0x1470, v0;
	v49 =	vadd.s32 $0x3D, v0;
	s9 =	sor.u32 $0x2, s6;
	s10 =	smax.u32 s10, $0x1;
	s11 =	simm.s32 $0x5  }
.LBB2_23:
0x12: {  	s19 =	sadd.s32 $0x1, s19  }
0x13: {  	p0 =	sne.s32 s19, s10  }
.Ltmp1:
0x14: {  	_ = 	snop;
	(pc) =	sbr.rel @!p0 .LBB2_24-.Ltmp1, $4  }
0x15: {  	_ = 	snop  }
0x16: {  	_ =	swait.ge [sflag:s18], $0xF000  }
0x17: {  	[sflag:s18] =	ssyncset.done $0x0  }
0x18: {  	[sflag:s18] =	ssyncadd.s32 $0xFFFF1000  }
.LBB2_1:
0x19: {  	[tilespmem:s2], [sflag:$0x5] =	stream.linear.gather [hbm4b:s7+s2], $0x9A0, $0x38;
	[tilespmem:$0x1ED00] =	vst v63  }
0x1a: {  	_ =	swait.ge [sflag:s11], $0x9A0  }
0x1b: {  	[sflag:s11] =	ssyncset.done $0x0  }
0x1c: {  	[sflag:s11] =	ssyncadd.s32 $0xFFFFF660  }
0x1d: {  	[tilespmem:s12], [sflag:$0x5] =	stream.linear.gather [hbm4b:s4+s2], $0x300, $0x38;
	[tilespmem:$0x1ED00] =	vst v63  }
.Ltmp2:
0x1e: {  	_ = 	snop;
	(pc) =	sbr.rel .LBB2_2-.Ltmp2, $4  }
0x1f: {  	_ =	swait.ge [sflag:s11], $0x300  }
0x20: {  	[sflag:s11] =	ssyncset.done $0x0  }
0x21: {  	s20 =	simm.s32 $0x0;
	[sflag:s11] =	ssyncadd.s32 $0xFFFFFD00  }
0x22: {  	[tilespmem:s13], [sflag:$0x1] =	stream.linear.gather [hbm4b:s8+s2], $0xF000, $0x38;
	[tilespmem:$0x1ED00] =	vst v63  }
.LBB2_22:
0x23: {  	s20 =	sadd.s32 $0x1, s20  }
0x24: {  	p0 =	sne.s32 s20, $0x10  }
.Ltmp3:
0x25: {  	_ = 	snop;
	(pc) =	sbr.rel @!p0 .LBB2_23-.Ltmp3, $3  }
0x26: {  	_ =	sdelay $0x1  }
0x27: {  	s21 =	sadd.s32 s5, s21  }
0x28: {  	[hbm4b:s21+s2] =	stream.linear.scatter [tilespmem:s15], [sflag:$0x4], $0xF000, $0x38;
	[tilespmem:$0x1ED00] =	vst v63  }
.LBB2_2:
0x29: {  	s22 =	sshll.u32 s20, $0x1;
	_ =	swait.ge [sflag:s14], $0xF000;
	s24 =	smul.u32 $0x9A, s20  }
0x2a: {  	p0 =	seq.s32 s20, $0x0;
	[sflag:s14] =	ssyncset.done $0x0;
	s23 =	sor.u32 $0x1, s22  }
0x2b: {  	s25 =	simm.s32 @!p0 $0x4;
	[sflag:s14] =	ssyncadd.s32 $0xFFFF1000;
	s21 =	sor.u32 s6, s23;
	v50 =	vadd.s32 s24, v0  }
0x2c: {  	_ =	swait.ge @!p0 [sflag:s25], $0xF000;
	s21 =	smul.u32 $0x1E00, s21  }
0x2d: {  	[sflag:s25] =	ssyncset.done @!p0 $0x0  }
0x2e: {  	[sflag:s25] =	ssyncadd.s32 @!p0 $0xFFFF1000;
	s30 =	sadd.s32 s3, s21  }
0x2f: {  	[tilespmem:s15], [sflag:$0x2] =	stream.linear.gather [hbm4b:s30+s2], $0xF000, $0x38;
	[tilespmem:$0x1ED00] =	vst v63  }
0x30: {  	v50 =	vld.idx.msk [tilespmem:v50+s2+$0x0], $0xffff;
	_ =	sdelay $0x4  }
0x31: {  	vm0 =	veq.s32 v50, $0x2A  }
0x32: {  	v50 =	vsel vm0, $0x1, v1  }
0x33: {  	(xrf0) =	vadd.scan.msk.s32 $0xffff, v50;
	_ =	sdelay $0x5  }
0x34: {  	v51, _, _ =	vpop (xrf0)  }
0x35: {  	(v2sf) =	vpush v51, $0xF;
	_ =	sdelay $0xe  }
0x36: {  	s31 =	spop (v2sf)  }
0x37: {  	p0 =	slt.s32 s31, $0x1  }
.Ltmp4:
0x38: {  	_ = 	snop;
	(pc) =	sbr.rel @p0 .LBB2_4-.Ltmp4, $1  }
0x39: {  	_ =	sdelay $0x3  }
.LBB2_3:
0x3a: {  	vm0 =	vne.s32 v50, $0x0  }
0x3b: {  	v51 =	vmctz.xlane vm0;
	_ =	sdelay $0x1  }
0x3c: {  	vm0 =	veq.s32 v51, v0  }
0x3d: {  	v51 =	vnsel vm0, $0x0, v0  }
0x3e: {  	(xrf0) =	vadd.scan.msk.s32 $0xffff, v51;
	_ =	sdelay $0x5  }
0x3f: {  	v51, _, _ =	vpop (xrf0)  }
0x40: {  	v51 =	vbroadcast v51, $0xF;
	_ =	sdelay $0x1  }
0x41: {  	v52 =	vshrl.u32 v51, $0x3  }
0x42: {  	v51 =	vshll.u32 v51, $0x7;
	v52 =	vmul.u32 $0x1800, v52  }
0x43: {  	v51 =	vand.u32 $0x380, v51  }
0x44: {  	v51 =	vor.u32 v51, v52  }
0x45: {  	v56 =	vld [tilespmem:$0xA00];
	v53 =	vor.u32 v0, v51;
	_ =	sdelay $0x4  }
0x46: {  	[tilespmem:v53+s13+$0x0] =	vst.idx.msk $0xffff, v56  }
0x47: {  	v57 =	vor.u32 v2, v51;
	v52 =	vld [tilespmem:$0xA10];
	_ =	sdelay $0x4  }
0x48: {  	[tilespmem:v57+s13+$0x0] =	vst.idx.msk $0xffff, v52  }
0x49: {  	v58 =	vor.u32 v3, v51;
	v52 =	vld [tilespmem:$0xA20];
	_ =	sdelay $0x4  }
0x4a: {  	[tilespmem:v58+s13+$0x0] =	vst.idx.msk $0xffff, v52  }
0x4b: {  	v59 =	vor.u32 v4, v51;
	v52 =	vld [tilespmem:$0xA30];
	_ =	sdelay $0x4  }
0x4c: {  	[tilespmem:v59+s13+$0x0] =	vst.idx.msk $0xffff, v52  }
0x4d: {  	v60 =	vor.u32 v5, v51;
	v52 =	vld [tilespmem:$0xA40];
	_ =	sdelay $0x4  }
0x4e: {  	[tilespmem:v60+s13+$0x0] =	vst.idx.msk $0xffff, v52  }
0x4f: {  	v61 =	vor.u32 v6, v51;
	v52 =	vld [tilespmem:$0xA50];
	_ =	sdelay $0x4  }
0x50: {  	[tilespmem:v61+s13+$0x0] =	vst.idx.msk $0xffff, v52  }
0x51: {  	v62 =	vor.u32 v7, v51;
	v52 =	vld [tilespmem:$0xA60];
	_ =	sdelay $0x4  }
0x52: {  	[tilespmem:v62+s13+$0x0] =	vst.idx.msk $0xffff, v52  }
0x53: {  	v63 =	vor.u32 v8, v51;
	v52 =	vld [tilespmem:$0xA70];
	_ =	sdelay $0x4  }
0x54: {  	[tilespmem:v63+s13+$0x0] =	vst.idx.msk $0xffff, v52  }
0x55: {  	v56 =	vor.u32 v9, v51;
	v52 =	vld [tilespmem:$0xA80];
	_ =	sdelay $0x4  }
0x56: {  	[tilespmem:v56+s13+$0x0] =	vst.idx.msk $0xffff, v52  }
0x57: {  	v57 =	vor.u32 v10, v51;
	v52 =	vld [tilespmem:$0xA90];
	_ =	sdelay $0x4  }
0x58: {  	[tilespmem:v57+s13+$0x0] =	vst.idx.msk $0xffff, v52  }
0x59: {  	v58 =	vor.u32 v11, v51;
	v52 =	vld [tilespmem:$0xAA0];
	_ =	sdelay $0x4  }
0x5a: {  	[tilespmem:v58+s13+$0x0] =	vst.idx.msk $0xffff, v52  }
0x5b: {  	v59 =	vor.u32 v12, v51;
	v52 =	vld [tilespmem:$0xAB0];
	_ =	sdelay $0x4  }
0x5c: {  	[tilespmem:v59+s13+$0x0] =	vst.idx.msk $0xffff, v52  }
0x5d: {  	v60 =	vor.u32 v13, v51;
	v52 =	vld [tilespmem:$0xAC0];
	_ =	sdelay $0x4  }
0x5e: {  	[tilespmem:v60+s13+$0x0] =	vst.idx.msk $0xffff, v52  }
0x5f: {  	v61 =	vor.u32 v14, v51;
	v52 =	vld [tilespmem:$0xAD0];
	_ =	sdelay $0x4  }
0x60: {  	[tilespmem:v61+s13+$0x0] =	vst.idx.msk $0xffff, v52  }
0x61: {  	v62 =	vor.u32 v15, v51;
	v52 =	vld [tilespmem:$0xAE0];
	_ =	sdelay $0x4  }
0x62: {  	[tilespmem:v62+s13+$0x0] =	vst.idx.msk $0xffff, v52  }
0x63: {  	v63 =	vor.u32 v16, v51;
	v52 =	vld [tilespmem:$0xAF0];
	_ =	sdelay $0x4  }
0x64: {  	[tilespmem:v63+s13+$0x0] =	vst.idx.msk $0xffff, v52  }
0x65: {  	v56 =	vadd.s32 v17, v51;
	v52 =	vld [tilespmem:$0xB00];
	_ =	sdelay $0x4  }
0x66: {  	[tilespmem:v56+s13+$0x0] =	vst.idx.msk $0xffff, v52  }
0x67: {  	v57 =	vadd.s32 v18, v51;
	v52 =	vld [tilespmem:$0xB10];
	_ =	sdelay $0x4  }
0x68: {  	[tilespmem:v57+s13+$0x0] =	vst.idx.msk $0xffff, v52  }
0x69: {  	v58 =	vadd.s32 v19, v51;
	v52 =	vld [tilespmem:$0xB20];
	_ =	sdelay $0x4  }
0x6a: {  	[tilespmem:v58+s13+$0x0] =	vst.idx.msk $0xffff, v52  }
0x6b: {  	v59 =	vadd.s32 v20, v51;
	v52 =	vld [tilespmem:$0xB30];
	_ =	sdelay $0x4  }
0x6c: {  	[tilespmem:v59+s13+$0x0] =	vst.idx.msk $0xffff, v52  }
0x6d: {  	v60 =	vadd.s32 v21, v51;
	v52 =	vld [tilespmem:$0xB40];
	_ =	sdelay $0x4  }
0x6e: {  	[tilespmem:v60+s13+$0x0] =	vst.idx.msk $0xffff, v52  }
0x6f: {  	v61 =	vadd.s32 v22, v51;
	v52 =	vld [tilespmem:$0xB50];
	_ =	sdelay $0x4  }
0x70: {  	[tilespmem:v61+s13+$0x0] =	vst.idx.msk $0xffff, v52  }
0x71: {  	v62 =	vadd.s32 v23, v51;
	v52 =	vld [tilespmem:$0xB60];
	_ =	sdelay $0x4  }
0x72: {  	[tilespmem:v62+s13+$0x0] =	vst.idx.msk $0xffff, v52  }
0x73: {  	v63 =	vadd.s32 v24, v51;
	v52 =	vld [tilespmem:$0xB70];
	_ =	sdelay $0x4  }
0x74: {  	[tilespmem:v63+s13+$0x0] =	vst.idx.msk $0xffff, v52  }
0x75: {  	v56 =	vadd.s32 v25, v51;
	v52 =	vld [tilespmem:$0xB80];
	_ =	sdelay $0x4  }
0x76: {  	[tilespmem:v56+s13+$0x0] =	vst.idx.msk $0xffff, v52  }
0x77: {  	v57 =	vadd.s32 v26, v51;
	v52 =	vld [tilespmem:$0xB90];
	_ =	sdelay $0x4  }
0x78: {  	[tilespmem:v57+s13+$0x0] =	vst.idx.msk $0xffff, v52  }
0x79: {  	v58 =	vadd.s32 v27, v51;
	v52 =	vld [tilespmem:$0xBA0];
	_ =	sdelay $0x4  }
0x7a: {  	[tilespmem:v58+s13+$0x0] =	vst.idx.msk $0xffff, v52  }
0x7b: {  	v59 =	vadd.s32 v28, v51;
	v52 =	vld [tilespmem:$0xBB0];
	_ =	sdelay $0x4  }
0x7c: {  	[tilespmem:v59+s13+$0x0] =	vst.idx.msk $0xffff, v52  }
0x7d: {  	v60 =	vadd.s32 v29, v51;
	v52 =	vld [tilespmem:$0xBC0];
	_ =	sdelay $0x4  }
0x7e: {  	[tilespmem:v60+s13+$0x0] =	vst.idx.msk $0xffff, v52  }
0x7f: {  	v61 =	vadd.s32 v30, v51;
	v52 =	vld [tilespmem:$0xBD0];
	_ =	sdelay $0x4  }
0x80: {  	[tilespmem:v61+s13+$0x0] =	vst.idx.msk $0xffff, v52  }
0x81: {  	v62 =	vadd.s32 v31, v51;
	v52 =	vld [tilespmem:$0xBE0];
	_ =	sdelay $0x4  }
0x82: {  	[tilespmem:v62+s13+$0x0] =	vst.idx.msk $0xffff, v52  }
0x83: {  	v63 =	vadd.s32 v32, v51;
	v52 =	vld [tilespmem:$0xBF0];
	_ =	sdelay $0x4  }
0x84: {  	[tilespmem:v63+s13+$0x0] =	vst.idx.msk $0xffff, v52  }
0x85: {  	v56 =	vadd.s32 v33, v51;
	v52 =	vld [tilespmem:$0xC00];
	_ =	sdelay $0x4  }
0x86: {  	[tilespmem:v56+s13+$0x0] =	vst.idx.msk $0xffff, v52  }
0x87: {  	v57 =	vadd.s32 v34, v51;
	v52 =	vld [tilespmem:$0xC10];
	_ =	sdelay $0x4  }
0x88: {  	[tilespmem:v57+s13+$0x0] =	vst.idx.msk $0xffff, v52  }
0x89: {  	v58 =	vadd.s32 v35, v51;
	v52 =	vld [tilespmem:$0xC20];
	_ =	sdelay $0x4  }
0x8a: {  	[tilespmem:v58+s13+$0x0] =	vst.idx.msk $0xffff, v52  }
0x8b: {  	v59 =	vadd.s32 v36, v51;
	v52 =	vld [tilespmem:$0xC30];
	_ =	sdelay $0x4  }
0x8c: {  	[tilespmem:v59+s13+$0x0] =	vst.idx.msk $0xffff, v52  }
0x8d: {  	v60 =	vadd.s32 v37, v51;
	v52 =	vld [tilespmem:$0xC40];
	_ =	sdelay $0x4  }
0x8e: {  	[tilespmem:v60+s13+$0x0] =	vst.idx.msk $0xffff, v52  }
0x8f: {  	v61 =	vadd.s32 v38, v51;
	v52 =	vld [tilespmem:$0xC50];
	_ =	sdelay $0x4  }
0x90: {  	[tilespmem:v61+s13+$0x0] =	vst.idx.msk $0xffff, v52  }
0x91: {  	v62 =	vadd.s32 v39, v51;
	v52 =	vld [tilespmem:$0xC60];
	_ =	sdelay $0x4  }
0x92: {  	[tilespmem:v62+s13+$0x0] =	vst.idx.msk $0xffff, v52  }
0x93: {  	v63 =	vadd.s32 v40, v51;
	v52 =	vld [tilespmem:$0xC70];
	_ =	sdelay $0x4  }
0x94: {  	[tilespmem:v63+s13+$0x0] =	vst.idx.msk $0xffff, v52  }
0x95: {  	v56 =	vadd.s32 v41, v51;
	v52 =	vld [tilespmem:$0xC80];
	_ =	sdelay $0x4  }
0x96: {  	[tilespmem:v56+s13+$0x0] =	vst.idx.msk $0xffff, v52  }
0x97: {  	v57 =	vadd.s32 v42, v51;
	v52 =	vld [tilespmem:$0xC90];
	_ =	sdelay $0x4  }
0x98: {  	[tilespmem:v57+s13+$0x0] =	vst.idx.msk $0xffff, v52  }
0x99: {  	v58 =	vadd.s32 v43, v51;
	v52 =	vld [tilespmem:$0xCA0];
	_ =	sdelay $0x4  }
0x9a: {  	[tilespmem:v58+s13+$0x0] =	vst.idx.msk $0xffff, v52  }
0x9b: {  	v50 =	vsel vm0, $0x0, v50;
	v59 =	vadd.s32 v44, v51;
	v52 =	vld [tilespmem:$0xCB0]  }
0x9c: {  	(xrf0) =	vadd.scan.msk.s32 $0xffff, v50;
	_ =	sdelay $0x3  }
0x9d: {  	[tilespmem:v59+s13+$0x0] =	vst.idx.msk $0xffff, v52  }
0x9e: {  	v60 =	vadd.s32 v45, v51;
	v52 =	vld [tilespmem:$0xCC0]  }
0x9f: {  	v61, _, _ =	vpop (xrf0)  }
0xa0: {  	(v2sf) =	vpush v61, $0xF;
	_ =	sdelay $0x2  }
0xa1: {  	[tilespmem:v60+s13+$0x0] =	vst.idx.msk $0xffff, v52  }
0xa2: {  	v62 =	vadd.s32 v46, v51;
	v53 =	vld [tilespmem:$0xCD0];
	_ =	sdelay $0x4  }
0xa3: {  	[tilespmem:v62+s13+$0x0] =	vst.idx.msk $0xffff, v53  }
0xa4: {  	v63 =	vadd.s32 v47, v51;
	v52 =	vld [tilespmem:$0xCE0];
	_ =	sdelay $0x4  }
0xa5: {  	s25 =	spop (v2sf);
	[tilespmem:v63+s13+$0x0] =	vst.idx.msk $0xffff, v52  }
0xa6: {  	v51 =	vadd.s32 v48, v51;
	p0 =	sgt.s32 s25, $0x0;
	v52 =	vld [tilespmem:$0xCF0]  }
.Ltmp5:
0xa7: {  	_ = 	snop;
	(pc) =	sbr.rel @p0 .LBB2_3-.Ltmp5, $2  }
0xa8: {  	_ =	sdelay $0x2  }
0xa9: {  	[tilespmem:v51+s13+$0x0] =	vst.idx.msk $0xffff, v52  }
.LBB2_4:
0xaa: {  	s25 =	sadd.s32 $0x10, s24  }
0xab: {  	v50 =	vadd.s32 s25, v0;
	_ =	sdelay $0x4  }
0xac: {  	v50 =	vld.idx.msk [tilespmem:v50+s2+$0x0], $0xffff;
	_ =	sdelay $0x4  }
0xad: {  	vm0 =	veq.s32 v50, $0x2A  }
0xae: {  	v50 =	vsel vm0, $0x1, v1  }
0xaf: {  	(xrf0) =	vadd.scan.msk.s32 $0xffff, v50;
	_ =	sdelay $0x5  }
0xb0: {  	v51, _, _ =	vpop (xrf0)  }
0xb1: {  	(v2sf) =	vpush v51, $0xF;
	_ =	sdelay $0xe  }
0xb2: {  	s31 =	spop (v2sf)  }
0xb3: {  	p0 =	slt.s32 s31, $0x1  }
.Ltmp6:
0xb4: {  	_ = 	snop;
	(pc) =	sbr.rel @p0 .LBB2_6-.Ltmp6, $1  }
0xb5: {  	_ =	sdelay $0x3  }
.LBB2_5:
0xb6: {  	vm0 =	vne.s32 v50, $0x0  }
0xb7: {  	v51 =	vmctz.xlane vm0;
	_ =	sdelay $0x1  }
0xb8: {  	vm0 =	veq.s32 v51, v0  }
0xb9: {  	v51 =	vnsel vm0, $0x0, v2  }
0xba: {  	(xrf0) =	vadd.scan.msk.s32 $0xffff, v51;
	_ =	sdelay $0x5  }
0xbb: {  	v51, _, _ =	vpop (xrf0)  }
0xbc: {  	v51 =	vbroadcast v51, $0xF;
	_ =	sdelay $0x1  }
0xbd: {  	v52 =	vshrl.u32 v51, $0x3  }
0xbe: {  	v51 =	vshll.u32 v51, $0x7;
	v52 =	vmul.u32 $0x1800, v52  }
0xbf: {  	v51 =	vand.u32 $0x380, v51  }
0xc0: {  	v51 =	vor.u32 v51, v52  }
0xc1: {  	v56 =	vld [tilespmem:$0xA00];
	v53 =	vor.u32 v0, v51;
	_ =	sdelay $0x4  }
0xc2: {  	[tilespmem:v53+s13+$0x0] =	vst.idx.msk $0xffff, v56  }
0xc3: {  	v57 =	vor.u32 v2, v51;
	v52 =	vld [tilespmem:$0xA10];
	_ =	sdelay $0x4  }
0xc4: {  	[tilespmem:v57+s13+$0x0] =	vst.idx.msk $0xffff, v52  }
0xc5: {  	v58 =	vor.u32 v3, v51;
	v52 =	vld [tilespmem:$0xA20];
	_ =	sdelay $0x4  }
0xc6: {  	[tilespmem:v58+s13+$0x0] =	vst.idx.msk $0xffff, v52  }
0xc7: {  	v59 =	vor.u32 v4, v51;
	v52 =	vld [tilespmem:$0xA30];
	_ =	sdelay $0x4  }
0xc8: {  	[tilespmem:v59+s13+$0x0] =	vst.idx.msk $0xffff, v52  }
0xc9: {  	v60 =	vor.u32 v5, v51;
	v52 =	vld [tilespmem:$0xA40];
	_ =	sdelay $0x4  }
0xca: {  	[tilespmem:v60+s13+$0x0] =	vst.idx.msk $0xffff, v52  }
0xcb: {  	v61 =	vor.u32 v6, v51;
	v52 =	vld [tilespmem:$0xA50];
	_ =	sdelay $0x4  }
0xcc: {  	[tilespmem:v61+s13+$0x0] =	vst.idx.msk $0xffff, v52  }
0xcd: {  	v62 =	vor.u32 v7, v51;
	v52 =	vld [tilespmem:$0xA60];
	_ =	sdelay $0x4  }
0xce: {  	[tilespmem:v62+s13+$0x0] =	vst.idx.msk $0xffff, v52  }
0xcf: {  	v63 =	vor.u32 v8, v51;
	v52 =	vld [tilespmem:$0xA70];
	_ =	sdelay $0x4  }
0xd0: {  	[tilespmem:v63+s13+$0x0] =	vst.idx.msk $0xffff, v52  }
0xd1: {  	v56 =	vor.u32 v9, v51;
	v52 =	vld [tilespmem:$0xA80];
	_ =	sdelay $0x4  }
0xd2: {  	[tilespmem:v56+s13+$0x0] =	vst.idx.msk $0xffff, v52  }
0xd3: {  	v57 =	vor.u32 v10, v51;
	v52 =	vld [tilespmem:$0xA90];
	_ =	sdelay $0x4  }
0xd4: {  	[tilespmem:v57+s13+$0x0] =	vst.idx.msk $0xffff, v52  }
0xd5: {  	v58 =	vor.u32 v11, v51;
	v52 =	vld [tilespmem:$0xAA0];
	_ =	sdelay $0x4  }
0xd6: {  	[tilespmem:v58+s13+$0x0] =	vst.idx.msk $0xffff, v52  }
0xd7: {  	v59 =	vor.u32 v12, v51;
	v52 =	vld [tilespmem:$0xAB0];
	_ =	sdelay $0x4  }
0xd8: {  	[tilespmem:v59+s13+$0x0] =	vst.idx.msk $0xffff, v52  }
0xd9: {  	v60 =	vor.u32 v13, v51;
	v52 =	vld [tilespmem:$0xAC0];
	_ =	sdelay $0x4  }
0xda: {  	[tilespmem:v60+s13+$0x0] =	vst.idx.msk $0xffff, v52  }
0xdb: {  	v61 =	vor.u32 v14, v51;
	v52 =	vld [tilespmem:$0xAD0];
	_ =	sdelay $0x4  }
0xdc: {  	[tilespmem:v61+s13+$0x0] =	vst.idx.msk $0xffff, v52  }
0xdd: {  	v62 =	vor.u32 v15, v51;
	v52 =	vld [tilespmem:$0xAE0];
	_ =	sdelay $0x4  }
0xde: {  	[tilespmem:v62+s13+$0x0] =	vst.idx.msk $0xffff, v52  }
0xdf: {  	v63 =	vor.u32 v16, v51;
	v52 =	vld [tilespmem:$0xAF0];
	_ =	sdelay $0x4  }
0xe0: {  	[tilespmem:v63+s13+$0x0] =	vst.idx.msk $0xffff, v52  }
0xe1: {  	v56 =	vadd.s32 v17, v51;
	v52 =	vld [tilespmem:$0xB00];
	_ =	sdelay $0x4  }
0xe2: {  	[tilespmem:v56+s13+$0x0] =	vst.idx.msk $0xffff, v52  }
0xe3: {  	v57 =	vadd.s32 v18, v51;
	v52 =	vld [tilespmem:$0xB10];
	_ =	sdelay $0x4  }
0xe4: {  	[tilespmem:v57+s13+$0x0] =	vst.idx.msk $0xffff, v52  }
0xe5: {  	v58 =	vadd.s32 v19, v51;
	v52 =	vld [tilespmem:$0xB20];
	_ =	sdelay $0x4  }
0xe6: {  	[tilespmem:v58+s13+$0x0] =	vst.idx.msk $0xffff, v52  }
0xe7: {  	v59 =	vadd.s32 v20, v51;
	v52 =	vld [tilespmem:$0xB30];
	_ =	sdelay $0x4  }
0xe8: {  	[tilespmem:v59+s13+$0x0] =	vst.idx.msk $0xffff, v52  }
0xe9: {  	v60 =	vadd.s32 v21, v51;
	v52 =	vld [tilespmem:$0xB40];
	_ =	sdelay $0x4  }
0xea: {  	[tilespmem:v60+s13+$0x0] =	vst.idx.msk $0xffff, v52  }
0xeb: {  	v61 =	vadd.s32 v22, v51;
	v52 =	vld [tilespmem:$0xB50];
	_ =	sdelay $0x4  }
0xec: {  	[tilespmem:v61+s13+$0x0] =	vst.idx.msk $0xffff, v52  }
0xed: {  	v62 =	vadd.s32 v23, v51;
	v52 =	vld [tilespmem:$0xB60];
	_ =	sdelay $0x4  }
0xee: {  	[tilespmem:v62+s13+$0x0] =	vst.idx.msk $0xffff, v52  }
0xef: {  	v63 =	vadd.s32 v24, v51;
	v52 =	vld [tilespmem:$0xB70];
	_ =	sdelay $0x4  }
0xf0: {  	[tilespmem:v63+s13+$0x0] =	vst.idx.msk $0xffff, v52  }
0xf1: {  	v56 =	vadd.s32 v25, v51;
	v52 =	vld [tilespmem:$0xB80];
	_ =	sdelay $0x4  }
0xf2: {  	[tilespmem:v56+s13+$0x0] =	vst.idx.msk $0xffff, v52  }
0xf3: {  	v57 =	vadd.s32 v26, v51;
	v52 =	vld [tilespmem:$0xB90];
	_ =	sdelay $0x4  }
0xf4: {  	[tilespmem:v57+s13+$0x0] =	vst.idx.msk $0xffff, v52  }
0xf5: {  	v58 =	vadd.s32 v27, v51;
	v52 =	vld [tilespmem:$0xBA0];
	_ =	sdelay $0x4  }
0xf6: {  	[tilespmem:v58+s13+$0x0] =	vst.idx.msk $0xffff, v52  }
0xf7: {  	v59 =	vadd.s32 v28, v51;
	v52 =	vld [tilespmem:$0xBB0];
	_ =	sdelay $0x4  }
0xf8: {  	[tilespmem:v59+s13+$0x0] =	vst.idx.msk $0xffff, v52  }
0xf9: {  	v60 =	vadd.s32 v29, v51;
	v52 =	vld [tilespmem:$0xBC0];
	_ =	sdelay $0x4  }
0xfa: {  	[tilespmem:v60+s13+$0x0] =	vst.idx.msk $0xffff, v52  }
0xfb: {  	v61 =	vadd.s32 v30, v51;
	v52 =	vld [tilespmem:$0xBD0];
	_ =	sdelay $0x4  }
0xfc: {  	[tilespmem:v61+s13+$0x0] =	vst.idx.msk $0xffff, v52  }
0xfd: {  	v62 =	vadd.s32 v31, v51;
	v52 =	vld [tilespmem:$0xBE0];
	_ =	sdelay $0x4  }
0xfe: {  	[tilespmem:v62+s13+$0x0] =	vst.idx.msk $0xffff, v52  }
0xff: {  	v63 =	vadd.s32 v32, v51;
	v52 =	vld [tilespmem:$0xBF0];
	_ =	sdelay $0x4  }
0x100: {  	[tilespmem:v63+s13+$0x0] =	vst.idx.msk $0xffff, v52  }
0x101: {  	v56 =	vadd.s32 v33, v51;
	v52 =	vld [tilespmem:$0xC00];
	_ =	sdelay $0x4  }
0x102: {  	[tilespmem:v56+s13+$0x0] =	vst.idx.msk $0xffff, v52  }
0x103: {  	v57 =	vadd.s32 v34, v51;
	v52 =	vld [tilespmem:$0xC10];
	_ =	sdelay $0x4  }
0x104: {  	[tilespmem:v57+s13+$0x0] =	vst.idx.msk $0xffff, v52  }
0x105: {  	v58 =	vadd.s32 v35, v51;
	v52 =	vld [tilespmem:$0xC20];
	_ =	sdelay $0x4  }
0x106: {  	[tilespmem:v58+s13+$0x0] =	vst.idx.msk $0xffff, v52  }
0x107: {  	v59 =	vadd.s32 v36, v51;
	v52 =	vld [tilespmem:$0xC30];
	_ =	sdelay $0x4  }
0x108: {  	[tilespmem:v59+s13+$0x0] =	vst.idx.msk $0xffff, v52  }
0x109: {  	v60 =	vadd.s32 v37, v51;
	v52 =	vld [tilespmem:$0xC40];
	_ =	sdelay $0x4  }
0x10a: {  	[tilespmem:v60+s13+$0x0] =	vst.idx.msk $0xffff, v52  }
0x10b: {  	v61 =	vadd.s32 v38, v51;
	v52 =	vld [tilespmem:$0xC50];
	_ =	sdelay $0x4  }
0x10c: {  	[tilespmem:v61+s13+$0x0] =	vst.idx.msk $0xffff, v52  }
0x10d: {  	v62 =	vadd.s32 v39, v51;
	v52 =	vld [tilespmem:$0xC60];
	_ =	sdelay $0x4  }
0x10e: {  	[tilespmem:v62+s13+$0x0] =	vst.idx.msk $0xffff, v52  }
0x10f: {  	v63 =	vadd.s32 v40, v51;
	v52 =	vld [tilespmem:$0xC70];
	_ =	sdelay $0x4  }
0x110: {  	[tilespmem:v63+s13+$0x0] =	vst.idx.msk $0xffff, v52  }
0x111: {  	v56 =	vadd.s32 v41, v51;
	v52 =	vld [tilespmem:$0xC80];
	_ =	sdelay $0x4  }
0x112: {  	[tilespmem:v56+s13+$0x0] =	vst.idx.msk $0xffff, v52  }
0x113: {  	v57 =	vadd.s32 v42, v51;
	v52 =	vld [tilespmem:$0xC90];
	_ =	sdelay $0x4  }
0x114: {  	[tilespmem:v57+s13+$0x0] =	vst.idx.msk $0xffff, v52  }
0x115: {  	v58 =	vadd.s32 v43, v51;
	v52 =	vld [tilespmem:$0xCA0];
	_ =	sdelay $0x4  }
0x116: {  	[tilespmem:v58+s13+$0x0] =	vst.idx.msk $0xffff, v52  }
0x117: {  	v50 =	vsel vm0, $0x0, v50;
	v59 =	vadd.s32 v44, v51;
	v52 =	vld [tilespmem:$0xCB0]  }
0x118: {  	(xrf0) =	vadd.scan.msk.s32 $0xffff, v50;
	_ =	sdelay $0x3  }
0x119: {  	[tilespmem:v59+s13+$0x0] =	vst.idx.msk $0xffff, v52  }
0x11a: {  	v60 =	vadd.s32 v45, v51;
	v52 =	vld [tilespmem:$0xCC0]  }
0x11b: {  	v61, _, _ =	vpop (xrf0)  }
0x11c: {  	(v2sf) =	vpush v61, $0xF;
	_ =	sdelay $0x2  }
0x11d: {  	[tilespmem:v60+s13+$0x0] =	vst.idx.msk $0xffff, v52  }
0x11e: {  	v62 =	vadd.s32 v46, v51;
	v53 =	vld [tilespmem:$0xCD0];
	_ =	sdelay $0x4  }
0x11f: {  	[tilespmem:v62+s13+$0x0] =	vst.idx.msk $0xffff, v53  }
0x120: {  	v63 =	vadd.s32 v47, v51;
	v52 =	vld [tilespmem:$0xCE0];
	_ =	sdelay $0x4  }
0x121: {  	s25 =	spop (v2sf);
	[tilespmem:v63+s13+$0x0] =	vst.idx.msk $0xffff, v52  }
0x122: {  	v51 =	vadd.s32 v48, v51;
	p0 =	sgt.s32 s25, $0x0;
	v52 =	vld [tilespmem:$0xCF0]  }
.Ltmp7:
0x123: {  	_ = 	snop;
	(pc) =	sbr.rel @p0 .LBB2_5-.Ltmp7, $2  }
0x124: {  	_ =	sdelay $0x2  }
0x125: {  	[tilespmem:v51+s13+$0x0] =	vst.idx.msk $0xffff, v52  }
.LBB2_6:
0x126: {  	s25 =	sadd.s32 $0x20, s24  }
0x127: {  	v50 =	vadd.s32 s25, v0;
	_ =	sdelay $0x4  }
0x128: {  	v50 =	vld.idx.msk [tilespmem:v50+s2+$0x0], $0xffff;
	_ =	sdelay $0x4  }
0x129: {  	vm0 =	veq.s32 v50, $0x2A  }
0x12a: {  	v50 =	vsel vm0, $0x1, v1  }
0x12b: {  	(xrf0) =	vadd.scan.msk.s32 $0xffff, v50;
	_ =	sdelay $0x5  }
0x12c: {  	v51, _, _ =	vpop (xrf0)  }
0x12d: {  	(v2sf) =	vpush v51, $0xF;
	_ =	sdelay $0xe  }
0x12e: {  	s31 =	spop (v2sf)  }
0x12f: {  	p0 =	slt.s32 s31, $0x1  }
.Ltmp8:
0x130: {  	_ = 	snop;
	(pc) =	sbr.rel @p0 .LBB2_8-.Ltmp8, $1  }
0x131: {  	_ =	sdelay $0x3  }
.LBB2_7:
0x132: {  	vm0 =	vne.s32 v50, $0x0  }
0x133: {  	v51 =	vmctz.xlane vm0;
	_ =	sdelay $0x1  }
0x134: {  	vm0 =	veq.s32 v51, v0  }
0x135: {  	v51 =	vnsel vm0, $0x0, v3  }
0x136: {  	(xrf0) =	vadd.scan.msk.s32 $0xffff, v51;
	_ =	sdelay $0x5  }
0x137: {  	v51, _, _ =	vpop (xrf0)  }
0x138: {  	v51 =	vbroadcast v51, $0xF;
	_ =	sdelay $0x1  }
0x139: {  	v52 =	vshrl.u32 v51, $0x3  }
0x13a: {  	v51 =	vshll.u32 v51, $0x7;
	v52 =	vmul.u32 $0x1800, v52  }
0x13b: {  	v51 =	vand.u32 $0x380, v51  }
0x13c: {  	v51 =	vor.u32 v51, v52  }
0x13d: {  	v56 =	vld [tilespmem:$0xA00];
	v53 =	vor.u32 v0, v51;
	_ =	sdelay $0x4  }
0x13e: {  	[tilespmem:v53+s13+$0x0] =	vst.idx.msk $0xffff, v56  }
0x13f: {  	v57 =	vor.u32 v2, v51;
	v52 =	vld [tilespmem:$0xA10];
	_ =	sdelay $0x4  }
0x140: {  	[tilespmem:v57+s13+$0x0] =	vst.idx.msk $0xffff, v52  }
0x141: {  	v58 =	vor.u32 v3, v51;
	v52 =	vld [tilespmem:$0xA20];
	_ =	sdelay $0x4  }
0x142: {  	[tilespmem:v58+s13+$0x0] =	vst.idx.msk $0xffff, v52  }
0x143: {  	v59 =	vor.u32 v4, v51;
	v52 =	vld [tilespmem:$0xA30];
	_ =	sdelay $0x4  }
0x144: {  	[tilespmem:v59+s13+$0x0] =	vst.idx.msk $0xffff, v52  }
0x145: {  	v60 =	vor.u32 v5, v51;
	v52 =	vld [tilespmem:$0xA40];
	_ =	sdelay $0x4  }
0x146: {  	[tilespmem:v60+s13+$0x0] =	vst.idx.msk $0xffff, v52  }
0x147: {  	v61 =	vor.u32 v6, v51;
	v52 =	vld [tilespmem:$0xA50];
	_ =	sdelay $0x4  }
0x148: {  	[tilespmem:v61+s13+$0x0] =	vst.idx.msk $0xffff, v52  }
0x149: {  	v62 =	vor.u32 v7, v51;
	v52 =	vld [tilespmem:$0xA60];
	_ =	sdelay $0x4  }
0x14a: {  	[tilespmem:v62+s13+$0x0] =	vst.idx.msk $0xffff, v52  }
0x14b: {  	v63 =	vor.u32 v8, v51;
	v52 =	vld [tilespmem:$0xA70];
	_ =	sdelay $0x4  }
0x14c: {  	[tilespmem:v63+s13+$0x0] =	vst.idx.msk $0xffff, v52  }
0x14d: {  	v56 =	vor.u32 v9, v51;
	v52 =	vld [tilespmem:$0xA80];
	_ =	sdelay $0x4  }
0x14e: {  	[tilespmem:v56+s13+$0x0] =	vst.idx.msk $0xffff, v52  }
0x14f: {  	v57 =	vor.u32 v10, v51;
	v52 =	vld [tilespmem:$0xA90];
	_ =	sdelay $0x4  }
0x150: {  	[tilespmem:v57+s13+$0x0] =	vst.idx.msk $0xffff, v52  }
0x151: {  	v58 =	vor.u32 v11, v51;
	v52 =	vld [tilespmem:$0xAA0];
	_ =	sdelay $0x4  }
0x152: {  	[tilespmem:v58+s13+$0x0] =	vst.idx.msk $0xffff, v52  }
0x153: {  	v59 =	vor.u32 v12, v51;
	v52 =	vld [tilespmem:$0xAB0];
	_ =	sdelay $0x4  }
0x154: {  	[tilespmem:v59+s13+$0x0] =	vst.idx.msk $0xffff, v52  }
0x155: {  	v60 =	vor.u32 v13, v51;
	v52 =	vld [tilespmem:$0xAC0];
	_ =	sdelay $0x4  }
0x156: {  	[tilespmem:v60+s13+$0x0] =	vst.idx.msk $0xffff, v52  }
0x157: {  	v61 =	vor.u32 v14, v51;
	v52 =	vld [tilespmem:$0xAD0];
	_ =	sdelay $0x4  }
0x158: {  	[tilespmem:v61+s13+$0x0] =	vst.idx.msk $0xffff, v52  }
0x159: {  	v62 =	vor.u32 v15, v51;
	v52 =	vld [tilespmem:$0xAE0];
	_ =	sdelay $0x4  }
0x15a: {  	[tilespmem:v62+s13+$0x0] =	vst.idx.msk $0xffff, v52  }
0x15b: {  	v63 =	vor.u32 v16, v51;
	v52 =	vld [tilespmem:$0xAF0];
	_ =	sdelay $0x4  }
0x15c: {  	[tilespmem:v63+s13+$0x0] =	vst.idx.msk $0xffff, v52  }
0x15d: {  	v56 =	vadd.s32 v17, v51;
	v52 =	vld [tilespmem:$0xB00];
	_ =	sdelay $0x4  }
0x15e: {  	[tilespmem:v56+s13+$0x0] =	vst.idx.msk $0xffff, v52  }
0x15f: {  	v57 =	vadd.s32 v18, v51;
	v52 =	vld [tilespmem:$0xB10];
	_ =	sdelay $0x4  }
0x160: {  	[tilespmem:v57+s13+$0x0] =	vst.idx.msk $0xffff, v52  }
0x161: {  	v58 =	vadd.s32 v19, v51;
	v52 =	vld [tilespmem:$0xB20];
	_ =	sdelay $0x4  }
0x162: {  	[tilespmem:v58+s13+$0x0] =	vst.idx.msk $0xffff, v52  }
0x163: {  	v59 =	vadd.s32 v20, v51;
	v52 =	vld [tilespmem:$0xB30];
	_ =	sdelay $0x4  }
0x164: {  	[tilespmem:v59+s13+$0x0] =	vst.idx.msk $0xffff, v52  }
0x165: {  	v60 =	vadd.s32 v21, v51;
	v52 =	vld [tilespmem:$0xB40];
	_ =	sdelay $0x4  }
0x166: {  	[tilespmem:v60+s13+$0x0] =	vst.idx.msk $0xffff, v52  }
0x167: {  	v61 =	vadd.s32 v22, v51;
	v52 =	vld [tilespmem:$0xB50];
	_ =	sdelay $0x4  }
0x168: {  	[tilespmem:v61+s13+$0x0] =	vst.idx.msk $0xffff, v52  }
0x169: {  	v62 =	vadd.s32 v23, v51;
	v52 =	vld [tilespmem:$0xB60];
	_ =	sdelay $0x4  }
0x16a: {  	[tilespmem:v62+s13+$0x0] =	vst.idx.msk $0xffff, v52  }
0x16b: {  	v63 =	vadd.s32 v24, v51;
	v52 =	vld [tilespmem:$0xB70];
	_ =	sdelay $0x4  }
0x16c: {  	[tilespmem:v63+s13+$0x0] =	vst.idx.msk $0xffff, v52  }
0x16d: {  	v56 =	vadd.s32 v25, v51;
	v52 =	vld [tilespmem:$0xB80];
	_ =	sdelay $0x4  }
0x16e: {  	[tilespmem:v56+s13+$0x0] =	vst.idx.msk $0xffff, v52  }
0x16f: {  	v57 =	vadd.s32 v26, v51;
	v52 =	vld [tilespmem:$0xB90];
	_ =	sdelay $0x4  }
0x170: {  	[tilespmem:v57+s13+$0x0] =	vst.idx.msk $0xffff, v52  }
0x171: {  	v58 =	vadd.s32 v27, v51;
	v52 =	vld [tilespmem:$0xBA0];
	_ =	sdelay $0x4  }
0x172: {  	[tilespmem:v58+s13+$0x0] =	vst.idx.msk $0xffff, v52  }
0x173: {  	v59 =	vadd.s32 v28, v51;
	v52 =	vld [tilespmem:$0xBB0];
	_ =	sdelay $0x4  }
0x174: {  	[tilespmem:v59+s13+$0x0] =	vst.idx.msk $0xffff, v52  }
0x175: {  	v60 =	vadd.s32 v29, v51;
	v52 =	vld [tilespmem:$0xBC0];
	_ =	sdelay $0x4  }
0x176: {  	[tilespmem:v60+s13+$0x0] =	vst.idx.msk $0xffff, v52  }
0x177: {  	v61 =	vadd.s32 v30, v51;
	v52 =	vld [tilespmem:$0xBD0];
	_ =	sdelay $0x4  }
0x178: {  	[tilespmem:v61+s13+$0x0] =	vst.idx.msk $0xffff, v52  }
0x179: {  	v62 =	vadd.s32 v31, v51;
	v52 =	vld [tilespmem:$0xBE0];
	_ =	sdelay $0x4  }
0x17a: {  	[tilespmem:v62+s13+$0x0] =	vst.idx.msk $0xffff, v52  }
0x17b: {  	v63 =	vadd.s32 v32, v51;
	v52 =	vld [tilespmem:$0xBF0];
	_ =	sdelay $0x4  }
0x17c: {  	[tilespmem:v63+s13+$0x0] =	vst.idx.msk $0xffff, v52  }
0x17d: {  	v56 =	vadd.s32 v33, v51;
	v52 =	vld [tilespmem:$0xC00];
	_ =	sdelay $0x4  }
0x17e: {  	[tilespmem:v56+s13+$0x0] =	vst.idx.msk $0xffff, v52  }
0x17f: {  	v57 =	vadd.s32 v34, v51;
	v52 =	vld [tilespmem:$0xC10];
	_ =	sdelay $0x4  }
0x180: {  	[tilespmem:v57+s13+$0x0] =	vst.idx.msk $0xffff, v52  }
0x181: {  	v58 =	vadd.s32 v35, v51;
	v52 =	vld [tilespmem:$0xC20];
	_ =	sdelay $0x4  }
0x182: {  	[tilespmem:v58+s13+$0x0] =	vst.idx.msk $0xffff, v52  }
0x183: {  	v59 =	vadd.s32 v36, v51;
	v52 =	vld [tilespmem:$0xC30];
	_ =	sdelay $0x4  }
0x184: {  	[tilespmem:v59+s13+$0x0] =	vst.idx.msk $0xffff, v52  }
0x185: {  	v60 =	vadd.s32 v37, v51;
	v52 =	vld [tilespmem:$0xC40];
	_ =	sdelay $0x4  }
0x186: {  	[tilespmem:v60+s13+$0x0] =	vst.idx.msk $0xffff, v52  }
0x187: {  	v61 =	vadd.s32 v38, v51;
	v52 =	vld [tilespmem:$0xC50];
	_ =	sdelay $0x4  }
0x188: {  	[tilespmem:v61+s13+$0x0] =	vst.idx.msk $0xffff, v52  }
0x189: {  	v62 =	vadd.s32 v39, v51;
	v52 =	vld [tilespmem:$0xC60];
	_ =	sdelay $0x4  }
0x18a: {  	[tilespmem:v62+s13+$0x0] =	vst.idx.msk $0xffff, v52  }
0x18b: {  	v63 =	vadd.s32 v40, v51;
	v52 =	vld [tilespmem:$0xC70];
	_ =	sdelay $0x4  }
0x18c: {  	[tilespmem:v63+s13+$0x0] =	vst.idx.msk $0xffff, v52  }
0x18d: {  	v56 =	vadd.s32 v41, v51;
	v52 =	vld [tilespmem:$0xC80];
	_ =	sdelay $0x4  }
0x18e: {  	[tilespmem:v56+s13+$0x0] =	vst.idx.msk $0xffff, v52  }
0x18f: {  	v57 =	vadd.s32 v42, v51;
	v52 =	vld [tilespmem:$0xC90];
	_ =	sdelay $0x4  }
0x190: {  	[tilespmem:v57+s13+$0x0] =	vst.idx.msk $0xffff, v52  }
0x191: {  	v58 =	vadd.s32 v43, v51;
	v52 =	vld [tilespmem:$0xCA0];
	_ =	sdelay $0x4  }
0x192: {  	[tilespmem:v58+s13+$0x0] =	vst.idx.msk $0xffff, v52  }
0x193: {  	v50 =	vsel vm0, $0x0, v50;
	v59 =	vadd.s32 v44, v51;
	v52 =	vld [tilespmem:$0xCB0]  }
0x194: {  	(xrf0) =	vadd.scan.msk.s32 $0xffff, v50;
	_ =	sdelay $0x3  }
0x195: {  	[tilespmem:v59+s13+$0x0] =	vst.idx.msk $0xffff, v52  }
0x196: {  	v60 =	vadd.s32 v45, v51;
	v52 =	vld [tilespmem:$0xCC0]  }
0x197: {  	v61, _, _ =	vpop (xrf0)  }
0x198: {  	(v2sf) =	vpush v61, $0xF;
	_ =	sdelay $0x2  }
0x199: {  	[tilespmem:v60+s13+$0x0] =	vst.idx.msk $0xffff, v52  }
0x19a: {  	v62 =	vadd.s32 v46, v51;
	v53 =	vld [tilespmem:$0xCD0];
	_ =	sdelay $0x4  }
0x19b: {  	[tilespmem:v62+s13+$0x0] =	vst.idx.msk $0xffff, v53  }
0x19c: {  	v63 =	vadd.s32 v47, v51;
	v52 =	vld [tilespmem:$0xCE0];
	_ =	sdelay $0x4  }
0x19d: {  	s25 =	spop (v2sf);
	[tilespmem:v63+s13+$0x0] =	vst.idx.msk $0xffff, v52  }
0x19e: {  	v51 =	vadd.s32 v48, v51;
	p0 =	sgt.s32 s25, $0x0;
	v52 =	vld [tilespmem:$0xCF0]  }
.Ltmp9:
0x19f: {  	_ = 	snop;
	(pc) =	sbr.rel @p0 .LBB2_7-.Ltmp9, $2  }
0x1a0: {  	_ =	sdelay $0x2  }
0x1a1: {  	[tilespmem:v51+s13+$0x0] =	vst.idx.msk $0xffff, v52  }
.LBB2_8:
0x1a2: {  	s25 =	sadd.s32 $0x30, s24  }
0x1a3: {  	v50 =	vadd.s32 s25, v0;
	_ =	sdelay $0x4  }
0x1a4: {  	v50 =	vld.idx.msk [tilespmem:v50+s2+$0x0], $0xffff;
	_ =	sdelay $0x4  }
0x1a5: {  	vm0 =	veq.s32 v50, $0x2A  }
0x1a6: {  	v50 =	vsel vm0, $0x1, v1  }
0x1a7: {  	(xrf0) =	vadd.scan.msk.s32 $0xffff, v50;
	_ =	sdelay $0x5  }
0x1a8: {  	v51, _, _ =	vpop (xrf0)  }
0x1a9: {  	(v2sf) =	vpush v51, $0xF;
	_ =	sdelay $0xe  }
0x1aa: {  	s31 =	spop (v2sf)  }
0x1ab: {  	p0 =	slt.s32 s31, $0x1  }
.Ltmp10:
0x1ac: {  	_ = 	snop;
	(pc) =	sbr.rel @p0 .LBB2_10-.Ltmp10, $1  }
0x1ad: {  	_ =	sdelay $0x3  }
.LBB2_9:
0x1ae: {  	vm0 =	vne.s32 v50, $0x0  }
0x1af: {  	v51 =	vmctz.xlane vm0;
	_ =	sdelay $0x1  }
0x1b0: {  	vm0 =	veq.s32 v51, v0  }
0x1b1: {  	v51 =	vnsel vm0, $0x0, v4  }
0x1b2: {  	(xrf0) =	vadd.scan.msk.s32 $0xffff, v51;
	_ =	sdelay $0x5  }
0x1b3: {  	v51, _, _ =	vpop (xrf0)  }
0x1b4: {  	v51 =	vbroadcast v51, $0xF;
	_ =	sdelay $0x1  }
0x1b5: {  	v52 =	vshrl.u32 v51, $0x3  }
0x1b6: {  	v51 =	vshll.u32 v51, $0x7;
	v52 =	vmul.u32 $0x1800, v52  }
0x1b7: {  	v51 =	vand.u32 $0x380, v51  }
0x1b8: {  	v51 =	vor.u32 v51, v52  }
0x1b9: {  	v56 =	vld [tilespmem:$0xA00];
	v53 =	vor.u32 v0, v51;
	_ =	sdelay $0x4  }
0x1ba: {  	[tilespmem:v53+s13+$0x0] =	vst.idx.msk $0xffff, v56  }
0x1bb: {  	v57 =	vor.u32 v2, v51;
	v52 =	vld [tilespmem:$0xA10];
	_ =	sdelay $0x4  }
0x1bc: {  	[tilespmem:v57+s13+$0x0] =	vst.idx.msk $0xffff, v52  }
0x1bd: {  	v58 =	vor.u32 v3, v51;
	v52 =	vld [tilespmem:$0xA20];
	_ =	sdelay $0x4  }
0x1be: {  	[tilespmem:v58+s13+$0x0] =	vst.idx.msk $0xffff, v52  }
0x1bf: {  	v59 =	vor.u32 v4, v51;
	v52 =	vld [tilespmem:$0xA30];
	_ =	sdelay $0x4  }
0x1c0: {  	[tilespmem:v59+s13+$0x0] =	vst.idx.msk $0xffff, v52  }
0x1c1: {  	v60 =	vor.u32 v5, v51;
	v52 =	vld [tilespmem:$0xA40];
	_ =	sdelay $0x4  }
0x1c2: {  	[tilespmem:v60+s13+$0x0] =	vst.idx.msk $0xffff, v52  }
0x1c3: {  	v61 =	vor.u32 v6, v51;
	v52 =	vld [tilespmem:$0xA50];
	_ =	sdelay $0x4  }
0x1c4: {  	[tilespmem:v61+s13+$0x0] =	vst.idx.msk $0xffff, v52  }
0x1c5: {  	v62 =	vor.u32 v7, v51;
	v52 =	vld [tilespmem:$0xA60];
	_ =	sdelay $0x4  }
0x1c6: {  	[tilespmem:v62+s13+$0x0] =	vst.idx.msk $0xffff, v52  }
0x1c7: {  	v63 =	vor.u32 v8, v51;
	v52 =	vld [tilespmem:$0xA70];
	_ =	sdelay $0x4  }
0x1c8: {  	[tilespmem:v63+s13+$0x0] =	vst.idx.msk $0xffff, v52  }
0x1c9: {  	v56 =	vor.u32 v9, v51;
	v52 =	vld [tilespmem:$0xA80];
	_ =	sdelay $0x4  }
0x1ca: {  	[tilespmem:v56+s13+$0x0] =	vst.idx.msk $0xffff, v52  }
0x1cb: {  	v57 =	vor.u32 v10, v51;
	v52 =	vld [tilespmem:$0xA90];
	_ =	sdelay $0x4  }
0x1cc: {  	[tilespmem:v57+s13+$0x0] =	vst.idx.msk $0xffff, v52  }
0x1cd: {  	v58 =	vor.u32 v11, v51;
	v52 =	vld [tilespmem:$0xAA0];
	_ =	sdelay $0x4  }
0x1ce: {  	[tilespmem:v58+s13+$0x0] =	vst.idx.msk $0xffff, v52  }
0x1cf: {  	v59 =	vor.u32 v12, v51;
	v52 =	vld [tilespmem:$0xAB0];
	_ =	sdelay $0x4  }
0x1d0: {  	[tilespmem:v59+s13+$0x0] =	vst.idx.msk $0xffff, v52  }
0x1d1: {  	v60 =	vor.u32 v13, v51;
	v52 =	vld [tilespmem:$0xAC0];
	_ =	sdelay $0x4  }
0x1d2: {  	[tilespmem:v60+s13+$0x0] =	vst.idx.msk $0xffff, v52  }
0x1d3: {  	v61 =	vor.u32 v14, v51;
	v52 =	vld [tilespmem:$0xAD0];
	_ =	sdelay $0x4  }
0x1d4: {  	[tilespmem:v61+s13+$0x0] =	vst.idx.msk $0xffff, v52  }
0x1d5: {  	v62 =	vor.u32 v15, v51;
	v52 =	vld [tilespmem:$0xAE0];
	_ =	sdelay $0x4  }
0x1d6: {  	[tilespmem:v62+s13+$0x0] =	vst.idx.msk $0xffff, v52  }
0x1d7: {  	v63 =	vor.u32 v16, v51;
	v52 =	vld [tilespmem:$0xAF0];
	_ =	sdelay $0x4  }
0x1d8: {  	[tilespmem:v63+s13+$0x0] =	vst.idx.msk $0xffff, v52  }
0x1d9: {  	v56 =	vadd.s32 v17, v51;
	v52 =	vld [tilespmem:$0xB00];
	_ =	sdelay $0x4  }
0x1da: {  	[tilespmem:v56+s13+$0x0] =	vst.idx.msk $0xffff, v52  }
0x1db: {  	v57 =	vadd.s32 v18, v51;
	v52 =	vld [tilespmem:$0xB10];
	_ =	sdelay $0x4  }
0x1dc: {  	[tilespmem:v57+s13+$0x0] =	vst.idx.msk $0xffff, v52  }
0x1dd: {  	v58 =	vadd.s32 v19, v51;
	v52 =	vld [tilespmem:$0xB20];
	_ =	sdelay $0x4  }
0x1de: {  	[tilespmem:v58+s13+$0x0] =	vst.idx.msk $0xffff, v52  }
0x1df: {  	v59 =	vadd.s32 v20, v51;
	v52 =	vld [tilespmem:$0xB30];
	_ =	sdelay $0x4  }
0x1e0: {  	[tilespmem:v59+s13+$0x0] =	vst.idx.msk $0xffff, v52  }
0x1e1: {  	v60 =	vadd.s32 v21, v51;
	v52 =	vld [tilespmem:$0xB40];
	_ =	sdelay $0x4  }
0x1e2: {  	[tilespmem:v60+s13+$0x0] =	vst.idx.msk $0xffff, v52  }
0x1e3: {  	v61 =	vadd.s32 v22, v51;
	v52 =	vld [tilespmem:$0xB50];
	_ =	sdelay $0x4  }
0x1e4: {  	[tilespmem:v61+s13+$0x0] =	vst.idx.msk $0xffff, v52  }
0x1e5: {  	v62 =	vadd.s32 v23, v51;
	v52 =	vld [tilespmem:$0xB60];
	_ =	sdelay $0x4  }
0x1e6: {  	[tilespmem:v62+s13+$0x0] =	vst.idx.msk $0xffff, v52  }
0x1e7: {  	v63 =	vadd.s32 v24, v51;
	v52 =	vld [tilespmem:$0xB70];
	_ =	sdelay $0x4  }
0x1e8: {  	[tilespmem:v63+s13+$0x0] =	vst.idx.msk $0xffff, v52  }
0x1e9: {  	v56 =	vadd.s32 v25, v51;
	v52 =	vld [tilespmem:$0xB80];
	_ =	sdelay $0x4  }
0x1ea: {  	[tilespmem:v56+s13+$0x0] =	vst.idx.msk $0xffff, v52  }
0x1eb: {  	v57 =	vadd.s32 v26, v51;
	v52 =	vld [tilespmem:$0xB90];
	_ =	sdelay $0x4  }
0x1ec: {  	[tilespmem:v57+s13+$0x0] =	vst.idx.msk $0xffff, v52  }
0x1ed: {  	v58 =	vadd.s32 v27, v51;
	v52 =	vld [tilespmem:$0xBA0];
	_ =	sdelay $0x4  }
0x1ee: {  	[tilespmem:v58+s13+$0x0] =	vst.idx.msk $0xffff, v52  }
0x1ef: {  	v59 =	vadd.s32 v28, v51;
	v52 =	vld [tilespmem:$0xBB0];
	_ =	sdelay $0x4  }
0x1f0: {  	[tilespmem:v59+s13+$0x0] =	vst.idx.msk $0xffff, v52  }
0x1f1: {  	v60 =	vadd.s32 v29, v51;
	v52 =	vld [tilespmem:$0xBC0];
	_ =	sdelay $0x4  }
0x1f2: {  	[tilespmem:v60+s13+$0x0] =	vst.idx.msk $0xffff, v52  }
0x1f3: {  	v61 =	vadd.s32 v30, v51;
	v52 =	vld [tilespmem:$0xBD0];
	_ =	sdelay $0x4  }
0x1f4: {  	[tilespmem:v61+s13+$0x0] =	vst.idx.msk $0xffff, v52  }
0x1f5: {  	v62 =	vadd.s32 v31, v51;
	v52 =	vld [tilespmem:$0xBE0];
	_ =	sdelay $0x4  }
0x1f6: {  	[tilespmem:v62+s13+$0x0] =	vst.idx.msk $0xffff, v52  }
0x1f7: {  	v63 =	vadd.s32 v32, v51;
	v52 =	vld [tilespmem:$0xBF0];
	_ =	sdelay $0x4  }
0x1f8: {  	[tilespmem:v63+s13+$0x0] =	vst.idx.msk $0xffff, v52  }
0x1f9: {  	v56 =	vadd.s32 v33, v51;
	v52 =	vld [tilespmem:$0xC00];
	_ =	sdelay $0x4  }
0x1fa: {  	[tilespmem:v56+s13+$0x0] =	vst.idx.msk $0xffff, v52  }
0x1fb: {  	v57 =	vadd.s32 v34, v51;
	v52 =	vld [tilespmem:$0xC10];
	_ =	sdelay $0x4  }
0x1fc: {  	[tilespmem:v57+s13+$0x0] =	vst.idx.msk $0xffff, v52  }
0x1fd: {  	v58 =	vadd.s32 v35, v51;
	v52 =	vld [tilespmem:$0xC20];
	_ =	sdelay $0x4  }
0x1fe: {  	[tilespmem:v58+s13+$0x0] =	vst.idx.msk $0xffff, v52  }
0x1ff: {  	v59 =	vadd.s32 v36, v51;
	v52 =	vld [tilespmem:$0xC30];
	_ =	sdelay $0x4  }
0x200: {  	[tilespmem:v59+s13+$0x0] =	vst.idx.msk $0xffff, v52  }
0x201: {  	v60 =	vadd.s32 v37, v51;
	v52 =	vld [tilespmem:$0xC40];
	_ =	sdelay $0x4  }
0x202: {  	[tilespmem:v60+s13+$0x0] =	vst.idx.msk $0xffff, v52  }
0x203: {  	v61 =	vadd.s32 v38, v51;
	v52 =	vld [tilespmem:$0xC50];
	_ =	sdelay $0x4  }
0x204: {  	[tilespmem:v61+s13+$0x0] =	vst.idx.msk $0xffff, v52  }
0x205: {  	v62 =	vadd.s32 v39, v51;
	v52 =	vld [tilespmem:$0xC60];
	_ =	sdelay $0x4  }
0x206: {  	[tilespmem:v62+s13+$0x0] =	vst.idx.msk $0xffff, v52  }
0x207: {  	v63 =	vadd.s32 v40, v51;
	v52 =	vld [tilespmem:$0xC70];
	_ =	sdelay $0x4  }
0x208: {  	[tilespmem:v63+s13+$0x0] =	vst.idx.msk $0xffff, v52  }
0x209: {  	v56 =	vadd.s32 v41, v51;
	v52 =	vld [tilespmem:$0xC80];
	_ =	sdelay $0x4  }
0x20a: {  	[tilespmem:v56+s13+$0x0] =	vst.idx.msk $0xffff, v52  }
0x20b: {  	v57 =	vadd.s32 v42, v51;
	v52 =	vld [tilespmem:$0xC90];
	_ =	sdelay $0x4  }
0x20c: {  	[tilespmem:v57+s13+$0x0] =	vst.idx.msk $0xffff, v52  }
0x20d: {  	v58 =	vadd.s32 v43, v51;
	v52 =	vld [tilespmem:$0xCA0];
	_ =	sdelay $0x4  }
0x20e: {  	[tilespmem:v58+s13+$0x0] =	vst.idx.msk $0xffff, v52  }
0x20f: {  	v50 =	vsel vm0, $0x0, v50;
	v59 =	vadd.s32 v44, v51;
	v52 =	vld [tilespmem:$0xCB0]  }
0x210: {  	(xrf0) =	vadd.scan.msk.s32 $0xffff, v50;
	_ =	sdelay $0x3  }
0x211: {  	[tilespmem:v59+s13+$0x0] =	vst.idx.msk $0xffff, v52  }
0x212: {  	v60 =	vadd.s32 v45, v51;
	v52 =	vld [tilespmem:$0xCC0]  }
0x213: {  	v61, _, _ =	vpop (xrf0)  }
0x214: {  	(v2sf) =	vpush v61, $0xF;
	_ =	sdelay $0x2  }
0x215: {  	[tilespmem:v60+s13+$0x0] =	vst.idx.msk $0xffff, v52  }
0x216: {  	v62 =	vadd.s32 v46, v51;
	v53 =	vld [tilespmem:$0xCD0];
	_ =	sdelay $0x4  }
0x217: {  	[tilespmem:v62+s13+$0x0] =	vst.idx.msk $0xffff, v53  }
0x218: {  	v63 =	vadd.s32 v47, v51;
	v52 =	vld [tilespmem:$0xCE0];
	_ =	sdelay $0x4  }
0x219: {  	s25 =	spop (v2sf);
	[tilespmem:v63+s13+$0x0] =	vst.idx.msk $0xffff, v52  }
0x21a: {  	v51 =	vadd.s32 v48, v51;
	p0 =	sgt.s32 s25, $0x0;
	v52 =	vld [tilespmem:$0xCF0]  }
.Ltmp11:
0x21b: {  	_ = 	snop;
	(pc) =	sbr.rel @p0 .LBB2_9-.Ltmp11, $2  }
0x21c: {  	_ =	sdelay $0x2  }
0x21d: {  	[tilespmem:v51+s13+$0x0] =	vst.idx.msk $0xffff, v52  }
.LBB2_10:
0x21e: {  	s24 =	sadd.s32 $0x3D, s24  }
0x21f: {  	v50 =	vadd.s32 s24, v0;
	_ =	sdelay $0x4  }
0x220: {  	v50 =	vld.idx.msk [tilespmem:v50+s2+$0x0], $0xffff;
	_ =	sdelay $0x4  }
0x221: {  	vm0 =	veq.s32 v50, $0x2A  }
0x222: {  	v50 =	vsel vm0, $0x1, v1  }
0x223: {  	(xrf0) =	vadd.scan.msk.s32 $0xffff, v50;
	_ =	sdelay $0x5  }
0x224: {  	v51, _, _ =	vpop (xrf0)  }
0x225: {  	(v2sf) =	vpush v51, $0xF;
	_ =	sdelay $0xe  }
0x226: {  	s31 =	spop (v2sf)  }
0x227: {  	p0 =	slt.s32 s31, $0x1  }
.Ltmp12:
0x228: {  	_ = 	snop;
	(pc) =	sbr.rel @p0 .LBB2_12-.Ltmp12, $1  }
0x229: {  	_ =	sdelay $0x3  }
.LBB2_11:
0x22a: {  	vm0 =	vne.s32 v50, $0x0  }
0x22b: {  	v51 =	vmctz.xlane vm0;
	_ =	sdelay $0x1  }
0x22c: {  	vm0 =	veq.s32 v51, v0  }
0x22d: {  	v51 =	vnsel vm0, $0x0, v49  }
0x22e: {  	(xrf0) =	vadd.scan.msk.s32 $0xffff, v51;
	_ =	sdelay $0x5  }
0x22f: {  	v51, _, _ =	vpop (xrf0)  }
0x230: {  	v51 =	vbroadcast v51, $0xF;
	_ =	sdelay $0x1  }
0x231: {  	v52 =	vshrl.u32 v51, $0x3  }
0x232: {  	v51 =	vshll.u32 v51, $0x7;
	v52 =	vmul.u32 $0x1800, v52  }
0x233: {  	v51 =	vand.u32 $0x380, v51  }
0x234: {  	v51 =	vor.u32 v51, v52  }
0x235: {  	v56 =	vld [tilespmem:$0xA00];
	v53 =	vor.u32 v0, v51;
	_ =	sdelay $0x4  }
0x236: {  	[tilespmem:v53+s13+$0x0] =	vst.idx.msk $0xffff, v56  }
0x237: {  	v57 =	vor.u32 v2, v51;
	v52 =	vld [tilespmem:$0xA10];
	_ =	sdelay $0x4  }
0x238: {  	[tilespmem:v57+s13+$0x0] =	vst.idx.msk $0xffff, v52  }
0x239: {  	v58 =	vor.u32 v3, v51;
	v52 =	vld [tilespmem:$0xA20];
	_ =	sdelay $0x4  }
0x23a: {  	[tilespmem:v58+s13+$0x0] =	vst.idx.msk $0xffff, v52  }
0x23b: {  	v59 =	vor.u32 v4, v51;
	v52 =	vld [tilespmem:$0xA30];
	_ =	sdelay $0x4  }
0x23c: {  	[tilespmem:v59+s13+$0x0] =	vst.idx.msk $0xffff, v52  }
0x23d: {  	v60 =	vor.u32 v5, v51;
	v52 =	vld [tilespmem:$0xA40];
	_ =	sdelay $0x4  }
0x23e: {  	[tilespmem:v60+s13+$0x0] =	vst.idx.msk $0xffff, v52  }
0x23f: {  	v61 =	vor.u32 v6, v51;
	v52 =	vld [tilespmem:$0xA50];
	_ =	sdelay $0x4  }
0x240: {  	[tilespmem:v61+s13+$0x0] =	vst.idx.msk $0xffff, v52  }
0x241: {  	v62 =	vor.u32 v7, v51;
	v52 =	vld [tilespmem:$0xA60];
	_ =	sdelay $0x4  }
0x242: {  	[tilespmem:v62+s13+$0x0] =	vst.idx.msk $0xffff, v52  }
0x243: {  	v63 =	vor.u32 v8, v51;
	v52 =	vld [tilespmem:$0xA70];
	_ =	sdelay $0x4  }
0x244: {  	[tilespmem:v63+s13+$0x0] =	vst.idx.msk $0xffff, v52  }
0x245: {  	v56 =	vor.u32 v9, v51;
	v52 =	vld [tilespmem:$0xA80];
	_ =	sdelay $0x4  }
0x246: {  	[tilespmem:v56+s13+$0x0] =	vst.idx.msk $0xffff, v52  }
0x247: {  	v57 =	vor.u32 v10, v51;
	v52 =	vld [tilespmem:$0xA90];
	_ =	sdelay $0x4  }
0x248: {  	[tilespmem:v57+s13+$0x0] =	vst.idx.msk $0xffff, v52  }
0x249: {  	v58 =	vor.u32 v11, v51;
	v52 =	vld [tilespmem:$0xAA0];
	_ =	sdelay $0x4  }
0x24a: {  	[tilespmem:v58+s13+$0x0] =	vst.idx.msk $0xffff, v52  }
0x24b: {  	v59 =	vor.u32 v12, v51;
	v52 =	vld [tilespmem:$0xAB0];
	_ =	sdelay $0x4  }
0x24c: {  	[tilespmem:v59+s13+$0x0] =	vst.idx.msk $0xffff, v52  }
0x24d: {  	v60 =	vor.u32 v13, v51;
	v52 =	vld [tilespmem:$0xAC0];
	_ =	sdelay $0x4  }
0x24e: {  	[tilespmem:v60+s13+$0x0] =	vst.idx.msk $0xffff, v52  }
0x24f: {  	v61 =	vor.u32 v14, v51;
	v52 =	vld [tilespmem:$0xAD0];
	_ =	sdelay $0x4  }
0x250: {  	[tilespmem:v61+s13+$0x0] =	vst.idx.msk $0xffff, v52  }
0x251: {  	v62 =	vor.u32 v15, v51;
	v52 =	vld [tilespmem:$0xAE0];
	_ =	sdelay $0x4  }
0x252: {  	[tilespmem:v62+s13+$0x0] =	vst.idx.msk $0xffff, v52  }
0x253: {  	v63 =	vor.u32 v16, v51;
	v52 =	vld [tilespmem:$0xAF0];
	_ =	sdelay $0x4  }
0x254: {  	[tilespmem:v63+s13+$0x0] =	vst.idx.msk $0xffff, v52  }
0x255: {  	v56 =	vadd.s32 v17, v51;
	v52 =	vld [tilespmem:$0xB00];
	_ =	sdelay $0x4  }
0x256: {  	[tilespmem:v56+s13+$0x0] =	vst.idx.msk $0xffff, v52  }
0x257: {  	v57 =	vadd.s32 v18, v51;
	v52 =	vld [tilespmem:$0xB10];
	_ =	sdelay $0x4  }
0x258: {  	[tilespmem:v57+s13+$0x0] =	vst.idx.msk $0xffff, v52  }
0x259: {  	v58 =	vadd.s32 v19, v51;
	v52 =	vld [tilespmem:$0xB20];
	_ =	sdelay $0x4  }
0x25a: {  	[tilespmem:v58+s13+$0x0] =	vst.idx.msk $0xffff, v52  }
0x25b: {  	v59 =	vadd.s32 v20, v51;
	v52 =	vld [tilespmem:$0xB30];
	_ =	sdelay $0x4  }
0x25c: {  	[tilespmem:v59+s13+$0x0] =	vst.idx.msk $0xffff, v52  }
0x25d: {  	v60 =	vadd.s32 v21, v51;
	v52 =	vld [tilespmem:$0xB40];
	_ =	sdelay $0x4  }
0x25e: {  	[tilespmem:v60+s13+$0x0] =	vst.idx.msk $0xffff, v52  }
0x25f: {  	v61 =	vadd.s32 v22, v51;
	v52 =	vld [tilespmem:$0xB50];
	_ =	sdelay $0x4  }
0x260: {  	[tilespmem:v61+s13+$0x0] =	vst.idx.msk $0xffff, v52  }
0x261: {  	v62 =	vadd.s32 v23, v51;
	v52 =	vld [tilespmem:$0xB60];
	_ =	sdelay $0x4  }
0x262: {  	[tilespmem:v62+s13+$0x0] =	vst.idx.msk $0xffff, v52  }
0x263: {  	v63 =	vadd.s32 v24, v51;
	v52 =	vld [tilespmem:$0xB70];
	_ =	sdelay $0x4  }
0x264: {  	[tilespmem:v63+s13+$0x0] =	vst.idx.msk $0xffff, v52  }
0x265: {  	v56 =	vadd.s32 v25, v51;
	v52 =	vld [tilespmem:$0xB80];
	_ =	sdelay $0x4  }
0x266: {  	[tilespmem:v56+s13+$0x0] =	vst.idx.msk $0xffff, v52  }
0x267: {  	v57 =	vadd.s32 v26, v51;
	v52 =	vld [tilespmem:$0xB90];
	_ =	sdelay $0x4  }
0x268: {  	[tilespmem:v57+s13+$0x0] =	vst.idx.msk $0xffff, v52  }
0x269: {  	v58 =	vadd.s32 v27, v51;
	v52 =	vld [tilespmem:$0xBA0];
	_ =	sdelay $0x4  }
0x26a: {  	[tilespmem:v58+s13+$0x0] =	vst.idx.msk $0xffff, v52  }
0x26b: {  	v59 =	vadd.s32 v28, v51;
	v52 =	vld [tilespmem:$0xBB0];
	_ =	sdelay $0x4  }
0x26c: {  	[tilespmem:v59+s13+$0x0] =	vst.idx.msk $0xffff, v52  }
0x26d: {  	v60 =	vadd.s32 v29, v51;
	v52 =	vld [tilespmem:$0xBC0];
	_ =	sdelay $0x4  }
0x26e: {  	[tilespmem:v60+s13+$0x0] =	vst.idx.msk $0xffff, v52  }
0x26f: {  	v61 =	vadd.s32 v30, v51;
	v52 =	vld [tilespmem:$0xBD0];
	_ =	sdelay $0x4  }
0x270: {  	[tilespmem:v61+s13+$0x0] =	vst.idx.msk $0xffff, v52  }
0x271: {  	v62 =	vadd.s32 v31, v51;
	v52 =	vld [tilespmem:$0xBE0];
	_ =	sdelay $0x4  }
0x272: {  	[tilespmem:v62+s13+$0x0] =	vst.idx.msk $0xffff, v52  }
0x273: {  	v63 =	vadd.s32 v32, v51;
	v52 =	vld [tilespmem:$0xBF0];
	_ =	sdelay $0x4  }
0x274: {  	[tilespmem:v63+s13+$0x0] =	vst.idx.msk $0xffff, v52  }
0x275: {  	v56 =	vadd.s32 v33, v51;
	v52 =	vld [tilespmem:$0xC00];
	_ =	sdelay $0x4  }
0x276: {  	[tilespmem:v56+s13+$0x0] =	vst.idx.msk $0xffff, v52  }
0x277: {  	v57 =	vadd.s32 v34, v51;
	v52 =	vld [tilespmem:$0xC10];
	_ =	sdelay $0x4  }
0x278: {  	[tilespmem:v57+s13+$0x0] =	vst.idx.msk $0xffff, v52  }
0x279: {  	v58 =	vadd.s32 v35, v51;
	v52 =	vld [tilespmem:$0xC20];
	_ =	sdelay $0x4  }
0x27a: {  	[tilespmem:v58+s13+$0x0] =	vst.idx.msk $0xffff, v52  }
0x27b: {  	v59 =	vadd.s32 v36, v51;
	v52 =	vld [tilespmem:$0xC30];
	_ =	sdelay $0x4  }
0x27c: {  	[tilespmem:v59+s13+$0x0] =	vst.idx.msk $0xffff, v52  }
0x27d: {  	v60 =	vadd.s32 v37, v51;
	v52 =	vld [tilespmem:$0xC40];
	_ =	sdelay $0x4  }
0x27e: {  	[tilespmem:v60+s13+$0x0] =	vst.idx.msk $0xffff, v52  }
0x27f: {  	v61 =	vadd.s32 v38, v51;
	v52 =	vld [tilespmem:$0xC50];
	_ =	sdelay $0x4  }
0x280: {  	[tilespmem:v61+s13+$0x0] =	vst.idx.msk $0xffff, v52  }
0x281: {  	v62 =	vadd.s32 v39, v51;
	v52 =	vld [tilespmem:$0xC60];
	_ =	sdelay $0x4  }
0x282: {  	[tilespmem:v62+s13+$0x0] =	vst.idx.msk $0xffff, v52  }
0x283: {  	v63 =	vadd.s32 v40, v51;
	v52 =	vld [tilespmem:$0xC70];
	_ =	sdelay $0x4  }
0x284: {  	[tilespmem:v63+s13+$0x0] =	vst.idx.msk $0xffff, v52  }
0x285: {  	v56 =	vadd.s32 v41, v51;
	v52 =	vld [tilespmem:$0xC80];
	_ =	sdelay $0x4  }
0x286: {  	[tilespmem:v56+s13+$0x0] =	vst.idx.msk $0xffff, v52  }
0x287: {  	v57 =	vadd.s32 v42, v51;
	v52 =	vld [tilespmem:$0xC90];
	_ =	sdelay $0x4  }
0x288: {  	[tilespmem:v57+s13+$0x0] =	vst.idx.msk $0xffff, v52  }
0x289: {  	v58 =	vadd.s32 v43, v51;
	v52 =	vld [tilespmem:$0xCA0];
	_ =	sdelay $0x4  }
0x28a: {  	[tilespmem:v58+s13+$0x0] =	vst.idx.msk $0xffff, v52  }
0x28b: {  	v50 =	vsel vm0, $0x0, v50;
	v59 =	vadd.s32 v44, v51;
	v52 =	vld [tilespmem:$0xCB0]  }
0x28c: {  	(xrf0) =	vadd.scan.msk.s32 $0xffff, v50;
	_ =	sdelay $0x3  }
0x28d: {  	[tilespmem:v59+s13+$0x0] =	vst.idx.msk $0xffff, v52  }
0x28e: {  	v60 =	vadd.s32 v45, v51;
	v52 =	vld [tilespmem:$0xCC0]  }
0x28f: {  	v61, _, _ =	vpop (xrf0)  }
0x290: {  	(v2sf) =	vpush v61, $0xF;
	_ =	sdelay $0x2  }
0x291: {  	[tilespmem:v60+s13+$0x0] =	vst.idx.msk $0xffff, v52  }
0x292: {  	v62 =	vadd.s32 v46, v51;
	v53 =	vld [tilespmem:$0xCD0];
	_ =	sdelay $0x4  }
0x293: {  	[tilespmem:v62+s13+$0x0] =	vst.idx.msk $0xffff, v53  }
0x294: {  	v63 =	vadd.s32 v47, v51;
	v52 =	vld [tilespmem:$0xCE0];
	_ =	sdelay $0x4  }
0x295: {  	s24 =	spop (v2sf);
	[tilespmem:v63+s13+$0x0] =	vst.idx.msk $0xffff, v52  }
0x296: {  	v51 =	vadd.s32 v48, v51;
	p0 =	sgt.s32 s24, $0x0;
	v52 =	vld [tilespmem:$0xCF0]  }
.Ltmp13:
0x297: {  	_ = 	snop;
	(pc) =	sbr.rel @p0 .LBB2_11-.Ltmp13, $2  }
0x298: {  	_ =	sdelay $0x2  }
0x299: {  	[tilespmem:v51+s13+$0x0] =	vst.idx.msk $0xffff, v52  }
.LBB2_12:
0x29a: {  	s24 =	sadd.s32 s6, s22  }
0x29b: {  	s24 =	smul.u32 $0x1E00, s24;
	_ =	sdelay $0x1  }
0x29c: {  	s24 =	sadd.s32 s5, s24  }
0x29d: {  	[hbm4b:s24+s2] =	stream.linear.scatter [tilespmem:s13], [sflag:$0x3], $0xF000, $0x38;
	[tilespmem:$0x1ED00] =	vst v63  }
0x29e: {  	s23 =	smul.u32 $0x4D, s23;
	_ =	swait.ge [sflag:s16], $0xF000  }
0x29f: {  	p0 =	seq.s32 s20, $0xF;
	[sflag:s16] =	ssyncset.done $0x0  }
0x2a0: {  	s22 =	sadd.s32 @!p0 s22, s9;
	v50 =	vadd.s32 s23, v0;
	[sflag:s16] =	ssyncadd.s32 $0xFFFF1000  }
0x2a1: {  	s22 =	smul.u32 @!p0 $0x1E00, s22;
	_ =	swait.ge [sflag:s17], $0xF000  }
0x2a2: {  	s25 =	simm.s32 @!p0 $0xD00;
	[sflag:s17] =	ssyncset.done $0x0  }
0x2a3: {  	s22 =	sadd.s32 @!p0 s3, s22;
	s24 =	simm.s32 @!p0 $0x0;
	[sflag:s17] =	ssyncadd.s32 $0xFFFF1000  }
0x2a4: {  	[tilespmem:s25], [sflag:$0x1] =	stream.linear.gather @!p0 [hbm4b:s22+s24], $0xF000, $0x38;
	[tilespmem:$0x1ED00] =	vst v63  }
0x2a5: {  	v50 =	vld.idx.msk [tilespmem:v50+s2+$0x0], $0xffff;
	_ =	sdelay $0x4  }
0x2a6: {  	vm0 =	veq.s32 v50, $0x2A  }
0x2a7: {  	v50 =	vsel vm0, $0x1, v1  }
0x2a8: {  	(xrf0) =	vadd.scan.msk.s32 $0xffff, v50;
	_ =	sdelay $0x5  }
0x2a9: {  	v51, _, _ =	vpop (xrf0)  }
0x2aa: {  	(v2sf) =	vpush v51, $0xF;
	_ =	sdelay $0xe  }
0x2ab: {  	s31 =	spop (v2sf)  }
0x2ac: {  	p0 =	slt.s32 s31, $0x1  }
.Ltmp14:
0x2ad: {  	_ = 	snop;
	(pc) =	sbr.rel @p0 .LBB2_14-.Ltmp14, $1  }
0x2ae: {  	_ =	sdelay $0x3  }
.LBB2_13:
0x2af: {  	vm0 =	vne.s32 v50, $0x0  }
0x2b0: {  	v51 =	vmctz.xlane vm0;
	_ =	sdelay $0x1  }
0x2b1: {  	vm0 =	veq.s32 v51, v0  }
0x2b2: {  	v51 =	vnsel vm0, $0x0, v0  }
0x2b3: {  	(xrf0) =	vadd.scan.msk.s32 $0xffff, v51;
	_ =	sdelay $0x5  }
0x2b4: {  	v51, _, _ =	vpop (xrf0)  }
0x2b5: {  	v51 =	vbroadcast v51, $0xF;
	_ =	sdelay $0x1  }
0x2b6: {  	v52 =	vshrl.u32 v51, $0x3  }
0x2b7: {  	v51 =	vshll.u32 v51, $0x7;
	v52 =	vmul.u32 $0x1800, v52  }
0x2b8: {  	v51 =	vand.u32 $0x380, v51  }
0x2b9: {  	v51 =	vor.u32 v51, v52  }
0x2ba: {  	v56 =	vld [tilespmem:$0xA00];
	v53 =	vor.u32 v0, v51;
	_ =	sdelay $0x4  }
0x2bb: {  	[tilespmem:v53+s15+$0x0] =	vst.idx.msk $0xffff, v56  }
0x2bc: {  	v57 =	vor.u32 v2, v51;
	v52 =	vld [tilespmem:$0xA10];
	_ =	sdelay $0x4  }
0x2bd: {  	[tilespmem:v57+s15+$0x0] =	vst.idx.msk $0xffff, v52  }
0x2be: {  	v58 =	vor.u32 v3, v51;
	v52 =	vld [tilespmem:$0xA20];
	_ =	sdelay $0x4  }
0x2bf: {  	[tilespmem:v58+s15+$0x0] =	vst.idx.msk $0xffff, v52  }
0x2c0: {  	v59 =	vor.u32 v4, v51;
	v52 =	vld [tilespmem:$0xA30];
	_ =	sdelay $0x4  }
0x2c1: {  	[tilespmem:v59+s15+$0x0] =	vst.idx.msk $0xffff, v52  }
0x2c2: {  	v60 =	vor.u32 v5, v51;
	v52 =	vld [tilespmem:$0xA40];
	_ =	sdelay $0x4  }
0x2c3: {  	[tilespmem:v60+s15+$0x0] =	vst.idx.msk $0xffff, v52  }
0x2c4: {  	v61 =	vor.u32 v6, v51;
	v52 =	vld [tilespmem:$0xA50];
	_ =	sdelay $0x4  }
0x2c5: {  	[tilespmem:v61+s15+$0x0] =	vst.idx.msk $0xffff, v52  }
0x2c6: {  	v62 =	vor.u32 v7, v51;
	v52 =	vld [tilespmem:$0xA60];
	_ =	sdelay $0x4  }
0x2c7: {  	[tilespmem:v62+s15+$0x0] =	vst.idx.msk $0xffff, v52  }
0x2c8: {  	v63 =	vor.u32 v8, v51;
	v52 =	vld [tilespmem:$0xA70];
	_ =	sdelay $0x4  }
0x2c9: {  	[tilespmem:v63+s15+$0x0] =	vst.idx.msk $0xffff, v52  }
0x2ca: {  	v56 =	vor.u32 v9, v51;
	v52 =	vld [tilespmem:$0xA80];
	_ =	sdelay $0x4  }
0x2cb: {  	[tilespmem:v56+s15+$0x0] =	vst.idx.msk $0xffff, v52  }
0x2cc: {  	v57 =	vor.u32 v10, v51;
	v52 =	vld [tilespmem:$0xA90];
	_ =	sdelay $0x4  }
0x2cd: {  	[tilespmem:v57+s15+$0x0] =	vst.idx.msk $0xffff, v52  }
0x2ce: {  	v58 =	vor.u32 v11, v51;
	v52 =	vld [tilespmem:$0xAA0];
	_ =	sdelay $0x4  }
0x2cf: {  	[tilespmem:v58+s15+$0x0] =	vst.idx.msk $0xffff, v52  }
0x2d0: {  	v59 =	vor.u32 v12, v51;
	v52 =	vld [tilespmem:$0xAB0];
	_ =	sdelay $0x4  }
0x2d1: {  	[tilespmem:v59+s15+$0x0] =	vst.idx.msk $0xffff, v52  }
0x2d2: {  	v60 =	vor.u32 v13, v51;
	v52 =	vld [tilespmem:$0xAC0];
	_ =	sdelay $0x4  }
0x2d3: {  	[tilespmem:v60+s15+$0x0] =	vst.idx.msk $0xffff, v52  }
0x2d4: {  	v61 =	vor.u32 v14, v51;
	v52 =	vld [tilespmem:$0xAD0];
	_ =	sdelay $0x4  }
0x2d5: {  	[tilespmem:v61+s15+$0x0] =	vst.idx.msk $0xffff, v52  }
0x2d6: {  	v62 =	vor.u32 v15, v51;
	v52 =	vld [tilespmem:$0xAE0];
	_ =	sdelay $0x4  }
0x2d7: {  	[tilespmem:v62+s15+$0x0] =	vst.idx.msk $0xffff, v52  }
0x2d8: {  	v63 =	vor.u32 v16, v51;
	v52 =	vld [tilespmem:$0xAF0];
	_ =	sdelay $0x4  }
0x2d9: {  	[tilespmem:v63+s15+$0x0] =	vst.idx.msk $0xffff, v52  }
0x2da: {  	v56 =	vadd.s32 v17, v51;
	v52 =	vld [tilespmem:$0xB00];
	_ =	sdelay $0x4  }
0x2db: {  	[tilespmem:v56+s15+$0x0] =	vst.idx.msk $0xffff, v52  }
0x2dc: {  	v57 =	vadd.s32 v18, v51;
	v52 =	vld [tilespmem:$0xB10];
	_ =	sdelay $0x4  }
0x2dd: {  	[tilespmem:v57+s15+$0x0] =	vst.idx.msk $0xffff, v52  }
0x2de: {  	v58 =	vadd.s32 v19, v51;
	v52 =	vld [tilespmem:$0xB20];
	_ =	sdelay $0x4  }
0x2df: {  	[tilespmem:v58+s15+$0x0] =	vst.idx.msk $0xffff, v52  }
0x2e0: {  	v59 =	vadd.s32 v20, v51;
	v52 =	vld [tilespmem:$0xB30];
	_ =	sdelay $0x4  }
0x2e1: {  	[tilespmem:v59+s15+$0x0] =	vst.idx.msk $0xffff, v52  }
0x2e2: {  	v60 =	vadd.s32 v21, v51;
	v52 =	vld [tilespmem:$0xB40];
	_ =	sdelay $0x4  }
0x2e3: {  	[tilespmem:v60+s15+$0x0] =	vst.idx.msk $0xffff, v52  }
0x2e4: {  	v61 =	vadd.s32 v22, v51;
	v52 =	vld [tilespmem:$0xB50];
	_ =	sdelay $0x4  }
0x2e5: {  	[tilespmem:v61+s15+$0x0] =	vst.idx.msk $0xffff, v52  }
0x2e6: {  	v62 =	vadd.s32 v23, v51;
	v52 =	vld [tilespmem:$0xB60];
	_ =	sdelay $0x4  }
0x2e7: {  	[tilespmem:v62+s15+$0x0] =	vst.idx.msk $0xffff, v52  }
0x2e8: {  	v63 =	vadd.s32 v24, v51;
	v52 =	vld [tilespmem:$0xB70];
	_ =	sdelay $0x4  }
0x2e9: {  	[tilespmem:v63+s15+$0x0] =	vst.idx.msk $0xffff, v52  }
0x2ea: {  	v56 =	vadd.s32 v25, v51;
	v52 =	vld [tilespmem:$0xB80];
	_ =	sdelay $0x4  }
0x2eb: {  	[tilespmem:v56+s15+$0x0] =	vst.idx.msk $0xffff, v52  }
0x2ec: {  	v57 =	vadd.s32 v26, v51;
	v52 =	vld [tilespmem:$0xB90];
	_ =	sdelay $0x4  }
0x2ed: {  	[tilespmem:v57+s15+$0x0] =	vst.idx.msk $0xffff, v52  }
0x2ee: {  	v58 =	vadd.s32 v27, v51;
	v52 =	vld [tilespmem:$0xBA0];
	_ =	sdelay $0x4  }
0x2ef: {  	[tilespmem:v58+s15+$0x0] =	vst.idx.msk $0xffff, v52  }
0x2f0: {  	v59 =	vadd.s32 v28, v51;
	v52 =	vld [tilespmem:$0xBB0];
	_ =	sdelay $0x4  }
0x2f1: {  	[tilespmem:v59+s15+$0x0] =	vst.idx.msk $0xffff, v52  }
0x2f2: {  	v60 =	vadd.s32 v29, v51;
	v52 =	vld [tilespmem:$0xBC0];
	_ =	sdelay $0x4  }
0x2f3: {  	[tilespmem:v60+s15+$0x0] =	vst.idx.msk $0xffff, v52  }
0x2f4: {  	v61 =	vadd.s32 v30, v51;
	v52 =	vld [tilespmem:$0xBD0];
	_ =	sdelay $0x4  }
0x2f5: {  	[tilespmem:v61+s15+$0x0] =	vst.idx.msk $0xffff, v52  }
0x2f6: {  	v62 =	vadd.s32 v31, v51;
	v52 =	vld [tilespmem:$0xBE0];
	_ =	sdelay $0x4  }
0x2f7: {  	[tilespmem:v62+s15+$0x0] =	vst.idx.msk $0xffff, v52  }
0x2f8: {  	v63 =	vadd.s32 v32, v51;
	v52 =	vld [tilespmem:$0xBF0];
	_ =	sdelay $0x4  }
0x2f9: {  	[tilespmem:v63+s15+$0x0] =	vst.idx.msk $0xffff, v52  }
0x2fa: {  	v56 =	vadd.s32 v33, v51;
	v52 =	vld [tilespmem:$0xC00];
	_ =	sdelay $0x4  }
0x2fb: {  	[tilespmem:v56+s15+$0x0] =	vst.idx.msk $0xffff, v52  }
0x2fc: {  	v57 =	vadd.s32 v34, v51;
	v52 =	vld [tilespmem:$0xC10];
	_ =	sdelay $0x4  }
0x2fd: {  	[tilespmem:v57+s15+$0x0] =	vst.idx.msk $0xffff, v52  }
0x2fe: {  	v58 =	vadd.s32 v35, v51;
	v52 =	vld [tilespmem:$0xC20];
	_ =	sdelay $0x4  }
0x2ff: {  	[tilespmem:v58+s15+$0x0] =	vst.idx.msk $0xffff, v52  }
0x300: {  	v59 =	vadd.s32 v36, v51;
	v52 =	vld [tilespmem:$0xC30];
	_ =	sdelay $0x4  }
0x301: {  	[tilespmem:v59+s15+$0x0] =	vst.idx.msk $0xffff, v52  }
0x302: {  	v60 =	vadd.s32 v37, v51;
	v52 =	vld [tilespmem:$0xC40];
	_ =	sdelay $0x4  }
0x303: {  	[tilespmem:v60+s15+$0x0] =	vst.idx.msk $0xffff, v52  }
0x304: {  	v61 =	vadd.s32 v38, v51;
	v52 =	vld [tilespmem:$0xC50];
	_ =	sdelay $0x4  }
0x305: {  	[tilespmem:v61+s15+$0x0] =	vst.idx.msk $0xffff, v52  }
0x306: {  	v62 =	vadd.s32 v39, v51;
	v52 =	vld [tilespmem:$0xC60];
	_ =	sdelay $0x4  }
0x307: {  	[tilespmem:v62+s15+$0x0] =	vst.idx.msk $0xffff, v52  }
0x308: {  	v63 =	vadd.s32 v40, v51;
	v52 =	vld [tilespmem:$0xC70];
	_ =	sdelay $0x4  }
0x309: {  	[tilespmem:v63+s15+$0x0] =	vst.idx.msk $0xffff, v52  }
0x30a: {  	v56 =	vadd.s32 v41, v51;
	v52 =	vld [tilespmem:$0xC80];
	_ =	sdelay $0x4  }
0x30b: {  	[tilespmem:v56+s15+$0x0] =	vst.idx.msk $0xffff, v52  }
0x30c: {  	v57 =	vadd.s32 v42, v51;
	v52 =	vld [tilespmem:$0xC90];
	_ =	sdelay $0x4  }
0x30d: {  	[tilespmem:v57+s15+$0x0] =	vst.idx.msk $0xffff, v52  }
0x30e: {  	v58 =	vadd.s32 v43, v51;
	v52 =	vld [tilespmem:$0xCA0];
	_ =	sdelay $0x4  }
0x30f: {  	[tilespmem:v58+s15+$0x0] =	vst.idx.msk $0xffff, v52  }
0x310: {  	v50 =	vsel vm0, $0x0, v50;
	v59 =	vadd.s32 v44, v51;
	v52 =	vld [tilespmem:$0xCB0]  }
0x311: {  	(xrf0) =	vadd.scan.msk.s32 $0xffff, v50;
	_ =	sdelay $0x3  }
0x312: {  	[tilespmem:v59+s15+$0x0] =	vst.idx.msk $0xffff, v52  }
0x313: {  	v60 =	vadd.s32 v45, v51;
	v52 =	vld [tilespmem:$0xCC0]  }
0x314: {  	v61, _, _ =	vpop (xrf0)  }
0x315: {  	(v2sf) =	vpush v61, $0xF;
	_ =	sdelay $0x2  }
0x316: {  	[tilespmem:v60+s15+$0x0] =	vst.idx.msk $0xffff, v52  }
0x317: {  	v62 =	vadd.s32 v46, v51;
	v53 =	vld [tilespmem:$0xCD0];
	_ =	sdelay $0x4  }
0x318: {  	[tilespmem:v62+s15+$0x0] =	vst.idx.msk $0xffff, v53  }
0x319: {  	v63 =	vadd.s32 v47, v51;
	v52 =	vld [tilespmem:$0xCE0];
	_ =	sdelay $0x4  }
0x31a: {  	s22 =	spop (v2sf);
	[tilespmem:v63+s15+$0x0] =	vst.idx.msk $0xffff, v52  }
0x31b: {  	v51 =	vadd.s32 v48, v51;
	p0 =	sgt.s32 s22, $0x0;
	v52 =	vld [tilespmem:$0xCF0]  }
.Ltmp15:
0x31c: {  	_ = 	snop;
	(pc) =	sbr.rel @p0 .LBB2_13-.Ltmp15, $2  }
0x31d: {  	_ =	sdelay $0x2  }
0x31e: {  	[tilespmem:v51+s15+$0x0] =	vst.idx.msk $0xffff, v52  }
.LBB2_14:
0x31f: {  	s22 =	sadd.s32 $0x10, s23  }
0x320: {  	v50 =	vadd.s32 s22, v0;
	_ =	sdelay $0x4  }
0x321: {  	v50 =	vld.idx.msk [tilespmem:v50+s2+$0x0], $0xffff;
	_ =	sdelay $0x4  }
0x322: {  	vm0 =	veq.s32 v50, $0x2A  }
0x323: {  	v50 =	vsel vm0, $0x1, v1  }
0x324: {  	(xrf0) =	vadd.scan.msk.s32 $0xffff, v50;
	_ =	sdelay $0x5  }
0x325: {  	v51, _, _ =	vpop (xrf0)  }
0x326: {  	(v2sf) =	vpush v51, $0xF;
	_ =	sdelay $0xe  }
0x327: {  	s31 =	spop (v2sf)  }
0x328: {  	p0 =	slt.s32 s31, $0x1  }
.Ltmp16:
0x329: {  	_ = 	snop;
	(pc) =	sbr.rel @p0 .LBB2_16-.Ltmp16, $1  }
0x32a: {  	_ =	sdelay $0x3  }
.LBB2_15:
0x32b: {  	vm0 =	vne.s32 v50, $0x0  }
0x32c: {  	v51 =	vmctz.xlane vm0;
	_ =	sdelay $0x1  }
0x32d: {  	vm0 =	veq.s32 v51, v0  }
0x32e: {  	v51 =	vnsel vm0, $0x0, v2  }
0x32f: {  	(xrf0) =	vadd.scan.msk.s32 $0xffff, v51;
	_ =	sdelay $0x5  }
0x330: {  	v51, _, _ =	vpop (xrf0)  }
0x331: {  	v51 =	vbroadcast v51, $0xF;
	_ =	sdelay $0x1  }
0x332: {  	v52 =	vshrl.u32 v51, $0x3  }
0x333: {  	v51 =	vshll.u32 v51, $0x7;
	v52 =	vmul.u32 $0x1800, v52  }
0x334: {  	v51 =	vand.u32 $0x380, v51  }
0x335: {  	v51 =	vor.u32 v51, v52  }
0x336: {  	v56 =	vld [tilespmem:$0xA00];
	v53 =	vor.u32 v0, v51;
	_ =	sdelay $0x4  }
0x337: {  	[tilespmem:v53+s15+$0x0] =	vst.idx.msk $0xffff, v56  }
0x338: {  	v57 =	vor.u32 v2, v51;
	v52 =	vld [tilespmem:$0xA10];
	_ =	sdelay $0x4  }
0x339: {  	[tilespmem:v57+s15+$0x0] =	vst.idx.msk $0xffff, v52  }
0x33a: {  	v58 =	vor.u32 v3, v51;
	v52 =	vld [tilespmem:$0xA20];
	_ =	sdelay $0x4  }
0x33b: {  	[tilespmem:v58+s15+$0x0] =	vst.idx.msk $0xffff, v52  }
0x33c: {  	v59 =	vor.u32 v4, v51;
	v52 =	vld [tilespmem:$0xA30];
	_ =	sdelay $0x4  }
0x33d: {  	[tilespmem:v59+s15+$0x0] =	vst.idx.msk $0xffff, v52  }
0x33e: {  	v60 =	vor.u32 v5, v51;
	v52 =	vld [tilespmem:$0xA40];
	_ =	sdelay $0x4  }
0x33f: {  	[tilespmem:v60+s15+$0x0] =	vst.idx.msk $0xffff, v52  }
0x340: {  	v61 =	vor.u32 v6, v51;
	v52 =	vld [tilespmem:$0xA50];
	_ =	sdelay $0x4  }
0x341: {  	[tilespmem:v61+s15+$0x0] =	vst.idx.msk $0xffff, v52  }
0x342: {  	v62 =	vor.u32 v7, v51;
	v52 =	vld [tilespmem:$0xA60];
	_ =	sdelay $0x4  }
0x343: {  	[tilespmem:v62+s15+$0x0] =	vst.idx.msk $0xffff, v52  }
0x344: {  	v63 =	vor.u32 v8, v51;
	v52 =	vld [tilespmem:$0xA70];
	_ =	sdelay $0x4  }
0x345: {  	[tilespmem:v63+s15+$0x0] =	vst.idx.msk $0xffff, v52  }
0x346: {  	v56 =	vor.u32 v9, v51;
	v52 =	vld [tilespmem:$0xA80];
	_ =	sdelay $0x4  }
0x347: {  	[tilespmem:v56+s15+$0x0] =	vst.idx.msk $0xffff, v52  }
0x348: {  	v57 =	vor.u32 v10, v51;
	v52 =	vld [tilespmem:$0xA90];
	_ =	sdelay $0x4  }
0x349: {  	[tilespmem:v57+s15+$0x0] =	vst.idx.msk $0xffff, v52  }
0x34a: {  	v58 =	vor.u32 v11, v51;
	v52 =	vld [tilespmem:$0xAA0];
	_ =	sdelay $0x4  }
0x34b: {  	[tilespmem:v58+s15+$0x0] =	vst.idx.msk $0xffff, v52  }
0x34c: {  	v59 =	vor.u32 v12, v51;
	v52 =	vld [tilespmem:$0xAB0];
	_ =	sdelay $0x4  }
0x34d: {  	[tilespmem:v59+s15+$0x0] =	vst.idx.msk $0xffff, v52  }
0x34e: {  	v60 =	vor.u32 v13, v51;
	v52 =	vld [tilespmem:$0xAC0];
	_ =	sdelay $0x4  }
0x34f: {  	[tilespmem:v60+s15+$0x0] =	vst.idx.msk $0xffff, v52  }
0x350: {  	v61 =	vor.u32 v14, v51;
	v52 =	vld [tilespmem:$0xAD0];
	_ =	sdelay $0x4  }
0x351: {  	[tilespmem:v61+s15+$0x0] =	vst.idx.msk $0xffff, v52  }
0x352: {  	v62 =	vor.u32 v15, v51;
	v52 =	vld [tilespmem:$0xAE0];
	_ =	sdelay $0x4  }
0x353: {  	[tilespmem:v62+s15+$0x0] =	vst.idx.msk $0xffff, v52  }
0x354: {  	v63 =	vor.u32 v16, v51;
	v52 =	vld [tilespmem:$0xAF0];
	_ =	sdelay $0x4  }
0x355: {  	[tilespmem:v63+s15+$0x0] =	vst.idx.msk $0xffff, v52  }
0x356: {  	v56 =	vadd.s32 v17, v51;
	v52 =	vld [tilespmem:$0xB00];
	_ =	sdelay $0x4  }
0x357: {  	[tilespmem:v56+s15+$0x0] =	vst.idx.msk $0xffff, v52  }
0x358: {  	v57 =	vadd.s32 v18, v51;
	v52 =	vld [tilespmem:$0xB10];
	_ =	sdelay $0x4  }
0x359: {  	[tilespmem:v57+s15+$0x0] =	vst.idx.msk $0xffff, v52  }
0x35a: {  	v58 =	vadd.s32 v19, v51;
	v52 =	vld [tilespmem:$0xB20];
	_ =	sdelay $0x4  }
0x35b: {  	[tilespmem:v58+s15+$0x0] =	vst.idx.msk $0xffff, v52  }
0x35c: {  	v59 =	vadd.s32 v20, v51;
	v52 =	vld [tilespmem:$0xB30];
	_ =	sdelay $0x4  }
0x35d: {  	[tilespmem:v59+s15+$0x0] =	vst.idx.msk $0xffff, v52  }
0x35e: {  	v60 =	vadd.s32 v21, v51;
	v52 =	vld [tilespmem:$0xB40];
	_ =	sdelay $0x4  }
0x35f: {  	[tilespmem:v60+s15+$0x0] =	vst.idx.msk $0xffff, v52  }
0x360: {  	v61 =	vadd.s32 v22, v51;
	v52 =	vld [tilespmem:$0xB50];
	_ =	sdelay $0x4  }
0x361: {  	[tilespmem:v61+s15+$0x0] =	vst.idx.msk $0xffff, v52  }
0x362: {  	v62 =	vadd.s32 v23, v51;
	v52 =	vld [tilespmem:$0xB60];
	_ =	sdelay $0x4  }
0x363: {  	[tilespmem:v62+s15+$0x0] =	vst.idx.msk $0xffff, v52  }
0x364: {  	v63 =	vadd.s32 v24, v51;
	v52 =	vld [tilespmem:$0xB70];
	_ =	sdelay $0x4  }
0x365: {  	[tilespmem:v63+s15+$0x0] =	vst.idx.msk $0xffff, v52  }
0x366: {  	v56 =	vadd.s32 v25, v51;
	v52 =	vld [tilespmem:$0xB80];
	_ =	sdelay $0x4  }
0x367: {  	[tilespmem:v56+s15+$0x0] =	vst.idx.msk $0xffff, v52  }
0x368: {  	v57 =	vadd.s32 v26, v51;
	v52 =	vld [tilespmem:$0xB90];
	_ =	sdelay $0x4  }
0x369: {  	[tilespmem:v57+s15+$0x0] =	vst.idx.msk $0xffff, v52  }
0x36a: {  	v58 =	vadd.s32 v27, v51;
	v52 =	vld [tilespmem:$0xBA0];
	_ =	sdelay $0x4  }
0x36b: {  	[tilespmem:v58+s15+$0x0] =	vst.idx.msk $0xffff, v52  }
0x36c: {  	v59 =	vadd.s32 v28, v51;
	v52 =	vld [tilespmem:$0xBB0];
	_ =	sdelay $0x4  }
0x36d: {  	[tilespmem:v59+s15+$0x0] =	vst.idx.msk $0xffff, v52  }
0x36e: {  	v60 =	vadd.s32 v29, v51;
	v52 =	vld [tilespmem:$0xBC0];
	_ =	sdelay $0x4  }
0x36f: {  	[tilespmem:v60+s15+$0x0] =	vst.idx.msk $0xffff, v52  }
0x370: {  	v61 =	vadd.s32 v30, v51;
	v52 =	vld [tilespmem:$0xBD0];
	_ =	sdelay $0x4  }
0x371: {  	[tilespmem:v61+s15+$0x0] =	vst.idx.msk $0xffff, v52  }
0x372: {  	v62 =	vadd.s32 v31, v51;
	v52 =	vld [tilespmem:$0xBE0];
	_ =	sdelay $0x4  }
0x373: {  	[tilespmem:v62+s15+$0x0] =	vst.idx.msk $0xffff, v52  }
0x374: {  	v63 =	vadd.s32 v32, v51;
	v52 =	vld [tilespmem:$0xBF0];
	_ =	sdelay $0x4  }
0x375: {  	[tilespmem:v63+s15+$0x0] =	vst.idx.msk $0xffff, v52  }
0x376: {  	v56 =	vadd.s32 v33, v51;
	v52 =	vld [tilespmem:$0xC00];
	_ =	sdelay $0x4  }
0x377: {  	[tilespmem:v56+s15+$0x0] =	vst.idx.msk $0xffff, v52  }
0x378: {  	v57 =	vadd.s32 v34, v51;
	v52 =	vld [tilespmem:$0xC10];
	_ =	sdelay $0x4  }
0x379: {  	[tilespmem:v57+s15+$0x0] =	vst.idx.msk $0xffff, v52  }
0x37a: {  	v58 =	vadd.s32 v35, v51;
	v52 =	vld [tilespmem:$0xC20];
	_ =	sdelay $0x4  }
0x37b: {  	[tilespmem:v58+s15+$0x0] =	vst.idx.msk $0xffff, v52  }
0x37c: {  	v59 =	vadd.s32 v36, v51;
	v52 =	vld [tilespmem:$0xC30];
	_ =	sdelay $0x4  }
0x37d: {  	[tilespmem:v59+s15+$0x0] =	vst.idx.msk $0xffff, v52  }
0x37e: {  	v60 =	vadd.s32 v37, v51;
	v52 =	vld [tilespmem:$0xC40];
	_ =	sdelay $0x4  }
0x37f: {  	[tilespmem:v60+s15+$0x0] =	vst.idx.msk $0xffff, v52  }
0x380: {  	v61 =	vadd.s32 v38, v51;
	v52 =	vld [tilespmem:$0xC50];
	_ =	sdelay $0x4  }
0x381: {  	[tilespmem:v61+s15+$0x0] =	vst.idx.msk $0xffff, v52  }
0x382: {  	v62 =	vadd.s32 v39, v51;
	v52 =	vld [tilespmem:$0xC60];
	_ =	sdelay $0x4  }
0x383: {  	[tilespmem:v62+s15+$0x0] =	vst.idx.msk $0xffff, v52  }
0x384: {  	v63 =	vadd.s32 v40, v51;
	v52 =	vld [tilespmem:$0xC70];
	_ =	sdelay $0x4  }
0x385: {  	[tilespmem:v63+s15+$0x0] =	vst.idx.msk $0xffff, v52  }
0x386: {  	v56 =	vadd.s32 v41, v51;
	v52 =	vld [tilespmem:$0xC80];
	_ =	sdelay $0x4  }
0x387: {  	[tilespmem:v56+s15+$0x0] =	vst.idx.msk $0xffff, v52  }
0x388: {  	v57 =	vadd.s32 v42, v51;
	v52 =	vld [tilespmem:$0xC90];
	_ =	sdelay $0x4  }
0x389: {  	[tilespmem:v57+s15+$0x0] =	vst.idx.msk $0xffff, v52  }
0x38a: {  	v58 =	vadd.s32 v43, v51;
	v52 =	vld [tilespmem:$0xCA0];
	_ =	sdelay $0x4  }
0x38b: {  	[tilespmem:v58+s15+$0x0] =	vst.idx.msk $0xffff, v52  }
0x38c: {  	v50 =	vsel vm0, $0x0, v50;
	v59 =	vadd.s32 v44, v51;
	v52 =	vld [tilespmem:$0xCB0]  }
0x38d: {  	(xrf0) =	vadd.scan.msk.s32 $0xffff, v50;
	_ =	sdelay $0x3  }
0x38e: {  	[tilespmem:v59+s15+$0x0] =	vst.idx.msk $0xffff, v52  }
0x38f: {  	v60 =	vadd.s32 v45, v51;
	v52 =	vld [tilespmem:$0xCC0]  }
0x390: {  	v61, _, _ =	vpop (xrf0)  }
0x391: {  	(v2sf) =	vpush v61, $0xF;
	_ =	sdelay $0x2  }
0x392: {  	[tilespmem:v60+s15+$0x0] =	vst.idx.msk $0xffff, v52  }
0x393: {  	v62 =	vadd.s32 v46, v51;
	v53 =	vld [tilespmem:$0xCD0];
	_ =	sdelay $0x4  }
0x394: {  	[tilespmem:v62+s15+$0x0] =	vst.idx.msk $0xffff, v53  }
0x395: {  	v63 =	vadd.s32 v47, v51;
	v52 =	vld [tilespmem:$0xCE0];
	_ =	sdelay $0x4  }
0x396: {  	s22 =	spop (v2sf);
	[tilespmem:v63+s15+$0x0] =	vst.idx.msk $0xffff, v52  }
0x397: {  	v51 =	vadd.s32 v48, v51;
	p0 =	sgt.s32 s22, $0x0;
	v52 =	vld [tilespmem:$0xCF0]  }
.Ltmp17:
0x398: {  	_ = 	snop;
	(pc) =	sbr.rel @p0 .LBB2_15-.Ltmp17, $2  }
0x399: {  	_ =	sdelay $0x2  }
0x39a: {  	[tilespmem:v51+s15+$0x0] =	vst.idx.msk $0xffff, v52  }
.LBB2_16:
0x39b: {  	s22 =	sadd.s32 $0x20, s23  }
0x39c: {  	v50 =	vadd.s32 s22, v0;
	_ =	sdelay $0x4  }
0x39d: {  	v50 =	vld.idx.msk [tilespmem:v50+s2+$0x0], $0xffff;
	_ =	sdelay $0x4  }
0x39e: {  	vm0 =	veq.s32 v50, $0x2A  }
0x39f: {  	v50 =	vsel vm0, $0x1, v1  }
0x3a0: {  	(xrf0) =	vadd.scan.msk.s32 $0xffff, v50;
	_ =	sdelay $0x5  }
0x3a1: {  	v51, _, _ =	vpop (xrf0)  }
0x3a2: {  	(v2sf) =	vpush v51, $0xF;
	_ =	sdelay $0xe  }
0x3a3: {  	s31 =	spop (v2sf)  }
0x3a4: {  	p0 =	slt.s32 s31, $0x1  }
.Ltmp18:
0x3a5: {  	_ = 	snop;
	(pc) =	sbr.rel @p0 .LBB2_18-.Ltmp18, $1  }
0x3a6: {  	_ =	sdelay $0x3  }
.LBB2_17:
0x3a7: {  	vm0 =	vne.s32 v50, $0x0  }
0x3a8: {  	v51 =	vmctz.xlane vm0;
	_ =	sdelay $0x1  }
0x3a9: {  	vm0 =	veq.s32 v51, v0  }
0x3aa: {  	v51 =	vnsel vm0, $0x0, v3  }
0x3ab: {  	(xrf0) =	vadd.scan.msk.s32 $0xffff, v51;
	_ =	sdelay $0x5  }
0x3ac: {  	v51, _, _ =	vpop (xrf0)  }
0x3ad: {  	v51 =	vbroadcast v51, $0xF;
	_ =	sdelay $0x1  }
0x3ae: {  	v52 =	vshrl.u32 v51, $0x3  }
0x3af: {  	v51 =	vshll.u32 v51, $0x7;
	v52 =	vmul.u32 $0x1800, v52  }
0x3b0: {  	v51 =	vand.u32 $0x380, v51  }
0x3b1: {  	v51 =	vor.u32 v51, v52  }
0x3b2: {  	v56 =	vld [tilespmem:$0xA00];
	v53 =	vor.u32 v0, v51;
	_ =	sdelay $0x4  }
0x3b3: {  	[tilespmem:v53+s15+$0x0] =	vst.idx.msk $0xffff, v56  }
0x3b4: {  	v57 =	vor.u32 v2, v51;
	v52 =	vld [tilespmem:$0xA10];
	_ =	sdelay $0x4  }
0x3b5: {  	[tilespmem:v57+s15+$0x0] =	vst.idx.msk $0xffff, v52  }
0x3b6: {  	v58 =	vor.u32 v3, v51;
	v52 =	vld [tilespmem:$0xA20];
	_ =	sdelay $0x4  }
0x3b7: {  	[tilespmem:v58+s15+$0x0] =	vst.idx.msk $0xffff, v52  }
0x3b8: {  	v59 =	vor.u32 v4, v51;
	v52 =	vld [tilespmem:$0xA30];
	_ =	sdelay $0x4  }
0x3b9: {  	[tilespmem:v59+s15+$0x0] =	vst.idx.msk $0xffff, v52  }
0x3ba: {  	v60 =	vor.u32 v5, v51;
	v52 =	vld [tilespmem:$0xA40];
	_ =	sdelay $0x4  }
0x3bb: {  	[tilespmem:v60+s15+$0x0] =	vst.idx.msk $0xffff, v52  }
0x3bc: {  	v61 =	vor.u32 v6, v51;
	v52 =	vld [tilespmem:$0xA50];
	_ =	sdelay $0x4  }
0x3bd: {  	[tilespmem:v61+s15+$0x0] =	vst.idx.msk $0xffff, v52  }
0x3be: {  	v62 =	vor.u32 v7, v51;
	v52 =	vld [tilespmem:$0xA60];
	_ =	sdelay $0x4  }
0x3bf: {  	[tilespmem:v62+s15+$0x0] =	vst.idx.msk $0xffff, v52  }
0x3c0: {  	v63 =	vor.u32 v8, v51;
	v52 =	vld [tilespmem:$0xA70];
	_ =	sdelay $0x4  }
0x3c1: {  	[tilespmem:v63+s15+$0x0] =	vst.idx.msk $0xffff, v52  }
0x3c2: {  	v56 =	vor.u32 v9, v51;
	v52 =	vld [tilespmem:$0xA80];
	_ =	sdelay $0x4  }
0x3c3: {  	[tilespmem:v56+s15+$0x0] =	vst.idx.msk $0xffff, v52  }
0x3c4: {  	v57 =	vor.u32 v10, v51;
	v52 =	vld [tilespmem:$0xA90];
	_ =	sdelay $0x4  }
0x3c5: {  	[tilespmem:v57+s15+$0x0] =	vst.idx.msk $0xffff, v52  }
0x3c6: {  	v58 =	vor.u32 v11, v51;
	v52 =	vld [tilespmem:$0xAA0];
	_ =	sdelay $0x4  }
0x3c7: {  	[tilespmem:v58+s15+$0x0] =	vst.idx.msk $0xffff, v52  }
0x3c8: {  	v59 =	vor.u32 v12, v51;
	v52 =	vld [tilespmem:$0xAB0];
	_ =	sdelay $0x4  }
0x3c9: {  	[tilespmem:v59+s15+$0x0] =	vst.idx.msk $0xffff, v52  }
0x3ca: {  	v60 =	vor.u32 v13, v51;
	v52 =	vld [tilespmem:$0xAC0];
	_ =	sdelay $0x4  }
0x3cb: {  	[tilespmem:v60+s15+$0x0] =	vst.idx.msk $0xffff, v52  }
0x3cc: {  	v61 =	vor.u32 v14, v51;
	v52 =	vld [tilespmem:$0xAD0];
	_ =	sdelay $0x4  }
0x3cd: {  	[tilespmem:v61+s15+$0x0] =	vst.idx.msk $0xffff, v52  }
0x3ce: {  	v62 =	vor.u32 v15, v51;
	v52 =	vld [tilespmem:$0xAE0];
	_ =	sdelay $0x4  }
0x3cf: {  	[tilespmem:v62+s15+$0x0] =	vst.idx.msk $0xffff, v52  }
0x3d0: {  	v63 =	vor.u32 v16, v51;
	v52 =	vld [tilespmem:$0xAF0];
	_ =	sdelay $0x4  }
0x3d1: {  	[tilespmem:v63+s15+$0x0] =	vst.idx.msk $0xffff, v52  }
0x3d2: {  	v56 =	vadd.s32 v17, v51;
	v52 =	vld [tilespmem:$0xB00];
	_ =	sdelay $0x4  }
0x3d3: {  	[tilespmem:v56+s15+$0x0] =	vst.idx.msk $0xffff, v52  }
0x3d4: {  	v57 =	vadd.s32 v18, v51;
	v52 =	vld [tilespmem:$0xB10];
	_ =	sdelay $0x4  }
0x3d5: {  	[tilespmem:v57+s15+$0x0] =	vst.idx.msk $0xffff, v52  }
0x3d6: {  	v58 =	vadd.s32 v19, v51;
	v52 =	vld [tilespmem:$0xB20];
	_ =	sdelay $0x4  }
0x3d7: {  	[tilespmem:v58+s15+$0x0] =	vst.idx.msk $0xffff, v52  }
0x3d8: {  	v59 =	vadd.s32 v20, v51;
	v52 =	vld [tilespmem:$0xB30];
	_ =	sdelay $0x4  }
0x3d9: {  	[tilespmem:v59+s15+$0x0] =	vst.idx.msk $0xffff, v52  }
0x3da: {  	v60 =	vadd.s32 v21, v51;
	v52 =	vld [tilespmem:$0xB40];
	_ =	sdelay $0x4  }
0x3db: {  	[tilespmem:v60+s15+$0x0] =	vst.idx.msk $0xffff, v52  }
0x3dc: {  	v61 =	vadd.s32 v22, v51;
	v52 =	vld [tilespmem:$0xB50];
	_ =	sdelay $0x4  }
0x3dd: {  	[tilespmem:v61+s15+$0x0] =	vst.idx.msk $0xffff, v52  }
0x3de: {  	v62 =	vadd.s32 v23, v51;
	v52 =	vld [tilespmem:$0xB60];
	_ =	sdelay $0x4  }
0x3df: {  	[tilespmem:v62+s15+$0x0] =	vst.idx.msk $0xffff, v52  }
0x3e0: {  	v63 =	vadd.s32 v24, v51;
	v52 =	vld [tilespmem:$0xB70];
	_ =	sdelay $0x4  }
0x3e1: {  	[tilespmem:v63+s15+$0x0] =	vst.idx.msk $0xffff, v52  }
0x3e2: {  	v56 =	vadd.s32 v25, v51;
	v52 =	vld [tilespmem:$0xB80];
	_ =	sdelay $0x4  }
0x3e3: {  	[tilespmem:v56+s15+$0x0] =	vst.idx.msk $0xffff, v52  }
0x3e4: {  	v57 =	vadd.s32 v26, v51;
	v52 =	vld [tilespmem:$0xB90];
	_ =	sdelay $0x4  }
0x3e5: {  	[tilespmem:v57+s15+$0x0] =	vst.idx.msk $0xffff, v52  }
0x3e6: {  	v58 =	vadd.s32 v27, v51;
	v52 =	vld [tilespmem:$0xBA0];
	_ =	sdelay $0x4  }
0x3e7: {  	[tilespmem:v58+s15+$0x0] =	vst.idx.msk $0xffff, v52  }
0x3e8: {  	v59 =	vadd.s32 v28, v51;
	v52 =	vld [tilespmem:$0xBB0];
	_ =	sdelay $0x4  }
0x3e9: {  	[tilespmem:v59+s15+$0x0] =	vst.idx.msk $0xffff, v52  }
0x3ea: {  	v60 =	vadd.s32 v29, v51;
	v52 =	vld [tilespmem:$0xBC0];
	_ =	sdelay $0x4  }
0x3eb: {  	[tilespmem:v60+s15+$0x0] =	vst.idx.msk $0xffff, v52  }
0x3ec: {  	v61 =	vadd.s32 v30, v51;
	v52 =	vld [tilespmem:$0xBD0];
	_ =	sdelay $0x4  }
0x3ed: {  	[tilespmem:v61+s15+$0x0] =	vst.idx.msk $0xffff, v52  }
0x3ee: {  	v62 =	vadd.s32 v31, v51;
	v52 =	vld [tilespmem:$0xBE0];
	_ =	sdelay $0x4  }
0x3ef: {  	[tilespmem:v62+s15+$0x0] =	vst.idx.msk $0xffff, v52  }
0x3f0: {  	v63 =	vadd.s32 v32, v51;
	v52 =	vld [tilespmem:$0xBF0];
	_ =	sdelay $0x4  }
0x3f1: {  	[tilespmem:v63+s15+$0x0] =	vst.idx.msk $0xffff, v52  }
0x3f2: {  	v56 =	vadd.s32 v33, v51;
	v52 =	vld [tilespmem:$0xC00];
	_ =	sdelay $0x4  }
0x3f3: {  	[tilespmem:v56+s15+$0x0] =	vst.idx.msk $0xffff, v52  }
0x3f4: {  	v57 =	vadd.s32 v34, v51;
	v52 =	vld [tilespmem:$0xC10];
	_ =	sdelay $0x4  }
0x3f5: {  	[tilespmem:v57+s15+$0x0] =	vst.idx.msk $0xffff, v52  }
0x3f6: {  	v58 =	vadd.s32 v35, v51;
	v52 =	vld [tilespmem:$0xC20];
	_ =	sdelay $0x4  }
0x3f7: {  	[tilespmem:v58+s15+$0x0] =	vst.idx.msk $0xffff, v52  }
0x3f8: {  	v59 =	vadd.s32 v36, v51;
	v52 =	vld [tilespmem:$0xC30];
	_ =	sdelay $0x4  }
0x3f9: {  	[tilespmem:v59+s15+$0x0] =	vst.idx.msk $0xffff, v52  }
0x3fa: {  	v60 =	vadd.s32 v37, v51;
	v52 =	vld [tilespmem:$0xC40];
	_ =	sdelay $0x4  }
0x3fb: {  	[tilespmem:v60+s15+$0x0] =	vst.idx.msk $0xffff, v52  }
0x3fc: {  	v61 =	vadd.s32 v38, v51;
	v52 =	vld [tilespmem:$0xC50];
	_ =	sdelay $0x4  }
0x3fd: {  	[tilespmem:v61+s15+$0x0] =	vst.idx.msk $0xffff, v52  }
0x3fe: {  	v62 =	vadd.s32 v39, v51;
	v52 =	vld [tilespmem:$0xC60];
	_ =	sdelay $0x4  }
0x3ff: {  	[tilespmem:v62+s15+$0x0] =	vst.idx.msk $0xffff, v52  }
0x400: {  	v63 =	vadd.s32 v40, v51;
	v52 =	vld [tilespmem:$0xC70];
	_ =	sdelay $0x4  }
0x401: {  	[tilespmem:v63+s15+$0x0] =	vst.idx.msk $0xffff, v52  }
0x402: {  	v56 =	vadd.s32 v41, v51;
	v52 =	vld [tilespmem:$0xC80];
	_ =	sdelay $0x4  }
0x403: {  	[tilespmem:v56+s15+$0x0] =	vst.idx.msk $0xffff, v52  }
0x404: {  	v57 =	vadd.s32 v42, v51;
	v52 =	vld [tilespmem:$0xC90];
	_ =	sdelay $0x4  }
0x405: {  	[tilespmem:v57+s15+$0x0] =	vst.idx.msk $0xffff, v52  }
0x406: {  	v58 =	vadd.s32 v43, v51;
	v52 =	vld [tilespmem:$0xCA0];
	_ =	sdelay $0x4  }
0x407: {  	[tilespmem:v58+s15+$0x0] =	vst.idx.msk $0xffff, v52  }
0x408: {  	v50 =	vsel vm0, $0x0, v50;
	v59 =	vadd.s32 v44, v51;
	v52 =	vld [tilespmem:$0xCB0]  }
0x409: {  	(xrf0) =	vadd.scan.msk.s32 $0xffff, v50;
	_ =	sdelay $0x3  }
0x40a: {  	[tilespmem:v59+s15+$0x0] =	vst.idx.msk $0xffff, v52  }
0x40b: {  	v60 =	vadd.s32 v45, v51;
	v52 =	vld [tilespmem:$0xCC0]  }
0x40c: {  	v61, _, _ =	vpop (xrf0)  }
0x40d: {  	(v2sf) =	vpush v61, $0xF;
	_ =	sdelay $0x2  }
0x40e: {  	[tilespmem:v60+s15+$0x0] =	vst.idx.msk $0xffff, v52  }
0x40f: {  	v62 =	vadd.s32 v46, v51;
	v53 =	vld [tilespmem:$0xCD0];
	_ =	sdelay $0x4  }
0x410: {  	[tilespmem:v62+s15+$0x0] =	vst.idx.msk $0xffff, v53  }
0x411: {  	v63 =	vadd.s32 v47, v51;
	v52 =	vld [tilespmem:$0xCE0];
	_ =	sdelay $0x4  }
0x412: {  	s22 =	spop (v2sf);
	[tilespmem:v63+s15+$0x0] =	vst.idx.msk $0xffff, v52  }
0x413: {  	v51 =	vadd.s32 v48, v51;
	p0 =	sgt.s32 s22, $0x0;
	v52 =	vld [tilespmem:$0xCF0]  }
.Ltmp19:
0x414: {  	_ = 	snop;
	(pc) =	sbr.rel @p0 .LBB2_17-.Ltmp19, $2  }
0x415: {  	_ =	sdelay $0x2  }
0x416: {  	[tilespmem:v51+s15+$0x0] =	vst.idx.msk $0xffff, v52  }
.LBB2_18:
0x417: {  	s22 =	sadd.s32 $0x30, s23  }
0x418: {  	v50 =	vadd.s32 s22, v0;
	_ =	sdelay $0x4  }
0x419: {  	v50 =	vld.idx.msk [tilespmem:v50+s2+$0x0], $0xffff;
	_ =	sdelay $0x4  }
0x41a: {  	vm0 =	veq.s32 v50, $0x2A  }
0x41b: {  	v50 =	vsel vm0, $0x1, v1  }
0x41c: {  	(xrf0) =	vadd.scan.msk.s32 $0xffff, v50;
	_ =	sdelay $0x5  }
0x41d: {  	v51, _, _ =	vpop (xrf0)  }
0x41e: {  	(v2sf) =	vpush v51, $0xF;
	_ =	sdelay $0xe  }
0x41f: {  	s31 =	spop (v2sf)  }
0x420: {  	p0 =	slt.s32 s31, $0x1  }
.Ltmp20:
0x421: {  	_ = 	snop;
	(pc) =	sbr.rel @p0 .LBB2_20-.Ltmp20, $1  }
0x422: {  	_ =	sdelay $0x3  }
.LBB2_19:
0x423: {  	vm0 =	vne.s32 v50, $0x0  }
0x424: {  	v51 =	vmctz.xlane vm0;
	_ =	sdelay $0x1  }
0x425: {  	vm0 =	veq.s32 v51, v0  }
0x426: {  	v51 =	vnsel vm0, $0x0, v4  }
0x427: {  	(xrf0) =	vadd.scan.msk.s32 $0xffff, v51;
	_ =	sdelay $0x5  }
0x428: {  	v51, _, _ =	vpop (xrf0)  }
0x429: {  	v51 =	vbroadcast v51, $0xF;
	_ =	sdelay $0x1  }
0x42a: {  	v52 =	vshrl.u32 v51, $0x3  }
0x42b: {  	v51 =	vshll.u32 v51, $0x7;
	v52 =	vmul.u32 $0x1800, v52  }
0x42c: {  	v51 =	vand.u32 $0x380, v51  }
0x42d: {  	v51 =	vor.u32 v51, v52  }
0x42e: {  	v56 =	vld [tilespmem:$0xA00];
	v53 =	vor.u32 v0, v51;
	_ =	sdelay $0x4  }
0x42f: {  	[tilespmem:v53+s15+$0x0] =	vst.idx.msk $0xffff, v56  }
0x430: {  	v57 =	vor.u32 v2, v51;
	v52 =	vld [tilespmem:$0xA10];
	_ =	sdelay $0x4  }
0x431: {  	[tilespmem:v57+s15+$0x0] =	vst.idx.msk $0xffff, v52  }
0x432: {  	v58 =	vor.u32 v3, v51;
	v52 =	vld [tilespmem:$0xA20];
	_ =	sdelay $0x4  }
0x433: {  	[tilespmem:v58+s15+$0x0] =	vst.idx.msk $0xffff, v52  }
0x434: {  	v59 =	vor.u32 v4, v51;
	v52 =	vld [tilespmem:$0xA30];
	_ =	sdelay $0x4  }
0x435: {  	[tilespmem:v59+s15+$0x0] =	vst.idx.msk $0xffff, v52  }
0x436: {  	v60 =	vor.u32 v5, v51;
	v52 =	vld [tilespmem:$0xA40];
	_ =	sdelay $0x4  }
0x437: {  	[tilespmem:v60+s15+$0x0] =	vst.idx.msk $0xffff, v52  }
0x438: {  	v61 =	vor.u32 v6, v51;
	v52 =	vld [tilespmem:$0xA50];
	_ =	sdelay $0x4  }
0x439: {  	[tilespmem:v61+s15+$0x0] =	vst.idx.msk $0xffff, v52  }
0x43a: {  	v62 =	vor.u32 v7, v51;
	v52 =	vld [tilespmem:$0xA60];
	_ =	sdelay $0x4  }
0x43b: {  	[tilespmem:v62+s15+$0x0] =	vst.idx.msk $0xffff, v52  }
0x43c: {  	v63 =	vor.u32 v8, v51;
	v52 =	vld [tilespmem:$0xA70];
	_ =	sdelay $0x4  }
0x43d: {  	[tilespmem:v63+s15+$0x0] =	vst.idx.msk $0xffff, v52  }
0x43e: {  	v56 =	vor.u32 v9, v51;
	v52 =	vld [tilespmem:$0xA80];
	_ =	sdelay $0x4  }
0x43f: {  	[tilespmem:v56+s15+$0x0] =	vst.idx.msk $0xffff, v52  }
0x440: {  	v57 =	vor.u32 v10, v51;
	v52 =	vld [tilespmem:$0xA90];
	_ =	sdelay $0x4  }
0x441: {  	[tilespmem:v57+s15+$0x0] =	vst.idx.msk $0xffff, v52  }
0x442: {  	v58 =	vor.u32 v11, v51;
	v52 =	vld [tilespmem:$0xAA0];
	_ =	sdelay $0x4  }
0x443: {  	[tilespmem:v58+s15+$0x0] =	vst.idx.msk $0xffff, v52  }
0x444: {  	v59 =	vor.u32 v12, v51;
	v52 =	vld [tilespmem:$0xAB0];
	_ =	sdelay $0x4  }
0x445: {  	[tilespmem:v59+s15+$0x0] =	vst.idx.msk $0xffff, v52  }
0x446: {  	v60 =	vor.u32 v13, v51;
	v52 =	vld [tilespmem:$0xAC0];
	_ =	sdelay $0x4  }
0x447: {  	[tilespmem:v60+s15+$0x0] =	vst.idx.msk $0xffff, v52  }
0x448: {  	v61 =	vor.u32 v14, v51;
	v52 =	vld [tilespmem:$0xAD0];
	_ =	sdelay $0x4  }
0x449: {  	[tilespmem:v61+s15+$0x0] =	vst.idx.msk $0xffff, v52  }
0x44a: {  	v62 =	vor.u32 v15, v51;
	v52 =	vld [tilespmem:$0xAE0];
	_ =	sdelay $0x4  }
0x44b: {  	[tilespmem:v62+s15+$0x0] =	vst.idx.msk $0xffff, v52  }
0x44c: {  	v63 =	vor.u32 v16, v51;
	v52 =	vld [tilespmem:$0xAF0];
	_ =	sdelay $0x4  }
0x44d: {  	[tilespmem:v63+s15+$0x0] =	vst.idx.msk $0xffff, v52  }
0x44e: {  	v56 =	vadd.s32 v17, v51;
	v52 =	vld [tilespmem:$0xB00];
	_ =	sdelay $0x4  }
0x44f: {  	[tilespmem:v56+s15+$0x0] =	vst.idx.msk $0xffff, v52  }
0x450: {  	v57 =	vadd.s32 v18, v51;
	v52 =	vld [tilespmem:$0xB10];
	_ =	sdelay $0x4  }
0x451: {  	[tilespmem:v57+s15+$0x0] =	vst.idx.msk $0xffff, v52  }
0x452: {  	v58 =	vadd.s32 v19, v51;
	v52 =	vld [tilespmem:$0xB20];
	_ =	sdelay $0x4  }
0x453: {  	[tilespmem:v58+s15+$0x0] =	vst.idx.msk $0xffff, v52  }
0x454: {  	v59 =	vadd.s32 v20, v51;
	v52 =	vld [tilespmem:$0xB30];
	_ =	sdelay $0x4  }
0x455: {  	[tilespmem:v59+s15+$0x0] =	vst.idx.msk $0xffff, v52  }
0x456: {  	v60 =	vadd.s32 v21, v51;
	v52 =	vld [tilespmem:$0xB40];
	_ =	sdelay $0x4  }
0x457: {  	[tilespmem:v60+s15+$0x0] =	vst.idx.msk $0xffff, v52  }
0x458: {  	v61 =	vadd.s32 v22, v51;
	v52 =	vld [tilespmem:$0xB50];
	_ =	sdelay $0x4  }
0x459: {  	[tilespmem:v61+s15+$0x0] =	vst.idx.msk $0xffff, v52  }
0x45a: {  	v62 =	vadd.s32 v23, v51;
	v52 =	vld [tilespmem:$0xB60];
	_ =	sdelay $0x4  }
0x45b: {  	[tilespmem:v62+s15+$0x0] =	vst.idx.msk $0xffff, v52  }
0x45c: {  	v63 =	vadd.s32 v24, v51;
	v52 =	vld [tilespmem:$0xB70];
	_ =	sdelay $0x4  }
0x45d: {  	[tilespmem:v63+s15+$0x0] =	vst.idx.msk $0xffff, v52  }
0x45e: {  	v56 =	vadd.s32 v25, v51;
	v52 =	vld [tilespmem:$0xB80];
	_ =	sdelay $0x4  }
0x45f: {  	[tilespmem:v56+s15+$0x0] =	vst.idx.msk $0xffff, v52  }
0x460: {  	v57 =	vadd.s32 v26, v51;
	v52 =	vld [tilespmem:$0xB90];
	_ =	sdelay $0x4  }
0x461: {  	[tilespmem:v57+s15+$0x0] =	vst.idx.msk $0xffff, v52  }
0x462: {  	v58 =	vadd.s32 v27, v51;
	v52 =	vld [tilespmem:$0xBA0];
	_ =	sdelay $0x4  }
0x463: {  	[tilespmem:v58+s15+$0x0] =	vst.idx.msk $0xffff, v52  }
0x464: {  	v59 =	vadd.s32 v28, v51;
	v52 =	vld [tilespmem:$0xBB0];
	_ =	sdelay $0x4  }
0x465: {  	[tilespmem:v59+s15+$0x0] =	vst.idx.msk $0xffff, v52  }
0x466: {  	v60 =	vadd.s32 v29, v51;
	v52 =	vld [tilespmem:$0xBC0];
	_ =	sdelay $0x4  }
0x467: {  	[tilespmem:v60+s15+$0x0] =	vst.idx.msk $0xffff, v52  }
0x468: {  	v61 =	vadd.s32 v30, v51;
	v52 =	vld [tilespmem:$0xBD0];
	_ =	sdelay $0x4  }
0x469: {  	[tilespmem:v61+s15+$0x0] =	vst.idx.msk $0xffff, v52  }
0x46a: {  	v62 =	vadd.s32 v31, v51;
	v52 =	vld [tilespmem:$0xBE0];
	_ =	sdelay $0x4  }
0x46b: {  	[tilespmem:v62+s15+$0x0] =	vst.idx.msk $0xffff, v52  }
0x46c: {  	v63 =	vadd.s32 v32, v51;
	v52 =	vld [tilespmem:$0xBF0];
	_ =	sdelay $0x4  }
0x46d: {  	[tilespmem:v63+s15+$0x0] =	vst.idx.msk $0xffff, v52  }
0x46e: {  	v56 =	vadd.s32 v33, v51;
	v52 =	vld [tilespmem:$0xC00];
	_ =	sdelay $0x4  }
0x46f: {  	[tilespmem:v56+s15+$0x0] =	vst.idx.msk $0xffff, v52  }
0x470: {  	v57 =	vadd.s32 v34, v51;
	v52 =	vld [tilespmem:$0xC10];
	_ =	sdelay $0x4  }
0x471: {  	[tilespmem:v57+s15+$0x0] =	vst.idx.msk $0xffff, v52  }
0x472: {  	v58 =	vadd.s32 v35, v51;
	v52 =	vld [tilespmem:$0xC20];
	_ =	sdelay $0x4  }
0x473: {  	[tilespmem:v58+s15+$0x0] =	vst.idx.msk $0xffff, v52  }
0x474: {  	v59 =	vadd.s32 v36, v51;
	v52 =	vld [tilespmem:$0xC30];
	_ =	sdelay $0x4  }
0x475: {  	[tilespmem:v59+s15+$0x0] =	vst.idx.msk $0xffff, v52  }
0x476: {  	v60 =	vadd.s32 v37, v51;
	v52 =	vld [tilespmem:$0xC40];
	_ =	sdelay $0x4  }
0x477: {  	[tilespmem:v60+s15+$0x0] =	vst.idx.msk $0xffff, v52  }
0x478: {  	v61 =	vadd.s32 v38, v51;
	v52 =	vld [tilespmem:$0xC50];
	_ =	sdelay $0x4  }
0x479: {  	[tilespmem:v61+s15+$0x0] =	vst.idx.msk $0xffff, v52  }
0x47a: {  	v62 =	vadd.s32 v39, v51;
	v52 =	vld [tilespmem:$0xC60];
	_ =	sdelay $0x4  }
0x47b: {  	[tilespmem:v62+s15+$0x0] =	vst.idx.msk $0xffff, v52  }
0x47c: {  	v63 =	vadd.s32 v40, v51;
	v52 =	vld [tilespmem:$0xC70];
	_ =	sdelay $0x4  }
0x47d: {  	[tilespmem:v63+s15+$0x0] =	vst.idx.msk $0xffff, v52  }
0x47e: {  	v56 =	vadd.s32 v41, v51;
	v52 =	vld [tilespmem:$0xC80];
	_ =	sdelay $0x4  }
0x47f: {  	[tilespmem:v56+s15+$0x0] =	vst.idx.msk $0xffff, v52  }
0x480: {  	v57 =	vadd.s32 v42, v51;
	v52 =	vld [tilespmem:$0xC90];
	_ =	sdelay $0x4  }
0x481: {  	[tilespmem:v57+s15+$0x0] =	vst.idx.msk $0xffff, v52  }
0x482: {  	v58 =	vadd.s32 v43, v51;
	v52 =	vld [tilespmem:$0xCA0];
	_ =	sdelay $0x4  }
0x483: {  	[tilespmem:v58+s15+$0x0] =	vst.idx.msk $0xffff, v52  }
0x484: {  	v50 =	vsel vm0, $0x0, v50;
	v59 =	vadd.s32 v44, v51;
	v52 =	vld [tilespmem:$0xCB0]  }
0x485: {  	(xrf0) =	vadd.scan.msk.s32 $0xffff, v50;
	_ =	sdelay $0x3  }
0x486: {  	[tilespmem:v59+s15+$0x0] =	vst.idx.msk $0xffff, v52  }
0x487: {  	v60 =	vadd.s32 v45, v51;
	v52 =	vld [tilespmem:$0xCC0]  }
0x488: {  	v61, _, _ =	vpop (xrf0)  }
0x489: {  	(v2sf) =	vpush v61, $0xF;
	_ =	sdelay $0x2  }
0x48a: {  	[tilespmem:v60+s15+$0x0] =	vst.idx.msk $0xffff, v52  }
0x48b: {  	v62 =	vadd.s32 v46, v51;
	v53 =	vld [tilespmem:$0xCD0];
	_ =	sdelay $0x4  }
0x48c: {  	[tilespmem:v62+s15+$0x0] =	vst.idx.msk $0xffff, v53  }
0x48d: {  	v63 =	vadd.s32 v47, v51;
	v52 =	vld [tilespmem:$0xCE0];
	_ =	sdelay $0x4  }
0x48e: {  	s22 =	spop (v2sf);
	[tilespmem:v63+s15+$0x0] =	vst.idx.msk $0xffff, v52  }
0x48f: {  	v51 =	vadd.s32 v48, v51;
	p0 =	sgt.s32 s22, $0x0;
	v52 =	vld [tilespmem:$0xCF0]  }
.Ltmp21:
0x490: {  	_ = 	snop;
	(pc) =	sbr.rel @p0 .LBB2_19-.Ltmp21, $2  }
0x491: {  	_ =	sdelay $0x2  }
0x492: {  	[tilespmem:v51+s15+$0x0] =	vst.idx.msk $0xffff, v52  }
.LBB2_20:
0x493: {  	s22 =	sadd.s32 $0x3D, s23  }
0x494: {  	v50 =	vadd.s32 s22, v0;
	_ =	sdelay $0x4  }
0x495: {  	v50 =	vld.idx.msk [tilespmem:v50+s2+$0x0], $0xffff;
	_ =	sdelay $0x4  }
0x496: {  	vm0 =	veq.s32 v50, $0x2A  }
0x497: {  	v50 =	vsel vm0, $0x1, v1  }
0x498: {  	(xrf0) =	vadd.scan.msk.s32 $0xffff, v50;
	_ =	sdelay $0x5  }
0x499: {  	v51, _, _ =	vpop (xrf0)  }
0x49a: {  	(v2sf) =	vpush v51, $0xF;
	_ =	sdelay $0xe  }
0x49b: {  	s31 =	spop (v2sf)  }
0x49c: {  	p0 =	slt.s32 s31, $0x1  }
.Ltmp22:
0x49d: {  	_ = 	snop;
	(pc) =	sbr.rel @p0 .LBB2_22-.Ltmp22, $1  }
0x49e: {  	_ =	sdelay $0x3  }
.LBB2_21:
0x49f: {  	vm0 =	vne.s32 v50, $0x0  }
0x4a0: {  	v51 =	vmctz.xlane vm0;
	_ =	sdelay $0x1  }
0x4a1: {  	vm0 =	veq.s32 v51, v0  }
0x4a2: {  	v51 =	vnsel vm0, $0x0, v49  }
0x4a3: {  	(xrf0) =	vadd.scan.msk.s32 $0xffff, v51;
	_ =	sdelay $0x5  }
0x4a4: {  	v51, _, _ =	vpop (xrf0)  }
0x4a5: {  	v51 =	vbroadcast v51, $0xF;
	_ =	sdelay $0x1  }
0x4a6: {  	v52 =	vshrl.u32 v51, $0x3  }
0x4a7: {  	v51 =	vshll.u32 v51, $0x7;
	v52 =	vmul.u32 $0x1800, v52  }
0x4a8: {  	v51 =	vand.u32 $0x380, v51  }
0x4a9: {  	v51 =	vor.u32 v51, v52  }
0x4aa: {  	v56 =	vld [tilespmem:$0xA00];
	v53 =	vor.u32 v0, v51;
	_ =	sdelay $0x4  }
0x4ab: {  	[tilespmem:v53+s15+$0x0] =	vst.idx.msk $0xffff, v56  }
0x4ac: {  	v57 =	vor.u32 v2, v51;
	v52 =	vld [tilespmem:$0xA10];
	_ =	sdelay $0x4  }
0x4ad: {  	[tilespmem:v57+s15+$0x0] =	vst.idx.msk $0xffff, v52  }
0x4ae: {  	v58 =	vor.u32 v3, v51;
	v52 =	vld [tilespmem:$0xA20];
	_ =	sdelay $0x4  }
0x4af: {  	[tilespmem:v58+s15+$0x0] =	vst.idx.msk $0xffff, v52  }
0x4b0: {  	v59 =	vor.u32 v4, v51;
	v52 =	vld [tilespmem:$0xA30];
	_ =	sdelay $0x4  }
0x4b1: {  	[tilespmem:v59+s15+$0x0] =	vst.idx.msk $0xffff, v52  }
0x4b2: {  	v60 =	vor.u32 v5, v51;
	v52 =	vld [tilespmem:$0xA40];
	_ =	sdelay $0x4  }
0x4b3: {  	[tilespmem:v60+s15+$0x0] =	vst.idx.msk $0xffff, v52  }
0x4b4: {  	v61 =	vor.u32 v6, v51;
	v52 =	vld [tilespmem:$0xA50];
	_ =	sdelay $0x4  }
0x4b5: {  	[tilespmem:v61+s15+$0x0] =	vst.idx.msk $0xffff, v52  }
0x4b6: {  	v62 =	vor.u32 v7, v51;
	v52 =	vld [tilespmem:$0xA60];
	_ =	sdelay $0x4  }
0x4b7: {  	[tilespmem:v62+s15+$0x0] =	vst.idx.msk $0xffff, v52  }
0x4b8: {  	v63 =	vor.u32 v8, v51;
	v52 =	vld [tilespmem:$0xA70];
	_ =	sdelay $0x4  }
0x4b9: {  	[tilespmem:v63+s15+$0x0] =	vst.idx.msk $0xffff, v52  }
0x4ba: {  	v56 =	vor.u32 v9, v51;
	v52 =	vld [tilespmem:$0xA80];
	_ =	sdelay $0x4  }
0x4bb: {  	[tilespmem:v56+s15+$0x0] =	vst.idx.msk $0xffff, v52  }
0x4bc: {  	v57 =	vor.u32 v10, v51;
	v52 =	vld [tilespmem:$0xA90];
	_ =	sdelay $0x4  }
0x4bd: {  	[tilespmem:v57+s15+$0x0] =	vst.idx.msk $0xffff, v52  }
0x4be: {  	v58 =	vor.u32 v11, v51;
	v52 =	vld [tilespmem:$0xAA0];
	_ =	sdelay $0x4  }
0x4bf: {  	[tilespmem:v58+s15+$0x0] =	vst.idx.msk $0xffff, v52  }
0x4c0: {  	v59 =	vor.u32 v12, v51;
	v52 =	vld [tilespmem:$0xAB0];
	_ =	sdelay $0x4  }
0x4c1: {  	[tilespmem:v59+s15+$0x0] =	vst.idx.msk $0xffff, v52  }
0x4c2: {  	v60 =	vor.u32 v13, v51;
	v52 =	vld [tilespmem:$0xAC0];
	_ =	sdelay $0x4  }
0x4c3: {  	[tilespmem:v60+s15+$0x0] =	vst.idx.msk $0xffff, v52  }
0x4c4: {  	v61 =	vor.u32 v14, v51;
	v52 =	vld [tilespmem:$0xAD0];
	_ =	sdelay $0x4  }
0x4c5: {  	[tilespmem:v61+s15+$0x0] =	vst.idx.msk $0xffff, v52  }
0x4c6: {  	v62 =	vor.u32 v15, v51;
	v52 =	vld [tilespmem:$0xAE0];
	_ =	sdelay $0x4  }
0x4c7: {  	[tilespmem:v62+s15+$0x0] =	vst.idx.msk $0xffff, v52  }
0x4c8: {  	v63 =	vor.u32 v16, v51;
	v52 =	vld [tilespmem:$0xAF0];
	_ =	sdelay $0x4  }
0x4c9: {  	[tilespmem:v63+s15+$0x0] =	vst.idx.msk $0xffff, v52  }
0x4ca: {  	v56 =	vadd.s32 v17, v51;
	v52 =	vld [tilespmem:$0xB00];
	_ =	sdelay $0x4  }
0x4cb: {  	[tilespmem:v56+s15+$0x0] =	vst.idx.msk $0xffff, v52  }
0x4cc: {  	v57 =	vadd.s32 v18, v51;
	v52 =	vld [tilespmem:$0xB10];
	_ =	sdelay $0x4  }
0x4cd: {  	[tilespmem:v57+s15+$0x0] =	vst.idx.msk $0xffff, v52  }
0x4ce: {  	v58 =	vadd.s32 v19, v51;
	v52 =	vld [tilespmem:$0xB20];
	_ =	sdelay $0x4  }
0x4cf: {  	[tilespmem:v58+s15+$0x0] =	vst.idx.msk $0xffff, v52  }
0x4d0: {  	v59 =	vadd.s32 v20, v51;
	v52 =	vld [tilespmem:$0xB30];
	_ =	sdelay $0x4  }
0x4d1: {  	[tilespmem:v59+s15+$0x0] =	vst.idx.msk $0xffff, v52  }
0x4d2: {  	v60 =	vadd.s32 v21, v51;
	v52 =	vld [tilespmem:$0xB40];
	_ =	sdelay $0x4  }
0x4d3: {  	[tilespmem:v60+s15+$0x0] =	vst.idx.msk $0xffff, v52  }
0x4d4: {  	v61 =	vadd.s32 v22, v51;
	v52 =	vld [tilespmem:$0xB50];
	_ =	sdelay $0x4  }
0x4d5: {  	[tilespmem:v61+s15+$0x0] =	vst.idx.msk $0xffff, v52  }
0x4d6: {  	v62 =	vadd.s32 v23, v51;
	v52 =	vld [tilespmem:$0xB60];
	_ =	sdelay $0x4  }
0x4d7: {  	[tilespmem:v62+s15+$0x0] =	vst.idx.msk $0xffff, v52  }
0x4d8: {  	v63 =	vadd.s32 v24, v51;
	v52 =	vld [tilespmem:$0xB70];
	_ =	sdelay $0x4  }
0x4d9: {  	[tilespmem:v63+s15+$0x0] =	vst.idx.msk $0xffff, v52  }
0x4da: {  	v56 =	vadd.s32 v25, v51;
	v52 =	vld [tilespmem:$0xB80];
	_ =	sdelay $0x4  }
0x4db: {  	[tilespmem:v56+s15+$0x0] =	vst.idx.msk $0xffff, v52  }
0x4dc: {  	v57 =	vadd.s32 v26, v51;
	v52 =	vld [tilespmem:$0xB90];
	_ =	sdelay $0x4  }
0x4dd: {  	[tilespmem:v57+s15+$0x0] =	vst.idx.msk $0xffff, v52  }
0x4de: {  	v58 =	vadd.s32 v27, v51;
	v52 =	vld [tilespmem:$0xBA0];
	_ =	sdelay $0x4  }
0x4df: {  	[tilespmem:v58+s15+$0x0] =	vst.idx.msk $0xffff, v52  }
0x4e0: {  	v59 =	vadd.s32 v28, v51;
	v52 =	vld [tilespmem:$0xBB0];
	_ =	sdelay $0x4  }
0x4e1: {  	[tilespmem:v59+s15+$0x0] =	vst.idx.msk $0xffff, v52  }
0x4e2: {  	v60 =	vadd.s32 v29, v51;
	v52 =	vld [tilespmem:$0xBC0];
	_ =	sdelay $0x4  }
0x4e3: {  	[tilespmem:v60+s15+$0x0] =	vst.idx.msk $0xffff, v52  }
0x4e4: {  	v61 =	vadd.s32 v30, v51;
	v52 =	vld [tilespmem:$0xBD0];
	_ =	sdelay $0x4  }
0x4e5: {  	[tilespmem:v61+s15+$0x0] =	vst.idx.msk $0xffff, v52  }
0x4e6: {  	v62 =	vadd.s32 v31, v51;
	v52 =	vld [tilespmem:$0xBE0];
	_ =	sdelay $0x4  }
0x4e7: {  	[tilespmem:v62+s15+$0x0] =	vst.idx.msk $0xffff, v52  }
0x4e8: {  	v63 =	vadd.s32 v32, v51;
	v52 =	vld [tilespmem:$0xBF0];
	_ =	sdelay $0x4  }
0x4e9: {  	[tilespmem:v63+s15+$0x0] =	vst.idx.msk $0xffff, v52  }
0x4ea: {  	v56 =	vadd.s32 v33, v51;
	v52 =	vld [tilespmem:$0xC00];
	_ =	sdelay $0x4  }
0x4eb: {  	[tilespmem:v56+s15+$0x0] =	vst.idx.msk $0xffff, v52  }
0x4ec: {  	v57 =	vadd.s32 v34, v51;
	v52 =	vld [tilespmem:$0xC10];
	_ =	sdelay $0x4  }
0x4ed: {  	[tilespmem:v57+s15+$0x0] =	vst.idx.msk $0xffff, v52  }
0x4ee: {  	v58 =	vadd.s32 v35, v51;
	v52 =	vld [tilespmem:$0xC20];
	_ =	sdelay $0x4  }
0x4ef: {  	[tilespmem:v58+s15+$0x0] =	vst.idx.msk $0xffff, v52  }
0x4f0: {  	v59 =	vadd.s32 v36, v51;
	v52 =	vld [tilespmem:$0xC30];
	_ =	sdelay $0x4  }
0x4f1: {  	[tilespmem:v59+s15+$0x0] =	vst.idx.msk $0xffff, v52  }
0x4f2: {  	v60 =	vadd.s32 v37, v51;
	v52 =	vld [tilespmem:$0xC40];
	_ =	sdelay $0x4  }
0x4f3: {  	[tilespmem:v60+s15+$0x0] =	vst.idx.msk $0xffff, v52  }
0x4f4: {  	v61 =	vadd.s32 v38, v51;
	v52 =	vld [tilespmem:$0xC50];
	_ =	sdelay $0x4  }
0x4f5: {  	[tilespmem:v61+s15+$0x0] =	vst.idx.msk $0xffff, v52  }
0x4f6: {  	v62 =	vadd.s32 v39, v51;
	v52 =	vld [tilespmem:$0xC60];
	_ =	sdelay $0x4  }
0x4f7: {  	[tilespmem:v62+s15+$0x0] =	vst.idx.msk $0xffff, v52  }
0x4f8: {  	v63 =	vadd.s32 v40, v51;
	v52 =	vld [tilespmem:$0xC70];
	_ =	sdelay $0x4  }
0x4f9: {  	[tilespmem:v63+s15+$0x0] =	vst.idx.msk $0xffff, v52  }
0x4fa: {  	v56 =	vadd.s32 v41, v51;
	v52 =	vld [tilespmem:$0xC80];
	_ =	sdelay $0x4  }
0x4fb: {  	[tilespmem:v56+s15+$0x0] =	vst.idx.msk $0xffff, v52  }
0x4fc: {  	v57 =	vadd.s32 v42, v51;
	v52 =	vld [tilespmem:$0xC90];
	_ =	sdelay $0x4  }
0x4fd: {  	[tilespmem:v57+s15+$0x0] =	vst.idx.msk $0xffff, v52  }
0x4fe: {  	v58 =	vadd.s32 v43, v51;
	v52 =	vld [tilespmem:$0xCA0];
	_ =	sdelay $0x4  }
0x4ff: {  	[tilespmem:v58+s15+$0x0] =	vst.idx.msk $0xffff, v52  }
0x500: {  	v50 =	vsel vm0, $0x0, v50;
	v59 =	vadd.s32 v44, v51;
	v52 =	vld [tilespmem:$0xCB0]  }
0x501: {  	(xrf0) =	vadd.scan.msk.s32 $0xffff, v50;
	_ =	sdelay $0x3  }
0x502: {  	[tilespmem:v59+s15+$0x0] =	vst.idx.msk $0xffff, v52  }
0x503: {  	v60 =	vadd.s32 v45, v51;
	v52 =	vld [tilespmem:$0xCC0]  }
0x504: {  	v61, _, _ =	vpop (xrf0)  }
0x505: {  	(v2sf) =	vpush v61, $0xF;
	_ =	sdelay $0x2  }
0x506: {  	[tilespmem:v60+s15+$0x0] =	vst.idx.msk $0xffff, v52  }
0x507: {  	v62 =	vadd.s32 v46, v51;
	v53 =	vld [tilespmem:$0xCD0];
	_ =	sdelay $0x4  }
0x508: {  	[tilespmem:v62+s15+$0x0] =	vst.idx.msk $0xffff, v53  }
0x509: {  	v63 =	vadd.s32 v47, v51;
	v52 =	vld [tilespmem:$0xCE0];
	_ =	sdelay $0x4  }
0x50a: {  	s22 =	spop (v2sf);
	[tilespmem:v63+s15+$0x0] =	vst.idx.msk $0xffff, v52  }
0x50b: {  	v51 =	vadd.s32 v48, v51;
	p0 =	sgt.s32 s22, $0x0;
	v52 =	vld [tilespmem:$0xCF0]  }
.Ltmp23:
0x50c: {  	_ = 	snop;
	(pc) =	sbr.rel @p0 .LBB2_21-.Ltmp23, $2  }
0x50d: {  	_ =	sdelay $0x2  }
0x50e: {  	[tilespmem:v51+s15+$0x0] =	vst.idx.msk $0xffff, v52  }
.Ltmp24:
0x50f: {  	_ = 	snop;
	(pc) =	sbr.rel .LBB2_22-.Ltmp24, $1  }
0x510: {  	_ =	sdelay $0x3  }
.LBB2_24:
0x511: {  	_ =	sfence.sel $0x180000  }
0x512: {  	[bflag:$0x0] =	sbarrier.arrive $0xFFFF  }
0x513: {  	p0 =	sne.s32 s1, $0x0;
	_ =	strace $0x90000047  }
0x514: {  	s0 =	sadd.s32 @!p0 $0x100000, s0;
	[bflag:$0x2] =	sbarrier.arrive $0xFFFF  }
0x515: {  	[sflag:s0] =	ssyncadd.tile.s32 @!p0 $0x1;
	_ =	shalt  }
.Lfunc_end2:
_tile_overlayer_lowered:
.L_overlay_start_2:
0x516: {  	(tag) =	ssettag $0x2  }
0x517: {  	s0 =	rddreg [dreg:$0x0];
	s2 =	stileid.u32  }
0x518: {  	s1 =	rddreg [dreg:$0x1];
	p0 =	sne.s32 s2, $0x0  }
0x519: {  	s3 =	rddreg [dreg:$0x2];
	[bflag:$0x3] =	sbarrier.arrive $0xFFFF;
	s2 =	simm.s32 @!p0 $0x1C05  }
0x51a: {  	[timem:s3], [sflag:s2] =	dma.local @!p0 [hbm:s0], s1  }
0x51b: {  	s0 =	simm.s32 @!p0 $0x5  }
0x51c: {  	_ =	swait.ge @!p0 [sflag:s0], s1  }
0x51d: {  	s1 =	ssub.s32 @!p0 $0x0, s1;
	[sflag:s0] =	ssyncset.done @!p0 $0x0  }
0x51e: {  	[sflag:s0] =	ssyncadd.s32 @!p0 s1  }
0x51f: {  	[bflag:$0x3] =	sbarrier.arrive $0xFFFF  }
0x520: {  	_ =	shalt  }

</sc_bundles>
